<compile_context>
chip_gen: v7x
topology: tpu7x:2x2x1
jax: 0.10.2.dev20260603
libtpu: 0.0.44.dev20260713+nightly
codegen_flags: <defaults>
</compile_context>

<pallas_src>
import jax
import jax.numpy as jnp
from jax import lax
from jax.experimental import pallas as pl
from jax.experimental.pallas import tpu as pltpu
from jax.experimental.pallas import tpu_sc as plsc

B = 8
C = 4
W = 512
N = W * W
TCB = 4
NC = 2
NS = 16
L = 16
BPC = (B - TCB) // NC
RT = W // NS
RH = RT // 2
NVH = RH * W // L
CPR = W // L
NSEG = 20
NACC = 24

BR = 128
NB = W // BR

DELTA_V = 0.5
DELTA_D = 3.0

_GDN = lax.GatherDimensionNumbers(
    offset_dims=(), collapsed_slice_dims=(0,), start_index_map=(0,))


def _lane_gather(vec, idx):
    return lax.gather(vec, idx[:, None], _GDN, (1,),
                      mode=lax.GatherScatterMode.PROMISE_IN_BOUNDS)


def _rsqrt_pos(x, iters=3):
    i = plsc.bitcast(x, jnp.int32)
    y = plsc.bitcast(jnp.int32(0x5F3759DF) - (i >> 1), jnp.float32)
    xh = x * 0.5
    for _ in range(iters):
        y = y * (1.5 - xh * y * y)
    return y


def _sqrt_guard(x):
    return x * _rsqrt_pos(jnp.maximum(x, 1e-30))


def _sc_body(feat_hbm, lab_hbm, out_hbm,
             lab_v, feat_v, stage_v, gath_v, fin_v, res_v,
             part_s, var_s, sem):
    cid = lax.axis_index("c")
    sid = lax.axis_index("s")
    iota = lax.iota(jnp.int32, L)
    zeros = jnp.zeros((L,), jnp.float32)
    izeros = jnp.zeros((L,), jnp.int32)

    lv_run = zeros
    ld_run = zeros
    lr_run = zeros

    def start_unit(u, h):
        bi = TCB + cid * BPC + u
        r0 = sid * RT + h * RH
        cps = [pltpu.async_copy(
            lab_hbm.at[bi, pl.ds(r0, RH), :], lab_v.at[h], sem)]
        for ci in range(C):
            cps.append(pltpu.async_copy(
                feat_hbm.at[bi, ci, pl.ds(r0, RH), :],
                feat_v.at[h, ci], sem))
        return cps

    def wait_unit(h):
        r0 = sid * RT + h * RH
        pltpu.make_async_copy(lab_hbm.at[0, pl.ds(r0, RH), :],
                              lab_v.at[h], sem).wait()
        for ci in range(C):
            pltpu.make_async_copy(feat_hbm.at[0, ci, pl.ds(r0, RH), :],
                                  feat_v.at[h, ci], sem).wait()

    def p1_half(h, carry):
        def p1(j, car):
            accs = list(car[0])
            cnts = list(car[1])
            rr = j >> 5
            cc = (j & (CPR - 1)) * L
            lab = lab_v[h, rr, pl.ds(cc, L)]
            fs = [feat_v[h, ci, rr, pl.ds(cc, L)] for ci in range(C)]
            o = 0
            for k in range(1, 5):
                m = lab == k
                cnts[k - 1] = cnts[k - 1] + \
                    plsc.all_reduce_population_count(m)
                for ci in range(C):
                    accs[o] = accs[o] + jnp.where(m, fs[ci], 0.0)
                    o += 1
            for ci in range(C):
                accs[o] = accs[o] + fs[ci]
                o += 1
            return (tuple(accs), tuple(cnts))
        return lax.fori_loop(0, NVH, p1, carry)

    def p2_half(h, mu_vecs, inv_vec, acc):
        def p2(j, a):
            rr = j >> 5
            cc = (j & (CPR - 1)) * L
            lab = lab_v[h, rr, pl.ds(cc, L)]
            d2p = zeros
            for ci in range(C):
                g = _lane_gather(mu_vecs[ci], lab)
                t = feat_v[h, ci, rr, pl.ds(cc, L)] - g
                d2p = d2p + t * t
            w = _lane_gather(inv_vec, lab)
            t = jnp.maximum(d2p, 0.0625)
            d = t * _rsqrt_pos(t, iters=1)
            hh = jnp.maximum(d - DELTA_V, 0.0)
            return a + hh * hh * w
        return lax.fori_loop(0, NVH, p2, acc)

    start_unit(0, 0)
    start_unit(0, 1)

    def batch_body(u, run_carry):
        lv_run, ld_run, lr_run = run_carry
        wait_unit(0)
        carry = p1_half(0, ((zeros,) * NSEG, (izeros,) * 4))
        wait_unit(1)
        accs, cnts = p1_half(1, carry)

        for a in range(NSEG):
            stage_v[pl.ds(a * L, L)] = accs[a]
        for k in range(4):
            stage_v[pl.ds((NSEG + k) * L, L)] = cnts[k].astype(jnp.float32)
        pltpu.sync_copy(stage_v, part_s.at[pl.ds((u * NS + sid) * NACC * L,
                                                 NACC * L)])
        plsc.subcore_barrier()
        pltpu.sync_copy(part_s.at[pl.ds(u * NS * NACC * L, NS * NACC * L)],
                        gath_v)

        def red(t, carry):
            return tuple(carry[a] + gath_v[pl.ds((t * NACC + a) * L, L)]
                         for a in range(NACC))

        tot = lax.fori_loop(0, NS, red, (zeros,) * NACC)

        cnt_s = [None] * 5
        seg_s = [[None] * C for _ in range(5)]
        o = 0
        for k in range(1, 5):
            for ci in range(C):
                seg_s[k][ci] = jnp.sum(tot[o])
                o += 1
        tot_c = [jnp.sum(tot[o + ci]) for ci in range(C)]
        for k in range(1, 5):
            cnt_s[k] = jnp.sum(jnp.where(iota == 0, tot[NSEG + k - 1], 0.0))
        cnt_s[0] = float(N) - (cnt_s[1] + cnt_s[2] + cnt_s[3] + cnt_s[4])
        for ci in range(C):
            seg_s[0][ci] = tot_c[ci] - (seg_s[1][ci] + seg_s[2][ci]
                                        + seg_s[3][ci] + seg_s[4][ci])

        cnt_vec = zeros
        for k in range(5):
            cnt_vec = jnp.where(iota == k, cnt_s[k], cnt_vec)
        present = cnt_vec > 0.0
        presf = jnp.where(present, 1.0, 0.0)
        safe = jnp.where(present, cnt_vec, 1.0)
        inv_vec = 1.0 / safe
        K = jnp.sum(presf)
        invK = 1.0 / jnp.broadcast_to(K, (L,))

        mu_vecs = []
        for ci in range(C):
            sv = zeros
            for k in range(5):
                sv = jnp.where(iota == k, seg_s[k][ci], sv)
            mu_vecs.append(sv * inv_vec)

        d2r = mu_vecs[0] * mu_vecs[0]
        for ci in range(1, C):
            d2r = d2r + mu_vecs[ci] * mu_vecs[ci]
        lr_run = lr_run + jnp.where(present, _sqrt_guard(d2r), 0.0) * invK

        acc_d = zeros
        acc_m = zeros
        for a in range(5):
            mu_a = [jnp.sum(jnp.where(iota == a, mu_vecs[ci], 0.0))
                    for ci in range(C)]
            pa = jnp.sum(jnp.where(iota == a, presf, 0.0))
            sabs = zeros
            d2 = zeros
            for ci in range(C):
                df = mu_vecs[ci] - mu_a[ci]
                sabs = sabs + jnp.abs(df)
                d2 = d2 + df * df
            mf = jnp.where((sabs != 0.0) & present, pa, 0.0)
            h = jnp.maximum(2.0 * DELTA_D - _sqrt_guard(d2), 0.0)
            acc_d = acc_d + h * h * mf
            acc_m = acc_m + mf
        Mtot = jnp.sum(acc_m)
        ld_run = ld_run + acc_d / jnp.broadcast_to(Mtot, (L,))

        accv = p2_half(0, mu_vecs, inv_vec, zeros)

        @pl.when(u + 1 < BPC)
        def _():
            start_unit(u + 1, 0)
        accv = p2_half(1, mu_vecs, inv_vec, accv)

        @pl.when(u + 1 < BPC)
        def _():
            start_unit(u + 1, 1)
        lv_run = lv_run + accv * invK
        return (lv_run, ld_run, lr_run)

    lv_run, ld_run, lr_run = lax.fori_loop(
        0, BPC, batch_body, (lv_run, ld_run, lr_run))

    stage_v[pl.ds(0, L)] = lv_run
    pltpu.sync_copy(stage_v.at[pl.ds(0, L)], var_s.at[pl.ds(sid * L, L)])
    plsc.subcore_barrier()

    @pl.when(sid == 0)
    def _():
        pltpu.sync_copy(var_s, fin_v)
        vsum = jnp.zeros((L,), jnp.float32)
        for t in range(NS):
            vsum = vsum + fin_v[pl.ds(t * L, L)]
        lv_tot = jnp.sum(vsum)
        ld_tot = jnp.sum(ld_run)
        lr_tot = jnp.sum(lr_run)
        res = jnp.where(iota == 0, lv_tot, jnp.zeros((L,), jnp.float32))
        res = jnp.where(iota == 1, ld_tot, res)
        res = jnp.where(iota == 2, lr_tot, res)
        res_v[...] = res
        pltpu.sync_copy(res_v, out_hbm.at[pl.ds(cid * L, L)])


def _make_sc_call():
    mesh = plsc.VectorSubcoreMesh(core_axis_name="c", subcore_axis_name="s",
                                  num_cores=NC, num_subcores=NS)
    return pl.kernel(
        _sc_body,
        out_type=jax.ShapeDtypeStruct((NC * L,), jnp.float32),
        mesh=mesh,
        compiler_params=pltpu.CompilerParams(needs_layout_passes=False,
                                             use_tc_tiling_on_sc=True),
        scratch_types=[
            pltpu.VMEM((2, RH, W), jnp.int32),
            pltpu.VMEM((2, C, RH, W), jnp.float32),
            pltpu.VMEM((NACC * L,), jnp.float32),
            pltpu.VMEM((NS * NACC * L,), jnp.float32),
            pltpu.VMEM((NS * L,), jnp.float32),
            pltpu.VMEM((L,), jnp.float32),
            pltpu.VMEM_SHARED((BPC * NS * NACC * L,), jnp.float32),
            pltpu.VMEM_SHARED((NS * L,), jnp.float32),
            pltpu.SemaphoreType.DMA,
        ],
    )


def _tc_body(feat_ref, lab_ref, out_ref, seg_v, acc_v):
    ph = pl.program_id(1)
    nb = pl.program_id(2)
    first = (pl.program_id(0) == 0) & (ph == 0) & (nb == 0)

    @pl.when(first)
    def _():
        acc_v[0] = 0.0
        acc_v[1] = 0.0
        acc_v[2] = 0.0

    lab = lab_ref[0]

    @pl.when(ph == 0)
    def _():
        @pl.when(nb == 0)
        def _():
            seg_v[...] = jnp.zeros((8, 128), jnp.float32)
        contrib = jnp.zeros((8, 128), jnp.float32)
        rows = lax.broadcasted_iota(jnp.int32, (8, 128), 0)
        cols = lax.broadcasted_iota(jnp.int32, (8, 128), 1)
        ms = [lab == k for k in range(5)]
        for k in range(5):
            cs = jnp.sum(jnp.where(ms[k], 1.0, 0.0))
            contrib = contrib + jnp.where((rows == 5) & (cols == k), cs, 0.0)
            for ci in range(C):
                s = jnp.sum(jnp.where(ms[k], feat_ref[0, ci], 0.0))
                contrib = contrib + jnp.where((rows == k) & (cols == ci),
                                              s, 0.0)
        seg_v[...] = seg_v[...] + contrib

    @pl.when(ph == 1)
    def _():
        cnt = [seg_v[5, k] for k in range(5)]
        present = [c > 0.0 for c in cnt]
        safe = [jnp.where(p, c, 1.0) for p, c in zip(present, cnt)]
        inv = [1.0 / sf for sf in safe]
        K = sum(jnp.where(p, 1.0, 0.0) for p in present)
        mu = [[seg_v[k, ci] * inv[k] for ci in range(C)] for k in range(5)]

        @pl.when(nb == 0)
        def _():
            dacc = 0.0
            macc = 0.0
            for a in range(5):
                for b in range(5):
                    df = [mu[a][ci] - mu[b][ci] for ci in range(C)]
                    sabs = sum(jnp.abs(x) for x in df)
                    d2 = sum(x * x for x in df)
                    mf = jnp.where((sabs != 0.0) & present[a] & present[b],
                                   1.0, 0.0)
                    h = jnp.maximum(2.0 * DELTA_D - jnp.sqrt(d2), 0.0)
                    dacc = dacc + h * h * mf
                    macc = macc + mf
            racc = 0.0
            for k in range(5):
                nrm = jnp.sqrt(sum(mu[k][ci] * mu[k][ci]
                                   for ci in range(C)))
                racc = racc + jnp.where(present[k], nrm, 0.0)
            acc_v[1] = acc_v[1] + dacc / macc
            acc_v[2] = acc_v[2] + racc / K

        ms = [lab == k for k in range(5)]
        d2p = jnp.zeros(lab.shape, jnp.float32)
        wv = jnp.zeros(lab.shape, jnp.float32)
        for ci in range(C):
            g = jnp.zeros(lab.shape, jnp.float32)
            for k in range(5):
                g = jnp.where(ms[k], mu[k][ci], g)
            t = feat_ref[0, ci] - g
            d2p = d2p + t * t
        for k in range(5):
            wv = jnp.where(ms[k], inv[k], wv)
        d = jnp.sqrt(d2p)
        hh = jnp.maximum(d - DELTA_V, 0.0)
        acc_v[0] = acc_v[0] + jnp.sum(hh * hh * wv) / K

    oc = lax.broadcasted_iota(jnp.int32, (1, 128), 1)
    res = jnp.where(oc == 0, acc_v[0], jnp.zeros((1, 128), jnp.float32))
    res = jnp.where(oc == 1, acc_v[1], res)
    res = jnp.where(oc == 2, acc_v[2], res)
    out_ref[...] = res


def _make_tc_call():
    return pl.pallas_call(
        _tc_body,
        grid=(TCB, 2, NB),
        in_specs=[
            pl.BlockSpec((1, C, BR, W), lambda bi, ph, nb: (bi, 0, nb, 0)),
            pl.BlockSpec((1, BR, W), lambda bi, ph, nb: (bi, nb, 0)),
        ],
        out_specs=pl.BlockSpec((1, 128), lambda bi, ph, nb: (0, 0)),
        out_shape=jax.ShapeDtypeStruct((1, 128), jnp.float32),
        scratch_shapes=[
            pltpu.VMEM((8, 128), jnp.float32),
            pltpu.SMEM((4,), jnp.float32),
        ],
    )


def kernel(feat, label):
    lab_i = label.astype(jnp.int32)
    sc_out = _make_sc_call()(feat, lab_i)
    tc_out = _make_tc_call()(feat, lab_i)
    s = sc_out[0:L] + sc_out[L:2 * L]
    lvr = 1.0 * (s[0] + tc_out[0, 0])
    ldr = 1.0 * (s[1] + tc_out[0, 1])
    lrr = 0.001 * (s[2] + tc_out[0, 2])
    loss = lvr + ldr + lrr
    return (loss / B, lvr / B, ldr / B, lrr / B)

# --- scband reference (transcript-rebuilt; emitter-appended) ---
"""Pipeline reference for scband-discriminative-loss-163208757493 (READ-ONLY COPY).

The authoritative reference and input builder live on the scoring server;
editing this copy changes nothing except your own understanding.
"""

import jax, jax.numpy as jnp
import numpy as np

DELTA_V = 0.5
DELTA_D = 3.0
FEATURE_DIM = 4
PARAM_VAR = 1.0
PARAM_DIST = 1.0
PARAM_REG = 0.001


def setup_inputs(seed: int = 0) -> dict:
    key = jax.random.key(seed)
    k1, k2 = jax.random.split(key)
    feat = jax.random.normal(k1, (8, 4, 512, 512), dtype=jnp.float32)
    label = jax.random.randint(k2, (8, 512, 512), 0, 5).astype(jnp.int64)
    return {"feat": feat, "label": label}


def reference(feat, label):
    b, c, w, h = feat.shape
    num_classes = 5  # static bound on label values from setup_inputs' randint range
    label_r = label.reshape(b, -1)
    feat_r = feat.reshape(b, c, -1)
    l_var_res = 0.0
    l_dist_res = 0.0
    l_reg_res = 0.0
    for i in range(b):
        seg_feature = feat_r[i]            # [c, N]
        seg_label = label_r[i]             # [N]
        inds = seg_label.reshape(-1)
        counts = jax.ops.segment_sum(jnp.ones_like(inds), inds, num_segments=num_classes)
        present = counts > 0
        K = jnp.sum(present).astype(jnp.float32)
        seg_sum = jax.ops.segment_sum(seg_feature.T, inds, num_segments=num_classes)  # [5, c]
        counts_f = counts.reshape(-1, 1).astype(jnp.float32)
        safe_counts = jnp.where(present.reshape(-1, 1), counts_f, 1.0)
        mu = seg_sum / safe_counts                                         # [5, c]
        mu_extern = mu[inds]                                               # [N, c]
        distance = jnp.linalg.norm(jnp.abs(mu_extern - seg_feature.T), axis=1)
        distance = jnp.maximum(distance - DELTA_V, 0.0) ** 2
        l_var_seg = jax.ops.segment_sum(distance, inds, num_segments=num_classes) / safe_counts.reshape(-1)
        l_var = jnp.sum(jnp.where(present, l_var_seg, 0.0)) / K
        mu_interleaved_rep = jnp.tile(mu, (num_classes, 1))                # [25, c]
        mu_band_rep = jnp.tile(mu, (1, num_classes)).reshape(num_classes * num_classes, FEATURE_DIM)  # [25, c]
        mu_diff = mu_band_rep - mu_interleaved_rep
        intermediate = jnp.sum(jnp.abs(mu_diff), axis=1)
        pair_present = jnp.repeat(present, num_classes) & jnp.tile(present, (num_classes,))
        bool_mask = (intermediate != 0) & pair_present
        l_dist_all = jnp.linalg.norm(mu_diff, axis=1)
        l_dist_all = jnp.maximum(2 * DELTA_D - l_dist_all, 0.0) ** 2
        M = jnp.sum(bool_mask).astype(jnp.float32)
        l_dist = jnp.sum(jnp.where(bool_mask, l_dist_all, 0.0)) / M
        l_reg = jnp.sum(jnp.where(present, jnp.linalg.norm(mu, axis=1), 0.0)) / K
        l_var_res = l_var_res + PARAM_VAR * l_var
        l_dist_res = l_dist_res + PARAM_DIST * l_dist
        l_reg_res = l_reg_res + PARAM_REG * l_reg
    loss_res = l_var_res + l_dist_res + l_reg_res
    return (loss_res / b, l_var_res / b, l_dist_res / b, l_reg_res / b)

if __name__ == "__main__":
    import jax
    _d = setup_inputs()
    print(jax.jit(kernel)(*tuple(_d.values())))

</pallas_src>

<mosaic_0001>
#map = affine_map<(d0, d1) -> (0, 0, 0, 0)>
#map1 = affine_map<(d0, d1) -> (0, 0, 0)>
#map2 = affine_map<(d0, d1) -> (0)>
module attributes {stable_mosaic.version = 14 : i64} {
  func.func @_sc_body(%arg0: i32, %arg1: i32, %arg2: memref<8x4x512x512xf32, #tpu.memory_space<hbm>>, %arg3: memref<8x512x512xi32, #tpu.memory_space<hbm>>, %arg4: memref<32xf32, #tpu.memory_space<hbm>>, %arg5: memref<2x16x512xi32, #tpu.memory_space<vmem>>, %arg6: memref<2x4x16x512xf32, #tpu.memory_space<vmem>>, %arg7: memref<384xf32, #tpu.memory_space<vmem>>, %arg8: memref<6144xf32, #tpu.memory_space<vmem>>, %arg9: memref<256xf32, #tpu.memory_space<vmem>>, %arg10: memref<16xf32, #tpu.memory_space<vmem>>, %arg11: memref<12288xf32, #tpu.memory_space<vmem_shared>>, %arg12: memref<256xf32, #tpu.memory_space<vmem_shared>>, %arg13: memref<!tpu.dma_semaphore, #tpu.memory_space<semaphore_mem>>) attributes {dimension_semantics = [#tpu.dimension_semantics<core_parallel>, #tpu.dimension_semantics<subcore_parallel>], iteration_bounds = array<i64: 2, 16>, scalar_prefetch = 0 : i64, scratch_operands = 9 : i64, tpu.core_type = #tpu.core_type<sc_vector_subcore>, window_params = [{transform_indices = #map}, {transform_indices = #map1}, {transform_indices = #map2}]} {
    %iota3A = tpu.iota {dimensions = array<i32: 0>} : vector<16xi32>
    %broadcast_in_dim3A = arith.constant 0.000000e+00 : f32
    %broadcast_in_dim3A_0 = vector.broadcast %broadcast_in_dim3A : f32 to vector<16xf32>
    %broadcast_in_dim3A_1 = arith.constant 0 : i32
    %broadcast_in_dim3A_2 = vector.broadcast %broadcast_in_dim3A_1 : i32 to vector<16xi32>
    %mul3A = arith.constant 2 : i32
    %mul3A_3 = arith.muli %arg0, %mul3A : i32
    %add3A = arith.constant 4 : i32
    %add3A_4 = arith.addi %add3A, %mul3A_3 : i32
    %add3A_5 = arith.constant 0 : i32
    %add3A_6 = arith.addi %add3A_4, %add3A_5 : i32
    %mul3A_7 = arith.constant 32 : i32
    %mul3A_8 = arith.muli %arg1, %mul3A_7 : i32
    %add3A_9 = arith.constant 0 : i32
    %add3A_10 = arith.addi %mul3A_8, %add3A_9 : i32
    %dma_start3A = arith.constant 0 : i32
    %dma_start3A_11 = arith.constant 0 : i32
    %dma_start3A_12 = arith.constant 0 : i32
    %dma_start3A_13 = tpu.memref_slice %arg5[%dma_start3A, %dma_start3A_11, %dma_start3A_12] : memref<2x16x512xi32, #tpu.memory_space<vmem>> -> memref<1x16x512xi32, #tpu.memory_space<vmem>>
    %dma_start3A_14 = tpu.memref_squeeze %dma_start3A_13 : memref<1x16x512xi32, #tpu.memory_space<vmem>> -> memref<16x512xi32, #tpu.memory_space<vmem>>
    %dma_start3A_15 = arith.constant 0 : i32
    %dma_start3A_16 = tpu.memref_slice %arg3[%add3A_6, %add3A_10, %dma_start3A_15] : memref<8x512x512xi32, #tpu.memory_space<hbm>> -> memref<1x16x512xi32, #tpu.memory_space<hbm>>
    %dma_start3A_17 = tpu.memref_squeeze %dma_start3A_16 : memref<1x16x512xi32, #tpu.memory_space<hbm>> -> memref<16x512xi32, #tpu.memory_space<hbm>>
    %dma_start3A_18 = arith.constant 0 : i32
    %dma_start3A_19 = arith.constant 0 : i32
    %dma_start3A_20 = tpu.memref_slice %arg5[%dma_start3A, %dma_start3A_18, %dma_start3A_19] : memref<2x16x512xi32, #tpu.memory_space<vmem>> -> memref<1x16x512xi32, #tpu.memory_space<vmem>>
    %dma_start3A_21 = tpu.memref_squeeze %dma_start3A_20 : memref<1x16x512xi32, #tpu.memory_space<vmem>> -> memref<16x512xi32, #tpu.memory_space<vmem>>
    %dma_start3A_22 = arith.constant 0 : i32
    %dma_start3A_23 = tpu.memref_slice %arg3[%add3A_6, %add3A_10, %dma_start3A_22] : memref<8x512x512xi32, #tpu.memory_space<hbm>> -> memref<1x16x512xi32, #tpu.memory_space<hbm>>
    %dma_start3A_24 = tpu.memref_squeeze %dma_start3A_23 : memref<1x16x512xi32, #tpu.memory_space<hbm>> -> memref<16x512xi32, #tpu.memory_space<hbm>>
    tpu.enqueue_dma source(%dma_start3A_24 : memref<16x512xi32, #tpu.memory_space<hbm>>) target(%dma_start3A_21 : memref<16x512xi32, #tpu.memory_space<vmem>>) target_semaphore(%arg13 : memref<!tpu.dma_semaphore, #tpu.memory_space<semaphore_mem>>)
    %dma_start3A_25 = arith.constant 0 : i32
    %dma_start3A_26 = arith.constant 0 : i32
    %dma_start3A_27 = arith.constant 0 : i32
    %dma_start3A_28 = arith.constant 0 : i32
    %dma_start3A_29 = arith.constant 0 : i32
    %dma_start3A_30 = tpu.memref_slice %arg6[%dma_start3A_26, %dma_start3A_27, %dma_start3A_28, %dma_start3A_29] : memref<2x4x16x512xf32, #tpu.memory_space<vmem>> -> memref<1x1x16x512xf32, #tpu.memory_space<vmem>>
    %dma_start3A_31 = tpu.memref_squeeze %dma_start3A_30 : memref<1x1x16x512xf32, #tpu.memory_space<vmem>> -> memref<16x512xf32, #tpu.memory_space<vmem>>
    %dma_start3A_32 = arith.constant 0 : i32
    %dma_start3A_33 = tpu.memref_slice %arg2[%add3A_6, %dma_start3A_25, %add3A_10, %dma_start3A_32] : memref<8x4x512x512xf32, #tpu.memory_space<hbm>> -> memref<1x1x16x512xf32, #tpu.memory_space<hbm>>
    %dma_start3A_34 = tpu.memref_squeeze %dma_start3A_33 : memref<1x1x16x512xf32, #tpu.memory_space<hbm>> -> memref<16x512xf32, #tpu.memory_space<hbm>>
    %dma_start3A_35 = arith.constant 0 : i32
    %dma_start3A_36 = arith.constant 0 : i32
    %dma_start3A_37 = tpu.memref_slice %arg6[%dma_start3A_26, %dma_start3A_27, %dma_start3A_35, %dma_start3A_36] : memref<2x4x16x512xf32, #tpu.memory_space<vmem>> -> memref<1x1x16x512xf32, #tpu.memory_space<vmem>>
    %dma_start3A_38 = tpu.memref_squeeze %dma_start3A_37 : memref<1x1x16x512xf32, #tpu.memory_space<vmem>> -> memref<16x512xf32, #tpu.memory_space<vmem>>
    %dma_start3A_39 = arith.constant 0 : i32
    %dma_start3A_40 = tpu.memref_slice %arg2[%add3A_6, %dma_start3A_25, %add3A_10, %dma_start3A_39] : memref<8x4x512x512xf32, #tpu.memory_space<hbm>> -> memref<1x1x16x512xf32, #tpu.memory_space<hbm>>
    %dma_start3A_41 = tpu.memref_squeeze %dma_start3A_40 : memref<1x1x16x512xf32, #tpu.memory_space<hbm>> -> memref<16x512xf32, #tpu.memory_space<hbm>>
    tpu.enqueue_dma source(%dma_start3A_41 : memref<16x512xf32, #tpu.memory_space<hbm>>) target(%dma_start3A_38 : memref<16x512xf32, #tpu.memory_space<vmem>>) target_semaphore(%arg13 : memref<!tpu.dma_semaphore, #tpu.memory_space<semaphore_mem>>)
    %dma_start3A_42 = arith.constant 1 : i32
    %dma_start3A_43 = arith.constant 0 : i32
    %dma_start3A_44 = arith.constant 1 : i32
    %dma_start3A_45 = arith.constant 0 : i32
    %dma_start3A_46 = arith.constant 0 : i32
    %dma_start3A_47 = tpu.memref_slice %arg6[%dma_start3A_43, %dma_start3A_44, %dma_start3A_45, %dma_start3A_46] : memref<2x4x16x512xf32, #tpu.memory_space<vmem>> -> memref<1x1x16x512xf32, #tpu.memory_space<vmem>>
    %dma_start3A_48 = tpu.memref_squeeze %dma_start3A_47 : memref<1x1x16x512xf32, #tpu.memory_space<vmem>> -> memref<16x512xf32, #tpu.memory_space<vmem>>
    %dma_start3A_49 = arith.constant 0 : i32
    %dma_start3A_50 = tpu.memref_slice %arg2[%add3A_6, %dma_start3A_42, %add3A_10, %dma_start3A_49] : memref<8x4x512x512xf32, #tpu.memory_space<hbm>> -> memref<1x1x16x512xf32, #tpu.memory_space<hbm>>
    %dma_start3A_51 = tpu.memref_squeeze %dma_start3A_50 : memref<1x1x16x512xf32, #tpu.memory_space<hbm>> -> memref<16x512xf32, #tpu.memory_space<hbm>>
    %dma_start3A_52 = arith.constant 0 : i32
    %dma_start3A_53 = arith.constant 0 : i32
    %dma_start3A_54 = tpu.memref_slice %arg6[%dma_start3A_43, %dma_start3A_44, %dma_start3A_52, %dma_start3A_53] : memref<2x4x16x512xf32, #tpu.memory_space<vmem>> -> memref<1x1x16x512xf32, #tpu.memory_space<vmem>>
    %dma_start3A_55 = tpu.memref_squeeze %dma_start3A_54 : memref<1x1x16x512xf32, #tpu.memory_space<vmem>> -> memref<16x512xf32, #tpu.memory_space<vmem>>
    %dma_start3A_56 = arith.constant 0 : i32
    %dma_start3A_57 = tpu.memref_slice %arg2[%add3A_6, %dma_start3A_42, %add3A_10, %dma_start3A_56] : memref<8x4x512x512xf32, #tpu.memory_space<hbm>> -> memref<1x1x16x512xf32, #tpu.memory_space<hbm>>
    %dma_start3A_58 = tpu.memref_squeeze %dma_start3A_57 : memref<1x1x16x512xf32, #tpu.memory_space<hbm>> -> memref<16x512xf32, #tpu.memory_space<hbm>>
    tpu.enqueue_dma source(%dma_start3A_58 : memref<16x512xf32, #tpu.memory_space<hbm>>) target(%dma_start3A_55 : memref<16x512xf32, #tpu.memory_space<vmem>>) target_semaphore(%arg13 : memref<!tpu.dma_semaphore, #tpu.memory_space<semaphore_mem>>)
    %dma_start3A_59 = arith.constant 2 : i32
    %dma_start3A_60 = arith.constant 0 : i32
    %dma_start3A_61 = arith.constant 2 : i32
    %dma_start3A_62 = arith.constant 0 : i32
    %dma_start3A_63 = arith.constant 0 : i32
    %dma_start3A_64 = tpu.memref_slice %arg6[%dma_start3A_60, %dma_start3A_61, %dma_start3A_62, %dma_start3A_63] : memref<2x4x16x512xf32, #tpu.memory_space<vmem>> -> memref<1x1x16x512xf32, #tpu.memory_space<vmem>>
    %dma_start3A_65 = tpu.memref_squeeze %dma_start3A_64 : memref<1x1x16x512xf32, #tpu.memory_space<vmem>> -> memref<16x512xf32, #tpu.memory_space<vmem>>
    %dma_start3A_66 = arith.constant 0 : i32
    %dma_start3A_67 = tpu.memref_slice %arg2[%add3A_6, %dma_start3A_59, %add3A_10, %dma_start3A_66] : memref<8x4x512x512xf32, #tpu.memory_space<hbm>> -> memref<1x1x16x512xf32, #tpu.memory_space<hbm>>
    %dma_start3A_68 = tpu.memref_squeeze %dma_start3A_67 : memref<1x1x16x512xf32, #tpu.memory_space<hbm>> -> memref<16x512xf32, #tpu.memory_space<hbm>>
    %dma_start3A_69 = arith.constant 0 : i32
    %dma_start3A_70 = arith.constant 0 : i32
    %dma_start3A_71 = tpu.memref_slice %arg6[%dma_start3A_60, %dma_start3A_61, %dma_start3A_69, %dma_start3A_70] : memref<2x4x16x512xf32, #tpu.memory_space<vmem>> -> memref<1x1x16x512xf32, #tpu.memory_space<vmem>>
    %dma_start3A_72 = tpu.memref_squeeze %dma_start3A_71 : memref<1x1x16x512xf32, #tpu.memory_space<vmem>> -> memref<16x512xf32, #tpu.memory_space<vmem>>
    %dma_start3A_73 = arith.constant 0 : i32
    %dma_start3A_74 = tpu.memref_slice %arg2[%add3A_6, %dma_start3A_59, %add3A_10, %dma_start3A_73] : memref<8x4x512x512xf32, #tpu.memory_space<hbm>> -> memref<1x1x16x512xf32, #tpu.memory_space<hbm>>
    %dma_start3A_75 = tpu.memref_squeeze %dma_start3A_74 : memref<1x1x16x512xf32, #tpu.memory_space<hbm>> -> memref<16x512xf32, #tpu.memory_space<hbm>>
    tpu.enqueue_dma source(%dma_start3A_75 : memref<16x512xf32, #tpu.memory_space<hbm>>) target(%dma_start3A_72 : memref<16x512xf32, #tpu.memory_space<vmem>>) target_semaphore(%arg13 : memref<!tpu.dma_semaphore, #tpu.memory_space<semaphore_mem>>)
    %dma_start3A_76 = arith.constant 3 : i32
    %dma_start3A_77 = arith.constant 0 : i32
    %dma_start3A_78 = arith.constant 3 : i32
    %dma_start3A_79 = arith.constant 0 : i32
    %dma_start3A_80 = arith.constant 0 : i32
    %dma_start3A_81 = tpu.memref_slice %arg6[%dma_start3A_77, %dma_start3A_78, %dma_start3A_79, %dma_start3A_80] : memref<2x4x16x512xf32, #tpu.memory_space<vmem>> -> memref<1x1x16x512xf32, #tpu.memory_space<vmem>>
    %dma_start3A_82 = tpu.memref_squeeze %dma_start3A_81 : memref<1x1x16x512xf32, #tpu.memory_space<vmem>> -> memref<16x512xf32, #tpu.memory_space<vmem>>
    %dma_start3A_83 = arith.constant 0 : i32
    %dma_start3A_84 = tpu.memref_slice %arg2[%add3A_6, %dma_start3A_76, %add3A_10, %dma_start3A_83] : memref<8x4x512x512xf32, #tpu.memory_space<hbm>> -> memref<1x1x16x512xf32, #tpu.memory_space<hbm>>
    %dma_start3A_85 = tpu.memref_squeeze %dma_start3A_84 : memref<1x1x16x512xf32, #tpu.memory_space<hbm>> -> memref<16x512xf32, #tpu.memory_space<hbm>>
    %dma_start3A_86 = arith.constant 0 : i32
    %dma_start3A_87 = arith.constant 0 : i32
    %dma_start3A_88 = tpu.memref_slice %arg6[%dma_start3A_77, %dma_start3A_78, %dma_start3A_86, %dma_start3A_87] : memref<2x4x16x512xf32, #tpu.memory_space<vmem>> -> memref<1x1x16x512xf32, #tpu.memory_space<vmem>>
    %dma_start3A_89 = tpu.memref_squeeze %dma_start3A_88 : memref<1x1x16x512xf32, #tpu.memory_space<vmem>> -> memref<16x512xf32, #tpu.memory_space<vmem>>
    %dma_start3A_90 = arith.constant 0 : i32
    %dma_start3A_91 = tpu.memref_slice %arg2[%add3A_6, %dma_start3A_76, %add3A_10, %dma_start3A_90] : memref<8x4x512x512xf32, #tpu.memory_space<hbm>> -> memref<1x1x16x512xf32, #tpu.memory_space<hbm>>
    %dma_start3A_92 = tpu.memref_squeeze %dma_start3A_91 : memref<1x1x16x512xf32, #tpu.memory_space<hbm>> -> memref<16x512xf32, #tpu.memory_space<hbm>>
    tpu.enqueue_dma source(%dma_start3A_92 : memref<16x512xf32, #tpu.memory_space<hbm>>) target(%dma_start3A_89 : memref<16x512xf32, #tpu.memory_space<vmem>>) target_semaphore(%arg13 : memref<!tpu.dma_semaphore, #tpu.memory_space<semaphore_mem>>)
    %mul3A_93 = arith.constant 2 : i32
    %mul3A_94 = arith.muli %arg0, %mul3A_93 : i32
    %add3A_95 = arith.constant 4 : i32
    %add3A_96 = arith.addi %add3A_95, %mul3A_94 : i32
    %add3A_97 = arith.constant 0 : i32
    %add3A_98 = arith.addi %add3A_96, %add3A_97 : i32
    %mul3A_99 = arith.constant 32 : i32
    %mul3A_100 = arith.muli %arg1, %mul3A_99 : i32
    %add3A_101 = arith.constant 16 : i32
    %add3A_102 = arith.addi %mul3A_100, %add3A_101 : i32
    %dma_start3A_103 = arith.constant 1 : i32
    %dma_start3A_104 = arith.constant 0 : i32
    %dma_start3A_105 = arith.constant 0 : i32
    %dma_start3A_106 = tpu.memref_slice %arg5[%dma_start3A_103, %dma_start3A_104, %dma_start3A_105] : memref<2x16x512xi32, #tpu.memory_space<vmem>> -> memref<1x16x512xi32, #tpu.memory_space<vmem>>
    %dma_start3A_107 = tpu.memref_squeeze %dma_start3A_106 : memref<1x16x512xi32, #tpu.memory_space<vmem>> -> memref<16x512xi32, #tpu.memory_space<vmem>>
    %dma_start3A_108 = arith.constant 0 : i32
    %dma_start3A_109 = tpu.memref_slice %arg3[%add3A_98, %add3A_102, %dma_start3A_108] : memref<8x512x512xi32, #tpu.memory_space<hbm>> -> memref<1x16x512xi32, #tpu.memory_space<hbm>>
    %dma_start3A_110 = tpu.memref_squeeze %dma_start3A_109 : memref<1x16x512xi32, #tpu.memory_space<hbm>> -> memref<16x512xi32, #tpu.memory_space<hbm>>
    %dma_start3A_111 = arith.constant 0 : i32
    %dma_start3A_112 = arith.constant 0 : i32
    %dma_start3A_113 = tpu.memref_slice %arg5[%dma_start3A_103, %dma_start3A_111, %dma_start3A_112] : memref<2x16x512xi32, #tpu.memory_space<vmem>> -> memref<1x16x512xi32, #tpu.memory_space<vmem>>
    %dma_start3A_114 = tpu.memref_squeeze %dma_start3A_113 : memref<1x16x512xi32, #tpu.memory_space<vmem>> -> memref<16x512xi32, #tpu.memory_space<vmem>>
    %dma_start3A_115 = arith.constant 0 : i32
    %dma_start3A_116 = tpu.memref_slice %arg3[%add3A_98, %add3A_102, %dma_start3A_115] : memref<8x512x512xi32, #tpu.memory_space<hbm>> -> memref<1x16x512xi32, #tpu.memory_space<hbm>>
    %dma_start3A_117 = tpu.memref_squeeze %dma_start3A_116 : memref<1x16x512xi32, #tpu.memory_space<hbm>> -> memref<16x512xi32, #tpu.memory_space<hbm>>
    tpu.enqueue_dma source(%dma_start3A_117 : memref<16x512xi32, #tpu.memory_space<hbm>>) target(%dma_start3A_114 : memref<16x512xi32, #tpu.memory_space<vmem>>) target_semaphore(%arg13 : memref<!tpu.dma_semaphore, #tpu.memory_space<semaphore_mem>>)
    %dma_start3A_118 = arith.constant 0 : i32
    %dma_start3A_119 = arith.constant 1 : i32
    %dma_start3A_120 = arith.constant 0 : i32
    %dma_start3A_121 = arith.constant 0 : i32
    %dma_start3A_122 = arith.constant 0 : i32
    %dma_start3A_123 = tpu.memref_slice %arg6[%dma_start3A_119, %dma_start3A_120, %dma_start3A_121, %dma_start3A_122] : memref<2x4x16x512xf32, #tpu.memory_space<vmem>> -> memref<1x1x16x512xf32, #tpu.memory_space<vmem>>
    %dma_start3A_124 = tpu.memref_squeeze %dma_start3A_123 : memref<1x1x16x512xf32, #tpu.memory_space<vmem>> -> memref<16x512xf32, #tpu.memory_space<vmem>>
    %dma_start3A_125 = arith.constant 0 : i32
    %dma_start3A_126 = tpu.memref_slice %arg2[%add3A_98, %dma_start3A_118, %add3A_102, %dma_start3A_125] : memref<8x4x512x512xf32, #tpu.memory_space<hbm>> -> memref<1x1x16x512xf32, #tpu.memory_space<hbm>>
    %dma_start3A_127 = tpu.memref_squeeze %dma_start3A_126 : memref<1x1x16x512xf32, #tpu.memory_space<hbm>> -> memref<16x512xf32, #tpu.memory_space<hbm>>
    %dma_start3A_128 = arith.constant 0 : i32
    %dma_start3A_129 = arith.constant 0 : i32
    %dma_start3A_130 = tpu.memref_slice %arg6[%dma_start3A_119, %dma_start3A_120, %dma_start3A_128, %dma_start3A_129] : memref<2x4x16x512xf32, #tpu.memory_space<vmem>> -> memref<1x1x16x512xf32, #tpu.memory_space<vmem>>
    %dma_start3A_131 = tpu.memref_squeeze %dma_start3A_130 : memref<1x1x16x512xf32, #tpu.memory_space<vmem>> -> memref<16x512xf32, #tpu.memory_space<vmem>>
    %dma_start3A_132 = arith.constant 0 : i32
    %dma_start3A_133 = tpu.memref_slice %arg2[%add3A_98, %dma_start3A_118, %add3A_102, %dma_start3A_132] : memref<8x4x512x512xf32, #tpu.memory_space<hbm>> -> memref<1x1x16x512xf32, #tpu.memory_space<hbm>>
    %dma_start3A_134 = tpu.memref_squeeze %dma_start3A_133 : memref<1x1x16x512xf32, #tpu.memory_space<hbm>> -> memref<16x512xf32, #tpu.memory_space<hbm>>
    tpu.enqueue_dma source(%dma_start3A_134 : memref<16x512xf32, #tpu.memory_space<hbm>>) target(%dma_start3A_131 : memref<16x512xf32, #tpu.memory_space<vmem>>) target_semaphore(%arg13 : memref<!tpu.dma_semaphore, #tpu.memory_space<semaphore_mem>>)
    %dma_start3A_135 = arith.constant 1 : i32
    %dma_start3A_136 = arith.constant 1 : i32
    %dma_start3A_137 = arith.constant 1 : i32
    %dma_start3A_138 = arith.constant 0 : i32
    %dma_start3A_139 = arith.constant 0 : i32
    %dma_start3A_140 = tpu.memref_slice %arg6[%dma_start3A_136, %dma_start3A_137, %dma_start3A_138, %dma_start3A_139] : memref<2x4x16x512xf32, #tpu.memory_space<vmem>> -> memref<1x1x16x512xf32, #tpu.memory_space<vmem>>
    %dma_start3A_141 = tpu.memref_squeeze %dma_start3A_140 : memref<1x1x16x512xf32, #tpu.memory_space<vmem>> -> memref<16x512xf32, #tpu.memory_space<vmem>>
    %dma_start3A_142 = arith.constant 0 : i32
    %dma_start3A_143 = tpu.memref_slice %arg2[%add3A_98, %dma_start3A_135, %add3A_102, %dma_start3A_142] : memref<8x4x512x512xf32, #tpu.memory_space<hbm>> -> memref<1x1x16x512xf32, #tpu.memory_space<hbm>>
    %dma_start3A_144 = tpu.memref_squeeze %dma_start3A_143 : memref<1x1x16x512xf32, #tpu.memory_space<hbm>> -> memref<16x512xf32, #tpu.memory_space<hbm>>
    %dma_start3A_145 = arith.constant 0 : i32
    %dma_start3A_146 = arith.constant 0 : i32
    %dma_start3A_147 = tpu.memref_slice %arg6[%dma_start3A_136, %dma_start3A_137, %dma_start3A_145, %dma_start3A_146] : memref<2x4x16x512xf32, #tpu.memory_space<vmem>> -> memref<1x1x16x512xf32, #tpu.memory_space<vmem>>
    %dma_start3A_148 = tpu.memref_squeeze %dma_start3A_147 : memref<1x1x16x512xf32, #tpu.memory_space<vmem>> -> memref<16x512xf32, #tpu.memory_space<vmem>>
    %dma_start3A_149 = arith.constant 0 : i32
    %dma_start3A_150 = tpu.memref_slice %arg2[%add3A_98, %dma_start3A_135, %add3A_102, %dma_start3A_149] : memref<8x4x512x512xf32, #tpu.memory_space<hbm>> -> memref<1x1x16x512xf32, #tpu.memory_space<hbm>>
    %dma_start3A_151 = tpu.memref_squeeze %dma_start3A_150 : memref<1x1x16x512xf32, #tpu.memory_space<hbm>> -> memref<16x512xf32, #tpu.memory_space<hbm>>
    tpu.enqueue_dma source(%dma_start3A_151 : memref<16x512xf32, #tpu.memory_space<hbm>>) target(%dma_start3A_148 : memref<16x512xf32, #tpu.memory_space<vmem>>) target_semaphore(%arg13 : memref<!tpu.dma_semaphore, #tpu.memory_space<semaphore_mem>>)
    %dma_start3A_152 = arith.constant 2 : i32
    %dma_start3A_153 = arith.constant 1 : i32
    %dma_start3A_154 = arith.constant 2 : i32
    %dma_start3A_155 = arith.constant 0 : i32
    %dma_start3A_156 = arith.constant 0 : i32
    %dma_start3A_157 = tpu.memref_slice %arg6[%dma_start3A_153, %dma_start3A_154, %dma_start3A_155, %dma_start3A_156] : memref<2x4x16x512xf32, #tpu.memory_space<vmem>> -> memref<1x1x16x512xf32, #tpu.memory_space<vmem>>
    %dma_start3A_158 = tpu.memref_squeeze %dma_start3A_157 : memref<1x1x16x512xf32, #tpu.memory_space<vmem>> -> memref<16x512xf32, #tpu.memory_space<vmem>>
    %dma_start3A_159 = arith.constant 0 : i32
    %dma_start3A_160 = tpu.memref_slice %arg2[%add3A_98, %dma_start3A_152, %add3A_102, %dma_start3A_159] : memref<8x4x512x512xf32, #tpu.memory_space<hbm>> -> memref<1x1x16x512xf32, #tpu.memory_space<hbm>>
    %dma_start3A_161 = tpu.memref_squeeze %dma_start3A_160 : memref<1x1x16x512xf32, #tpu.memory_space<hbm>> -> memref<16x512xf32, #tpu.memory_space<hbm>>
    %dma_start3A_162 = arith.constant 0 : i32
    %dma_start3A_163 = arith.constant 0 : i32
    %dma_start3A_164 = tpu.memref_slice %arg6[%dma_start3A_153, %dma_start3A_154, %dma_start3A_162, %dma_start3A_163] : memref<2x4x16x512xf32, #tpu.memory_space<vmem>> -> memref<1x1x16x512xf32, #tpu.memory_space<vmem>>
    %dma_start3A_165 = tpu.memref_squeeze %dma_start3A_164 : memref<1x1x16x512xf32, #tpu.memory_space<vmem>> -> memref<16x512xf32, #tpu.memory_space<vmem>>
    %dma_start3A_166 = arith.constant 0 : i32
    %dma_start3A_167 = tpu.memref_slice %arg2[%add3A_98, %dma_start3A_152, %add3A_102, %dma_start3A_166] : memref<8x4x512x512xf32, #tpu.memory_space<hbm>> -> memref<1x1x16x512xf32, #tpu.memory_space<hbm>>
    %dma_start3A_168 = tpu.memref_squeeze %dma_start3A_167 : memref<1x1x16x512xf32, #tpu.memory_space<hbm>> -> memref<16x512xf32, #tpu.memory_space<hbm>>
    tpu.enqueue_dma source(%dma_start3A_168 : memref<16x512xf32, #tpu.memory_space<hbm>>) target(%dma_start3A_165 : memref<16x512xf32, #tpu.memory_space<vmem>>) target_semaphore(%arg13 : memref<!tpu.dma_semaphore, #tpu.memory_space<semaphore_mem>>)
    %dma_start3A_169 = arith.constant 3 : i32
    %dma_start3A_170 = arith.constant 1 : i32
    %dma_start3A_171 = arith.constant 3 : i32
    %dma_start3A_172 = arith.constant 0 : i32
    %dma_start3A_173 = arith.constant 0 : i32
    %dma_start3A_174 = tpu.memref_slice %arg6[%dma_start3A_170, %dma_start3A_171, %dma_start3A_172, %dma_start3A_173] : memref<2x4x16x512xf32, #tpu.memory_space<vmem>> -> memref<1x1x16x512xf32, #tpu.memory_space<vmem>>
    %dma_start3A_175 = tpu.memref_squeeze %dma_start3A_174 : memref<1x1x16x512xf32, #tpu.memory_space<vmem>> -> memref<16x512xf32, #tpu.memory_space<vmem>>
    %dma_start3A_176 = arith.constant 0 : i32
    %dma_start3A_177 = tpu.memref_slice %arg2[%add3A_98, %dma_start3A_169, %add3A_102, %dma_start3A_176] : memref<8x4x512x512xf32, #tpu.memory_space<hbm>> -> memref<1x1x16x512xf32, #tpu.memory_space<hbm>>
    %dma_start3A_178 = tpu.memref_squeeze %dma_start3A_177 : memref<1x1x16x512xf32, #tpu.memory_space<hbm>> -> memref<16x512xf32, #tpu.memory_space<hbm>>
    %dma_start3A_179 = arith.constant 0 : i32
    %dma_start3A_180 = arith.constant 0 : i32
    %dma_start3A_181 = tpu.memref_slice %arg6[%dma_start3A_170, %dma_start3A_171, %dma_start3A_179, %dma_start3A_180] : memref<2x4x16x512xf32, #tpu.memory_space<vmem>> -> memref<1x1x16x512xf32, #tpu.memory_space<vmem>>
    %dma_start3A_182 = tpu.memref_squeeze %dma_start3A_181 : memref<1x1x16x512xf32, #tpu.memory_space<vmem>> -> memref<16x512xf32, #tpu.memory_space<vmem>>
    %dma_start3A_183 = arith.constant 0 : i32
    %dma_start3A_184 = tpu.memref_slice %arg2[%add3A_98, %dma_start3A_169, %add3A_102, %dma_start3A_183] : memref<8x4x512x512xf32, #tpu.memory_space<hbm>> -> memref<1x1x16x512xf32, #tpu.memory_space<hbm>>
    %dma_start3A_185 = tpu.memref_squeeze %dma_start3A_184 : memref<1x1x16x512xf32, #tpu.memory_space<hbm>> -> memref<16x512xf32, #tpu.memory_space<hbm>>
    tpu.enqueue_dma source(%dma_start3A_185 : memref<16x512xf32, #tpu.memory_space<hbm>>) target(%dma_start3A_182 : memref<16x512xf32, #tpu.memory_space<vmem>>) target_semaphore(%arg13 : memref<!tpu.dma_semaphore, #tpu.memory_space<semaphore_mem>>)
    %scan3A = arith.constant 0 : i32
    %scan3A_186 = arith.constant 2 : i32
    %scan3A_187 = arith.addi %scan3A, %scan3A_186 : i32
    %scan3A_188 = arith.constant 1 : i32
    %scan3A_189:3 = scf.for %scan3A_196 = %scan3A to %scan3A_187 step %scan3A_188 iter_args(%scan3A_197 = %broadcast_in_dim3A_0, %scan3A_198 = %broadcast_in_dim3A_0, %scan3A_199 = %broadcast_in_dim3A_0) -> (vector<16xf32>, vector<16xf32>, vector<16xf32>)  : i32 {
      %mul3A_200 = arith.constant 32 : i32
      %mul3A_201 = arith.muli %arg1, %mul3A_200 : i32
      %add3A_202 = arith.constant 0 : i32
      %add3A_203 = arith.addi %mul3A_201, %add3A_202 : i32
      %dma_wait3A = arith.constant 0 : i32
      %dma_wait3A_204 = arith.constant 0 : i32
      %dma_wait3A_205 = arith.constant 0 : i32
      %dma_wait3A_206 = arith.constant 0 : i32
      %dma_wait3A_207 = tpu.memref_slice %arg5[%dma_wait3A_204, %dma_wait3A_205, %dma_wait3A_206] : memref<2x16x512xi32, #tpu.memory_space<vmem>> -> memref<1x16x512xi32, #tpu.memory_space<vmem>>
      %dma_wait3A_208 = tpu.memref_squeeze %dma_wait3A_207 : memref<1x16x512xi32, #tpu.memory_space<vmem>> -> memref<16x512xi32, #tpu.memory_space<vmem>>
      %dma_wait3A_209 = arith.constant 0 : i32
      %dma_wait3A_210 = tpu.memref_slice %arg3[%dma_wait3A, %add3A_203, %dma_wait3A_209] : memref<8x512x512xi32, #tpu.memory_space<hbm>> -> memref<1x16x512xi32, #tpu.memory_space<hbm>>
      %dma_wait3A_211 = tpu.memref_squeeze %dma_wait3A_210 : memref<1x16x512xi32, #tpu.memory_space<hbm>> -> memref<16x512xi32, #tpu.memory_space<hbm>>
      %dma_wait3A_212 = arith.constant 0 : i32
      %dma_wait3A_213 = arith.constant 0 : i32
      %dma_wait3A_214 = tpu.memref_slice %arg5[%dma_wait3A_204, %dma_wait3A_212, %dma_wait3A_213] : memref<2x16x512xi32, #tpu.memory_space<vmem>> -> memref<1x16x512xi32, #tpu.memory_space<vmem>>
      %dma_wait3A_215 = tpu.memref_squeeze %dma_wait3A_214 : memref<1x16x512xi32, #tpu.memory_space<vmem>> -> memref<16x512xi32, #tpu.memory_space<vmem>>
      %dma_wait3A_216 = arith.constant 0 : i32
      %dma_wait3A_217 = tpu.memref_slice %arg3[%dma_wait3A, %add3A_203, %dma_wait3A_216] : memref<8x512x512xi32, #tpu.memory_space<hbm>> -> memref<1x16x512xi32, #tpu.memory_space<hbm>>
      %dma_wait3A_218 = tpu.memref_squeeze %dma_wait3A_217 : memref<1x16x512xi32, #tpu.memory_space<hbm>> -> memref<16x512xi32, #tpu.memory_space<hbm>>
      tpu.wait_dma2 semaphore(%arg13 : memref<!tpu.dma_semaphore, #tpu.memory_space<semaphore_mem>>) src(%dma_wait3A_218 : memref<16x512xi32, #tpu.memory_space<hbm>>) dst(%dma_wait3A_215 : memref<16x512xi32, #tpu.memory_space<vmem>>)
      %dma_wait3A_219 = arith.constant 0 : i32
      %dma_wait3A_220 = arith.constant 0 : i32
      %dma_wait3A_221 = arith.constant 0 : i32
      %dma_wait3A_222 = arith.constant 0 : i32
      %dma_wait3A_223 = arith.constant 0 : i32
      %dma_wait3A_224 = arith.constant 0 : i32
      %dma_wait3A_225 = tpu.memref_slice %arg6[%dma_wait3A_221, %dma_wait3A_222, %dma_wait3A_223, %dma_wait3A_224] : memref<2x4x16x512xf32, #tpu.memory_space<vmem>> -> memref<1x1x16x512xf32, #tpu.memory_space<vmem>>
      %dma_wait3A_226 = tpu.memref_squeeze %dma_wait3A_225 : memref<1x1x16x512xf32, #tpu.memory_space<vmem>> -> memref<16x512xf32, #tpu.memory_space<vmem>>
      %dma_wait3A_227 = arith.constant 0 : i32
      %dma_wait3A_228 = tpu.memref_slice %arg2[%dma_wait3A_219, %dma_wait3A_220, %add3A_203, %dma_wait3A_227] : memref<8x4x512x512xf32, #tpu.memory_space<hbm>> -> memref<1x1x16x512xf32, #tpu.memory_space<hbm>>
      %dma_wait3A_229 = tpu.memref_squeeze %dma_wait3A_228 : memref<1x1x16x512xf32, #tpu.memory_space<hbm>> -> memref<16x512xf32, #tpu.memory_space<hbm>>
      %dma_wait3A_230 = arith.constant 0 : i32
      %dma_wait3A_231 = arith.constant 0 : i32
      %dma_wait3A_232 = tpu.memref_slice %arg6[%dma_wait3A_221, %dma_wait3A_222, %dma_wait3A_230, %dma_wait3A_231] : memref<2x4x16x512xf32, #tpu.memory_space<vmem>> -> memref<1x1x16x512xf32, #tpu.memory_space<vmem>>
      %dma_wait3A_233 = tpu.memref_squeeze %dma_wait3A_232 : memref<1x1x16x512xf32, #tpu.memory_space<vmem>> -> memref<16x512xf32, #tpu.memory_space<vmem>>
      %dma_wait3A_234 = arith.constant 0 : i32
      %dma_wait3A_235 = tpu.memref_slice %arg2[%dma_wait3A_219, %dma_wait3A_220, %add3A_203, %dma_wait3A_234] : memref<8x4x512x512xf32, #tpu.memory_space<hbm>> -> memref<1x1x16x512xf32, #tpu.memory_space<hbm>>
      %dma_wait3A_236 = tpu.memref_squeeze %dma_wait3A_235 : memref<1x1x16x512xf32, #tpu.memory_space<hbm>> -> memref<16x512xf32, #tpu.memory_space<hbm>>
      tpu.wait_dma2 semaphore(%arg13 : memref<!tpu.dma_semaphore, #tpu.memory_space<semaphore_mem>>) src(%dma_wait3A_236 : memref<16x512xf32, #tpu.memory_space<hbm>>) dst(%dma_wait3A_233 : memref<16x512xf32, #tpu.memory_space<vmem>>)
      %dma_wait3A_237 = arith.constant 0 : i32
      %dma_wait3A_238 = arith.constant 1 : i32
      %dma_wait3A_239 = arith.constant 0 : i32
      %dma_wait3A_240 = arith.constant 1 : i32
      %dma_wait3A_241 = arith.constant 0 : i32
      %dma_wait3A_242 = arith.constant 0 : i32
      %dma_wait3A_243 = tpu.memref_slice %arg6[%dma_wait3A_239, %dma_wait3A_240, %dma_wait3A_241, %dma_wait3A_242] : memref<2x4x16x512xf32, #tpu.memory_space<vmem>> -> memref<1x1x16x512xf32, #tpu.memory_space<vmem>>
      %dma_wait3A_244 = tpu.memref_squeeze %dma_wait3A_243 : memref<1x1x16x512xf32, #tpu.memory_space<vmem>> -> memref<16x512xf32, #tpu.memory_space<vmem>>
      %dma_wait3A_245 = arith.constant 0 : i32
      %dma_wait3A_246 = tpu.memref_slice %arg2[%dma_wait3A_237, %dma_wait3A_238, %add3A_203, %dma_wait3A_245] : memref<8x4x512x512xf32, #tpu.memory_space<hbm>> -> memref<1x1x16x512xf32, #tpu.memory_space<hbm>>
      %dma_wait3A_247 = tpu.memref_squeeze %dma_wait3A_246 : memref<1x1x16x512xf32, #tpu.memory_space<hbm>> -> memref<16x512xf32, #tpu.memory_space<hbm>>
      %dma_wait3A_248 = arith.constant 0 : i32
      %dma_wait3A_249 = arith.constant 0 : i32
      %dma_wait3A_250 = tpu.memref_slice %arg6[%dma_wait3A_239, %dma_wait3A_240, %dma_wait3A_248, %dma_wait3A_249] : memref<2x4x16x512xf32, #tpu.memory_space<vmem>> -> memref<1x1x16x512xf32, #tpu.memory_space<vmem>>
      %dma_wait3A_251 = tpu.memref_squeeze %dma_wait3A_250 : memref<1x1x16x512xf32, #tpu.memory_space<vmem>> -> memref<16x512xf32, #tpu.memory_space<vmem>>
      %dma_wait3A_252 = arith.constant 0 : i32
      %dma_wait3A_253 = tpu.memref_slice %arg2[%dma_wait3A_237, %dma_wait3A_238, %add3A_203, %dma_wait3A_252] : memref<8x4x512x512xf32, #tpu.memory_space<hbm>> -> memref<1x1x16x512xf32, #tpu.memory_space<hbm>>
      %dma_wait3A_254 = tpu.memref_squeeze %dma_wait3A_253 : memref<1x1x16x512xf32, #tpu.memory_space<hbm>> -> memref<16x512xf32, #tpu.memory_space<hbm>>
      tpu.wait_dma2 semaphore(%arg13 : memref<!tpu.dma_semaphore, #tpu.memory_space<semaphore_mem>>) src(%dma_wait3A_254 : memref<16x512xf32, #tpu.memory_space<hbm>>) dst(%dma_wait3A_251 : memref<16x512xf32, #tpu.memory_space<vmem>>)
      %dma_wait3A_255 = arith.constant 0 : i32
      %dma_wait3A_256 = arith.constant 2 : i32
      %dma_wait3A_257 = arith.constant 0 : i32
      %dma_wait3A_258 = arith.constant 2 : i32
      %dma_wait3A_259 = arith.constant 0 : i32
      %dma_wait3A_260 = arith.constant 0 : i32
      %dma_wait3A_261 = tpu.memref_slice %arg6[%dma_wait3A_257, %dma_wait3A_258, %dma_wait3A_259, %dma_wait3A_260] : memref<2x4x16x512xf32, #tpu.memory_space<vmem>> -> memref<1x1x16x512xf32, #tpu.memory_space<vmem>>
      %dma_wait3A_262 = tpu.memref_squeeze %dma_wait3A_261 : memref<1x1x16x512xf32, #tpu.memory_space<vmem>> -> memref<16x512xf32, #tpu.memory_space<vmem>>
      %dma_wait3A_263 = arith.constant 0 : i32
      %dma_wait3A_264 = tpu.memref_slice %arg2[%dma_wait3A_255, %dma_wait3A_256, %add3A_203, %dma_wait3A_263] : memref<8x4x512x512xf32, #tpu.memory_space<hbm>> -> memref<1x1x16x512xf32, #tpu.memory_space<hbm>>
      %dma_wait3A_265 = tpu.memref_squeeze %dma_wait3A_264 : memref<1x1x16x512xf32, #tpu.memory_space<hbm>> -> memref<16x512xf32, #tpu.memory_space<hbm>>
      %dma_wait3A_266 = arith.constant 0 : i32
      %dma_wait3A_267 = arith.constant 0 : i32
      %dma_wait3A_268 = tpu.memref_slice %arg6[%dma_wait3A_257, %dma_wait3A_258, %dma_wait3A_266, %dma_wait3A_267] : memref<2x4x16x512xf32, #tpu.memory_space<vmem>> -> memref<1x1x16x512xf32, #tpu.memory_space<vmem>>
      %dma_wait3A_269 = tpu.memref_squeeze %dma_wait3A_268 : memref<1x1x16x512xf32, #tpu.memory_space<vmem>> -> memref<16x512xf32, #tpu.memory_space<vmem>>
      %dma_wait3A_270 = arith.constant 0 : i32
      %dma_wait3A_271 = tpu.memref_slice %arg2[%dma_wait3A_255, %dma_wait3A_256, %add3A_203, %dma_wait3A_270] : memref<8x4x512x512xf32, #tpu.memory_space<hbm>> -> memref<1x1x16x512xf32, #tpu.memory_space<hbm>>
      %dma_wait3A_272 = tpu.memref_squeeze %dma_wait3A_271 : memref<1x1x16x512xf32, #tpu.memory_space<hbm>> -> memref<16x512xf32, #tpu.memory_space<hbm>>
      tpu.wait_dma2 semaphore(%arg13 : memref<!tpu.dma_semaphore, #tpu.memory_space<semaphore_mem>>) src(%dma_wait3A_272 : memref<16x512xf32, #tpu.memory_space<hbm>>) dst(%dma_wait3A_269 : memref<16x512xf32, #tpu.memory_space<vmem>>)
      %dma_wait3A_273 = arith.constant 0 : i32
      %dma_wait3A_274 = arith.constant 3 : i32
      %dma_wait3A_275 = arith.constant 0 : i32
      %dma_wait3A_276 = arith.constant 3 : i32
      %dma_wait3A_277 = arith.constant 0 : i32
      %dma_wait3A_278 = arith.constant 0 : i32
      %dma_wait3A_279 = tpu.memref_slice %arg6[%dma_wait3A_275, %dma_wait3A_276, %dma_wait3A_277, %dma_wait3A_278] : memref<2x4x16x512xf32, #tpu.memory_space<vmem>> -> memref<1x1x16x512xf32, #tpu.memory_space<vmem>>
      %dma_wait3A_280 = tpu.memref_squeeze %dma_wait3A_279 : memref<1x1x16x512xf32, #tpu.memory_space<vmem>> -> memref<16x512xf32, #tpu.memory_space<vmem>>
      %dma_wait3A_281 = arith.constant 0 : i32
      %dma_wait3A_282 = tpu.memref_slice %arg2[%dma_wait3A_273, %dma_wait3A_274, %add3A_203, %dma_wait3A_281] : memref<8x4x512x512xf32, #tpu.memory_space<hbm>> -> memref<1x1x16x512xf32, #tpu.memory_space<hbm>>
      %dma_wait3A_283 = tpu.memref_squeeze %dma_wait3A_282 : memref<1x1x16x512xf32, #tpu.memory_space<hbm>> -> memref<16x512xf32, #tpu.memory_space<hbm>>
      %dma_wait3A_284 = arith.constant 0 : i32
      %dma_wait3A_285 = arith.constant 0 : i32
      %dma_wait3A_286 = tpu.memref_slice %arg6[%dma_wait3A_275, %dma_wait3A_276, %dma_wait3A_284, %dma_wait3A_285] : memref<2x4x16x512xf32, #tpu.memory_space<vmem>> -> memref<1x1x16x512xf32, #tpu.memory_space<vmem>>
      %dma_wait3A_287 = tpu.memref_squeeze %dma_wait3A_286 : memref<1x1x16x512xf32, #tpu.memory_space<vmem>> -> memref<16x512xf32, #tpu.memory_space<vmem>>
      %dma_wait3A_288 = arith.constant 0 : i32
      %dma_wait3A_289 = tpu.memref_slice %arg2[%dma_wait3A_273, %dma_wait3A_274, %add3A_203, %dma_wait3A_288] : memref<8x4x512x512xf32, #tpu.memory_space<hbm>> -> memref<1x1x16x512xf32, #tpu.memory_space<hbm>>
      %dma_wait3A_290 = tpu.memref_squeeze %dma_wait3A_289 : memref<1x1x16x512xf32, #tpu.memory_space<hbm>> -> memref<16x512xf32, #tpu.memory_space<hbm>>
      tpu.wait_dma2 semaphore(%arg13 : memref<!tpu.dma_semaphore, #tpu.memory_space<semaphore_mem>>) src(%dma_wait3A_290 : memref<16x512xf32, #tpu.memory_space<hbm>>) dst(%dma_wait3A_287 : memref<16x512xf32, #tpu.memory_space<vmem>>)
      %scan3A_291 = arith.constant 0 : i32
      %scan3A_292 = arith.constant 512 : i32
      %scan3A_293 = arith.addi %scan3A_291, %scan3A_292 : i32
      %scan3A_294 = arith.constant 1 : i32
      %scan3A_295:24 = scf.for %scan3A_1451 = %scan3A_291 to %scan3A_293 step %scan3A_294 iter_args(%scan3A_1452 = %broadcast_in_dim3A_0, %scan3A_1453 = %broadcast_in_dim3A_0, %scan3A_1454 = %broadcast_in_dim3A_0, %scan3A_1455 = %broadcast_in_dim3A_0, %scan3A_1456 = %broadcast_in_dim3A_0, %scan3A_1457 = %broadcast_in_dim3A_0, %scan3A_1458 = %broadcast_in_dim3A_0, %scan3A_1459 = %broadcast_in_dim3A_0, %scan3A_1460 = %broadcast_in_dim3A_0, %scan3A_1461 = %broadcast_in_dim3A_0, %scan3A_1462 = %broadcast_in_dim3A_0, %scan3A_1463 = %broadcast_in_dim3A_0, %scan3A_1464 = %broadcast_in_dim3A_0, %scan3A_1465 = %broadcast_in_dim3A_0, %scan3A_1466 = %broadcast_in_dim3A_0, %scan3A_1467 = %broadcast_in_dim3A_0, %scan3A_1468 = %broadcast_in_dim3A_0, %scan3A_1469 = %broadcast_in_dim3A_0, %scan3A_1470 = %broadcast_in_dim3A_0, %scan3A_1471 = %broadcast_in_dim3A_0, %scan3A_1472 = %broadcast_in_dim3A_2, %scan3A_1473 = %broadcast_in_dim3A_2, %scan3A_1474 = %broadcast_in_dim3A_2, %scan3A_1475 = %broadcast_in_dim3A_2) -> (vector<16xf32>, vector<16xf32>, vector<16xf32>, vector<16xf32>, vector<16xf32>, vector<16xf32>, vector<16xf32>, vector<16xf32>, vector<16xf32>, vector<16xf32>, vector<16xf32>, vector<16xf32>, vector<16xf32>, vector<16xf32>, vector<16xf32>, vector<16xf32>, vector<16xf32>, vector<16xf32>, vector<16xf32>, vector<16xf32>, vector<16xi32>, vector<16xi32>, vector<16xi32>, vector<16xi32>)  : i32 {
        %shift_right_arithmetic3A_1476 = arith.constant 5 : i32
        %shift_right_arithmetic3A_1477 = arith.shrsi %scan3A_1451, %shift_right_arithmetic3A_1476 : i32
        %and3A_1478 = arith.constant 31 : i32
        %and3A_1479 = arith.andi %scan3A_1451, %and3A_1478 : i32
        %mul3A_1480 = arith.constant 16 : i32
        %mul3A_1481 = arith.muli %and3A_1479, %mul3A_1480 : i32
        %get3A = arith.constant 0 : i32
        %get3A_1482 = arith.index_cast %get3A : i32 to index
        %get3A_1483 = arith.index_cast %shift_right_arithmetic3A_1477 : i32 to index
        %get3A_1484 = arith.index_cast %mul3A_1481 : i32 to index
        %get3A_1485 = tpu.vector_load %arg5[%get3A_1482, %get3A_1483, %get3A_1484] {strides = array<i32>} : memref<2x16x512xi32, #tpu.memory_space<vmem>>, vector<16xi32>,
        %get3A_1486 = arith.constant 0 : i32
        %get3A_1487 = arith.constant 0 : i32
        %get3A_1488 = arith.index_cast %get3A_1486 : i32 to index
        %get3A_1489 = arith.index_cast %get3A_1487 : i32 to index
        %get3A_1490 = arith.index_cast %shift_right_arithmetic3A_1477 : i32 to index
        %get3A_1491 = arith.index_cast %mul3A_1481 : i32 to index
        %get3A_1492 = tpu.vector_load %arg6[%get3A_1488, %get3A_1489, %get3A_1490, %get3A_1491] {strides = array<i32>} : memref<2x4x16x512xf32, #tpu.memory_space<vmem>>, vector<16xf32>,
        %get3A_1493 = arith.constant 0 : i32
        %get3A_1494 = arith.constant 1 : i32
        %get3A_1495 = arith.index_cast %get3A_1493 : i32 to index
        %get3A_1496 = arith.index_cast %get3A_1494 : i32 to index
        %get3A_1497 = arith.index_cast %shift_right_arithmetic3A_1477 : i32 to index
        %get3A_1498 = arith.index_cast %mul3A_1481 : i32 to index
        %get3A_1499 = tpu.vector_load %arg6[%get3A_1495, %get3A_1496, %get3A_1497, %get3A_1498] {strides = array<i32>} : memref<2x4x16x512xf32, #tpu.memory_space<vmem>>, vector<16xf32>,
        %get3A_1500 = arith.constant 0 : i32
        %get3A_1501 = arith.constant 2 : i32
        %get3A_1502 = arith.index_cast %get3A_1500 : i32 to index
        %get3A_1503 = arith.index_cast %get3A_1501 : i32 to index
        %get3A_1504 = arith.index_cast %shift_right_arithmetic3A_1477 : i32 to index
        %get3A_1505 = arith.index_cast %mul3A_1481 : i32 to index
        %get3A_1506 = tpu.vector_load %arg6[%get3A_1502, %get3A_1503, %get3A_1504, %get3A_1505] {strides = array<i32>} : memref<2x4x16x512xf32, #tpu.memory_space<vmem>>, vector<16xf32>,
        %get3A_1507 = arith.constant 0 : i32
        %get3A_1508 = arith.constant 3 : i32
        %get3A_1509 = arith.index_cast %get3A_1507 : i32 to index
        %get3A_1510 = arith.index_cast %get3A_1508 : i32 to index
        %get3A_1511 = arith.index_cast %shift_right_arithmetic3A_1477 : i32 to index
        %get3A_1512 = arith.index_cast %mul3A_1481 : i32 to index
        %get3A_1513 = tpu.vector_load %arg6[%get3A_1509, %get3A_1510, %get3A_1511, %get3A_1512] {strides = array<i32>} : memref<2x4x16x512xf32, #tpu.memory_space<vmem>>, vector<16xf32>,
        %eq3A_1514 = arith.constant 1 : i32
        %eq3A_1515 = vector.broadcast %eq3A_1514 : i32 to vector<16xi32>
        %eq3A_1516 = arith.cmpi eq, %get3A_1485, %eq3A_1515 : vector<16xi32>
        %all_reduce_population_count3A = tpu.all_reduce %eq3A_1516 {dim = 0 : i64, kind = #tpu.reduction_kind<sum>} : vector<16xi1> -> vector<16xi32>
        %add3A_1517 = arith.addi %scan3A_1472, %all_reduce_population_count3A : vector<16xi32>
        %jit3A_1518 = arith.constant 0.000000e+00 : f32
        %broadcast_in_dim3A_1519 = vector.broadcast %jit3A_1518 : f32 to vector<16xf32>
        %select_n3A_1520 = arith.select %eq3A_1516, %get3A_1492, %broadcast_in_dim3A_1519 : vector<16xi1>, vector<16xf32>
        %add3A_1521 = arith.addf %scan3A_1452, %select_n3A_1520 : vector<16xf32>
        %jit3A_1522 = arith.constant 0.000000e+00 : f32
        %broadcast_in_dim3A_1523 = vector.broadcast %jit3A_1522 : f32 to vector<16xf32>
        %select_n3A_1524 = arith.select %eq3A_1516, %get3A_1499, %broadcast_in_dim3A_1523 : vector<16xi1>, vector<16xf32>
        %add3A_1525 = arith.addf %scan3A_1453, %select_n3A_1524 : vector<16xf32>
        %jit3A_1526 = arith.constant 0.000000e+00 : f32
        %broadcast_in_dim3A_1527 = vector.broadcast %jit3A_1526 : f32 to vector<16xf32>
        %select_n3A_1528 = arith.select %eq3A_1516, %get3A_1506, %broadcast_in_dim3A_1527 : vector<16xi1>, vector<16xf32>
        %add3A_1529 = arith.addf %scan3A_1454, %select_n3A_1528 : vector<16xf32>
        %jit3A_1530 = arith.constant 0.000000e+00 : f32
        %broadcast_in_dim3A_1531 = vector.broadcast %jit3A_1530 : f32 to vector<16xf32>
        %select_n3A_1532 = arith.select %eq3A_1516, %get3A_1513, %broadcast_in_dim3A_1531 : vector<16xi1>, vector<16xf32>
        %add3A_1533 = arith.addf %scan3A_1455, %select_n3A_1532 : vector<16xf32>
        %eq3A_1534 = arith.constant 2 : i32
        %eq3A_1535 = vector.broadcast %eq3A_1534 : i32 to vector<16xi32>
        %eq3A_1536 = arith.cmpi eq, %get3A_1485, %eq3A_1535 : vector<16xi32>
        %all_reduce_population_count3A_1537 = tpu.all_reduce %eq3A_1536 {dim = 0 : i64, kind = #tpu.reduction_kind<sum>} : vector<16xi1> -> vector<16xi32>
        %add3A_1538 = arith.addi %scan3A_1473, %all_reduce_population_count3A_1537 : vector<16xi32>
        %jit3A_1539 = arith.constant 0.000000e+00 : f32
        %broadcast_in_dim3A_1540 = vector.broadcast %jit3A_1539 : f32 to vector<16xf32>
        %select_n3A_1541 = arith.select %eq3A_1536, %get3A_1492, %broadcast_in_dim3A_1540 : vector<16xi1>, vector<16xf32>
        %add3A_1542 = arith.addf %scan3A_1456, %select_n3A_1541 : vector<16xf32>
        %jit3A_1543 = arith.constant 0.000000e+00 : f32
        %broadcast_in_dim3A_1544 = vector.broadcast %jit3A_1543 : f32 to vector<16xf32>
        %select_n3A_1545 = arith.select %eq3A_1536, %get3A_1499, %broadcast_in_dim3A_1544 : vector<16xi1>, vector<16xf32>
        %add3A_1546 = arith.addf %scan3A_1457, %select_n3A_1545 : vector<16xf32>
        %jit3A_1547 = arith.constant 0.000000e+00 : f32
        %broadcast_in_dim3A_1548 = vector.broadcast %jit3A_1547 : f32 to vector<16xf32>
        %select_n3A_1549 = arith.select %eq3A_1536, %get3A_1506, %broadcast_in_dim3A_1548 : vector<16xi1>, vector<16xf32>
        %add3A_1550 = arith.addf %scan3A_1458, %select_n3A_1549 : vector<16xf32>
        %jit3A_1551 = arith.constant 0.000000e+00 : f32
        %broadcast_in_dim3A_1552 = vector.broadcast %jit3A_1551 : f32 to vector<16xf32>
        %select_n3A_1553 = arith.select %eq3A_1536, %get3A_1513, %broadcast_in_dim3A_1552 : vector<16xi1>, vector<16xf32>
        %add3A_1554 = arith.addf %scan3A_1459, %select_n3A_1553 : vector<16xf32>
        %eq3A_1555 = arith.constant 3 : i32
        %eq3A_1556 = vector.broadcast %eq3A_1555 : i32 to vector<16xi32>
        %eq3A_1557 = arith.cmpi eq, %get3A_1485, %eq3A_1556 : vector<16xi32>
        %all_reduce_population_count3A_1558 = tpu.all_reduce %eq3A_1557 {dim = 0 : i64, kind = #tpu.reduction_kind<sum>} : vector<16xi1> -> vector<16xi32>
        %add3A_1559 = arith.addi %scan3A_1474, %all_reduce_population_count3A_1558 : vector<16xi32>
        %jit3A_1560 = arith.constant 0.000000e+00 : f32
        %broadcast_in_dim3A_1561 = vector.broadcast %jit3A_1560 : f32 to vector<16xf32>
        %select_n3A_1562 = arith.select %eq3A_1557, %get3A_1492, %broadcast_in_dim3A_1561 : vector<16xi1>, vector<16xf32>
        %add3A_1563 = arith.addf %scan3A_1460, %select_n3A_1562 : vector<16xf32>
        %jit3A_1564 = arith.constant 0.000000e+00 : f32
        %broadcast_in_dim3A_1565 = vector.broadcast %jit3A_1564 : f32 to vector<16xf32>
        %select_n3A_1566 = arith.select %eq3A_1557, %get3A_1499, %broadcast_in_dim3A_1565 : vector<16xi1>, vector<16xf32>
        %add3A_1567 = arith.addf %scan3A_1461, %select_n3A_1566 : vector<16xf32>
        %jit3A_1568 = arith.constant 0.000000e+00 : f32
        %broadcast_in_dim3A_1569 = vector.broadcast %jit3A_1568 : f32 to vector<16xf32>
        %select_n3A_1570 = arith.select %eq3A_1557, %get3A_1506, %broadcast_in_dim3A_1569 : vector<16xi1>, vector<16xf32>
        %add3A_1571 = arith.addf %scan3A_1462, %select_n3A_1570 : vector<16xf32>
        %jit3A_1572 = arith.constant 0.000000e+00 : f32
        %broadcast_in_dim3A_1573 = vector.broadcast %jit3A_1572 : f32 to vector<16xf32>
        %select_n3A_1574 = arith.select %eq3A_1557, %get3A_1513, %broadcast_in_dim3A_1573 : vector<16xi1>, vector<16xf32>
        %add3A_1575 = arith.addf %scan3A_1463, %select_n3A_1574 : vector<16xf32>
        %eq3A_1576 = arith.constant 4 : i32
        %eq3A_1577 = vector.broadcast %eq3A_1576 : i32 to vector<16xi32>
        %eq3A_1578 = arith.cmpi eq, %get3A_1485, %eq3A_1577 : vector<16xi32>
        %all_reduce_population_count3A_1579 = tpu.all_reduce %eq3A_1578 {dim = 0 : i64, kind = #tpu.reduction_kind<sum>} : vector<16xi1> -> vector<16xi32>
        %add3A_1580 = arith.addi %scan3A_1475, %all_reduce_population_count3A_1579 : vector<16xi32>
        %jit3A_1581 = arith.constant 0.000000e+00 : f32
        %broadcast_in_dim3A_1582 = vector.broadcast %jit3A_1581 : f32 to vector<16xf32>
        %select_n3A_1583 = arith.select %eq3A_1578, %get3A_1492, %broadcast_in_dim3A_1582 : vector<16xi1>, vector<16xf32>
        %add3A_1584 = arith.addf %scan3A_1464, %select_n3A_1583 : vector<16xf32>
        %jit3A_1585 = arith.constant 0.000000e+00 : f32
        %broadcast_in_dim3A_1586 = vector.broadcast %jit3A_1585 : f32 to vector<16xf32>
        %select_n3A_1587 = arith.select %eq3A_1578, %get3A_1499, %broadcast_in_dim3A_1586 : vector<16xi1>, vector<16xf32>
        %add3A_1588 = arith.addf %scan3A_1465, %select_n3A_1587 : vector<16xf32>
        %jit3A_1589 = arith.constant 0.000000e+00 : f32
        %broadcast_in_dim3A_1590 = vector.broadcast %jit3A_1589 : f32 to vector<16xf32>
        %select_n3A_1591 = arith.select %eq3A_1578, %get3A_1506, %broadcast_in_dim3A_1590 : vector<16xi1>, vector<16xf32>
        %add3A_1592 = arith.addf %scan3A_1466, %select_n3A_1591 : vector<16xf32>
        %jit3A_1593 = arith.constant 0.000000e+00 : f32
        %broadcast_in_dim3A_1594 = vector.broadcast %jit3A_1593 : f32 to vector<16xf32>
        %select_n3A_1595 = arith.select %eq3A_1578, %get3A_1513, %broadcast_in_dim3A_1594 : vector<16xi1>, vector<16xf32>
        %add3A_1596 = arith.addf %scan3A_1467, %select_n3A_1595 : vector<16xf32>
        %add3A_1597 = arith.addf %scan3A_1468, %get3A_1492 : vector<16xf32>
        %add3A_1598 = arith.addf %scan3A_1469, %get3A_1499 : vector<16xf32>
        %add3A_1599 = arith.addf %scan3A_1470, %get3A_1506 : vector<16xf32>
        %add3A_1600 = arith.addf %scan3A_1471, %get3A_1513 : vector<16xf32>
        scf.yield %add3A_1521, %add3A_1525, %add3A_1529, %add3A_1533, %add3A_1542, %add3A_1546, %add3A_1550, %add3A_1554, %add3A_1563, %add3A_1567, %add3A_1571, %add3A_1575, %add3A_1584, %add3A_1588, %add3A_1592, %add3A_1596, %add3A_1597, %add3A_1598, %add3A_1599, %add3A_1600, %add3A_1517, %add3A_1538, %add3A_1559, %add3A_1580 : vector<16xf32>, vector<16xf32>, vector<16xf32>, vector<16xf32>, vector<16xf32>, vector<16xf32>, vector<16xf32>, vector<16xf32>, vector<16xf32>, vector<16xf32>, vector<16xf32>, vector<16xf32>, vector<16xf32>, vector<16xf32>, vector<16xf32>, vector<16xf32>, vector<16xf32>, vector<16xf32>, vector<16xf32>, vector<16xf32>, vector<16xi32>, vector<16xi32>, vector<16xi32>, vector<16xi32>
      }
      %scan3A_296 = arith.constant 512 : i32
      %mul3A_297 = arith.constant 32 : i32
      %mul3A_298 = arith.muli %arg1, %mul3A_297 : i32
      %add3A_299 = arith.constant 16 : i32
      %add3A_300 = arith.addi %mul3A_298, %add3A_299 : i32
      %dma_wait3A_301 = arith.constant 0 : i32
      %dma_wait3A_302 = arith.constant 1 : i32
      %dma_wait3A_303 = arith.constant 0 : i32
      %dma_wait3A_304 = arith.constant 0 : i32
      %dma_wait3A_305 = tpu.memref_slice %arg5[%dma_wait3A_302, %dma_wait3A_303, %dma_wait3A_304] : memref<2x16x512xi32, #tpu.memory_space<vmem>> -> memref<1x16x512xi32, #tpu.memory_space<vmem>>
      %dma_wait3A_306 = tpu.memref_squeeze %dma_wait3A_305 : memref<1x16x512xi32, #tpu.memory_space<vmem>> -> memref<16x512xi32, #tpu.memory_space<vmem>>
      %dma_wait3A_307 = arith.constant 0 : i32
      %dma_wait3A_308 = tpu.memref_slice %arg3[%dma_wait3A_301, %add3A_300, %dma_wait3A_307] : memref<8x512x512xi32, #tpu.memory_space<hbm>> -> memref<1x16x512xi32, #tpu.memory_space<hbm>>
      %dma_wait3A_309 = tpu.memref_squeeze %dma_wait3A_308 : memref<1x16x512xi32, #tpu.memory_space<hbm>> -> memref<16x512xi32, #tpu.memory_space<hbm>>
      %dma_wait3A_310 = arith.constant 0 : i32
      %dma_wait3A_311 = arith.constant 0 : i32
      %dma_wait3A_312 = tpu.memref_slice %arg5[%dma_wait3A_302, %dma_wait3A_310, %dma_wait3A_311] : memref<2x16x512xi32, #tpu.memory_space<vmem>> -> memref<1x16x512xi32, #tpu.memory_space<vmem>>
      %dma_wait3A_313 = tpu.memref_squeeze %dma_wait3A_312 : memref<1x16x512xi32, #tpu.memory_space<vmem>> -> memref<16x512xi32, #tpu.memory_space<vmem>>
      %dma_wait3A_314 = arith.constant 0 : i32
      %dma_wait3A_315 = tpu.memref_slice %arg3[%dma_wait3A_301, %add3A_300, %dma_wait3A_314] : memref<8x512x512xi32, #tpu.memory_space<hbm>> -> memref<1x16x512xi32, #tpu.memory_space<hbm>>
      %dma_wait3A_316 = tpu.memref_squeeze %dma_wait3A_315 : memref<1x16x512xi32, #tpu.memory_space<hbm>> -> memref<16x512xi32, #tpu.memory_space<hbm>>
      tpu.wait_dma2 semaphore(%arg13 : memref<!tpu.dma_semaphore, #tpu.memory_space<semaphore_mem>>) src(%dma_wait3A_316 : memref<16x512xi32, #tpu.memory_space<hbm>>) dst(%dma_wait3A_313 : memref<16x512xi32, #tpu.memory_space<vmem>>)
      %dma_wait3A_317 = arith.constant 0 : i32
      %dma_wait3A_318 = arith.constant 0 : i32
      %dma_wait3A_319 = arith.constant 1 : i32
      %dma_wait3A_320 = arith.constant 0 : i32
      %dma_wait3A_321 = arith.constant 0 : i32
      %dma_wait3A_322 = arith.constant 0 : i32
      %dma_wait3A_323 = tpu.memref_slice %arg6[%dma_wait3A_319, %dma_wait3A_320, %dma_wait3A_321, %dma_wait3A_322] : memref<2x4x16x512xf32, #tpu.memory_space<vmem>> -> memref<1x1x16x512xf32, #tpu.memory_space<vmem>>
      %dma_wait3A_324 = tpu.memref_squeeze %dma_wait3A_323 : memref<1x1x16x512xf32, #tpu.memory_space<vmem>> -> memref<16x512xf32, #tpu.memory_space<vmem>>
      %dma_wait3A_325 = arith.constant 0 : i32
      %dma_wait3A_326 = tpu.memref_slice %arg2[%dma_wait3A_317, %dma_wait3A_318, %add3A_300, %dma_wait3A_325] : memref<8x4x512x512xf32, #tpu.memory_space<hbm>> -> memref<1x1x16x512xf32, #tpu.memory_space<hbm>>
      %dma_wait3A_327 = tpu.memref_squeeze %dma_wait3A_326 : memref<1x1x16x512xf32, #tpu.memory_space<hbm>> -> memref<16x512xf32, #tpu.memory_space<hbm>>
      %dma_wait3A_328 = arith.constant 0 : i32
      %dma_wait3A_329 = arith.constant 0 : i32
      %dma_wait3A_330 = tpu.memref_slice %arg6[%dma_wait3A_319, %dma_wait3A_320, %dma_wait3A_328, %dma_wait3A_329] : memref<2x4x16x512xf32, #tpu.memory_space<vmem>> -> memref<1x1x16x512xf32, #tpu.memory_space<vmem>>
      %dma_wait3A_331 = tpu.memref_squeeze %dma_wait3A_330 : memref<1x1x16x512xf32, #tpu.memory_space<vmem>> -> memref<16x512xf32, #tpu.memory_space<vmem>>
      %dma_wait3A_332 = arith.constant 0 : i32
      %dma_wait3A_333 = tpu.memref_slice %arg2[%dma_wait3A_317, %dma_wait3A_318, %add3A_300, %dma_wait3A_332] : memref<8x4x512x512xf32, #tpu.memory_space<hbm>> -> memref<1x1x16x512xf32, #tpu.memory_space<hbm>>
      %dma_wait3A_334 = tpu.memref_squeeze %dma_wait3A_333 : memref<1x1x16x512xf32, #tpu.memory_space<hbm>> -> memref<16x512xf32, #tpu.memory_space<hbm>>
      tpu.wait_dma2 semaphore(%arg13 : memref<!tpu.dma_semaphore, #tpu.memory_space<semaphore_mem>>) src(%dma_wait3A_334 : memref<16x512xf32, #tpu.memory_space<hbm>>) dst(%dma_wait3A_331 : memref<16x512xf32, #tpu.memory_space<vmem>>)
      %dma_wait3A_335 = arith.constant 0 : i32
      %dma_wait3A_336 = arith.constant 1 : i32
      %dma_wait3A_337 = arith.constant 1 : i32
      %dma_wait3A_338 = arith.constant 1 : i32
      %dma_wait3A_339 = arith.constant 0 : i32
      %dma_wait3A_340 = arith.constant 0 : i32
      %dma_wait3A_341 = tpu.memref_slice %arg6[%dma_wait3A_337, %dma_wait3A_338, %dma_wait3A_339, %dma_wait3A_340] : memref<2x4x16x512xf32, #tpu.memory_space<vmem>> -> memref<1x1x16x512xf32, #tpu.memory_space<vmem>>
      %dma_wait3A_342 = tpu.memref_squeeze %dma_wait3A_341 : memref<1x1x16x512xf32, #tpu.memory_space<vmem>> -> memref<16x512xf32, #tpu.memory_space<vmem>>
      %dma_wait3A_343 = arith.constant 0 : i32
      %dma_wait3A_344 = tpu.memref_slice %arg2[%dma_wait3A_335, %dma_wait3A_336, %add3A_300, %dma_wait3A_343] : memref<8x4x512x512xf32, #tpu.memory_space<hbm>> -> memref<1x1x16x512xf32, #tpu.memory_space<hbm>>
      %dma_wait3A_345 = tpu.memref_squeeze %dma_wait3A_344 : memref<1x1x16x512xf32, #tpu.memory_space<hbm>> -> memref<16x512xf32, #tpu.memory_space<hbm>>
      %dma_wait3A_346 = arith.constant 0 : i32
      %dma_wait3A_347 = arith.constant 0 : i32
      %dma_wait3A_348 = tpu.memref_slice %arg6[%dma_wait3A_337, %dma_wait3A_338, %dma_wait3A_346, %dma_wait3A_347] : memref<2x4x16x512xf32, #tpu.memory_space<vmem>> -> memref<1x1x16x512xf32, #tpu.memory_space<vmem>>
      %dma_wait3A_349 = tpu.memref_squeeze %dma_wait3A_348 : memref<1x1x16x512xf32, #tpu.memory_space<vmem>> -> memref<16x512xf32, #tpu.memory_space<vmem>>
      %dma_wait3A_350 = arith.constant 0 : i32
      %dma_wait3A_351 = tpu.memref_slice %arg2[%dma_wait3A_335, %dma_wait3A_336, %add3A_300, %dma_wait3A_350] : memref<8x4x512x512xf32, #tpu.memory_space<hbm>> -> memref<1x1x16x512xf32, #tpu.memory_space<hbm>>
      %dma_wait3A_352 = tpu.memref_squeeze %dma_wait3A_351 : memref<1x1x16x512xf32, #tpu.memory_space<hbm>> -> memref<16x512xf32, #tpu.memory_space<hbm>>
      tpu.wait_dma2 semaphore(%arg13 : memref<!tpu.dma_semaphore, #tpu.memory_space<semaphore_mem>>) src(%dma_wait3A_352 : memref<16x512xf32, #tpu.memory_space<hbm>>) dst(%dma_wait3A_349 : memref<16x512xf32, #tpu.memory_space<vmem>>)
      %dma_wait3A_353 = arith.constant 0 : i32
      %dma_wait3A_354 = arith.constant 2 : i32
      %dma_wait3A_355 = arith.constant 1 : i32
      %dma_wait3A_356 = arith.constant 2 : i32
      %dma_wait3A_357 = arith.constant 0 : i32
      %dma_wait3A_358 = arith.constant 0 : i32
      %dma_wait3A_359 = tpu.memref_slice %arg6[%dma_wait3A_355, %dma_wait3A_356, %dma_wait3A_357, %dma_wait3A_358] : memref<2x4x16x512xf32, #tpu.memory_space<vmem>> -> memref<1x1x16x512xf32, #tpu.memory_space<vmem>>
      %dma_wait3A_360 = tpu.memref_squeeze %dma_wait3A_359 : memref<1x1x16x512xf32, #tpu.memory_space<vmem>> -> memref<16x512xf32, #tpu.memory_space<vmem>>
      %dma_wait3A_361 = arith.constant 0 : i32
      %dma_wait3A_362 = tpu.memref_slice %arg2[%dma_wait3A_353, %dma_wait3A_354, %add3A_300, %dma_wait3A_361] : memref<8x4x512x512xf32, #tpu.memory_space<hbm>> -> memref<1x1x16x512xf32, #tpu.memory_space<hbm>>
      %dma_wait3A_363 = tpu.memref_squeeze %dma_wait3A_362 : memref<1x1x16x512xf32, #tpu.memory_space<hbm>> -> memref<16x512xf32, #tpu.memory_space<hbm>>
      %dma_wait3A_364 = arith.constant 0 : i32
      %dma_wait3A_365 = arith.constant 0 : i32
      %dma_wait3A_366 = tpu.memref_slice %arg6[%dma_wait3A_355, %dma_wait3A_356, %dma_wait3A_364, %dma_wait3A_365] : memref<2x4x16x512xf32, #tpu.memory_space<vmem>> -> memref<1x1x16x512xf32, #tpu.memory_space<vmem>>
      %dma_wait3A_367 = tpu.memref_squeeze %dma_wait3A_366 : memref<1x1x16x512xf32, #tpu.memory_space<vmem>> -> memref<16x512xf32, #tpu.memory_space<vmem>>
      %dma_wait3A_368 = arith.constant 0 : i32
      %dma_wait3A_369 = tpu.memref_slice %arg2[%dma_wait3A_353, %dma_wait3A_354, %add3A_300, %dma_wait3A_368] : memref<8x4x512x512xf32, #tpu.memory_space<hbm>> -> memref<1x1x16x512xf32, #tpu.memory_space<hbm>>
      %dma_wait3A_370 = tpu.memref_squeeze %dma_wait3A_369 : memref<1x1x16x512xf32, #tpu.memory_space<hbm>> -> memref<16x512xf32, #tpu.memory_space<hbm>>
      tpu.wait_dma2 semaphore(%arg13 : memref<!tpu.dma_semaphore, #tpu.memory_space<semaphore_mem>>) src(%dma_wait3A_370 : memref<16x512xf32, #tpu.memory_space<hbm>>) dst(%dma_wait3A_367 : memref<16x512xf32, #tpu.memory_space<vmem>>)
      %dma_wait3A_371 = arith.constant 0 : i32
      %dma_wait3A_372 = arith.constant 3 : i32
      %dma_wait3A_373 = arith.constant 1 : i32
      %dma_wait3A_374 = arith.constant 3 : i32
      %dma_wait3A_375 = arith.constant 0 : i32
      %dma_wait3A_376 = arith.constant 0 : i32
      %dma_wait3A_377 = tpu.memref_slice %arg6[%dma_wait3A_373, %dma_wait3A_374, %dma_wait3A_375, %dma_wait3A_376] : memref<2x4x16x512xf32, #tpu.memory_space<vmem>> -> memref<1x1x16x512xf32, #tpu.memory_space<vmem>>
      %dma_wait3A_378 = tpu.memref_squeeze %dma_wait3A_377 : memref<1x1x16x512xf32, #tpu.memory_space<vmem>> -> memref<16x512xf32, #tpu.memory_space<vmem>>
      %dma_wait3A_379 = arith.constant 0 : i32
      %dma_wait3A_380 = tpu.memref_slice %arg2[%dma_wait3A_371, %dma_wait3A_372, %add3A_300, %dma_wait3A_379] : memref<8x4x512x512xf32, #tpu.memory_space<hbm>> -> memref<1x1x16x512xf32, #tpu.memory_space<hbm>>
      %dma_wait3A_381 = tpu.memref_squeeze %dma_wait3A_380 : memref<1x1x16x512xf32, #tpu.memory_space<hbm>> -> memref<16x512xf32, #tpu.memory_space<hbm>>
      %dma_wait3A_382 = arith.constant 0 : i32
      %dma_wait3A_383 = arith.constant 0 : i32
      %dma_wait3A_384 = tpu.memref_slice %arg6[%dma_wait3A_373, %dma_wait3A_374, %dma_wait3A_382, %dma_wait3A_383] : memref<2x4x16x512xf32, #tpu.memory_space<vmem>> -> memref<1x1x16x512xf32, #tpu.memory_space<vmem>>
      %dma_wait3A_385 = tpu.memref_squeeze %dma_wait3A_384 : memref<1x1x16x512xf32, #tpu.memory_space<vmem>> -> memref<16x512xf32, #tpu.memory_space<vmem>>
      %dma_wait3A_386 = arith.constant 0 : i32
      %dma_wait3A_387 = tpu.memref_slice %arg2[%dma_wait3A_371, %dma_wait3A_372, %add3A_300, %dma_wait3A_386] : memref<8x4x512x512xf32, #tpu.memory_space<hbm>> -> memref<1x1x16x512xf32, #tpu.memory_space<hbm>>
      %dma_wait3A_388 = tpu.memref_squeeze %dma_wait3A_387 : memref<1x1x16x512xf32, #tpu.memory_space<hbm>> -> memref<16x512xf32, #tpu.memory_space<hbm>>
      tpu.wait_dma2 semaphore(%arg13 : memref<!tpu.dma_semaphore, #tpu.memory_space<semaphore_mem>>) src(%dma_wait3A_388 : memref<16x512xf32, #tpu.memory_space<hbm>>) dst(%dma_wait3A_385 : memref<16x512xf32, #tpu.memory_space<vmem>>)
      %scan3A_389 = arith.constant 0 : i32
      %scan3A_390 = arith.constant 512 : i32
      %scan3A_391 = arith.addi %scan3A_389, %scan3A_390 : i32
      %scan3A_392 = arith.constant 1 : i32
      %scan3A_393:24 = scf.for %scan3A_1451 = %scan3A_389 to %scan3A_391 step %scan3A_392 iter_args(%scan3A_1452 = %scan3A_295#0, %scan3A_1453 = %scan3A_295#1, %scan3A_1454 = %scan3A_295#2, %scan3A_1455 = %scan3A_295#3, %scan3A_1456 = %scan3A_295#4, %scan3A_1457 = %scan3A_295#5, %scan3A_1458 = %scan3A_295#6, %scan3A_1459 = %scan3A_295#7, %scan3A_1460 = %scan3A_295#8, %scan3A_1461 = %scan3A_295#9, %scan3A_1462 = %scan3A_295#10, %scan3A_1463 = %scan3A_295#11, %scan3A_1464 = %scan3A_295#12, %scan3A_1465 = %scan3A_295#13, %scan3A_1466 = %scan3A_295#14, %scan3A_1467 = %scan3A_295#15, %scan3A_1468 = %scan3A_295#16, %scan3A_1469 = %scan3A_295#17, %scan3A_1470 = %scan3A_295#18, %scan3A_1471 = %scan3A_295#19, %scan3A_1472 = %scan3A_295#20, %scan3A_1473 = %scan3A_295#21, %scan3A_1474 = %scan3A_295#22, %scan3A_1475 = %scan3A_295#23) -> (vector<16xf32>, vector<16xf32>, vector<16xf32>, vector<16xf32>, vector<16xf32>, vector<16xf32>, vector<16xf32>, vector<16xf32>, vector<16xf32>, vector<16xf32>, vector<16xf32>, vector<16xf32>, vector<16xf32>, vector<16xf32>, vector<16xf32>, vector<16xf32>, vector<16xf32>, vector<16xf32>, vector<16xf32>, vector<16xf32>, vector<16xi32>, vector<16xi32>, vector<16xi32>, vector<16xi32>)  : i32 {
        %shift_right_arithmetic3A_1476 = arith.constant 5 : i32
        %shift_right_arithmetic3A_1477 = arith.shrsi %scan3A_1451, %shift_right_arithmetic3A_1476 : i32
        %and3A_1478 = arith.constant 31 : i32
        %and3A_1479 = arith.andi %scan3A_1451, %and3A_1478 : i32
        %mul3A_1480 = arith.constant 16 : i32
        %mul3A_1481 = arith.muli %and3A_1479, %mul3A_1480 : i32
        %get3A = arith.constant 1 : i32
        %get3A_1482 = arith.index_cast %get3A : i32 to index
        %get3A_1483 = arith.index_cast %shift_right_arithmetic3A_1477 : i32 to index
        %get3A_1484 = arith.index_cast %mul3A_1481 : i32 to index
        %get3A_1485 = tpu.vector_load %arg5[%get3A_1482, %get3A_1483, %get3A_1484] {strides = array<i32>} : memref<2x16x512xi32, #tpu.memory_space<vmem>>, vector<16xi32>,
        %get3A_1486 = arith.constant 1 : i32
        %get3A_1487 = arith.constant 0 : i32
        %get3A_1488 = arith.index_cast %get3A_1486 : i32 to index
        %get3A_1489 = arith.index_cast %get3A_1487 : i32 to index
        %get3A_1490 = arith.index_cast %shift_right_arithmetic3A_1477 : i32 to index
        %get3A_1491 = arith.index_cast %mul3A_1481 : i32 to index
        %get3A_1492 = tpu.vector_load %arg6[%get3A_1488, %get3A_1489, %get3A_1490, %get3A_1491] {strides = array<i32>} : memref<2x4x16x512xf32, #tpu.memory_space<vmem>>, vector<16xf32>,
        %get3A_1493 = arith.constant 1 : i32
        %get3A_1494 = arith.constant 1 : i32
        %get3A_1495 = arith.index_cast %get3A_1493 : i32 to index
        %get3A_1496 = arith.index_cast %get3A_1494 : i32 to index
        %get3A_1497 = arith.index_cast %shift_right_arithmetic3A_1477 : i32 to index
        %get3A_1498 = arith.index_cast %mul3A_1481 : i32 to index
        %get3A_1499 = tpu.vector_load %arg6[%get3A_1495, %get3A_1496, %get3A_1497, %get3A_1498] {strides = array<i32>} : memref<2x4x16x512xf32, #tpu.memory_space<vmem>>, vector<16xf32>,
        %get3A_1500 = arith.constant 1 : i32
        %get3A_1501 = arith.constant 2 : i32
        %get3A_1502 = arith.index_cast %get3A_1500 : i32 to index
        %get3A_1503 = arith.index_cast %get3A_1501 : i32 to index
        %get3A_1504 = arith.index_cast %shift_right_arithmetic3A_1477 : i32 to index
        %get3A_1505 = arith.index_cast %mul3A_1481 : i32 to index
        %get3A_1506 = tpu.vector_load %arg6[%get3A_1502, %get3A_1503, %get3A_1504, %get3A_1505] {strides = array<i32>} : memref<2x4x16x512xf32, #tpu.memory_space<vmem>>, vector<16xf32>,
        %get3A_1507 = arith.constant 1 : i32
        %get3A_1508 = arith.constant 3 : i32
        %get3A_1509 = arith.index_cast %get3A_1507 : i32 to index
        %get3A_1510 = arith.index_cast %get3A_1508 : i32 to index
        %get3A_1511 = arith.index_cast %shift_right_arithmetic3A_1477 : i32 to index
        %get3A_1512 = arith.index_cast %mul3A_1481 : i32 to index
        %get3A_1513 = tpu.vector_load %arg6[%get3A_1509, %get3A_1510, %get3A_1511, %get3A_1512] {strides = array<i32>} : memref<2x4x16x512xf32, #tpu.memory_space<vmem>>, vector<16xf32>,
        %eq3A_1514 = arith.constant 1 : i32
        %eq3A_1515 = vector.broadcast %eq3A_1514 : i32 to vector<16xi32>
        %eq3A_1516 = arith.cmpi eq, %get3A_1485, %eq3A_1515 : vector<16xi32>
        %all_reduce_population_count3A = tpu.all_reduce %eq3A_1516 {dim = 0 : i64, kind = #tpu.reduction_kind<sum>} : vector<16xi1> -> vector<16xi32>
        %add3A_1517 = arith.addi %scan3A_1472, %all_reduce_population_count3A : vector<16xi32>
        %jit3A_1518 = arith.constant 0.000000e+00 : f32
        %broadcast_in_dim3A_1519 = vector.broadcast %jit3A_1518 : f32 to vector<16xf32>
        %select_n3A_1520 = arith.select %eq3A_1516, %get3A_1492, %broadcast_in_dim3A_1519 : vector<16xi1>, vector<16xf32>
        %add3A_1521 = arith.addf %scan3A_1452, %select_n3A_1520 : vector<16xf32>
        %jit3A_1522 = arith.constant 0.000000e+00 : f32
        %broadcast_in_dim3A_1523 = vector.broadcast %jit3A_1522 : f32 to vector<16xf32>
        %select_n3A_1524 = arith.select %eq3A_1516, %get3A_1499, %broadcast_in_dim3A_1523 : vector<16xi1>, vector<16xf32>
        %add3A_1525 = arith.addf %scan3A_1453, %select_n3A_1524 : vector<16xf32>
        %jit3A_1526 = arith.constant 0.000000e+00 : f32
        %broadcast_in_dim3A_1527 = vector.broadcast %jit3A_1526 : f32 to vector<16xf32>
        %select_n3A_1528 = arith.select %eq3A_1516, %get3A_1506, %broadcast_in_dim3A_1527 : vector<16xi1>, vector<16xf32>
        %add3A_1529 = arith.addf %scan3A_1454, %select_n3A_1528 : vector<16xf32>
        %jit3A_1530 = arith.constant 0.000000e+00 : f32
        %broadcast_in_dim3A_1531 = vector.broadcast %jit3A_1530 : f32 to vector<16xf32>
        %select_n3A_1532 = arith.select %eq3A_1516, %get3A_1513, %broadcast_in_dim3A_1531 : vector<16xi1>, vector<16xf32>
        %add3A_1533 = arith.addf %scan3A_1455, %select_n3A_1532 : vector<16xf32>
        %eq3A_1534 = arith.constant 2 : i32
        %eq3A_1535 = vector.broadcast %eq3A_1534 : i32 to vector<16xi32>
        %eq3A_1536 = arith.cmpi eq, %get3A_1485, %eq3A_1535 : vector<16xi32>
        %all_reduce_population_count3A_1537 = tpu.all_reduce %eq3A_1536 {dim = 0 : i64, kind = #tpu.reduction_kind<sum>} : vector<16xi1> -> vector<16xi32>
        %add3A_1538 = arith.addi %scan3A_1473, %all_reduce_population_count3A_1537 : vector<16xi32>
        %jit3A_1539 = arith.constant 0.000000e+00 : f32
        %broadcast_in_dim3A_1540 = vector.broadcast %jit3A_1539 : f32 to vector<16xf32>
        %select_n3A_1541 = arith.select %eq3A_1536, %get3A_1492, %broadcast_in_dim3A_1540 : vector<16xi1>, vector<16xf32>
        %add3A_1542 = arith.addf %scan3A_1456, %select_n3A_1541 : vector<16xf32>
        %jit3A_1543 = arith.constant 0.000000e+00 : f32
        %broadcast_in_dim3A_1544 = vector.broadcast %jit3A_1543 : f32 to vector<16xf32>
        %select_n3A_1545 = arith.select %eq3A_1536, %get3A_1499, %broadcast_in_dim3A_1544 : vector<16xi1>, vector<16xf32>
        %add3A_1546 = arith.addf %scan3A_1457, %select_n3A_1545 : vector<16xf32>
        %jit3A_1547 = arith.constant 0.000000e+00 : f32
        %broadcast_in_dim3A_1548 = vector.broadcast %jit3A_1547 : f32 to vector<16xf32>
        %select_n3A_1549 = arith.select %eq3A_1536, %get3A_1506, %broadcast_in_dim3A_1548 : vector<16xi1>, vector<16xf32>
        %add3A_1550 = arith.addf %scan3A_1458, %select_n3A_1549 : vector<16xf32>
        %jit3A_1551 = arith.constant 0.000000e+00 : f32
        %broadcast_in_dim3A_1552 = vector.broadcast %jit3A_1551 : f32 to vector<16xf32>
        %select_n3A_1553 = arith.select %eq3A_1536, %get3A_1513, %broadcast_in_dim3A_1552 : vector<16xi1>, vector<16xf32>
        %add3A_1554 = arith.addf %scan3A_1459, %select_n3A_1553 : vector<16xf32>
        %eq3A_1555 = arith.constant 3 : i32
        %eq3A_1556 = vector.broadcast %eq3A_1555 : i32 to vector<16xi32>
        %eq3A_1557 = arith.cmpi eq, %get3A_1485, %eq3A_1556 : vector<16xi32>
        %all_reduce_population_count3A_1558 = tpu.all_reduce %eq3A_1557 {dim = 0 : i64, kind = #tpu.reduction_kind<sum>} : vector<16xi1> -> vector<16xi32>
        %add3A_1559 = arith.addi %scan3A_1474, %all_reduce_population_count3A_1558 : vector<16xi32>
        %jit3A_1560 = arith.constant 0.000000e+00 : f32
        %broadcast_in_dim3A_1561 = vector.broadcast %jit3A_1560 : f32 to vector<16xf32>
        %select_n3A_1562 = arith.select %eq3A_1557, %get3A_1492, %broadcast_in_dim3A_1561 : vector<16xi1>, vector<16xf32>
        %add3A_1563 = arith.addf %scan3A_1460, %select_n3A_1562 : vector<16xf32>
        %jit3A_1564 = arith.constant 0.000000e+00 : f32
        %broadcast_in_dim3A_1565 = vector.broadcast %jit3A_1564 : f32 to vector<16xf32>
        %select_n3A_1566 = arith.select %eq3A_1557, %get3A_1499, %broadcast_in_dim3A_1565 : vector<16xi1>, vector<16xf32>
        %add3A_1567 = arith.addf %scan3A_1461, %select_n3A_1566 : vector<16xf32>
        %jit3A_1568 = arith.constant 0.000000e+00 : f32
        %broadcast_in_dim3A_1569 = vector.broadcast %jit3A_1568 : f32 to vector<16xf32>
        %select_n3A_1570 = arith.select %eq3A_1557, %get3A_1506, %broadcast_in_dim3A_1569 : vector<16xi1>, vector<16xf32>
        %add3A_1571 = arith.addf %scan3A_1462, %select_n3A_1570 : vector<16xf32>
        %jit3A_1572 = arith.constant 0.000000e+00 : f32
        %broadcast_in_dim3A_1573 = vector.broadcast %jit3A_1572 : f32 to vector<16xf32>
        %select_n3A_1574 = arith.select %eq3A_1557, %get3A_1513, %broadcast_in_dim3A_1573 : vector<16xi1>, vector<16xf32>
        %add3A_1575 = arith.addf %scan3A_1463, %select_n3A_1574 : vector<16xf32>
        %eq3A_1576 = arith.constant 4 : i32
        %eq3A_1577 = vector.broadcast %eq3A_1576 : i32 to vector<16xi32>
        %eq3A_1578 = arith.cmpi eq, %get3A_1485, %eq3A_1577 : vector<16xi32>
        %all_reduce_population_count3A_1579 = tpu.all_reduce %eq3A_1578 {dim = 0 : i64, kind = #tpu.reduction_kind<sum>} : vector<16xi1> -> vector<16xi32>
        %add3A_1580 = arith.addi %scan3A_1475, %all_reduce_population_count3A_1579 : vector<16xi32>
        %jit3A_1581 = arith.constant 0.000000e+00 : f32
        %broadcast_in_dim3A_1582 = vector.broadcast %jit3A_1581 : f32 to vector<16xf32>
        %select_n3A_1583 = arith.select %eq3A_1578, %get3A_1492, %broadcast_in_dim3A_1582 : vector<16xi1>, vector<16xf32>
        %add3A_1584 = arith.addf %scan3A_1464, %select_n3A_1583 : vector<16xf32>
        %jit3A_1585 = arith.constant 0.000000e+00 : f32
        %broadcast_in_dim3A_1586 = vector.broadcast %jit3A_1585 : f32 to vector<16xf32>
        %select_n3A_1587 = arith.select %eq3A_1578, %get3A_1499, %broadcast_in_dim3A_1586 : vector<16xi1>, vector<16xf32>
        %add3A_1588 = arith.addf %scan3A_1465, %select_n3A_1587 : vector<16xf32>
        %jit3A_1589 = arith.constant 0.000000e+00 : f32
        %broadcast_in_dim3A_1590 = vector.broadcast %jit3A_1589 : f32 to vector<16xf32>
        %select_n3A_1591 = arith.select %eq3A_1578, %get3A_1506, %broadcast_in_dim3A_1590 : vector<16xi1>, vector<16xf32>
        %add3A_1592 = arith.addf %scan3A_1466, %select_n3A_1591 : vector<16xf32>
        %jit3A_1593 = arith.constant 0.000000e+00 : f32
        %broadcast_in_dim3A_1594 = vector.broadcast %jit3A_1593 : f32 to vector<16xf32>
        %select_n3A_1595 = arith.select %eq3A_1578, %get3A_1513, %broadcast_in_dim3A_1594 : vector<16xi1>, vector<16xf32>
        %add3A_1596 = arith.addf %scan3A_1467, %select_n3A_1595 : vector<16xf32>
        %add3A_1597 = arith.addf %scan3A_1468, %get3A_1492 : vector<16xf32>
        %add3A_1598 = arith.addf %scan3A_1469, %get3A_1499 : vector<16xf32>
        %add3A_1599 = arith.addf %scan3A_1470, %get3A_1506 : vector<16xf32>
        %add3A_1600 = arith.addf %scan3A_1471, %get3A_1513 : vector<16xf32>
        scf.yield %add3A_1521, %add3A_1525, %add3A_1529, %add3A_1533, %add3A_1542, %add3A_1546, %add3A_1550, %add3A_1554, %add3A_1563, %add3A_1567, %add3A_1571, %add3A_1575, %add3A_1584, %add3A_1588, %add3A_1592, %add3A_1596, %add3A_1597, %add3A_1598, %add3A_1599, %add3A_1600, %add3A_1517, %add3A_1538, %add3A_1559, %add3A_1580 : vector<16xf32>, vector<16xf32>, vector<16xf32>, vector<16xf32>, vector<16xf32>, vector<16xf32>, vector<16xf32>, vector<16xf32>, vector<16xf32>, vector<16xf32>, vector<16xf32>, vector<16xf32>, vector<16xf32>, vector<16xf32>, vector<16xf32>, vector<16xf32>, vector<16xf32>, vector<16xf32>, vector<16xf32>, vector<16xf32>, vector<16xi32>, vector<16xi32>, vector<16xi32>, vector<16xi32>
      }
      %scan3A_394 = arith.constant 512 : i32
      %swap3A_395 = arith.constant 0 : index
      %swap3A_396 = tpu.vector_load %arg7[%swap3A_395] {strides = array<i32>} : memref<384xf32, #tpu.memory_space<vmem>>, vector<16xf32>,
      tpu.vector_store %arg7[%swap3A_395], %scan3A_393#0 {strides = array<i32>} : memref<384xf32, #tpu.memory_space<vmem>>, vector<16xf32>,
      %swap3A_397 = arith.constant 16 : index
      %swap3A_398 = tpu.vector_load %arg7[%swap3A_397] {strides = array<i32>} : memref<384xf32, #tpu.memory_space<vmem>>, vector<16xf32>,
      tpu.vector_store %arg7[%swap3A_397], %scan3A_393#1 {strides = array<i32>} : memref<384xf32, #tpu.memory_space<vmem>>, vector<16xf32>,
      %swap3A_399 = arith.constant 32 : index
      %swap3A_400 = tpu.vector_load %arg7[%swap3A_399] {strides = array<i32>} : memref<384xf32, #tpu.memory_space<vmem>>, vector<16xf32>,
      tpu.vector_store %arg7[%swap3A_399], %scan3A_393#2 {strides = array<i32>} : memref<384xf32, #tpu.memory_space<vmem>>, vector<16xf32>,
      %swap3A_401 = arith.constant 48 : index
      %swap3A_402 = tpu.vector_load %arg7[%swap3A_401] {strides = array<i32>} : memref<384xf32, #tpu.memory_space<vmem>>, vector<16xf32>,
      tpu.vector_store %arg7[%swap3A_401], %scan3A_393#3 {strides = array<i32>} : memref<384xf32, #tpu.memory_space<vmem>>, vector<16xf32>,
      %swap3A_403 = arith.constant 64 : index
      %swap3A_404 = tpu.vector_load %arg7[%swap3A_403] {strides = array<i32>} : memref<384xf32, #tpu.memory_space<vmem>>, vector<16xf32>,
      tpu.vector_store %arg7[%swap3A_403], %scan3A_393#4 {strides = array<i32>} : memref<384xf32, #tpu.memory_space<vmem>>, vector<16xf32>,
      %swap3A_405 = arith.constant 80 : index
      %swap3A_406 = tpu.vector_load %arg7[%swap3A_405] {strides = array<i32>} : memref<384xf32, #tpu.memory_space<vmem>>, vector<16xf32>,
      tpu.vector_store %arg7[%swap3A_405], %scan3A_393#5 {strides = array<i32>} : memref<384xf32, #tpu.memory_space<vmem>>, vector<16xf32>,
      %swap3A_407 = arith.constant 96 : index
      %swap3A_408 = tpu.vector_load %arg7[%swap3A_407] {strides = array<i32>} : memref<384xf32, #tpu.memory_space<vmem>>, vector<16xf32>,
      tpu.vector_store %arg7[%swap3A_407], %scan3A_393#6 {strides = array<i32>} : memref<384xf32, #tpu.memory_space<vmem>>, vector<16xf32>,
      %swap3A_409 = arith.constant 112 : index
      %swap3A_410 = tpu.vector_load %arg7[%swap3A_409] {strides = array<i32>} : memref<384xf32, #tpu.memory_space<vmem>>, vector<16xf32>,
      tpu.vector_store %arg7[%swap3A_409], %scan3A_393#7 {strides = array<i32>} : memref<384xf32, #tpu.memory_space<vmem>>, vector<16xf32>,
      %swap3A_411 = arith.constant 128 : index
      %swap3A_412 = tpu.vector_load %arg7[%swap3A_411] {strides = array<i32>} : memref<384xf32, #tpu.memory_space<vmem>>, vector<16xf32>,
      tpu.vector_store %arg7[%swap3A_411], %scan3A_393#8 {strides = array<i32>} : memref<384xf32, #tpu.memory_space<vmem>>, vector<16xf32>,
      %swap3A_413 = arith.constant 144 : index
      %swap3A_414 = tpu.vector_load %arg7[%swap3A_413] {strides = array<i32>} : memref<384xf32, #tpu.memory_space<vmem>>, vector<16xf32>,
      tpu.vector_store %arg7[%swap3A_413], %scan3A_393#9 {strides = array<i32>} : memref<384xf32, #tpu.memory_space<vmem>>, vector<16xf32>,
      %swap3A_415 = arith.constant 160 : index
      %swap3A_416 = tpu.vector_load %arg7[%swap3A_415] {strides = array<i32>} : memref<384xf32, #tpu.memory_space<vmem>>, vector<16xf32>,
      tpu.vector_store %arg7[%swap3A_415], %scan3A_393#10 {strides = array<i32>} : memref<384xf32, #tpu.memory_space<vmem>>, vector<16xf32>,
      %swap3A_417 = arith.constant 176 : index
      %swap3A_418 = tpu.vector_load %arg7[%swap3A_417] {strides = array<i32>} : memref<384xf32, #tpu.memory_space<vmem>>, vector<16xf32>,
      tpu.vector_store %arg7[%swap3A_417], %scan3A_393#11 {strides = array<i32>} : memref<384xf32, #tpu.memory_space<vmem>>, vector<16xf32>,
      %swap3A_419 = arith.constant 192 : index
      %swap3A_420 = tpu.vector_load %arg7[%swap3A_419] {strides = array<i32>} : memref<384xf32, #tpu.memory_space<vmem>>, vector<16xf32>,
      tpu.vector_store %arg7[%swap3A_419], %scan3A_393#12 {strides = array<i32>} : memref<384xf32, #tpu.memory_space<vmem>>, vector<16xf32>,
      %swap3A_421 = arith.constant 208 : index
      %swap3A_422 = tpu.vector_load %arg7[%swap3A_421] {strides = array<i32>} : memref<384xf32, #tpu.memory_space<vmem>>, vector<16xf32>,
      tpu.vector_store %arg7[%swap3A_421], %scan3A_393#13 {strides = array<i32>} : memref<384xf32, #tpu.memory_space<vmem>>, vector<16xf32>,
      %swap3A_423 = arith.constant 224 : index
      %swap3A_424 = tpu.vector_load %arg7[%swap3A_423] {strides = array<i32>} : memref<384xf32, #tpu.memory_space<vmem>>, vector<16xf32>,
      tpu.vector_store %arg7[%swap3A_423], %scan3A_393#14 {strides = array<i32>} : memref<384xf32, #tpu.memory_space<vmem>>, vector<16xf32>,
      %swap3A_425 = arith.constant 240 : index
      %swap3A_426 = tpu.vector_load %arg7[%swap3A_425] {strides = array<i32>} : memref<384xf32, #tpu.memory_space<vmem>>, vector<16xf32>,
      tpu.vector_store %arg7[%swap3A_425], %scan3A_393#15 {strides = array<i32>} : memref<384xf32, #tpu.memory_space<vmem>>, vector<16xf32>,
      %swap3A_427 = arith.constant 256 : index
      %swap3A_428 = tpu.vector_load %arg7[%swap3A_427] {strides = array<i32>} : memref<384xf32, #tpu.memory_space<vmem>>, vector<16xf32>,
      tpu.vector_store %arg7[%swap3A_427], %scan3A_393#16 {strides = array<i32>} : memref<384xf32, #tpu.memory_space<vmem>>, vector<16xf32>,
      %swap3A_429 = arith.constant 272 : index
      %swap3A_430 = tpu.vector_load %arg7[%swap3A_429] {strides = array<i32>} : memref<384xf32, #tpu.memory_space<vmem>>, vector<16xf32>,
      tpu.vector_store %arg7[%swap3A_429], %scan3A_393#17 {strides = array<i32>} : memref<384xf32, #tpu.memory_space<vmem>>, vector<16xf32>,
      %swap3A_431 = arith.constant 288 : index
      %swap3A_432 = tpu.vector_load %arg7[%swap3A_431] {strides = array<i32>} : memref<384xf32, #tpu.memory_space<vmem>>, vector<16xf32>,
      tpu.vector_store %arg7[%swap3A_431], %scan3A_393#18 {strides = array<i32>} : memref<384xf32, #tpu.memory_space<vmem>>, vector<16xf32>,
      %swap3A_433 = arith.constant 304 : index
      %swap3A_434 = tpu.vector_load %arg7[%swap3A_433] {strides = array<i32>} : memref<384xf32, #tpu.memory_space<vmem>>, vector<16xf32>,
      tpu.vector_store %arg7[%swap3A_433], %scan3A_393#19 {strides = array<i32>} : memref<384xf32, #tpu.memory_space<vmem>>, vector<16xf32>,
      %convert_element_type3A_435 = arith.sitofp %scan3A_393#20 : vector<16xi32> to vector<16xf32>
      %swap3A_436 = arith.constant 320 : index
      %swap3A_437 = tpu.vector_load %arg7[%swap3A_436] {strides = array<i32>} : memref<384xf32, #tpu.memory_space<vmem>>, vector<16xf32>,
      tpu.vector_store %arg7[%swap3A_436], %convert_element_type3A_435 {strides = array<i32>} : memref<384xf32, #tpu.memory_space<vmem>>, vector<16xf32>,
      %convert_element_type3A_438 = arith.sitofp %scan3A_393#21 : vector<16xi32> to vector<16xf32>
      %swap3A_439 = arith.constant 336 : index
      %swap3A_440 = tpu.vector_load %arg7[%swap3A_439] {strides = array<i32>} : memref<384xf32, #tpu.memory_space<vmem>>, vector<16xf32>,
      tpu.vector_store %arg7[%swap3A_439], %convert_element_type3A_438 {strides = array<i32>} : memref<384xf32, #tpu.memory_space<vmem>>, vector<16xf32>,
      %convert_element_type3A_441 = arith.sitofp %scan3A_393#22 : vector<16xi32> to vector<16xf32>
      %swap3A_442 = arith.constant 352 : index
      %swap3A_443 = tpu.vector_load %arg7[%swap3A_442] {strides = array<i32>} : memref<384xf32, #tpu.memory_space<vmem>>, vector<16xf32>,
      tpu.vector_store %arg7[%swap3A_442], %convert_element_type3A_441 {strides = array<i32>} : memref<384xf32, #tpu.memory_space<vmem>>, vector<16xf32>,
      %convert_element_type3A_444 = arith.sitofp %scan3A_393#23 : vector<16xi32> to vector<16xf32>
      %swap3A_445 = arith.constant 368 : index
      %swap3A_446 = tpu.vector_load %arg7[%swap3A_445] {strides = array<i32>} : memref<384xf32, #tpu.memory_space<vmem>>, vector<16xf32>,
      tpu.vector_store %arg7[%swap3A_445], %convert_element_type3A_444 {strides = array<i32>} : memref<384xf32, #tpu.memory_space<vmem>>, vector<16xf32>,
      %mul3A_447 = arith.constant 16 : i32
      %mul3A_448 = arith.muli %scan3A_196, %mul3A_447 : i32
      %add3A_449 = arith.addi %mul3A_448, %arg1 : i32
      %mul3A_450 = arith.constant 24 : i32
      %mul3A_451 = arith.muli %add3A_449, %mul3A_450 : i32
      %mul3A_452 = arith.constant 16 : i32
      %mul3A_453 = arith.muli %mul3A_451, %mul3A_452 : i32
      "tpu.region"() ({
        %run_scoped3A = tpu.sem_alloc : memref<!tpu.dma_semaphore, #tpu.memory_space<semaphore_mem>>
        %dma_start3A_1451 = tpu.memref_slice %arg11[%mul3A_453] : memref<12288xf32, #tpu.memory_space<vmem_shared>> -> memref<384xf32, #tpu.memory_space<vmem_shared>>
        %dma_start3A_1452 = tpu.memref_slice %arg11[%mul3A_453] : memref<12288xf32, #tpu.memory_space<vmem_shared>> -> memref<384xf32, #tpu.memory_space<vmem_shared>>
        tpu.enqueue_dma source(%arg7 : memref<384xf32, #tpu.memory_space<vmem>>) target(%dma_start3A_1452 : memref<384xf32, #tpu.memory_space<vmem_shared>>) target_semaphore(%run_scoped3A : memref<!tpu.dma_semaphore, #tpu.memory_space<semaphore_mem>>)
        %dma_wait3A_1453 = tpu.memref_slice %arg11[%mul3A_453] : memref<12288xf32, #tpu.memory_space<vmem_shared>> -> memref<384xf32, #tpu.memory_space<vmem_shared>>
        %dma_wait3A_1454 = tpu.memref_slice %arg11[%mul3A_453] : memref<12288xf32, #tpu.memory_space<vmem_shared>> -> memref<384xf32, #tpu.memory_space<vmem_shared>>
        tpu.wait_dma2 semaphore(%run_scoped3A : memref<!tpu.dma_semaphore, #tpu.memory_space<semaphore_mem>>) src(%arg7 : memref<384xf32, #tpu.memory_space<vmem>>) dst(%dma_wait3A_1454 : memref<384xf32, #tpu.memory_space<vmem_shared>>)
        tpu.yield
      }) : () -> ()
      %barrier3A_454 = arith.constant 0 : index
      tpu.barrier barrier_id(%barrier3A_454)
      %mul3A_455 = arith.constant 16 : i32
      %mul3A_456 = arith.muli %scan3A_196, %mul3A_455 : i32
      %mul3A_457 = arith.constant 24 : i32
      %mul3A_458 = arith.muli %mul3A_456, %mul3A_457 : i32
      %mul3A_459 = arith.constant 16 : i32
      %mul3A_460 = arith.muli %mul3A_458, %mul3A_459 : i32
      "tpu.region"() ({
        %run_scoped3A = tpu.sem_alloc : memref<!tpu.dma_semaphore, #tpu.memory_space<semaphore_mem>>
        %dma_start3A_1451 = tpu.memref_slice %arg11[%mul3A_460] : memref<12288xf32, #tpu.memory_space<vmem_shared>> -> memref<6144xf32, #tpu.memory_space<vmem_shared>>
        %dma_start3A_1452 = tpu.memref_slice %arg11[%mul3A_460] : memref<12288xf32, #tpu.memory_space<vmem_shared>> -> memref<6144xf32, #tpu.memory_space<vmem_shared>>
        tpu.enqueue_dma source(%dma_start3A_1452 : memref<6144xf32, #tpu.memory_space<vmem_shared>>) target(%arg8 : memref<6144xf32, #tpu.memory_space<vmem>>) target_semaphore(%run_scoped3A : memref<!tpu.dma_semaphore, #tpu.memory_space<semaphore_mem>>)
        %dma_wait3A_1453 = tpu.memref_slice %arg11[%mul3A_460] : memref<12288xf32, #tpu.memory_space<vmem_shared>> -> memref<6144xf32, #tpu.memory_space<vmem_shared>>
        %dma_wait3A_1454 = tpu.memref_slice %arg11[%mul3A_460] : memref<12288xf32, #tpu.memory_space<vmem_shared>> -> memref<6144xf32, #tpu.memory_space<vmem_shared>>
        tpu.wait_dma2 semaphore(%run_scoped3A : memref<!tpu.dma_semaphore, #tpu.memory_space<semaphore_mem>>) src(%dma_wait3A_1454 : memref<6144xf32, #tpu.memory_space<vmem_shared>>) dst(%arg8 : memref<6144xf32, #tpu.memory_space<vmem>>)
        tpu.yield
      }) : () -> ()
      %scan3A_461 = arith.constant 0 : i32
      %scan3A_462 = arith.constant 16 : i32
      %scan3A_463 = arith.addi %scan3A_461, %scan3A_462 : i32
      %scan3A_464 = arith.constant 1 : i32
      %scan3A_465:24 = scf.for %scan3A_1451 = %scan3A_461 to %scan3A_463 step %scan3A_464 iter_args(%scan3A_1452 = %broadcast_in_dim3A_0, %scan3A_1453 = %broadcast_in_dim3A_0, %scan3A_1454 = %broadcast_in_dim3A_0, %scan3A_1455 = %broadcast_in_dim3A_0, %scan3A_1456 = %broadcast_in_dim3A_0, %scan3A_1457 = %broadcast_in_dim3A_0, %scan3A_1458 = %broadcast_in_dim3A_0, %scan3A_1459 = %broadcast_in_dim3A_0, %scan3A_1460 = %broadcast_in_dim3A_0, %scan3A_1461 = %broadcast_in_dim3A_0, %scan3A_1462 = %broadcast_in_dim3A_0, %scan3A_1463 = %broadcast_in_dim3A_0, %scan3A_1464 = %broadcast_in_dim3A_0, %scan3A_1465 = %broadcast_in_dim3A_0, %scan3A_1466 = %broadcast_in_dim3A_0, %scan3A_1467 = %broadcast_in_dim3A_0, %scan3A_1468 = %broadcast_in_dim3A_0, %scan3A_1469 = %broadcast_in_dim3A_0, %scan3A_1470 = %broadcast_in_dim3A_0, %scan3A_1471 = %broadcast_in_dim3A_0, %scan3A_1472 = %broadcast_in_dim3A_0, %scan3A_1473 = %broadcast_in_dim3A_0, %scan3A_1474 = %broadcast_in_dim3A_0, %scan3A_1475 = %broadcast_in_dim3A_0) -> (vector<16xf32>, vector<16xf32>, vector<16xf32>, vector<16xf32>, vector<16xf32>, vector<16xf32>, vector<16xf32>, vector<16xf32>, vector<16xf32>, vector<16xf32>, vector<16xf32>, vector<16xf32>, vector<16xf32>, vector<16xf32>, vector<16xf32>, vector<16xf32>, vector<16xf32>, vector<16xf32>, vector<16xf32>, vector<16xf32>, vector<16xf32>, vector<16xf32>, vector<16xf32>, vector<16xf32>)  : i32 {
        %mul3A_1476 = arith.constant 24 : i32
        %mul3A_1477 = arith.muli %scan3A_1451, %mul3A_1476 : i32
        %add3A_1478 = arith.constant 0 : i32
        %add3A_1479 = arith.addi %mul3A_1477, %add3A_1478 : i32
        %mul3A_1480 = arith.constant 16 : i32
        %mul3A_1481 = arith.muli %add3A_1479, %mul3A_1480 : i32
        %get3A = arith.index_cast %mul3A_1481 : i32 to index
        %get3A_1482 = tpu.vector_load %arg8[%get3A] {strides = array<i32>} : memref<6144xf32, #tpu.memory_space<vmem>>, vector<16xf32>,
        %add3A_1483 = arith.addf %scan3A_1452, %get3A_1482 : vector<16xf32>
        %mul3A_1484 = arith.constant 24 : i32
        %mul3A_1485 = arith.muli %scan3A_1451, %mul3A_1484 : i32
        %add3A_1486 = arith.constant 1 : i32
        %add3A_1487 = arith.addi %mul3A_1485, %add3A_1486 : i32
        %mul3A_1488 = arith.constant 16 : i32
        %mul3A_1489 = arith.muli %add3A_1487, %mul3A_1488 : i32
        %get3A_1490 = arith.index_cast %mul3A_1489 : i32 to index
        %get3A_1491 = tpu.vector_load %arg8[%get3A_1490] {strides = array<i32>} : memref<6144xf32, #tpu.memory_space<vmem>>, vector<16xf32>,
        %add3A_1492 = arith.addf %scan3A_1453, %get3A_1491 : vector<16xf32>
        %mul3A_1493 = arith.constant 24 : i32
        %mul3A_1494 = arith.muli %scan3A_1451, %mul3A_1493 : i32
        %add3A_1495 = arith.constant 2 : i32
        %add3A_1496 = arith.addi %mul3A_1494, %add3A_1495 : i32
        %mul3A_1497 = arith.constant 16 : i32
        %mul3A_1498 = arith.muli %add3A_1496, %mul3A_1497 : i32
        %get3A_1499 = arith.index_cast %mul3A_1498 : i32 to index
        %get3A_1500 = tpu.vector_load %arg8[%get3A_1499] {strides = array<i32>} : memref<6144xf32, #tpu.memory_space<vmem>>, vector<16xf32>,
        %add3A_1501 = arith.addf %scan3A_1454, %get3A_1500 : vector<16xf32>
        %mul3A_1502 = arith.constant 24 : i32
        %mul3A_1503 = arith.muli %scan3A_1451, %mul3A_1502 : i32
        %add3A_1504 = arith.constant 3 : i32
        %add3A_1505 = arith.addi %mul3A_1503, %add3A_1504 : i32
        %mul3A_1506 = arith.constant 16 : i32
        %mul3A_1507 = arith.muli %add3A_1505, %mul3A_1506 : i32
        %get3A_1508 = arith.index_cast %mul3A_1507 : i32 to index
        %get3A_1509 = tpu.vector_load %arg8[%get3A_1508] {strides = array<i32>} : memref<6144xf32, #tpu.memory_space<vmem>>, vector<16xf32>,
        %add3A_1510 = arith.addf %scan3A_1455, %get3A_1509 : vector<16xf32>
        %mul3A_1511 = arith.constant 24 : i32
        %mul3A_1512 = arith.muli %scan3A_1451, %mul3A_1511 : i32
        %add3A_1513 = arith.constant 4 : i32
        %add3A_1514 = arith.addi %mul3A_1512, %add3A_1513 : i32
        %mul3A_1515 = arith.constant 16 : i32
        %mul3A_1516 = arith.muli %add3A_1514, %mul3A_1515 : i32
        %get3A_1517 = arith.index_cast %mul3A_1516 : i32 to index
        %get3A_1518 = tpu.vector_load %arg8[%get3A_1517] {strides = array<i32>} : memref<6144xf32, #tpu.memory_space<vmem>>, vector<16xf32>,
        %add3A_1519 = arith.addf %scan3A_1456, %get3A_1518 : vector<16xf32>
        %mul3A_1520 = arith.constant 24 : i32
        %mul3A_1521 = arith.muli %scan3A_1451, %mul3A_1520 : i32
        %add3A_1522 = arith.constant 5 : i32
        %add3A_1523 = arith.addi %mul3A_1521, %add3A_1522 : i32
        %mul3A_1524 = arith.constant 16 : i32
        %mul3A_1525 = arith.muli %add3A_1523, %mul3A_1524 : i32
        %get3A_1526 = arith.index_cast %mul3A_1525 : i32 to index
        %get3A_1527 = tpu.vector_load %arg8[%get3A_1526] {strides = array<i32>} : memref<6144xf32, #tpu.memory_space<vmem>>, vector<16xf32>,
        %add3A_1528 = arith.addf %scan3A_1457, %get3A_1527 : vector<16xf32>
        %mul3A_1529 = arith.constant 24 : i32
        %mul3A_1530 = arith.muli %scan3A_1451, %mul3A_1529 : i32
        %add3A_1531 = arith.constant 6 : i32
        %add3A_1532 = arith.addi %mul3A_1530, %add3A_1531 : i32
        %mul3A_1533 = arith.constant 16 : i32
        %mul3A_1534 = arith.muli %add3A_1532, %mul3A_1533 : i32
        %get3A_1535 = arith.index_cast %mul3A_1534 : i32 to index
        %get3A_1536 = tpu.vector_load %arg8[%get3A_1535] {strides = array<i32>} : memref<6144xf32, #tpu.memory_space<vmem>>, vector<16xf32>,
        %add3A_1537 = arith.addf %scan3A_1458, %get3A_1536 : vector<16xf32>
        %mul3A_1538 = arith.constant 24 : i32
        %mul3A_1539 = arith.muli %scan3A_1451, %mul3A_1538 : i32
        %add3A_1540 = arith.constant 7 : i32
        %add3A_1541 = arith.addi %mul3A_1539, %add3A_1540 : i32
        %mul3A_1542 = arith.constant 16 : i32
        %mul3A_1543 = arith.muli %add3A_1541, %mul3A_1542 : i32
        %get3A_1544 = arith.index_cast %mul3A_1543 : i32 to index
        %get3A_1545 = tpu.vector_load %arg8[%get3A_1544] {strides = array<i32>} : memref<6144xf32, #tpu.memory_space<vmem>>, vector<16xf32>,
        %add3A_1546 = arith.addf %scan3A_1459, %get3A_1545 : vector<16xf32>
        %mul3A_1547 = arith.constant 24 : i32
        %mul3A_1548 = arith.muli %scan3A_1451, %mul3A_1547 : i32
        %add3A_1549 = arith.constant 8 : i32
        %add3A_1550 = arith.addi %mul3A_1548, %add3A_1549 : i32
        %mul3A_1551 = arith.constant 16 : i32
        %mul3A_1552 = arith.muli %add3A_1550, %mul3A_1551 : i32
        %get3A_1553 = arith.index_cast %mul3A_1552 : i32 to index
        %get3A_1554 = tpu.vector_load %arg8[%get3A_1553] {strides = array<i32>} : memref<6144xf32, #tpu.memory_space<vmem>>, vector<16xf32>,
        %add3A_1555 = arith.addf %scan3A_1460, %get3A_1554 : vector<16xf32>
        %mul3A_1556 = arith.constant 24 : i32
        %mul3A_1557 = arith.muli %scan3A_1451, %mul3A_1556 : i32
        %add3A_1558 = arith.constant 9 : i32
        %add3A_1559 = arith.addi %mul3A_1557, %add3A_1558 : i32
        %mul3A_1560 = arith.constant 16 : i32
        %mul3A_1561 = arith.muli %add3A_1559, %mul3A_1560 : i32
        %get3A_1562 = arith.index_cast %mul3A_1561 : i32 to index
        %get3A_1563 = tpu.vector_load %arg8[%get3A_1562] {strides = array<i32>} : memref<6144xf32, #tpu.memory_space<vmem>>, vector<16xf32>,
        %add3A_1564 = arith.addf %scan3A_1461, %get3A_1563 : vector<16xf32>
        %mul3A_1565 = arith.constant 24 : i32
        %mul3A_1566 = arith.muli %scan3A_1451, %mul3A_1565 : i32
        %add3A_1567 = arith.constant 10 : i32
        %add3A_1568 = arith.addi %mul3A_1566, %add3A_1567 : i32
        %mul3A_1569 = arith.constant 16 : i32
        %mul3A_1570 = arith.muli %add3A_1568, %mul3A_1569 : i32
        %get3A_1571 = arith.index_cast %mul3A_1570 : i32 to index
        %get3A_1572 = tpu.vector_load %arg8[%get3A_1571] {strides = array<i32>} : memref<6144xf32, #tpu.memory_space<vmem>>, vector<16xf32>,
        %add3A_1573 = arith.addf %scan3A_1462, %get3A_1572 : vector<16xf32>
        %mul3A_1574 = arith.constant 24 : i32
        %mul3A_1575 = arith.muli %scan3A_1451, %mul3A_1574 : i32
        %add3A_1576 = arith.constant 11 : i32
        %add3A_1577 = arith.addi %mul3A_1575, %add3A_1576 : i32
        %mul3A_1578 = arith.constant 16 : i32
        %mul3A_1579 = arith.muli %add3A_1577, %mul3A_1578 : i32
        %get3A_1580 = arith.index_cast %mul3A_1579 : i32 to index
        %get3A_1581 = tpu.vector_load %arg8[%get3A_1580] {strides = array<i32>} : memref<6144xf32, #tpu.memory_space<vmem>>, vector<16xf32>,
        %add3A_1582 = arith.addf %scan3A_1463, %get3A_1581 : vector<16xf32>
        %mul3A_1583 = arith.constant 24 : i32
        %mul3A_1584 = arith.muli %scan3A_1451, %mul3A_1583 : i32
        %add3A_1585 = arith.constant 12 : i32
        %add3A_1586 = arith.addi %mul3A_1584, %add3A_1585 : i32
        %mul3A_1587 = arith.constant 16 : i32
        %mul3A_1588 = arith.muli %add3A_1586, %mul3A_1587 : i32
        %get3A_1589 = arith.index_cast %mul3A_1588 : i32 to index
        %get3A_1590 = tpu.vector_load %arg8[%get3A_1589] {strides = array<i32>} : memref<6144xf32, #tpu.memory_space<vmem>>, vector<16xf32>,
        %add3A_1591 = arith.addf %scan3A_1464, %get3A_1590 : vector<16xf32>
        %mul3A_1592 = arith.constant 24 : i32
        %mul3A_1593 = arith.muli %scan3A_1451, %mul3A_1592 : i32
        %add3A_1594 = arith.constant 13 : i32
        %add3A_1595 = arith.addi %mul3A_1593, %add3A_1594 : i32
        %mul3A_1596 = arith.constant 16 : i32
        %mul3A_1597 = arith.muli %add3A_1595, %mul3A_1596 : i32
        %get3A_1598 = arith.index_cast %mul3A_1597 : i32 to index
        %get3A_1599 = tpu.vector_load %arg8[%get3A_1598] {strides = array<i32>} : memref<6144xf32, #tpu.memory_space<vmem>>, vector<16xf32>,
        %add3A_1600 = arith.addf %scan3A_1465, %get3A_1599 : vector<16xf32>
        %mul3A_1601 = arith.constant 24 : i32
        %mul3A_1602 = arith.muli %scan3A_1451, %mul3A_1601 : i32
        %add3A_1603 = arith.constant 14 : i32
        %add3A_1604 = arith.addi %mul3A_1602, %add3A_1603 : i32
        %mul3A_1605 = arith.constant 16 : i32
        %mul3A_1606 = arith.muli %add3A_1604, %mul3A_1605 : i32
        %get3A_1607 = arith.index_cast %mul3A_1606 : i32 to index
        %get3A_1608 = tpu.vector_load %arg8[%get3A_1607] {strides = array<i32>} : memref<6144xf32, #tpu.memory_space<vmem>>, vector<16xf32>,
        %add3A_1609 = arith.addf %scan3A_1466, %get3A_1608 : vector<16xf32>
        %mul3A_1610 = arith.constant 24 : i32
        %mul3A_1611 = arith.muli %scan3A_1451, %mul3A_1610 : i32
        %add3A_1612 = arith.constant 15 : i32
        %add3A_1613 = arith.addi %mul3A_1611, %add3A_1612 : i32
        %mul3A_1614 = arith.constant 16 : i32
        %mul3A_1615 = arith.muli %add3A_1613, %mul3A_1614 : i32
        %get3A_1616 = arith.index_cast %mul3A_1615 : i32 to index
        %get3A_1617 = tpu.vector_load %arg8[%get3A_1616] {strides = array<i32>} : memref<6144xf32, #tpu.memory_space<vmem>>, vector<16xf32>,
        %add3A_1618 = arith.addf %scan3A_1467, %get3A_1617 : vector<16xf32>
        %mul3A_1619 = arith.constant 24 : i32
        %mul3A_1620 = arith.muli %scan3A_1451, %mul3A_1619 : i32
        %add3A_1621 = arith.constant 16 : i32
        %add3A_1622 = arith.addi %mul3A_1620, %add3A_1621 : i32
        %mul3A_1623 = arith.constant 16 : i32
        %mul3A_1624 = arith.muli %add3A_1622, %mul3A_1623 : i32
        %get3A_1625 = arith.index_cast %mul3A_1624 : i32 to index
        %get3A_1626 = tpu.vector_load %arg8[%get3A_1625] {strides = array<i32>} : memref<6144xf32, #tpu.memory_space<vmem>>, vector<16xf32>,
        %add3A_1627 = arith.addf %scan3A_1468, %get3A_1626 : vector<16xf32>
        %mul3A_1628 = arith.constant 24 : i32
        %mul3A_1629 = arith.muli %scan3A_1451, %mul3A_1628 : i32
        %add3A_1630 = arith.constant 17 : i32
        %add3A_1631 = arith.addi %mul3A_1629, %add3A_1630 : i32
        %mul3A_1632 = arith.constant 16 : i32
        %mul3A_1633 = arith.muli %add3A_1631, %mul3A_1632 : i32
        %get3A_1634 = arith.index_cast %mul3A_1633 : i32 to index
        %get3A_1635 = tpu.vector_load %arg8[%get3A_1634] {strides = array<i32>} : memref<6144xf32, #tpu.memory_space<vmem>>, vector<16xf32>,
        %add3A_1636 = arith.addf %scan3A_1469, %get3A_1635 : vector<16xf32>
        %mul3A_1637 = arith.constant 24 : i32
        %mul3A_1638 = arith.muli %scan3A_1451, %mul3A_1637 : i32
        %add3A_1639 = arith.constant 18 : i32
        %add3A_1640 = arith.addi %mul3A_1638, %add3A_1639 : i32
        %mul3A_1641 = arith.constant 16 : i32
        %mul3A_1642 = arith.muli %add3A_1640, %mul3A_1641 : i32
        %get3A_1643 = arith.index_cast %mul3A_1642 : i32 to index
        %get3A_1644 = tpu.vector_load %arg8[%get3A_1643] {strides = array<i32>} : memref<6144xf32, #tpu.memory_space<vmem>>, vector<16xf32>,
        %add3A_1645 = arith.addf %scan3A_1470, %get3A_1644 : vector<16xf32>
        %mul3A_1646 = arith.constant 24 : i32
        %mul3A_1647 = arith.muli %scan3A_1451, %mul3A_1646 : i32
        %add3A_1648 = arith.constant 19 : i32
        %add3A_1649 = arith.addi %mul3A_1647, %add3A_1648 : i32
        %mul3A_1650 = arith.constant 16 : i32
        %mul3A_1651 = arith.muli %add3A_1649, %mul3A_1650 : i32
        %get3A_1652 = arith.index_cast %mul3A_1651 : i32 to index
        %get3A_1653 = tpu.vector_load %arg8[%get3A_1652] {strides = array<i32>} : memref<6144xf32, #tpu.memory_space<vmem>>, vector<16xf32>,
        %add3A_1654 = arith.addf %scan3A_1471, %get3A_1653 : vector<16xf32>
        %mul3A_1655 = arith.constant 24 : i32
        %mul3A_1656 = arith.muli %scan3A_1451, %mul3A_1655 : i32
        %add3A_1657 = arith.constant 20 : i32
        %add3A_1658 = arith.addi %mul3A_1656, %add3A_1657 : i32
        %mul3A_1659 = arith.constant 16 : i32
        %mul3A_1660 = arith.muli %add3A_1658, %mul3A_1659 : i32
        %get3A_1661 = arith.index_cast %mul3A_1660 : i32 to index
        %get3A_1662 = tpu.vector_load %arg8[%get3A_1661] {strides = array<i32>} : memref<6144xf32, #tpu.memory_space<vmem>>, vector<16xf32>,
        %add3A_1663 = arith.addf %scan3A_1472, %get3A_1662 : vector<16xf32>
        %mul3A_1664 = arith.constant 24 : i32
        %mul3A_1665 = arith.muli %scan3A_1451, %mul3A_1664 : i32
        %add3A_1666 = arith.constant 21 : i32
        %add3A_1667 = arith.addi %mul3A_1665, %add3A_1666 : i32
        %mul3A_1668 = arith.constant 16 : i32
        %mul3A_1669 = arith.muli %add3A_1667, %mul3A_1668 : i32
        %get3A_1670 = arith.index_cast %mul3A_1669 : i32 to index
        %get3A_1671 = tpu.vector_load %arg8[%get3A_1670] {strides = array<i32>} : memref<6144xf32, #tpu.memory_space<vmem>>, vector<16xf32>,
        %add3A_1672 = arith.addf %scan3A_1473, %get3A_1671 : vector<16xf32>
        %mul3A_1673 = arith.constant 24 : i32
        %mul3A_1674 = arith.muli %scan3A_1451, %mul3A_1673 : i32
        %add3A_1675 = arith.constant 22 : i32
        %add3A_1676 = arith.addi %mul3A_1674, %add3A_1675 : i32
        %mul3A_1677 = arith.constant 16 : i32
        %mul3A_1678 = arith.muli %add3A_1676, %mul3A_1677 : i32
        %get3A_1679 = arith.index_cast %mul3A_1678 : i32 to index
        %get3A_1680 = tpu.vector_load %arg8[%get3A_1679] {strides = array<i32>} : memref<6144xf32, #tpu.memory_space<vmem>>, vector<16xf32>,
        %add3A_1681 = arith.addf %scan3A_1474, %get3A_1680 : vector<16xf32>
        %mul3A_1682 = arith.constant 24 : i32
        %mul3A_1683 = arith.muli %scan3A_1451, %mul3A_1682 : i32
        %add3A_1684 = arith.constant 23 : i32
        %add3A_1685 = arith.addi %mul3A_1683, %add3A_1684 : i32
        %mul3A_1686 = arith.constant 16 : i32
        %mul3A_1687 = arith.muli %add3A_1685, %mul3A_1686 : i32
        %get3A_1688 = arith.index_cast %mul3A_1687 : i32 to index
        %get3A_1689 = tpu.vector_load %arg8[%get3A_1688] {strides = array<i32>} : memref<6144xf32, #tpu.memory_space<vmem>>, vector<16xf32>,
        %add3A_1690 = arith.addf %scan3A_1475, %get3A_1689 : vector<16xf32>
        scf.yield %add3A_1483, %add3A_1492, %add3A_1501, %add3A_1510, %add3A_1519, %add3A_1528, %add3A_1537, %add3A_1546, %add3A_1555, %add3A_1564, %add3A_1573, %add3A_1582, %add3A_1591, %add3A_1600, %add3A_1609, %add3A_1618, %add3A_1627, %add3A_1636, %add3A_1645, %add3A_1654, %add3A_1663, %add3A_1672, %add3A_1681, %add3A_1690 : vector<16xf32>, vector<16xf32>, vector<16xf32>, vector<16xf32>, vector<16xf32>, vector<16xf32>, vector<16xf32>, vector<16xf32>, vector<16xf32>, vector<16xf32>, vector<16xf32>, vector<16xf32>, vector<16xf32>, vector<16xf32>, vector<16xf32>, vector<16xf32>, vector<16xf32>, vector<16xf32>, vector<16xf32>, vector<16xf32>, vector<16xf32>, vector<16xf32>, vector<16xf32>, vector<16xf32>
      }
      %scan3A_466 = arith.constant 16 : i32
      %reduce_sum3A = arith.constant true
      %reduce_sum3A_467 = vector.broadcast %reduce_sum3A : i1 to vector<16xi1>
      %reduce_sum3A_468 = tpu.scan <sum>, %scan3A_465#0 masked %reduce_sum3A_467 : vector<16xf32>, vector<16xi1> -> vector<16xf32>
      %reduce_sum3A_469 = vector.extract %reduce_sum3A_468[15] : f32 from vector<16xf32>
      %reduce_sum3A_470 = arith.constant true
      %reduce_sum3A_471 = vector.broadcast %reduce_sum3A_470 : i1 to vector<16xi1>
      %reduce_sum3A_472 = tpu.scan <sum>, %scan3A_465#1 masked %reduce_sum3A_471 : vector<16xf32>, vector<16xi1> -> vector<16xf32>
      %reduce_sum3A_473 = vector.extract %reduce_sum3A_472[15] : f32 from vector<16xf32>
      %reduce_sum3A_474 = arith.constant true
      %reduce_sum3A_475 = vector.broadcast %reduce_sum3A_474 : i1 to vector<16xi1>
      %reduce_sum3A_476 = tpu.scan <sum>, %scan3A_465#2 masked %reduce_sum3A_475 : vector<16xf32>, vector<16xi1> -> vector<16xf32>
      %reduce_sum3A_477 = vector.extract %reduce_sum3A_476[15] : f32 from vector<16xf32>
      %reduce_sum3A_478 = arith.constant true
      %reduce_sum3A_479 = vector.broadcast %reduce_sum3A_478 : i1 to vector<16xi1>
      %reduce_sum3A_480 = tpu.scan <sum>, %scan3A_465#3 masked %reduce_sum3A_479 : vector<16xf32>, vector<16xi1> -> vector<16xf32>
      %reduce_sum3A_481 = vector.extract %reduce_sum3A_480[15] : f32 from vector<16xf32>
      %reduce_sum3A_482 = arith.constant true
      %reduce_sum3A_483 = vector.broadcast %reduce_sum3A_482 : i1 to vector<16xi1>
      %reduce_sum3A_484 = tpu.scan <sum>, %scan3A_465#4 masked %reduce_sum3A_483 : vector<16xf32>, vector<16xi1> -> vector<16xf32>
      %reduce_sum3A_485 = vector.extract %reduce_sum3A_484[15] : f32 from vector<16xf32>
      %reduce_sum3A_486 = arith.constant true
      %reduce_sum3A_487 = vector.broadcast %reduce_sum3A_486 : i1 to vector<16xi1>
      %reduce_sum3A_488 = tpu.scan <sum>, %scan3A_465#5 masked %reduce_sum3A_487 : vector<16xf32>, vector<16xi1> -> vector<16xf32>
      %reduce_sum3A_489 = vector.extract %reduce_sum3A_488[15] : f32 from vector<16xf32>
      %reduce_sum3A_490 = arith.constant true
      %reduce_sum3A_491 = vector.broadcast %reduce_sum3A_490 : i1 to vector<16xi1>
      %reduce_sum3A_492 = tpu.scan <sum>, %scan3A_465#6 masked %reduce_sum3A_491 : vector<16xf32>, vector<16xi1> -> vector<16xf32>
      %reduce_sum3A_493 = vector.extract %reduce_sum3A_492[15] : f32 from vector<16xf32>
      %reduce_sum3A_494 = arith.constant true
      %reduce_sum3A_495 = vector.broadcast %reduce_sum3A_494 : i1 to vector<16xi1>
      %reduce_sum3A_496 = tpu.scan <sum>, %scan3A_465#7 masked %reduce_sum3A_495 : vector<16xf32>, vector<16xi1> -> vector<16xf32>
      %reduce_sum3A_497 = vector.extract %reduce_sum3A_496[15] : f32 from vector<16xf32>
      %reduce_sum3A_498 = arith.constant true
      %reduce_sum3A_499 = vector.broadcast %reduce_sum3A_498 : i1 to vector<16xi1>
      %reduce_sum3A_500 = tpu.scan <sum>, %scan3A_465#8 masked %reduce_sum3A_499 : vector<16xf32>, vector<16xi1> -> vector<16xf32>
      %reduce_sum3A_501 = vector.extract %reduce_sum3A_500[15] : f32 from vector<16xf32>
      %reduce_sum3A_502 = arith.constant true
      %reduce_sum3A_503 = vector.broadcast %reduce_sum3A_502 : i1 to vector<16xi1>
      %reduce_sum3A_504 = tpu.scan <sum>, %scan3A_465#9 masked %reduce_sum3A_503 : vector<16xf32>, vector<16xi1> -> vector<16xf32>
      %reduce_sum3A_505 = vector.extract %reduce_sum3A_504[15] : f32 from vector<16xf32>
      %reduce_sum3A_506 = arith.constant true
      %reduce_sum3A_507 = vector.broadcast %reduce_sum3A_506 : i1 to vector<16xi1>
      %reduce_sum3A_508 = tpu.scan <sum>, %scan3A_465#10 masked %reduce_sum3A_507 : vector<16xf32>, vector<16xi1> -> vector<16xf32>
      %reduce_sum3A_509 = vector.extract %reduce_sum3A_508[15] : f32 from vector<16xf32>
      %reduce_sum3A_510 = arith.constant true
      %reduce_sum3A_511 = vector.broadcast %reduce_sum3A_510 : i1 to vector<16xi1>
      %reduce_sum3A_512 = tpu.scan <sum>, %scan3A_465#11 masked %reduce_sum3A_511 : vector<16xf32>, vector<16xi1> -> vector<16xf32>
      %reduce_sum3A_513 = vector.extract %reduce_sum3A_512[15] : f32 from vector<16xf32>
      %reduce_sum3A_514 = arith.constant true
      %reduce_sum3A_515 = vector.broadcast %reduce_sum3A_514 : i1 to vector<16xi1>
      %reduce_sum3A_516 = tpu.scan <sum>, %scan3A_465#12 masked %reduce_sum3A_515 : vector<16xf32>, vector<16xi1> -> vector<16xf32>
      %reduce_sum3A_517 = vector.extract %reduce_sum3A_516[15] : f32 from vector<16xf32>
      %reduce_sum3A_518 = arith.constant true
      %reduce_sum3A_519 = vector.broadcast %reduce_sum3A_518 : i1 to vector<16xi1>
      %reduce_sum3A_520 = tpu.scan <sum>, %scan3A_465#13 masked %reduce_sum3A_519 : vector<16xf32>, vector<16xi1> -> vector<16xf32>
      %reduce_sum3A_521 = vector.extract %reduce_sum3A_520[15] : f32 from vector<16xf32>
      %reduce_sum3A_522 = arith.constant true
      %reduce_sum3A_523 = vector.broadcast %reduce_sum3A_522 : i1 to vector<16xi1>
      %reduce_sum3A_524 = tpu.scan <sum>, %scan3A_465#14 masked %reduce_sum3A_523 : vector<16xf32>, vector<16xi1> -> vector<16xf32>
      %reduce_sum3A_525 = vector.extract %reduce_sum3A_524[15] : f32 from vector<16xf32>
      %reduce_sum3A_526 = arith.constant true
      %reduce_sum3A_527 = vector.broadcast %reduce_sum3A_526 : i1 to vector<16xi1>
      %reduce_sum3A_528 = tpu.scan <sum>, %scan3A_465#15 masked %reduce_sum3A_527 : vector<16xf32>, vector<16xi1> -> vector<16xf32>
      %reduce_sum3A_529 = vector.extract %reduce_sum3A_528[15] : f32 from vector<16xf32>
      %reduce_sum3A_530 = arith.constant true
      %reduce_sum3A_531 = vector.broadcast %reduce_sum3A_530 : i1 to vector<16xi1>
      %reduce_sum3A_532 = tpu.scan <sum>, %scan3A_465#16 masked %reduce_sum3A_531 : vector<16xf32>, vector<16xi1> -> vector<16xf32>
      %reduce_sum3A_533 = vector.extract %reduce_sum3A_532[15] : f32 from vector<16xf32>
      %reduce_sum3A_534 = arith.constant true
      %reduce_sum3A_535 = vector.broadcast %reduce_sum3A_534 : i1 to vector<16xi1>
      %reduce_sum3A_536 = tpu.scan <sum>, %scan3A_465#17 masked %reduce_sum3A_535 : vector<16xf32>, vector<16xi1> -> vector<16xf32>
      %reduce_sum3A_537 = vector.extract %reduce_sum3A_536[15] : f32 from vector<16xf32>
      %reduce_sum3A_538 = arith.constant true
      %reduce_sum3A_539 = vector.broadcast %reduce_sum3A_538 : i1 to vector<16xi1>
      %reduce_sum3A_540 = tpu.scan <sum>, %scan3A_465#18 masked %reduce_sum3A_539 : vector<16xf32>, vector<16xi1> -> vector<16xf32>
      %reduce_sum3A_541 = vector.extract %reduce_sum3A_540[15] : f32 from vector<16xf32>
      %reduce_sum3A_542 = arith.constant true
      %reduce_sum3A_543 = vector.broadcast %reduce_sum3A_542 : i1 to vector<16xi1>
      %reduce_sum3A_544 = tpu.scan <sum>, %scan3A_465#19 masked %reduce_sum3A_543 : vector<16xf32>, vector<16xi1> -> vector<16xf32>
      %reduce_sum3A_545 = vector.extract %reduce_sum3A_544[15] : f32 from vector<16xf32>
      %eq3A_546 = arith.constant 0 : i32
      %eq3A_547 = vector.broadcast %eq3A_546 : i32 to vector<16xi32>
      %eq3A_548 = arith.cmpi eq, %iota3A, %eq3A_547 : vector<16xi32>
      %jit3A = arith.constant 0.000000e+00 : f32
      %broadcast_in_dim3A_549 = vector.broadcast %jit3A : f32 to vector<16xf32>
      %select_n3A = arith.select %eq3A_548, %scan3A_465#20, %broadcast_in_dim3A_549 : vector<16xi1>, vector<16xf32>
      %reduce_sum3A_550 = arith.constant true
      %reduce_sum3A_551 = vector.broadcast %reduce_sum3A_550 : i1 to vector<16xi1>
      %reduce_sum3A_552 = tpu.scan <sum>, %select_n3A masked %reduce_sum3A_551 : vector<16xf32>, vector<16xi1> -> vector<16xf32>
      %reduce_sum3A_553 = vector.extract %reduce_sum3A_552[15] : f32 from vector<16xf32>
      %eq3A_554 = arith.constant 0 : i32
      %eq3A_555 = vector.broadcast %eq3A_554 : i32 to vector<16xi32>
      %eq3A_556 = arith.cmpi eq, %iota3A, %eq3A_555 : vector<16xi32>
      %jit3A_557 = arith.constant 0.000000e+00 : f32
      %broadcast_in_dim3A_558 = vector.broadcast %jit3A_557 : f32 to vector<16xf32>
      %select_n3A_559 = arith.select %eq3A_556, %scan3A_465#21, %broadcast_in_dim3A_558 : vector<16xi1>, vector<16xf32>
      %reduce_sum3A_560 = arith.constant true
      %reduce_sum3A_561 = vector.broadcast %reduce_sum3A_560 : i1 to vector<16xi1>
      %reduce_sum3A_562 = tpu.scan <sum>, %select_n3A_559 masked %reduce_sum3A_561 : vector<16xf32>, vector<16xi1> -> vector<16xf32>
      %reduce_sum3A_563 = vector.extract %reduce_sum3A_562[15] : f32 from vector<16xf32>
      %eq3A_564 = arith.constant 0 : i32
      %eq3A_565 = vector.broadcast %eq3A_564 : i32 to vector<16xi32>
      %eq3A_566 = arith.cmpi eq, %iota3A, %eq3A_565 : vector<16xi32>
      %jit3A_567 = arith.constant 0.000000e+00 : f32
      %broadcast_in_dim3A_568 = vector.broadcast %jit3A_567 : f32 to vector<16xf32>
      %select_n3A_569 = arith.select %eq3A_566, %scan3A_465#22, %broadcast_in_dim3A_568 : vector<16xi1>, vector<16xf32>
      %reduce_sum3A_570 = arith.constant true
      %reduce_sum3A_571 = vector.broadcast %reduce_sum3A_570 : i1 to vector<16xi1>
      %reduce_sum3A_572 = tpu.scan <sum>, %select_n3A_569 masked %reduce_sum3A_571 : vector<16xf32>, vector<16xi1> -> vector<16xf32>
      %reduce_sum3A_573 = vector.extract %reduce_sum3A_572[15] : f32 from vector<16xf32>
      %eq3A_574 = arith.constant 0 : i32
      %eq3A_575 = vector.broadcast %eq3A_574 : i32 to vector<16xi32>
      %eq3A_576 = arith.cmpi eq, %iota3A, %eq3A_575 : vector<16xi32>
      %jit3A_577 = arith.constant 0.000000e+00 : f32
      %broadcast_in_dim3A_578 = vector.broadcast %jit3A_577 : f32 to vector<16xf32>
      %select_n3A_579 = arith.select %eq3A_576, %scan3A_465#23, %broadcast_in_dim3A_578 : vector<16xi1>, vector<16xf32>
      %reduce_sum3A_580 = arith.constant true
      %reduce_sum3A_581 = vector.broadcast %reduce_sum3A_580 : i1 to vector<16xi1>
      %reduce_sum3A_582 = tpu.scan <sum>, %select_n3A_579 masked %reduce_sum3A_581 : vector<16xf32>, vector<16xi1> -> vector<16xf32>
      %reduce_sum3A_583 = vector.extract %reduce_sum3A_582[15] : f32 from vector<16xf32>
      %add3A_584 = arith.addf %reduce_sum3A_553, %reduce_sum3A_563 : f32
      %add3A_585 = arith.addf %add3A_584, %reduce_sum3A_573 : f32
      %add3A_586 = arith.addf %add3A_585, %reduce_sum3A_583 : f32
      %sub3A = arith.constant 2.621440e+05 : f32
      %sub3A_587 = arith.subf %sub3A, %add3A_586 : f32
      %add3A_588 = arith.addf %reduce_sum3A_469, %reduce_sum3A_485 : f32
      %add3A_589 = arith.addf %add3A_588, %reduce_sum3A_501 : f32
      %add3A_590 = arith.addf %add3A_589, %reduce_sum3A_517 : f32
      %sub3A_591 = arith.subf %reduce_sum3A_533, %add3A_590 : f32
      %add3A_592 = arith.addf %reduce_sum3A_473, %reduce_sum3A_489 : f32
      %add3A_593 = arith.addf %add3A_592, %reduce_sum3A_505 : f32
      %add3A_594 = arith.addf %add3A_593, %reduce_sum3A_521 : f32
      %sub3A_595 = arith.subf %reduce_sum3A_537, %add3A_594 : f32
      %add3A_596 = arith.addf %reduce_sum3A_477, %reduce_sum3A_493 : f32
      %add3A_597 = arith.addf %add3A_596, %reduce_sum3A_509 : f32
      %add3A_598 = arith.addf %add3A_597, %reduce_sum3A_525 : f32
      %sub3A_599 = arith.subf %reduce_sum3A_541, %add3A_598 : f32
      %add3A_600 = arith.addf %reduce_sum3A_481, %reduce_sum3A_497 : f32
      %add3A_601 = arith.addf %add3A_600, %reduce_sum3A_513 : f32
      %add3A_602 = arith.addf %add3A_601, %reduce_sum3A_529 : f32
      %sub3A_603 = arith.subf %reduce_sum3A_545, %add3A_602 : f32
      %eq3A_604 = arith.constant 0 : i32
      %eq3A_605 = vector.broadcast %eq3A_604 : i32 to vector<16xi32>
      %eq3A_606 = arith.cmpi eq, %iota3A, %eq3A_605 : vector<16xi32>
      %broadcast_in_dim3A_607 = vector.broadcast %sub3A_587 : f32 to vector<16xf32>
      %select_n3A_608 = arith.select %eq3A_606, %broadcast_in_dim3A_607, %broadcast_in_dim3A_0 : vector<16xi1>, vector<16xf32>
      %eq3A_609 = arith.constant 1 : i32
      %eq3A_610 = vector.broadcast %eq3A_609 : i32 to vector<16xi32>
      %eq3A_611 = arith.cmpi eq, %iota3A, %eq3A_610 : vector<16xi32>
      %broadcast_in_dim3A_612 = vector.broadcast %reduce_sum3A_553 : f32 to vector<16xf32>
      %select_n3A_613 = arith.select %eq3A_611, %broadcast_in_dim3A_612, %select_n3A_608 : vector<16xi1>, vector<16xf32>
      %eq3A_614 = arith.constant 2 : i32
      %eq3A_615 = vector.broadcast %eq3A_614 : i32 to vector<16xi32>
      %eq3A_616 = arith.cmpi eq, %iota3A, %eq3A_615 : vector<16xi32>
      %broadcast_in_dim3A_617 = vector.broadcast %reduce_sum3A_563 : f32 to vector<16xf32>
      %select_n3A_618 = arith.select %eq3A_616, %broadcast_in_dim3A_617, %select_n3A_613 : vector<16xi1>, vector<16xf32>
      %eq3A_619 = arith.constant 3 : i32
      %eq3A_620 = vector.broadcast %eq3A_619 : i32 to vector<16xi32>
      %eq3A_621 = arith.cmpi eq, %iota3A, %eq3A_620 : vector<16xi32>
      %broadcast_in_dim3A_622 = vector.broadcast %reduce_sum3A_573 : f32 to vector<16xf32>
      %select_n3A_623 = arith.select %eq3A_621, %broadcast_in_dim3A_622, %select_n3A_618 : vector<16xi1>, vector<16xf32>
      %eq3A_624 = arith.constant 4 : i32
      %eq3A_625 = vector.broadcast %eq3A_624 : i32 to vector<16xi32>
      %eq3A_626 = arith.cmpi eq, %iota3A, %eq3A_625 : vector<16xi32>
      %broadcast_in_dim3A_627 = vector.broadcast %reduce_sum3A_583 : f32 to vector<16xf32>
      %select_n3A_628 = arith.select %eq3A_626, %broadcast_in_dim3A_627, %select_n3A_623 : vector<16xi1>, vector<16xf32>
      %gt3A = arith.constant 0.000000e+00 : f32
      %gt3A_629 = vector.broadcast %gt3A : f32 to vector<16xf32>
      %gt3A_630 = arith.cmpf ogt, %select_n3A_628, %gt3A_629 : vector<16xf32>
      %jit3A_631 = arith.constant 1.000000e+00 : f32
      %jit3A_632 = arith.constant 0.000000e+00 : f32
      %broadcast_in_dim3A_633 = vector.broadcast %jit3A_631 : f32 to vector<16xf32>
      %broadcast_in_dim3A_634 = vector.broadcast %jit3A_632 : f32 to vector<16xf32>
      %select_n3A_635 = arith.select %gt3A_630, %broadcast_in_dim3A_633, %broadcast_in_dim3A_634 : vector<16xi1>, vector<16xf32>
      %jit3A_636 = arith.constant 1.000000e+00 : f32
      %broadcast_in_dim3A_637 = vector.broadcast %jit3A_636 : f32 to vector<16xf32>
      %select_n3A_638 = arith.select %gt3A_630, %select_n3A_628, %broadcast_in_dim3A_637 : vector<16xi1>, vector<16xf32>
      %div3A = arith.constant 1.000000e+00 : f32
      %div3A_639 = vector.broadcast %div3A : f32 to vector<16xf32>
      %div3A_640 = arith.divf %div3A_639, %select_n3A_638 : vector<16xf32>
      %reduce_sum3A_641 = arith.constant true
      %reduce_sum3A_642 = vector.broadcast %reduce_sum3A_641 : i1 to vector<16xi1>
      %reduce_sum3A_643 = tpu.scan <sum>, %select_n3A_635 masked %reduce_sum3A_642 : vector<16xf32>, vector<16xi1> -> vector<16xf32>
      %reduce_sum3A_644 = vector.extract %reduce_sum3A_643[15] : f32 from vector<16xf32>
      %broadcast_in_dim3A_645 = vector.broadcast %reduce_sum3A_644 : f32 to vector<16xf32>
      %div3A_646 = arith.constant 1.000000e+00 : f32
      %div3A_647 = vector.broadcast %div3A_646 : f32 to vector<16xf32>
      %div3A_648 = arith.divf %div3A_647, %broadcast_in_dim3A_645 : vector<16xf32>
      %eq3A_649 = arith.constant 0 : i32
      %eq3A_650 = vector.broadcast %eq3A_649 : i32 to vector<16xi32>
      %eq3A_651 = arith.cmpi eq, %iota3A, %eq3A_650 : vector<16xi32>
      %broadcast_in_dim3A_652 = vector.broadcast %sub3A_591 : f32 to vector<16xf32>
      %select_n3A_653 = arith.select %eq3A_651, %broadcast_in_dim3A_652, %broadcast_in_dim3A_0 : vector<16xi1>, vector<16xf32>
      %eq3A_654 = arith.constant 1 : i32
      %eq3A_655 = vector.broadcast %eq3A_654 : i32 to vector<16xi32>
      %eq3A_656 = arith.cmpi eq, %iota3A, %eq3A_655 : vector<16xi32>
      %broadcast_in_dim3A_657 = vector.broadcast %reduce_sum3A_469 : f32 to vector<16xf32>
      %select_n3A_658 = arith.select %eq3A_656, %broadcast_in_dim3A_657, %select_n3A_653 : vector<16xi1>, vector<16xf32>
      %eq3A_659 = arith.constant 2 : i32
      %eq3A_660 = vector.broadcast %eq3A_659 : i32 to vector<16xi32>
      %eq3A_661 = arith.cmpi eq, %iota3A, %eq3A_660 : vector<16xi32>
      %broadcast_in_dim3A_662 = vector.broadcast %reduce_sum3A_485 : f32 to vector<16xf32>
      %select_n3A_663 = arith.select %eq3A_661, %broadcast_in_dim3A_662, %select_n3A_658 : vector<16xi1>, vector<16xf32>
      %eq3A_664 = arith.constant 3 : i32
      %eq3A_665 = vector.broadcast %eq3A_664 : i32 to vector<16xi32>
      %eq3A_666 = arith.cmpi eq, %iota3A, %eq3A_665 : vector<16xi32>
      %broadcast_in_dim3A_667 = vector.broadcast %reduce_sum3A_501 : f32 to vector<16xf32>
      %select_n3A_668 = arith.select %eq3A_666, %broadcast_in_dim3A_667, %select_n3A_663 : vector<16xi1>, vector<16xf32>
      %eq3A_669 = arith.constant 4 : i32
      %eq3A_670 = vector.broadcast %eq3A_669 : i32 to vector<16xi32>
      %eq3A_671 = arith.cmpi eq, %iota3A, %eq3A_670 : vector<16xi32>
      %broadcast_in_dim3A_672 = vector.broadcast %reduce_sum3A_517 : f32 to vector<16xf32>
      %select_n3A_673 = arith.select %eq3A_671, %broadcast_in_dim3A_672, %select_n3A_668 : vector<16xi1>, vector<16xf32>
      %mul3A_674 = arith.mulf %select_n3A_673, %div3A_640 : vector<16xf32>
      %eq3A_675 = arith.constant 0 : i32
      %eq3A_676 = vector.broadcast %eq3A_675 : i32 to vector<16xi32>
      %eq3A_677 = arith.cmpi eq, %iota3A, %eq3A_676 : vector<16xi32>
      %broadcast_in_dim3A_678 = vector.broadcast %sub3A_595 : f32 to vector<16xf32>
      %select_n3A_679 = arith.select %eq3A_677, %broadcast_in_dim3A_678, %broadcast_in_dim3A_0 : vector<16xi1>, vector<16xf32>
      %eq3A_680 = arith.constant 1 : i32
      %eq3A_681 = vector.broadcast %eq3A_680 : i32 to vector<16xi32>
      %eq3A_682 = arith.cmpi eq, %iota3A, %eq3A_681 : vector<16xi32>
      %broadcast_in_dim3A_683 = vector.broadcast %reduce_sum3A_473 : f32 to vector<16xf32>
      %select_n3A_684 = arith.select %eq3A_682, %broadcast_in_dim3A_683, %select_n3A_679 : vector<16xi1>, vector<16xf32>
      %eq3A_685 = arith.constant 2 : i32
      %eq3A_686 = vector.broadcast %eq3A_685 : i32 to vector<16xi32>
      %eq3A_687 = arith.cmpi eq, %iota3A, %eq3A_686 : vector<16xi32>
      %broadcast_in_dim3A_688 = vector.broadcast %reduce_sum3A_489 : f32 to vector<16xf32>
      %select_n3A_689 = arith.select %eq3A_687, %broadcast_in_dim3A_688, %select_n3A_684 : vector<16xi1>, vector<16xf32>
      %eq3A_690 = arith.constant 3 : i32
      %eq3A_691 = vector.broadcast %eq3A_690 : i32 to vector<16xi32>
      %eq3A_692 = arith.cmpi eq, %iota3A, %eq3A_691 : vector<16xi32>
      %broadcast_in_dim3A_693 = vector.broadcast %reduce_sum3A_505 : f32 to vector<16xf32>
      %select_n3A_694 = arith.select %eq3A_692, %broadcast_in_dim3A_693, %select_n3A_689 : vector<16xi1>, vector<16xf32>
      %eq3A_695 = arith.constant 4 : i32
      %eq3A_696 = vector.broadcast %eq3A_695 : i32 to vector<16xi32>
      %eq3A_697 = arith.cmpi eq, %iota3A, %eq3A_696 : vector<16xi32>
      %broadcast_in_dim3A_698 = vector.broadcast %reduce_sum3A_521 : f32 to vector<16xf32>
      %select_n3A_699 = arith.select %eq3A_697, %broadcast_in_dim3A_698, %select_n3A_694 : vector<16xi1>, vector<16xf32>
      %mul3A_700 = arith.mulf %select_n3A_699, %div3A_640 : vector<16xf32>
      %eq3A_701 = arith.constant 0 : i32
      %eq3A_702 = vector.broadcast %eq3A_701 : i32 to vector<16xi32>
      %eq3A_703 = arith.cmpi eq, %iota3A, %eq3A_702 : vector<16xi32>
      %broadcast_in_dim3A_704 = vector.broadcast %sub3A_599 : f32 to vector<16xf32>
      %select_n3A_705 = arith.select %eq3A_703, %broadcast_in_dim3A_704, %broadcast_in_dim3A_0 : vector<16xi1>, vector<16xf32>
      %eq3A_706 = arith.constant 1 : i32
      %eq3A_707 = vector.broadcast %eq3A_706 : i32 to vector<16xi32>
      %eq3A_708 = arith.cmpi eq, %iota3A, %eq3A_707 : vector<16xi32>
      %broadcast_in_dim3A_709 = vector.broadcast %reduce_sum3A_477 : f32 to vector<16xf32>
      %select_n3A_710 = arith.select %eq3A_708, %broadcast_in_dim3A_709, %select_n3A_705 : vector<16xi1>, vector<16xf32>
      %eq3A_711 = arith.constant 2 : i32
      %eq3A_712 = vector.broadcast %eq3A_711 : i32 to vector<16xi32>
      %eq3A_713 = arith.cmpi eq, %iota3A, %eq3A_712 : vector<16xi32>
      %broadcast_in_dim3A_714 = vector.broadcast %reduce_sum3A_493 : f32 to vector<16xf32>
      %select_n3A_715 = arith.select %eq3A_713, %broadcast_in_dim3A_714, %select_n3A_710 : vector<16xi1>, vector<16xf32>
      %eq3A_716 = arith.constant 3 : i32
      %eq3A_717 = vector.broadcast %eq3A_716 : i32 to vector<16xi32>
      %eq3A_718 = arith.cmpi eq, %iota3A, %eq3A_717 : vector<16xi32>
      %broadcast_in_dim3A_719 = vector.broadcast %reduce_sum3A_509 : f32 to vector<16xf32>
      %select_n3A_720 = arith.select %eq3A_718, %broadcast_in_dim3A_719, %select_n3A_715 : vector<16xi1>, vector<16xf32>
      %eq3A_721 = arith.constant 4 : i32
      %eq3A_722 = vector.broadcast %eq3A_721 : i32 to vector<16xi32>
      %eq3A_723 = arith.cmpi eq, %iota3A, %eq3A_722 : vector<16xi32>
      %broadcast_in_dim3A_724 = vector.broadcast %reduce_sum3A_525 : f32 to vector<16xf32>
      %select_n3A_725 = arith.select %eq3A_723, %broadcast_in_dim3A_724, %select_n3A_720 : vector<16xi1>, vector<16xf32>
      %mul3A_726 = arith.mulf %select_n3A_725, %div3A_640 : vector<16xf32>
      %eq3A_727 = arith.constant 0 : i32
      %eq3A_728 = vector.broadcast %eq3A_727 : i32 to vector<16xi32>
      %eq3A_729 = arith.cmpi eq, %iota3A, %eq3A_728 : vector<16xi32>
      %broadcast_in_dim3A_730 = vector.broadcast %sub3A_603 : f32 to vector<16xf32>
      %select_n3A_731 = arith.select %eq3A_729, %broadcast_in_dim3A_730, %broadcast_in_dim3A_0 : vector<16xi1>, vector<16xf32>
      %eq3A_732 = arith.constant 1 : i32
      %eq3A_733 = vector.broadcast %eq3A_732 : i32 to vector<16xi32>
      %eq3A_734 = arith.cmpi eq, %iota3A, %eq3A_733 : vector<16xi32>
      %broadcast_in_dim3A_735 = vector.broadcast %reduce_sum3A_481 : f32 to vector<16xf32>
      %select_n3A_736 = arith.select %eq3A_734, %broadcast_in_dim3A_735, %select_n3A_731 : vector<16xi1>, vector<16xf32>
      %eq3A_737 = arith.constant 2 : i32
      %eq3A_738 = vector.broadcast %eq3A_737 : i32 to vector<16xi32>
      %eq3A_739 = arith.cmpi eq, %iota3A, %eq3A_738 : vector<16xi32>
      %broadcast_in_dim3A_740 = vector.broadcast %reduce_sum3A_497 : f32 to vector<16xf32>
      %select_n3A_741 = arith.select %eq3A_739, %broadcast_in_dim3A_740, %select_n3A_736 : vector<16xi1>, vector<16xf32>
      %eq3A_742 = arith.constant 3 : i32
      %eq3A_743 = vector.broadcast %eq3A_742 : i32 to vector<16xi32>
      %eq3A_744 = arith.cmpi eq, %iota3A, %eq3A_743 : vector<16xi32>
      %broadcast_in_dim3A_745 = vector.broadcast %reduce_sum3A_513 : f32 to vector<16xf32>
      %select_n3A_746 = arith.select %eq3A_744, %broadcast_in_dim3A_745, %select_n3A_741 : vector<16xi1>, vector<16xf32>
      %eq3A_747 = arith.constant 4 : i32
      %eq3A_748 = vector.broadcast %eq3A_747 : i32 to vector<16xi32>
      %eq3A_749 = arith.cmpi eq, %iota3A, %eq3A_748 : vector<16xi32>
      %broadcast_in_dim3A_750 = vector.broadcast %reduce_sum3A_529 : f32 to vector<16xf32>
      %select_n3A_751 = arith.select %eq3A_749, %broadcast_in_dim3A_750, %select_n3A_746 : vector<16xi1>, vector<16xf32>
      %mul3A_752 = arith.mulf %select_n3A_751, %div3A_640 : vector<16xf32>
      %mul3A_753 = arith.mulf %mul3A_674, %mul3A_674 : vector<16xf32>
      %mul3A_754 = arith.mulf %mul3A_700, %mul3A_700 : vector<16xf32>
      %add3A_755 = arith.addf %mul3A_753, %mul3A_754 : vector<16xf32>
      %mul3A_756 = arith.mulf %mul3A_726, %mul3A_726 : vector<16xf32>
      %add3A_757 = arith.addf %add3A_755, %mul3A_756 : vector<16xf32>
      %mul3A_758 = arith.mulf %mul3A_752, %mul3A_752 : vector<16xf32>
      %add3A_759 = arith.addf %add3A_757, %mul3A_758 : vector<16xf32>
      %max3A = arith.constant 1.000000e-30 : f32
      %max3A_760 = vector.broadcast %max3A : f32 to vector<16xf32>
      %max3A_761 = arith.maximumf %add3A_759, %max3A_760 : vector<16xf32>
      %bitcast3A = vector.bitcast %max3A_761 : vector<16xf32> to vector<16xi32>
      %shift_right_arithmetic3A = arith.constant 1 : i32
      %shift_right_arithmetic3A_762 = vector.broadcast %shift_right_arithmetic3A : i32 to vector<16xi32>
      %shift_right_arithmetic3A_763 = arith.shrsi %bitcast3A, %shift_right_arithmetic3A_762 : vector<16xi32>
      %sub3A_764 = arith.constant 1597463007 : i32
      %sub3A_765 = vector.broadcast %sub3A_764 : i32 to vector<16xi32>
      %sub3A_766 = arith.subi %sub3A_765, %shift_right_arithmetic3A_763 : vector<16xi32>
      %bitcast3A_767 = vector.bitcast %sub3A_766 : vector<16xi32> to vector<16xf32>
      %mul3A_768 = arith.constant 5.000000e-01 : f32
      %mul3A_769 = vector.broadcast %mul3A_768 : f32 to vector<16xf32>
      %mul3A_770 = arith.mulf %max3A_761, %mul3A_769 : vector<16xf32>
      %mul3A_771 = arith.mulf %mul3A_770, %bitcast3A_767 : vector<16xf32>
      %mul3A_772 = arith.mulf %mul3A_771, %bitcast3A_767 : vector<16xf32>
      %sub3A_773 = arith.constant 1.500000e+00 : f32
      %sub3A_774 = vector.broadcast %sub3A_773 : f32 to vector<16xf32>
      %sub3A_775 = arith.subf %sub3A_774, %mul3A_772 : vector<16xf32>
      %mul3A_776 = arith.mulf %bitcast3A_767, %sub3A_775 : vector<16xf32>
      %mul3A_777 = arith.mulf %mul3A_770, %mul3A_776 : vector<16xf32>
      %mul3A_778 = arith.mulf %mul3A_777, %mul3A_776 : vector<16xf32>
      %sub3A_779 = arith.constant 1.500000e+00 : f32
      %sub3A_780 = vector.broadcast %sub3A_779 : f32 to vector<16xf32>
      %sub3A_781 = arith.subf %sub3A_780, %mul3A_778 : vector<16xf32>
      %mul3A_782 = arith.mulf %mul3A_776, %sub3A_781 : vector<16xf32>
      %mul3A_783 = arith.mulf %mul3A_770, %mul3A_782 : vector<16xf32>
      %mul3A_784 = arith.mulf %mul3A_783, %mul3A_782 : vector<16xf32>
      %sub3A_785 = arith.constant 1.500000e+00 : f32
      %sub3A_786 = vector.broadcast %sub3A_785 : f32 to vector<16xf32>
      %sub3A_787 = arith.subf %sub3A_786, %mul3A_784 : vector<16xf32>
      %mul3A_788 = arith.mulf %mul3A_782, %sub3A_787 : vector<16xf32>
      %mul3A_789 = arith.mulf %add3A_759, %mul3A_788 : vector<16xf32>
      %jit3A_790 = arith.constant 0.000000e+00 : f32
      %broadcast_in_dim3A_791 = vector.broadcast %jit3A_790 : f32 to vector<16xf32>
      %select_n3A_792 = arith.select %gt3A_630, %mul3A_789, %broadcast_in_dim3A_791 : vector<16xi1>, vector<16xf32>
      %mul3A_793 = arith.mulf %select_n3A_792, %div3A_648 : vector<16xf32>
      %add3A_794 = arith.addf %scan3A_199, %mul3A_793 : vector<16xf32>
      %eq3A_795 = arith.constant 0 : i32
      %eq3A_796 = vector.broadcast %eq3A_795 : i32 to vector<16xi32>
      %eq3A_797 = arith.cmpi eq, %iota3A, %eq3A_796 : vector<16xi32>
      %jit3A_798 = arith.constant 0.000000e+00 : f32
      %broadcast_in_dim3A_799 = vector.broadcast %jit3A_798 : f32 to vector<16xf32>
      %select_n3A_800 = arith.select %eq3A_797, %mul3A_674, %broadcast_in_dim3A_799 : vector<16xi1>, vector<16xf32>
      %reduce_sum3A_801 = arith.constant true
      %reduce_sum3A_802 = vector.broadcast %reduce_sum3A_801 : i1 to vector<16xi1>
      %reduce_sum3A_803 = tpu.scan <sum>, %select_n3A_800 masked %reduce_sum3A_802 : vector<16xf32>, vector<16xi1> -> vector<16xf32>
      %reduce_sum3A_804 = vector.extract %reduce_sum3A_803[15] : f32 from vector<16xf32>
      %eq3A_805 = arith.constant 0 : i32
      %eq3A_806 = vector.broadcast %eq3A_805 : i32 to vector<16xi32>
      %eq3A_807 = arith.cmpi eq, %iota3A, %eq3A_806 : vector<16xi32>
      %jit3A_808 = arith.constant 0.000000e+00 : f32
      %broadcast_in_dim3A_809 = vector.broadcast %jit3A_808 : f32 to vector<16xf32>
      %select_n3A_810 = arith.select %eq3A_807, %mul3A_700, %broadcast_in_dim3A_809 : vector<16xi1>, vector<16xf32>
      %reduce_sum3A_811 = arith.constant true
      %reduce_sum3A_812 = vector.broadcast %reduce_sum3A_811 : i1 to vector<16xi1>
      %reduce_sum3A_813 = tpu.scan <sum>, %select_n3A_810 masked %reduce_sum3A_812 : vector<16xf32>, vector<16xi1> -> vector<16xf32>
      %reduce_sum3A_814 = vector.extract %reduce_sum3A_813[15] : f32 from vector<16xf32>
      %eq3A_815 = arith.constant 0 : i32
      %eq3A_816 = vector.broadcast %eq3A_815 : i32 to vector<16xi32>
      %eq3A_817 = arith.cmpi eq, %iota3A, %eq3A_816 : vector<16xi32>
      %jit3A_818 = arith.constant 0.000000e+00 : f32
      %broadcast_in_dim3A_819 = vector.broadcast %jit3A_818 : f32 to vector<16xf32>
      %select_n3A_820 = arith.select %eq3A_817, %mul3A_726, %broadcast_in_dim3A_819 : vector<16xi1>, vector<16xf32>
      %reduce_sum3A_821 = arith.constant true
      %reduce_sum3A_822 = vector.broadcast %reduce_sum3A_821 : i1 to vector<16xi1>
      %reduce_sum3A_823 = tpu.scan <sum>, %select_n3A_820 masked %reduce_sum3A_822 : vector<16xf32>, vector<16xi1> -> vector<16xf32>
      %reduce_sum3A_824 = vector.extract %reduce_sum3A_823[15] : f32 from vector<16xf32>
      %eq3A_825 = arith.constant 0 : i32
      %eq3A_826 = vector.broadcast %eq3A_825 : i32 to vector<16xi32>
      %eq3A_827 = arith.cmpi eq, %iota3A, %eq3A_826 : vector<16xi32>
      %jit3A_828 = arith.constant 0.000000e+00 : f32
      %broadcast_in_dim3A_829 = vector.broadcast %jit3A_828 : f32 to vector<16xf32>
      %select_n3A_830 = arith.select %eq3A_827, %mul3A_752, %broadcast_in_dim3A_829 : vector<16xi1>, vector<16xf32>
      %reduce_sum3A_831 = arith.constant true
      %reduce_sum3A_832 = vector.broadcast %reduce_sum3A_831 : i1 to vector<16xi1>
      %reduce_sum3A_833 = tpu.scan <sum>, %select_n3A_830 masked %reduce_sum3A_832 : vector<16xf32>, vector<16xi1> -> vector<16xf32>
      %reduce_sum3A_834 = vector.extract %reduce_sum3A_833[15] : f32 from vector<16xf32>
      %eq3A_835 = arith.constant 0 : i32
      %eq3A_836 = vector.broadcast %eq3A_835 : i32 to vector<16xi32>
      %eq3A_837 = arith.cmpi eq, %iota3A, %eq3A_836 : vector<16xi32>
      %jit3A_838 = arith.constant 0.000000e+00 : f32
      %broadcast_in_dim3A_839 = vector.broadcast %jit3A_838 : f32 to vector<16xf32>
      %select_n3A_840 = arith.select %eq3A_837, %select_n3A_635, %broadcast_in_dim3A_839 : vector<16xi1>, vector<16xf32>
      %reduce_sum3A_841 = arith.constant true
      %reduce_sum3A_842 = vector.broadcast %reduce_sum3A_841 : i1 to vector<16xi1>
      %reduce_sum3A_843 = tpu.scan <sum>, %select_n3A_840 masked %reduce_sum3A_842 : vector<16xf32>, vector<16xi1> -> vector<16xf32>
      %reduce_sum3A_844 = vector.extract %reduce_sum3A_843[15] : f32 from vector<16xf32>
      %sub3A_845 = vector.broadcast %reduce_sum3A_804 : f32 to vector<16xf32>
      %sub3A_846 = arith.subf %mul3A_674, %sub3A_845 : vector<16xf32>
      %abs3A = math.absf %sub3A_846 : vector<16xf32>
      %add3A_847 = arith.addf %broadcast_in_dim3A_0, %abs3A : vector<16xf32>
      %mul3A_848 = arith.mulf %sub3A_846, %sub3A_846 : vector<16xf32>
      %add3A_849 = arith.addf %broadcast_in_dim3A_0, %mul3A_848 : vector<16xf32>
      %sub3A_850 = vector.broadcast %reduce_sum3A_814 : f32 to vector<16xf32>
      %sub3A_851 = arith.subf %mul3A_700, %sub3A_850 : vector<16xf32>
      %abs3A_852 = math.absf %sub3A_851 : vector<16xf32>
      %add3A_853 = arith.addf %add3A_847, %abs3A_852 : vector<16xf32>
      %mul3A_854 = arith.mulf %sub3A_851, %sub3A_851 : vector<16xf32>
      %add3A_855 = arith.addf %add3A_849, %mul3A_854 : vector<16xf32>
      %sub3A_856 = vector.broadcast %reduce_sum3A_824 : f32 to vector<16xf32>
      %sub3A_857 = arith.subf %mul3A_726, %sub3A_856 : vector<16xf32>
      %abs3A_858 = math.absf %sub3A_857 : vector<16xf32>
      %add3A_859 = arith.addf %add3A_853, %abs3A_858 : vector<16xf32>
      %mul3A_860 = arith.mulf %sub3A_857, %sub3A_857 : vector<16xf32>
      %add3A_861 = arith.addf %add3A_855, %mul3A_860 : vector<16xf32>
      %sub3A_862 = vector.broadcast %reduce_sum3A_834 : f32 to vector<16xf32>
      %sub3A_863 = arith.subf %mul3A_752, %sub3A_862 : vector<16xf32>
      %abs3A_864 = math.absf %sub3A_863 : vector<16xf32>
      %add3A_865 = arith.addf %add3A_859, %abs3A_864 : vector<16xf32>
      %mul3A_866 = arith.mulf %sub3A_863, %sub3A_863 : vector<16xf32>
      %add3A_867 = arith.addf %add3A_861, %mul3A_866 : vector<16xf32>
      %ne3A = arith.constant 0.000000e+00 : f32
      %ne3A_868 = vector.broadcast %ne3A : f32 to vector<16xf32>
      %ne3A_869 = arith.cmpf one, %add3A_865, %ne3A_868 : vector<16xf32>
      %and3A = arith.andi %ne3A_869, %gt3A_630 : vector<16xi1>
      %jit3A_870 = arith.constant 0.000000e+00 : f32
      %broadcast_in_dim3A_871 = vector.broadcast %reduce_sum3A_844 : f32 to vector<16xf32>
      %broadcast_in_dim3A_872 = vector.broadcast %jit3A_870 : f32 to vector<16xf32>
      %select_n3A_873 = arith.select %and3A, %broadcast_in_dim3A_871, %broadcast_in_dim3A_872 : vector<16xi1>, vector<16xf32>
      %max3A_874 = arith.constant 1.000000e-30 : f32
      %max3A_875 = vector.broadcast %max3A_874 : f32 to vector<16xf32>
      %max3A_876 = arith.maximumf %add3A_867, %max3A_875 : vector<16xf32>
      %bitcast3A_877 = vector.bitcast %max3A_876 : vector<16xf32> to vector<16xi32>
      %shift_right_arithmetic3A_878 = arith.constant 1 : i32
      %shift_right_arithmetic3A_879 = vector.broadcast %shift_right_arithmetic3A_878 : i32 to vector<16xi32>
      %shift_right_arithmetic3A_880 = arith.shrsi %bitcast3A_877, %shift_right_arithmetic3A_879 : vector<16xi32>
      %sub3A_881 = arith.constant 1597463007 : i32
      %sub3A_882 = vector.broadcast %sub3A_881 : i32 to vector<16xi32>
      %sub3A_883 = arith.subi %sub3A_882, %shift_right_arithmetic3A_880 : vector<16xi32>
      %bitcast3A_884 = vector.bitcast %sub3A_883 : vector<16xi32> to vector<16xf32>
      %mul3A_885 = arith.constant 5.000000e-01 : f32
      %mul3A_886 = vector.broadcast %mul3A_885 : f32 to vector<16xf32>
      %mul3A_887 = arith.mulf %max3A_876, %mul3A_886 : vector<16xf32>
      %mul3A_888 = arith.mulf %mul3A_887, %bitcast3A_884 : vector<16xf32>
      %mul3A_889 = arith.mulf %mul3A_888, %bitcast3A_884 : vector<16xf32>
      %sub3A_890 = arith.constant 1.500000e+00 : f32
      %sub3A_891 = vector.broadcast %sub3A_890 : f32 to vector<16xf32>
      %sub3A_892 = arith.subf %sub3A_891, %mul3A_889 : vector<16xf32>
      %mul3A_893 = arith.mulf %bitcast3A_884, %sub3A_892 : vector<16xf32>
      %mul3A_894 = arith.mulf %mul3A_887, %mul3A_893 : vector<16xf32>
      %mul3A_895 = arith.mulf %mul3A_894, %mul3A_893 : vector<16xf32>
      %sub3A_896 = arith.constant 1.500000e+00 : f32
      %sub3A_897 = vector.broadcast %sub3A_896 : f32 to vector<16xf32>
      %sub3A_898 = arith.subf %sub3A_897, %mul3A_895 : vector<16xf32>
      %mul3A_899 = arith.mulf %mul3A_893, %sub3A_898 : vector<16xf32>
      %mul3A_900 = arith.mulf %mul3A_887, %mul3A_899 : vector<16xf32>
      %mul3A_901 = arith.mulf %mul3A_900, %mul3A_899 : vector<16xf32>
      %sub3A_902 = arith.constant 1.500000e+00 : f32
      %sub3A_903 = vector.broadcast %sub3A_902 : f32 to vector<16xf32>
      %sub3A_904 = arith.subf %sub3A_903, %mul3A_901 : vector<16xf32>
      %mul3A_905 = arith.mulf %mul3A_899, %sub3A_904 : vector<16xf32>
      %mul3A_906 = arith.mulf %add3A_867, %mul3A_905 : vector<16xf32>
      %sub3A_907 = arith.constant 6.000000e+00 : f32
      %sub3A_908 = vector.broadcast %sub3A_907 : f32 to vector<16xf32>
      %sub3A_909 = arith.subf %sub3A_908, %mul3A_906 : vector<16xf32>
      %max3A_910 = arith.constant 0.000000e+00 : f32
      %max3A_911 = vector.broadcast %max3A_910 : f32 to vector<16xf32>
      %max3A_912 = arith.maximumf %sub3A_909, %max3A_911 : vector<16xf32>
      %mul3A_913 = arith.mulf %max3A_912, %max3A_912 : vector<16xf32>
      %mul3A_914 = arith.mulf %mul3A_913, %select_n3A_873 : vector<16xf32>
      %add3A_915 = arith.addf %broadcast_in_dim3A_0, %mul3A_914 : vector<16xf32>
      %add3A_916 = arith.addf %broadcast_in_dim3A_0, %select_n3A_873 : vector<16xf32>
      %eq3A_917 = arith.constant 1 : i32
      %eq3A_918 = vector.broadcast %eq3A_917 : i32 to vector<16xi32>
      %eq3A_919 = arith.cmpi eq, %iota3A, %eq3A_918 : vector<16xi32>
      %jit3A_920 = arith.constant 0.000000e+00 : f32
      %broadcast_in_dim3A_921 = vector.broadcast %jit3A_920 : f32 to vector<16xf32>
      %select_n3A_922 = arith.select %eq3A_919, %mul3A_674, %broadcast_in_dim3A_921 : vector<16xi1>, vector<16xf32>
      %reduce_sum3A_923 = arith.constant true
      %reduce_sum3A_924 = vector.broadcast %reduce_sum3A_923 : i1 to vector<16xi1>
      %reduce_sum3A_925 = tpu.scan <sum>, %select_n3A_922 masked %reduce_sum3A_924 : vector<16xf32>, vector<16xi1> -> vector<16xf32>
      %reduce_sum3A_926 = vector.extract %reduce_sum3A_925[15] : f32 from vector<16xf32>
      %eq3A_927 = arith.constant 1 : i32
      %eq3A_928 = vector.broadcast %eq3A_927 : i32 to vector<16xi32>
      %eq3A_929 = arith.cmpi eq, %iota3A, %eq3A_928 : vector<16xi32>
      %jit3A_930 = arith.constant 0.000000e+00 : f32
      %broadcast_in_dim3A_931 = vector.broadcast %jit3A_930 : f32 to vector<16xf32>
      %select_n3A_932 = arith.select %eq3A_929, %mul3A_700, %broadcast_in_dim3A_931 : vector<16xi1>, vector<16xf32>
      %reduce_sum3A_933 = arith.constant true
      %reduce_sum3A_934 = vector.broadcast %reduce_sum3A_933 : i1 to vector<16xi1>
      %reduce_sum3A_935 = tpu.scan <sum>, %select_n3A_932 masked %reduce_sum3A_934 : vector<16xf32>, vector<16xi1> -> vector<16xf32>
      %reduce_sum3A_936 = vector.extract %reduce_sum3A_935[15] : f32 from vector<16xf32>
      %eq3A_937 = arith.constant 1 : i32
      %eq3A_938 = vector.broadcast %eq3A_937 : i32 to vector<16xi32>
      %eq3A_939 = arith.cmpi eq, %iota3A, %eq3A_938 : vector<16xi32>
      %jit3A_940 = arith.constant 0.000000e+00 : f32
      %broadcast_in_dim3A_941 = vector.broadcast %jit3A_940 : f32 to vector<16xf32>
      %select_n3A_942 = arith.select %eq3A_939, %mul3A_726, %broadcast_in_dim3A_941 : vector<16xi1>, vector<16xf32>
      %reduce_sum3A_943 = arith.constant true
      %reduce_sum3A_944 = vector.broadcast %reduce_sum3A_943 : i1 to vector<16xi1>
      %reduce_sum3A_945 = tpu.scan <sum>, %select_n3A_942 masked %reduce_sum3A_944 : vector<16xf32>, vector<16xi1> -> vector<16xf32>
      %reduce_sum3A_946 = vector.extract %reduce_sum3A_945[15] : f32 from vector<16xf32>
      %eq3A_947 = arith.constant 1 : i32
      %eq3A_948 = vector.broadcast %eq3A_947 : i32 to vector<16xi32>
      %eq3A_949 = arith.cmpi eq, %iota3A, %eq3A_948 : vector<16xi32>
      %jit3A_950 = arith.constant 0.000000e+00 : f32
      %broadcast_in_dim3A_951 = vector.broadcast %jit3A_950 : f32 to vector<16xf32>
      %select_n3A_952 = arith.select %eq3A_949, %mul3A_752, %broadcast_in_dim3A_951 : vector<16xi1>, vector<16xf32>
      %reduce_sum3A_953 = arith.constant true
      %reduce_sum3A_954 = vector.broadcast %reduce_sum3A_953 : i1 to vector<16xi1>
      %reduce_sum3A_955 = tpu.scan <sum>, %select_n3A_952 masked %reduce_sum3A_954 : vector<16xf32>, vector<16xi1> -> vector<16xf32>
      %reduce_sum3A_956 = vector.extract %reduce_sum3A_955[15] : f32 from vector<16xf32>
      %eq3A_957 = arith.constant 1 : i32
      %eq3A_958 = vector.broadcast %eq3A_957 : i32 to vector<16xi32>
      %eq3A_959 = arith.cmpi eq, %iota3A, %eq3A_958 : vector<16xi32>
      %jit3A_960 = arith.constant 0.000000e+00 : f32
      %broadcast_in_dim3A_961 = vector.broadcast %jit3A_960 : f32 to vector<16xf32>
      %select_n3A_962 = arith.select %eq3A_959, %select_n3A_635, %broadcast_in_dim3A_961 : vector<16xi1>, vector<16xf32>
      %reduce_sum3A_963 = arith.constant true
      %reduce_sum3A_964 = vector.broadcast %reduce_sum3A_963 : i1 to vector<16xi1>
      %reduce_sum3A_965 = tpu.scan <sum>, %select_n3A_962 masked %reduce_sum3A_964 : vector<16xf32>, vector<16xi1> -> vector<16xf32>
      %reduce_sum3A_966 = vector.extract %reduce_sum3A_965[15] : f32 from vector<16xf32>
      %sub3A_967 = vector.broadcast %reduce_sum3A_926 : f32 to vector<16xf32>
      %sub3A_968 = arith.subf %mul3A_674, %sub3A_967 : vector<16xf32>
      %abs3A_969 = math.absf %sub3A_968 : vector<16xf32>
      %add3A_970 = arith.addf %broadcast_in_dim3A_0, %abs3A_969 : vector<16xf32>
      %mul3A_971 = arith.mulf %sub3A_968, %sub3A_968 : vector<16xf32>
      %add3A_972 = arith.addf %broadcast_in_dim3A_0, %mul3A_971 : vector<16xf32>
      %sub3A_973 = vector.broadcast %reduce_sum3A_936 : f32 to vector<16xf32>
      %sub3A_974 = arith.subf %mul3A_700, %sub3A_973 : vector<16xf32>
      %abs3A_975 = math.absf %sub3A_974 : vector<16xf32>
      %add3A_976 = arith.addf %add3A_970, %abs3A_975 : vector<16xf32>
      %mul3A_977 = arith.mulf %sub3A_974, %sub3A_974 : vector<16xf32>
      %add3A_978 = arith.addf %add3A_972, %mul3A_977 : vector<16xf32>
      %sub3A_979 = vector.broadcast %reduce_sum3A_946 : f32 to vector<16xf32>
      %sub3A_980 = arith.subf %mul3A_726, %sub3A_979 : vector<16xf32>
      %abs3A_981 = math.absf %sub3A_980 : vector<16xf32>
      %add3A_982 = arith.addf %add3A_976, %abs3A_981 : vector<16xf32>
      %mul3A_983 = arith.mulf %sub3A_980, %sub3A_980 : vector<16xf32>
      %add3A_984 = arith.addf %add3A_978, %mul3A_983 : vector<16xf32>
      %sub3A_985 = vector.broadcast %reduce_sum3A_956 : f32 to vector<16xf32>
      %sub3A_986 = arith.subf %mul3A_752, %sub3A_985 : vector<16xf32>
      %abs3A_987 = math.absf %sub3A_986 : vector<16xf32>
      %add3A_988 = arith.addf %add3A_982, %abs3A_987 : vector<16xf32>
      %mul3A_989 = arith.mulf %sub3A_986, %sub3A_986 : vector<16xf32>
      %add3A_990 = arith.addf %add3A_984, %mul3A_989 : vector<16xf32>
      %ne3A_991 = arith.constant 0.000000e+00 : f32
      %ne3A_992 = vector.broadcast %ne3A_991 : f32 to vector<16xf32>
      %ne3A_993 = arith.cmpf one, %add3A_988, %ne3A_992 : vector<16xf32>
      %and3A_994 = arith.andi %ne3A_993, %gt3A_630 : vector<16xi1>
      %jit3A_995 = arith.constant 0.000000e+00 : f32
      %broadcast_in_dim3A_996 = vector.broadcast %reduce_sum3A_966 : f32 to vector<16xf32>
      %broadcast_in_dim3A_997 = vector.broadcast %jit3A_995 : f32 to vector<16xf32>
      %select_n3A_998 = arith.select %and3A_994, %broadcast_in_dim3A_996, %broadcast_in_dim3A_997 : vector<16xi1>, vector<16xf32>
      %max3A_999 = arith.constant 1.000000e-30 : f32
      %max3A_1000 = vector.broadcast %max3A_999 : f32 to vector<16xf32>
      %max3A_1001 = arith.maximumf %add3A_990, %max3A_1000 : vector<16xf32>
      %bitcast3A_1002 = vector.bitcast %max3A_1001 : vector<16xf32> to vector<16xi32>
      %shift_right_arithmetic3A_1003 = arith.constant 1 : i32
      %shift_right_arithmetic3A_1004 = vector.broadcast %shift_right_arithmetic3A_1003 : i32 to vector<16xi32>
      %shift_right_arithmetic3A_1005 = arith.shrsi %bitcast3A_1002, %shift_right_arithmetic3A_1004 : vector<16xi32>
      %sub3A_1006 = arith.constant 1597463007 : i32
      %sub3A_1007 = vector.broadcast %sub3A_1006 : i32 to vector<16xi32>
      %sub3A_1008 = arith.subi %sub3A_1007, %shift_right_arithmetic3A_1005 : vector<16xi32>
      %bitcast3A_1009 = vector.bitcast %sub3A_1008 : vector<16xi32> to vector<16xf32>
      %mul3A_1010 = arith.constant 5.000000e-01 : f32
      %mul3A_1011 = vector.broadcast %mul3A_1010 : f32 to vector<16xf32>
      %mul3A_1012 = arith.mulf %max3A_1001, %mul3A_1011 : vector<16xf32>
      %mul3A_1013 = arith.mulf %mul3A_1012, %bitcast3A_1009 : vector<16xf32>
      %mul3A_1014 = arith.mulf %mul3A_1013, %bitcast3A_1009 : vector<16xf32>
      %sub3A_1015 = arith.constant 1.500000e+00 : f32
      %sub3A_1016 = vector.broadcast %sub3A_1015 : f32 to vector<16xf32>
      %sub3A_1017 = arith.subf %sub3A_1016, %mul3A_1014 : vector<16xf32>
      %mul3A_1018 = arith.mulf %bitcast3A_1009, %sub3A_1017 : vector<16xf32>
      %mul3A_1019 = arith.mulf %mul3A_1012, %mul3A_1018 : vector<16xf32>
      %mul3A_1020 = arith.mulf %mul3A_1019, %mul3A_1018 : vector<16xf32>
      %sub3A_1021 = arith.constant 1.500000e+00 : f32
      %sub3A_1022 = vector.broadcast %sub3A_1021 : f32 to vector<16xf32>
      %sub3A_1023 = arith.subf %sub3A_1022, %mul3A_1020 : vector<16xf32>
      %mul3A_1024 = arith.mulf %mul3A_1018, %sub3A_1023 : vector<16xf32>
      %mul3A_1025 = arith.mulf %mul3A_1012, %mul3A_1024 : vector<16xf32>
      %mul3A_1026 = arith.mulf %mul3A_1025, %mul3A_1024 : vector<16xf32>
      %sub3A_1027 = arith.constant 1.500000e+00 : f32
      %sub3A_1028 = vector.broadcast %sub3A_1027 : f32 to vector<16xf32>
      %sub3A_1029 = arith.subf %sub3A_1028, %mul3A_1026 : vector<16xf32>
      %mul3A_1030 = arith.mulf %mul3A_1024, %sub3A_1029 : vector<16xf32>
      %mul3A_1031 = arith.mulf %add3A_990, %mul3A_1030 : vector<16xf32>
      %sub3A_1032 = arith.constant 6.000000e+00 : f32
      %sub3A_1033 = vector.broadcast %sub3A_1032 : f32 to vector<16xf32>
      %sub3A_1034 = arith.subf %sub3A_1033, %mul3A_1031 : vector<16xf32>
      %max3A_1035 = arith.constant 0.000000e+00 : f32
      %max3A_1036 = vector.broadcast %max3A_1035 : f32 to vector<16xf32>
      %max3A_1037 = arith.maximumf %sub3A_1034, %max3A_1036 : vector<16xf32>
      %mul3A_1038 = arith.mulf %max3A_1037, %max3A_1037 : vector<16xf32>
      %mul3A_1039 = arith.mulf %mul3A_1038, %select_n3A_998 : vector<16xf32>
      %add3A_1040 = arith.addf %add3A_915, %mul3A_1039 : vector<16xf32>
      %add3A_1041 = arith.addf %add3A_916, %select_n3A_998 : vector<16xf32>
      %eq3A_1042 = arith.constant 2 : i32
      %eq3A_1043 = vector.broadcast %eq3A_1042 : i32 to vector<16xi32>
      %eq3A_1044 = arith.cmpi eq, %iota3A, %eq3A_1043 : vector<16xi32>
      %jit3A_1045 = arith.constant 0.000000e+00 : f32
      %broadcast_in_dim3A_1046 = vector.broadcast %jit3A_1045 : f32 to vector<16xf32>
      %select_n3A_1047 = arith.select %eq3A_1044, %mul3A_674, %broadcast_in_dim3A_1046 : vector<16xi1>, vector<16xf32>
      %reduce_sum3A_1048 = arith.constant true
      %reduce_sum3A_1049 = vector.broadcast %reduce_sum3A_1048 : i1 to vector<16xi1>
      %reduce_sum3A_1050 = tpu.scan <sum>, %select_n3A_1047 masked %reduce_sum3A_1049 : vector<16xf32>, vector<16xi1> -> vector<16xf32>
      %reduce_sum3A_1051 = vector.extract %reduce_sum3A_1050[15] : f32 from vector<16xf32>
      %eq3A_1052 = arith.constant 2 : i32
      %eq3A_1053 = vector.broadcast %eq3A_1052 : i32 to vector<16xi32>
      %eq3A_1054 = arith.cmpi eq, %iota3A, %eq3A_1053 : vector<16xi32>
      %jit3A_1055 = arith.constant 0.000000e+00 : f32
      %broadcast_in_dim3A_1056 = vector.broadcast %jit3A_1055 : f32 to vector<16xf32>
      %select_n3A_1057 = arith.select %eq3A_1054, %mul3A_700, %broadcast_in_dim3A_1056 : vector<16xi1>, vector<16xf32>
      %reduce_sum3A_1058 = arith.constant true
      %reduce_sum3A_1059 = vector.broadcast %reduce_sum3A_1058 : i1 to vector<16xi1>
      %reduce_sum3A_1060 = tpu.scan <sum>, %select_n3A_1057 masked %reduce_sum3A_1059 : vector<16xf32>, vector<16xi1> -> vector<16xf32>
      %reduce_sum3A_1061 = vector.extract %reduce_sum3A_1060[15] : f32 from vector<16xf32>
      %eq3A_1062 = arith.constant 2 : i32
      %eq3A_1063 = vector.broadcast %eq3A_1062 : i32 to vector<16xi32>
      %eq3A_1064 = arith.cmpi eq, %iota3A, %eq3A_1063 : vector<16xi32>
      %jit3A_1065 = arith.constant 0.000000e+00 : f32
      %broadcast_in_dim3A_1066 = vector.broadcast %jit3A_1065 : f32 to vector<16xf32>
      %select_n3A_1067 = arith.select %eq3A_1064, %mul3A_726, %broadcast_in_dim3A_1066 : vector<16xi1>, vector<16xf32>
      %reduce_sum3A_1068 = arith.constant true
      %reduce_sum3A_1069 = vector.broadcast %reduce_sum3A_1068 : i1 to vector<16xi1>
      %reduce_sum3A_1070 = tpu.scan <sum>, %select_n3A_1067 masked %reduce_sum3A_1069 : vector<16xf32>, vector<16xi1> -> vector<16xf32>
      %reduce_sum3A_1071 = vector.extract %reduce_sum3A_1070[15] : f32 from vector<16xf32>
      %eq3A_1072 = arith.constant 2 : i32
      %eq3A_1073 = vector.broadcast %eq3A_1072 : i32 to vector<16xi32>
      %eq3A_1074 = arith.cmpi eq, %iota3A, %eq3A_1073 : vector<16xi32>
      %jit3A_1075 = arith.constant 0.000000e+00 : f32
      %broadcast_in_dim3A_1076 = vector.broadcast %jit3A_1075 : f32 to vector<16xf32>
      %select_n3A_1077 = arith.select %eq3A_1074, %mul3A_752, %broadcast_in_dim3A_1076 : vector<16xi1>, vector<16xf32>
      %reduce_sum3A_1078 = arith.constant true
      %reduce_sum3A_1079 = vector.broadcast %reduce_sum3A_1078 : i1 to vector<16xi1>
      %reduce_sum3A_1080 = tpu.scan <sum>, %select_n3A_1077 masked %reduce_sum3A_1079 : vector<16xf32>, vector<16xi1> -> vector<16xf32>
      %reduce_sum3A_1081 = vector.extract %reduce_sum3A_1080[15] : f32 from vector<16xf32>
      %eq3A_1082 = arith.constant 2 : i32
      %eq3A_1083 = vector.broadcast %eq3A_1082 : i32 to vector<16xi32>
      %eq3A_1084 = arith.cmpi eq, %iota3A, %eq3A_1083 : vector<16xi32>
      %jit3A_1085 = arith.constant 0.000000e+00 : f32
      %broadcast_in_dim3A_1086 = vector.broadcast %jit3A_1085 : f32 to vector<16xf32>
      %select_n3A_1087 = arith.select %eq3A_1084, %select_n3A_635, %broadcast_in_dim3A_1086 : vector<16xi1>, vector<16xf32>
      %reduce_sum3A_1088 = arith.constant true
      %reduce_sum3A_1089 = vector.broadcast %reduce_sum3A_1088 : i1 to vector<16xi1>
      %reduce_sum3A_1090 = tpu.scan <sum>, %select_n3A_1087 masked %reduce_sum3A_1089 : vector<16xf32>, vector<16xi1> -> vector<16xf32>
      %reduce_sum3A_1091 = vector.extract %reduce_sum3A_1090[15] : f32 from vector<16xf32>
      %sub3A_1092 = vector.broadcast %reduce_sum3A_1051 : f32 to vector<16xf32>
      %sub3A_1093 = arith.subf %mul3A_674, %sub3A_1092 : vector<16xf32>
      %abs3A_1094 = math.absf %sub3A_1093 : vector<16xf32>
      %add3A_1095 = arith.addf %broadcast_in_dim3A_0, %abs3A_1094 : vector<16xf32>
      %mul3A_1096 = arith.mulf %sub3A_1093, %sub3A_1093 : vector<16xf32>
      %add3A_1097 = arith.addf %broadcast_in_dim3A_0, %mul3A_1096 : vector<16xf32>
      %sub3A_1098 = vector.broadcast %reduce_sum3A_1061 : f32 to vector<16xf32>
      %sub3A_1099 = arith.subf %mul3A_700, %sub3A_1098 : vector<16xf32>
      %abs3A_1100 = math.absf %sub3A_1099 : vector<16xf32>
      %add3A_1101 = arith.addf %add3A_1095, %abs3A_1100 : vector<16xf32>
      %mul3A_1102 = arith.mulf %sub3A_1099, %sub3A_1099 : vector<16xf32>
      %add3A_1103 = arith.addf %add3A_1097, %mul3A_1102 : vector<16xf32>
      %sub3A_1104 = vector.broadcast %reduce_sum3A_1071 : f32 to vector<16xf32>
      %sub3A_1105 = arith.subf %mul3A_726, %sub3A_1104 : vector<16xf32>
      %abs3A_1106 = math.absf %sub3A_1105 : vector<16xf32>
      %add3A_1107 = arith.addf %add3A_1101, %abs3A_1106 : vector<16xf32>
      %mul3A_1108 = arith.mulf %sub3A_1105, %sub3A_1105 : vector<16xf32>
      %add3A_1109 = arith.addf %add3A_1103, %mul3A_1108 : vector<16xf32>
      %sub3A_1110 = vector.broadcast %reduce_sum3A_1081 : f32 to vector<16xf32>
      %sub3A_1111 = arith.subf %mul3A_752, %sub3A_1110 : vector<16xf32>
      %abs3A_1112 = math.absf %sub3A_1111 : vector<16xf32>
      %add3A_1113 = arith.addf %add3A_1107, %abs3A_1112 : vector<16xf32>
      %mul3A_1114 = arith.mulf %sub3A_1111, %sub3A_1111 : vector<16xf32>
      %add3A_1115 = arith.addf %add3A_1109, %mul3A_1114 : vector<16xf32>
      %ne3A_1116 = arith.constant 0.000000e+00 : f32
      %ne3A_1117 = vector.broadcast %ne3A_1116 : f32 to vector<16xf32>
      %ne3A_1118 = arith.cmpf one, %add3A_1113, %ne3A_1117 : vector<16xf32>
      %and3A_1119 = arith.andi %ne3A_1118, %gt3A_630 : vector<16xi1>
      %jit3A_1120 = arith.constant 0.000000e+00 : f32
      %broadcast_in_dim3A_1121 = vector.broadcast %reduce_sum3A_1091 : f32 to vector<16xf32>
      %broadcast_in_dim3A_1122 = vector.broadcast %jit3A_1120 : f32 to vector<16xf32>
      %select_n3A_1123 = arith.select %and3A_1119, %broadcast_in_dim3A_1121, %broadcast_in_dim3A_1122 : vector<16xi1>, vector<16xf32>
      %max3A_1124 = arith.constant 1.000000e-30 : f32
      %max3A_1125 = vector.broadcast %max3A_1124 : f32 to vector<16xf32>
      %max3A_1126 = arith.maximumf %add3A_1115, %max3A_1125 : vector<16xf32>
      %bitcast3A_1127 = vector.bitcast %max3A_1126 : vector<16xf32> to vector<16xi32>
      %shift_right_arithmetic3A_1128 = arith.constant 1 : i32
      %shift_right_arithmetic3A_1129 = vector.broadcast %shift_right_arithmetic3A_1128 : i32 to vector<16xi32>
      %shift_right_arithmetic3A_1130 = arith.shrsi %bitcast3A_1127, %shift_right_arithmetic3A_1129 : vector<16xi32>
      %sub3A_1131 = arith.constant 1597463007 : i32
      %sub3A_1132 = vector.broadcast %sub3A_1131 : i32 to vector<16xi32>
      %sub3A_1133 = arith.subi %sub3A_1132, %shift_right_arithmetic3A_1130 : vector<16xi32>
      %bitcast3A_1134 = vector.bitcast %sub3A_1133 : vector<16xi32> to vector<16xf32>
      %mul3A_1135 = arith.constant 5.000000e-01 : f32
      %mul3A_1136 = vector.broadcast %mul3A_1135 : f32 to vector<16xf32>
      %mul3A_1137 = arith.mulf %max3A_1126, %mul3A_1136 : vector<16xf32>
      %mul3A_1138 = arith.mulf %mul3A_1137, %bitcast3A_1134 : vector<16xf32>
      %mul3A_1139 = arith.mulf %mul3A_1138, %bitcast3A_1134 : vector<16xf32>
      %sub3A_1140 = arith.constant 1.500000e+00 : f32
      %sub3A_1141 = vector.broadcast %sub3A_1140 : f32 to vector<16xf32>
      %sub3A_1142 = arith.subf %sub3A_1141, %mul3A_1139 : vector<16xf32>
      %mul3A_1143 = arith.mulf %bitcast3A_1134, %sub3A_1142 : vector<16xf32>
      %mul3A_1144 = arith.mulf %mul3A_1137, %mul3A_1143 : vector<16xf32>
      %mul3A_1145 = arith.mulf %mul3A_1144, %mul3A_1143 : vector<16xf32>
      %sub3A_1146 = arith.constant 1.500000e+00 : f32
      %sub3A_1147 = vector.broadcast %sub3A_1146 : f32 to vector<16xf32>
      %sub3A_1148 = arith.subf %sub3A_1147, %mul3A_1145 : vector<16xf32>
      %mul3A_1149 = arith.mulf %mul3A_1143, %sub3A_1148 : vector<16xf32>
      %mul3A_1150 = arith.mulf %mul3A_1137, %mul3A_1149 : vector<16xf32>
      %mul3A_1151 = arith.mulf %mul3A_1150, %mul3A_1149 : vector<16xf32>
      %sub3A_1152 = arith.constant 1.500000e+00 : f32
      %sub3A_1153 = vector.broadcast %sub3A_1152 : f32 to vector<16xf32>
      %sub3A_1154 = arith.subf %sub3A_1153, %mul3A_1151 : vector<16xf32>
      %mul3A_1155 = arith.mulf %mul3A_1149, %sub3A_1154 : vector<16xf32>
      %mul3A_1156 = arith.mulf %add3A_1115, %mul3A_1155 : vector<16xf32>
      %sub3A_1157 = arith.constant 6.000000e+00 : f32
      %sub3A_1158 = vector.broadcast %sub3A_1157 : f32 to vector<16xf32>
      %sub3A_1159 = arith.subf %sub3A_1158, %mul3A_1156 : vector<16xf32>
      %max3A_1160 = arith.constant 0.000000e+00 : f32
      %max3A_1161 = vector.broadcast %max3A_1160 : f32 to vector<16xf32>
      %max3A_1162 = arith.maximumf %sub3A_1159, %max3A_1161 : vector<16xf32>
      %mul3A_1163 = arith.mulf %max3A_1162, %max3A_1162 : vector<16xf32>
      %mul3A_1164 = arith.mulf %mul3A_1163, %select_n3A_1123 : vector<16xf32>
      %add3A_1165 = arith.addf %add3A_1040, %mul3A_1164 : vector<16xf32>
      %add3A_1166 = arith.addf %add3A_1041, %select_n3A_1123 : vector<16xf32>
      %eq3A_1167 = arith.constant 3 : i32
      %eq3A_1168 = vector.broadcast %eq3A_1167 : i32 to vector<16xi32>
      %eq3A_1169 = arith.cmpi eq, %iota3A, %eq3A_1168 : vector<16xi32>
      %jit3A_1170 = arith.constant 0.000000e+00 : f32
      %broadcast_in_dim3A_1171 = vector.broadcast %jit3A_1170 : f32 to vector<16xf32>
      %select_n3A_1172 = arith.select %eq3A_1169, %mul3A_674, %broadcast_in_dim3A_1171 : vector<16xi1>, vector<16xf32>
      %reduce_sum3A_1173 = arith.constant true
      %reduce_sum3A_1174 = vector.broadcast %reduce_sum3A_1173 : i1 to vector<16xi1>
      %reduce_sum3A_1175 = tpu.scan <sum>, %select_n3A_1172 masked %reduce_sum3A_1174 : vector<16xf32>, vector<16xi1> -> vector<16xf32>
      %reduce_sum3A_1176 = vector.extract %reduce_sum3A_1175[15] : f32 from vector<16xf32>
      %eq3A_1177 = arith.constant 3 : i32
      %eq3A_1178 = vector.broadcast %eq3A_1177 : i32 to vector<16xi32>
      %eq3A_1179 = arith.cmpi eq, %iota3A, %eq3A_1178 : vector<16xi32>
      %jit3A_1180 = arith.constant 0.000000e+00 : f32
      %broadcast_in_dim3A_1181 = vector.broadcast %jit3A_1180 : f32 to vector<16xf32>
      %select_n3A_1182 = arith.select %eq3A_1179, %mul3A_700, %broadcast_in_dim3A_1181 : vector<16xi1>, vector<16xf32>
      %reduce_sum3A_1183 = arith.constant true
      %reduce_sum3A_1184 = vector.broadcast %reduce_sum3A_1183 : i1 to vector<16xi1>
      %reduce_sum3A_1185 = tpu.scan <sum>, %select_n3A_1182 masked %reduce_sum3A_1184 : vector<16xf32>, vector<16xi1> -> vector<16xf32>
      %reduce_sum3A_1186 = vector.extract %reduce_sum3A_1185[15] : f32 from vector<16xf32>
      %eq3A_1187 = arith.constant 3 : i32
      %eq3A_1188 = vector.broadcast %eq3A_1187 : i32 to vector<16xi32>
      %eq3A_1189 = arith.cmpi eq, %iota3A, %eq3A_1188 : vector<16xi32>
      %jit3A_1190 = arith.constant 0.000000e+00 : f32
      %broadcast_in_dim3A_1191 = vector.broadcast %jit3A_1190 : f32 to vector<16xf32>
      %select_n3A_1192 = arith.select %eq3A_1189, %mul3A_726, %broadcast_in_dim3A_1191 : vector<16xi1>, vector<16xf32>
      %reduce_sum3A_1193 = arith.constant true
      %reduce_sum3A_1194 = vector.broadcast %reduce_sum3A_1193 : i1 to vector<16xi1>
      %reduce_sum3A_1195 = tpu.scan <sum>, %select_n3A_1192 masked %reduce_sum3A_1194 : vector<16xf32>, vector<16xi1> -> vector<16xf32>
      %reduce_sum3A_1196 = vector.extract %reduce_sum3A_1195[15] : f32 from vector<16xf32>
      %eq3A_1197 = arith.constant 3 : i32
      %eq3A_1198 = vector.broadcast %eq3A_1197 : i32 to vector<16xi32>
      %eq3A_1199 = arith.cmpi eq, %iota3A, %eq3A_1198 : vector<16xi32>
      %jit3A_1200 = arith.constant 0.000000e+00 : f32
      %broadcast_in_dim3A_1201 = vector.broadcast %jit3A_1200 : f32 to vector<16xf32>
      %select_n3A_1202 = arith.select %eq3A_1199, %mul3A_752, %broadcast_in_dim3A_1201 : vector<16xi1>, vector<16xf32>
      %reduce_sum3A_1203 = arith.constant true
      %reduce_sum3A_1204 = vector.broadcast %reduce_sum3A_1203 : i1 to vector<16xi1>
      %reduce_sum3A_1205 = tpu.scan <sum>, %select_n3A_1202 masked %reduce_sum3A_1204 : vector<16xf32>, vector<16xi1> -> vector<16xf32>
      %reduce_sum3A_1206 = vector.extract %reduce_sum3A_1205[15] : f32 from vector<16xf32>
      %eq3A_1207 = arith.constant 3 : i32
      %eq3A_1208 = vector.broadcast %eq3A_1207 : i32 to vector<16xi32>
      %eq3A_1209 = arith.cmpi eq, %iota3A, %eq3A_1208 : vector<16xi32>
      %jit3A_1210 = arith.constant 0.000000e+00 : f32
      %broadcast_in_dim3A_1211 = vector.broadcast %jit3A_1210 : f32 to vector<16xf32>
      %select_n3A_1212 = arith.select %eq3A_1209, %select_n3A_635, %broadcast_in_dim3A_1211 : vector<16xi1>, vector<16xf32>
      %reduce_sum3A_1213 = arith.constant true
      %reduce_sum3A_1214 = vector.broadcast %reduce_sum3A_1213 : i1 to vector<16xi1>
      %reduce_sum3A_1215 = tpu.scan <sum>, %select_n3A_1212 masked %reduce_sum3A_1214 : vector<16xf32>, vector<16xi1> -> vector<16xf32>
      %reduce_sum3A_1216 = vector.extract %reduce_sum3A_1215[15] : f32 from vector<16xf32>
      %sub3A_1217 = vector.broadcast %reduce_sum3A_1176 : f32 to vector<16xf32>
      %sub3A_1218 = arith.subf %mul3A_674, %sub3A_1217 : vector<16xf32>
      %abs3A_1219 = math.absf %sub3A_1218 : vector<16xf32>
      %add3A_1220 = arith.addf %broadcast_in_dim3A_0, %abs3A_1219 : vector<16xf32>
      %mul3A_1221 = arith.mulf %sub3A_1218, %sub3A_1218 : vector<16xf32>
      %add3A_1222 = arith.addf %broadcast_in_dim3A_0, %mul3A_1221 : vector<16xf32>
      %sub3A_1223 = vector.broadcast %reduce_sum3A_1186 : f32 to vector<16xf32>
      %sub3A_1224 = arith.subf %mul3A_700, %sub3A_1223 : vector<16xf32>
      %abs3A_1225 = math.absf %sub3A_1224 : vector<16xf32>
      %add3A_1226 = arith.addf %add3A_1220, %abs3A_1225 : vector<16xf32>
      %mul3A_1227 = arith.mulf %sub3A_1224, %sub3A_1224 : vector<16xf32>
      %add3A_1228 = arith.addf %add3A_1222, %mul3A_1227 : vector<16xf32>
      %sub3A_1229 = vector.broadcast %reduce_sum3A_1196 : f32 to vector<16xf32>
      %sub3A_1230 = arith.subf %mul3A_726, %sub3A_1229 : vector<16xf32>
      %abs3A_1231 = math.absf %sub3A_1230 : vector<16xf32>
      %add3A_1232 = arith.addf %add3A_1226, %abs3A_1231 : vector<16xf32>
      %mul3A_1233 = arith.mulf %sub3A_1230, %sub3A_1230 : vector<16xf32>
      %add3A_1234 = arith.addf %add3A_1228, %mul3A_1233 : vector<16xf32>
      %sub3A_1235 = vector.broadcast %reduce_sum3A_1206 : f32 to vector<16xf32>
      %sub3A_1236 = arith.subf %mul3A_752, %sub3A_1235 : vector<16xf32>
      %abs3A_1237 = math.absf %sub3A_1236 : vector<16xf32>
      %add3A_1238 = arith.addf %add3A_1232, %abs3A_1237 : vector<16xf32>
      %mul3A_1239 = arith.mulf %sub3A_1236, %sub3A_1236 : vector<16xf32>
      %add3A_1240 = arith.addf %add3A_1234, %mul3A_1239 : vector<16xf32>
      %ne3A_1241 = arith.constant 0.000000e+00 : f32
      %ne3A_1242 = vector.broadcast %ne3A_1241 : f32 to vector<16xf32>
      %ne3A_1243 = arith.cmpf one, %add3A_1238, %ne3A_1242 : vector<16xf32>
      %and3A_1244 = arith.andi %ne3A_1243, %gt3A_630 : vector<16xi1>
      %jit3A_1245 = arith.constant 0.000000e+00 : f32
      %broadcast_in_dim3A_1246 = vector.broadcast %reduce_sum3A_1216 : f32 to vector<16xf32>
      %broadcast_in_dim3A_1247 = vector.broadcast %jit3A_1245 : f32 to vector<16xf32>
      %select_n3A_1248 = arith.select %and3A_1244, %broadcast_in_dim3A_1246, %broadcast_in_dim3A_1247 : vector<16xi1>, vector<16xf32>
      %max3A_1249 = arith.constant 1.000000e-30 : f32
      %max3A_1250 = vector.broadcast %max3A_1249 : f32 to vector<16xf32>
      %max3A_1251 = arith.maximumf %add3A_1240, %max3A_1250 : vector<16xf32>
      %bitcast3A_1252 = vector.bitcast %max3A_1251 : vector<16xf32> to vector<16xi32>
      %shift_right_arithmetic3A_1253 = arith.constant 1 : i32
      %shift_right_arithmetic3A_1254 = vector.broadcast %shift_right_arithmetic3A_1253 : i32 to vector<16xi32>
      %shift_right_arithmetic3A_1255 = arith.shrsi %bitcast3A_1252, %shift_right_arithmetic3A_1254 : vector<16xi32>
      %sub3A_1256 = arith.constant 1597463007 : i32
      %sub3A_1257 = vector.broadcast %sub3A_1256 : i32 to vector<16xi32>
      %sub3A_1258 = arith.subi %sub3A_1257, %shift_right_arithmetic3A_1255 : vector<16xi32>
      %bitcast3A_1259 = vector.bitcast %sub3A_1258 : vector<16xi32> to vector<16xf32>
      %mul3A_1260 = arith.constant 5.000000e-01 : f32
      %mul3A_1261 = vector.broadcast %mul3A_1260 : f32 to vector<16xf32>
      %mul3A_1262 = arith.mulf %max3A_1251, %mul3A_1261 : vector<16xf32>
      %mul3A_1263 = arith.mulf %mul3A_1262, %bitcast3A_1259 : vector<16xf32>
      %mul3A_1264 = arith.mulf %mul3A_1263, %bitcast3A_1259 : vector<16xf32>
      %sub3A_1265 = arith.constant 1.500000e+00 : f32
      %sub3A_1266 = vector.broadcast %sub3A_1265 : f32 to vector<16xf32>
      %sub3A_1267 = arith.subf %sub3A_1266, %mul3A_1264 : vector<16xf32>
      %mul3A_1268 = arith.mulf %bitcast3A_1259, %sub3A_1267 : vector<16xf32>
      %mul3A_1269 = arith.mulf %mul3A_1262, %mul3A_1268 : vector<16xf32>
      %mul3A_1270 = arith.mulf %mul3A_1269, %mul3A_1268 : vector<16xf32>
      %sub3A_1271 = arith.constant 1.500000e+00 : f32
      %sub3A_1272 = vector.broadcast %sub3A_1271 : f32 to vector<16xf32>
      %sub3A_1273 = arith.subf %sub3A_1272, %mul3A_1270 : vector<16xf32>
      %mul3A_1274 = arith.mulf %mul3A_1268, %sub3A_1273 : vector<16xf32>
      %mul3A_1275 = arith.mulf %mul3A_1262, %mul3A_1274 : vector<16xf32>
      %mul3A_1276 = arith.mulf %mul3A_1275, %mul3A_1274 : vector<16xf32>
      %sub3A_1277 = arith.constant 1.500000e+00 : f32
      %sub3A_1278 = vector.broadcast %sub3A_1277 : f32 to vector<16xf32>
      %sub3A_1279 = arith.subf %sub3A_1278, %mul3A_1276 : vector<16xf32>
      %mul3A_1280 = arith.mulf %mul3A_1274, %sub3A_1279 : vector<16xf32>
      %mul3A_1281 = arith.mulf %add3A_1240, %mul3A_1280 : vector<16xf32>
      %sub3A_1282 = arith.constant 6.000000e+00 : f32
      %sub3A_1283 = vector.broadcast %sub3A_1282 : f32 to vector<16xf32>
      %sub3A_1284 = arith.subf %sub3A_1283, %mul3A_1281 : vector<16xf32>
      %max3A_1285 = arith.constant 0.000000e+00 : f32
      %max3A_1286 = vector.broadcast %max3A_1285 : f32 to vector<16xf32>
      %max3A_1287 = arith.maximumf %sub3A_1284, %max3A_1286 : vector<16xf32>
      %mul3A_1288 = arith.mulf %max3A_1287, %max3A_1287 : vector<16xf32>
      %mul3A_1289 = arith.mulf %mul3A_1288, %select_n3A_1248 : vector<16xf32>
      %add3A_1290 = arith.addf %add3A_1165, %mul3A_1289 : vector<16xf32>
      %add3A_1291 = arith.addf %add3A_1166, %select_n3A_1248 : vector<16xf32>
      %eq3A_1292 = arith.constant 4 : i32
      %eq3A_1293 = vector.broadcast %eq3A_1292 : i32 to vector<16xi32>
      %eq3A_1294 = arith.cmpi eq, %iota3A, %eq3A_1293 : vector<16xi32>
      %jit3A_1295 = arith.constant 0.000000e+00 : f32
      %broadcast_in_dim3A_1296 = vector.broadcast %jit3A_1295 : f32 to vector<16xf32>
      %select_n3A_1297 = arith.select %eq3A_1294, %mul3A_674, %broadcast_in_dim3A_1296 : vector<16xi1>, vector<16xf32>
      %reduce_sum3A_1298 = arith.constant true
      %reduce_sum3A_1299 = vector.broadcast %reduce_sum3A_1298 : i1 to vector<16xi1>
      %reduce_sum3A_1300 = tpu.scan <sum>, %select_n3A_1297 masked %reduce_sum3A_1299 : vector<16xf32>, vector<16xi1> -> vector<16xf32>
      %reduce_sum3A_1301 = vector.extract %reduce_sum3A_1300[15] : f32 from vector<16xf32>
      %eq3A_1302 = arith.constant 4 : i32
      %eq3A_1303 = vector.broadcast %eq3A_1302 : i32 to vector<16xi32>
      %eq3A_1304 = arith.cmpi eq, %iota3A, %eq3A_1303 : vector<16xi32>
      %jit3A_1305 = arith.constant 0.000000e+00 : f32
      %broadcast_in_dim3A_1306 = vector.broadcast %jit3A_1305 : f32 to vector<16xf32>
      %select_n3A_1307 = arith.select %eq3A_1304, %mul3A_700, %broadcast_in_dim3A_1306 : vector<16xi1>, vector<16xf32>
      %reduce_sum3A_1308 = arith.constant true
      %reduce_sum3A_1309 = vector.broadcast %reduce_sum3A_1308 : i1 to vector<16xi1>
      %reduce_sum3A_1310 = tpu.scan <sum>, %select_n3A_1307 masked %reduce_sum3A_1309 : vector<16xf32>, vector<16xi1> -> vector<16xf32>
      %reduce_sum3A_1311 = vector.extract %reduce_sum3A_1310[15] : f32 from vector<16xf32>
      %eq3A_1312 = arith.constant 4 : i32
      %eq3A_1313 = vector.broadcast %eq3A_1312 : i32 to vector<16xi32>
      %eq3A_1314 = arith.cmpi eq, %iota3A, %eq3A_1313 : vector<16xi32>
      %jit3A_1315 = arith.constant 0.000000e+00 : f32
      %broadcast_in_dim3A_1316 = vector.broadcast %jit3A_1315 : f32 to vector<16xf32>
      %select_n3A_1317 = arith.select %eq3A_1314, %mul3A_726, %broadcast_in_dim3A_1316 : vector<16xi1>, vector<16xf32>
      %reduce_sum3A_1318 = arith.constant true
      %reduce_sum3A_1319 = vector.broadcast %reduce_sum3A_1318 : i1 to vector<16xi1>
      %reduce_sum3A_1320 = tpu.scan <sum>, %select_n3A_1317 masked %reduce_sum3A_1319 : vector<16xf32>, vector<16xi1> -> vector<16xf32>
      %reduce_sum3A_1321 = vector.extract %reduce_sum3A_1320[15] : f32 from vector<16xf32>
      %eq3A_1322 = arith.constant 4 : i32
      %eq3A_1323 = vector.broadcast %eq3A_1322 : i32 to vector<16xi32>
      %eq3A_1324 = arith.cmpi eq, %iota3A, %eq3A_1323 : vector<16xi32>
      %jit3A_1325 = arith.constant 0.000000e+00 : f32
      %broadcast_in_dim3A_1326 = vector.broadcast %jit3A_1325 : f32 to vector<16xf32>
      %select_n3A_1327 = arith.select %eq3A_1324, %mul3A_752, %broadcast_in_dim3A_1326 : vector<16xi1>, vector<16xf32>
      %reduce_sum3A_1328 = arith.constant true
      %reduce_sum3A_1329 = vector.broadcast %reduce_sum3A_1328 : i1 to vector<16xi1>
      %reduce_sum3A_1330 = tpu.scan <sum>, %select_n3A_1327 masked %reduce_sum3A_1329 : vector<16xf32>, vector<16xi1> -> vector<16xf32>
      %reduce_sum3A_1331 = vector.extract %reduce_sum3A_1330[15] : f32 from vector<16xf32>
      %eq3A_1332 = arith.constant 4 : i32
      %eq3A_1333 = vector.broadcast %eq3A_1332 : i32 to vector<16xi32>
      %eq3A_1334 = arith.cmpi eq, %iota3A, %eq3A_1333 : vector<16xi32>
      %jit3A_1335 = arith.constant 0.000000e+00 : f32
      %broadcast_in_dim3A_1336 = vector.broadcast %jit3A_1335 : f32 to vector<16xf32>
      %select_n3A_1337 = arith.select %eq3A_1334, %select_n3A_635, %broadcast_in_dim3A_1336 : vector<16xi1>, vector<16xf32>
      %reduce_sum3A_1338 = arith.constant true
      %reduce_sum3A_1339 = vector.broadcast %reduce_sum3A_1338 : i1 to vector<16xi1>
      %reduce_sum3A_1340 = tpu.scan <sum>, %select_n3A_1337 masked %reduce_sum3A_1339 : vector<16xf32>, vector<16xi1> -> vector<16xf32>
      %reduce_sum3A_1341 = vector.extract %reduce_sum3A_1340[15] : f32 from vector<16xf32>
      %sub3A_1342 = vector.broadcast %reduce_sum3A_1301 : f32 to vector<16xf32>
      %sub3A_1343 = arith.subf %mul3A_674, %sub3A_1342 : vector<16xf32>
      %abs3A_1344 = math.absf %sub3A_1343 : vector<16xf32>
      %add3A_1345 = arith.addf %broadcast_in_dim3A_0, %abs3A_1344 : vector<16xf32>
      %mul3A_1346 = arith.mulf %sub3A_1343, %sub3A_1343 : vector<16xf32>
      %add3A_1347 = arith.addf %broadcast_in_dim3A_0, %mul3A_1346 : vector<16xf32>
      %sub3A_1348 = vector.broadcast %reduce_sum3A_1311 : f32 to vector<16xf32>
      %sub3A_1349 = arith.subf %mul3A_700, %sub3A_1348 : vector<16xf32>
      %abs3A_1350 = math.absf %sub3A_1349 : vector<16xf32>
      %add3A_1351 = arith.addf %add3A_1345, %abs3A_1350 : vector<16xf32>
      %mul3A_1352 = arith.mulf %sub3A_1349, %sub3A_1349 : vector<16xf32>
      %add3A_1353 = arith.addf %add3A_1347, %mul3A_1352 : vector<16xf32>
      %sub3A_1354 = vector.broadcast %reduce_sum3A_1321 : f32 to vector<16xf32>
      %sub3A_1355 = arith.subf %mul3A_726, %sub3A_1354 : vector<16xf32>
      %abs3A_1356 = math.absf %sub3A_1355 : vector<16xf32>
      %add3A_1357 = arith.addf %add3A_1351, %abs3A_1356 : vector<16xf32>
      %mul3A_1358 = arith.mulf %sub3A_1355, %sub3A_1355 : vector<16xf32>
      %add3A_1359 = arith.addf %add3A_1353, %mul3A_1358 : vector<16xf32>
      %sub3A_1360 = vector.broadcast %reduce_sum3A_1331 : f32 to vector<16xf32>
      %sub3A_1361 = arith.subf %mul3A_752, %sub3A_1360 : vector<16xf32>
      %abs3A_1362 = math.absf %sub3A_1361 : vector<16xf32>
      %add3A_1363 = arith.addf %add3A_1357, %abs3A_1362 : vector<16xf32>
      %mul3A_1364 = arith.mulf %sub3A_1361, %sub3A_1361 : vector<16xf32>
      %add3A_1365 = arith.addf %add3A_1359, %mul3A_1364 : vector<16xf32>
      %ne3A_1366 = arith.constant 0.000000e+00 : f32
      %ne3A_1367 = vector.broadcast %ne3A_1366 : f32 to vector<16xf32>
      %ne3A_1368 = arith.cmpf one, %add3A_1363, %ne3A_1367 : vector<16xf32>
      %and3A_1369 = arith.andi %ne3A_1368, %gt3A_630 : vector<16xi1>
      %jit3A_1370 = arith.constant 0.000000e+00 : f32
      %broadcast_in_dim3A_1371 = vector.broadcast %reduce_sum3A_1341 : f32 to vector<16xf32>
      %broadcast_in_dim3A_1372 = vector.broadcast %jit3A_1370 : f32 to vector<16xf32>
      %select_n3A_1373 = arith.select %and3A_1369, %broadcast_in_dim3A_1371, %broadcast_in_dim3A_1372 : vector<16xi1>, vector<16xf32>
      %max3A_1374 = arith.constant 1.000000e-30 : f32
      %max3A_1375 = vector.broadcast %max3A_1374 : f32 to vector<16xf32>
      %max3A_1376 = arith.maximumf %add3A_1365, %max3A_1375 : vector<16xf32>
      %bitcast3A_1377 = vector.bitcast %max3A_1376 : vector<16xf32> to vector<16xi32>
      %shift_right_arithmetic3A_1378 = arith.constant 1 : i32
      %shift_right_arithmetic3A_1379 = vector.broadcast %shift_right_arithmetic3A_1378 : i32 to vector<16xi32>
      %shift_right_arithmetic3A_1380 = arith.shrsi %bitcast3A_1377, %shift_right_arithmetic3A_1379 : vector<16xi32>
      %sub3A_1381 = arith.constant 1597463007 : i32
      %sub3A_1382 = vector.broadcast %sub3A_1381 : i32 to vector<16xi32>
      %sub3A_1383 = arith.subi %sub3A_1382, %shift_right_arithmetic3A_1380 : vector<16xi32>
      %bitcast3A_1384 = vector.bitcast %sub3A_1383 : vector<16xi32> to vector<16xf32>
      %mul3A_1385 = arith.constant 5.000000e-01 : f32
      %mul3A_1386 = vector.broadcast %mul3A_1385 : f32 to vector<16xf32>
      %mul3A_1387 = arith.mulf %max3A_1376, %mul3A_1386 : vector<16xf32>
      %mul3A_1388 = arith.mulf %mul3A_1387, %bitcast3A_1384 : vector<16xf32>
      %mul3A_1389 = arith.mulf %mul3A_1388, %bitcast3A_1384 : vector<16xf32>
      %sub3A_1390 = arith.constant 1.500000e+00 : f32
      %sub3A_1391 = vector.broadcast %sub3A_1390 : f32 to vector<16xf32>
      %sub3A_1392 = arith.subf %sub3A_1391, %mul3A_1389 : vector<16xf32>
      %mul3A_1393 = arith.mulf %bitcast3A_1384, %sub3A_1392 : vector<16xf32>
      %mul3A_1394 = arith.mulf %mul3A_1387, %mul3A_1393 : vector<16xf32>
      %mul3A_1395 = arith.mulf %mul3A_1394, %mul3A_1393 : vector<16xf32>
      %sub3A_1396 = arith.constant 1.500000e+00 : f32
      %sub3A_1397 = vector.broadcast %sub3A_1396 : f32 to vector<16xf32>
      %sub3A_1398 = arith.subf %sub3A_1397, %mul3A_1395 : vector<16xf32>
      %mul3A_1399 = arith.mulf %mul3A_1393, %sub3A_1398 : vector<16xf32>
      %mul3A_1400 = arith.mulf %mul3A_1387, %mul3A_1399 : vector<16xf32>
      %mul3A_1401 = arith.mulf %mul3A_1400, %mul3A_1399 : vector<16xf32>
      %sub3A_1402 = arith.constant 1.500000e+00 : f32
      %sub3A_1403 = vector.broadcast %sub3A_1402 : f32 to vector<16xf32>
      %sub3A_1404 = arith.subf %sub3A_1403, %mul3A_1401 : vector<16xf32>
      %mul3A_1405 = arith.mulf %mul3A_1399, %sub3A_1404 : vector<16xf32>
      %mul3A_1406 = arith.mulf %add3A_1365, %mul3A_1405 : vector<16xf32>
      %sub3A_1407 = arith.constant 6.000000e+00 : f32
      %sub3A_1408 = vector.broadcast %sub3A_1407 : f32 to vector<16xf32>
      %sub3A_1409 = arith.subf %sub3A_1408, %mul3A_1406 : vector<16xf32>
      %max3A_1410 = arith.constant 0.000000e+00 : f32
      %max3A_1411 = vector.broadcast %max3A_1410 : f32 to vector<16xf32>
      %max3A_1412 = arith.maximumf %sub3A_1409, %max3A_1411 : vector<16xf32>
      %mul3A_1413 = arith.mulf %max3A_1412, %max3A_1412 : vector<16xf32>
      %mul3A_1414 = arith.mulf %mul3A_1413, %select_n3A_1373 : vector<16xf32>
      %add3A_1415 = arith.addf %add3A_1290, %mul3A_1414 : vector<16xf32>
      %add3A_1416 = arith.addf %add3A_1291, %select_n3A_1373 : vector<16xf32>
      %reduce_sum3A_1417 = arith.constant true
      %reduce_sum3A_1418 = vector.broadcast %reduce_sum3A_1417 : i1 to vector<16xi1>
      %reduce_sum3A_1419 = tpu.scan <sum>, %add3A_1416 masked %reduce_sum3A_1418 : vector<16xf32>, vector<16xi1> -> vector<16xf32>
      %reduce_sum3A_1420 = vector.extract %reduce_sum3A_1419[15] : f32 from vector<16xf32>
      %broadcast_in_dim3A_1421 = vector.broadcast %reduce_sum3A_1420 : f32 to vector<16xf32>
      %div3A_1422 = arith.divf %add3A_1415, %broadcast_in_dim3A_1421 : vector<16xf32>
      %add3A_1423 = arith.addf %scan3A_198, %div3A_1422 : vector<16xf32>
      %scan3A_1424 = arith.constant 0 : i32
      %scan3A_1425 = arith.constant 512 : i32
      %scan3A_1426 = arith.addi %scan3A_1424, %scan3A_1425 : i32
      %scan3A_1427 = arith.constant 1 : i32
      %scan3A_1428 = scf.for %scan3A_1451 = %scan3A_1424 to %scan3A_1426 step %scan3A_1427 iter_args(%scan3A_1452 = %broadcast_in_dim3A_0) -> (vector<16xf32>)  : i32 {
        %shift_right_arithmetic3A_1453 = arith.constant 5 : i32
        %shift_right_arithmetic3A_1454 = arith.shrsi %scan3A_1451, %shift_right_arithmetic3A_1453 : i32
        %and3A_1455 = arith.constant 31 : i32
        %and3A_1456 = arith.andi %scan3A_1451, %and3A_1455 : i32
        %mul3A_1457 = arith.constant 16 : i32
        %mul3A_1458 = arith.muli %and3A_1456, %mul3A_1457 : i32
        %get3A = arith.constant 0 : i32
        %get3A_1459 = arith.index_cast %get3A : i32 to index
        %get3A_1460 = arith.index_cast %shift_right_arithmetic3A_1454 : i32 to index
        %get3A_1461 = arith.index_cast %mul3A_1458 : i32 to index
        %get3A_1462 = tpu.vector_load %arg5[%get3A_1459, %get3A_1460, %get3A_1461] {strides = array<i32>} : memref<2x16x512xi32, #tpu.memory_space<vmem>>, vector<16xi32>,
        %broadcast_in_dim3A_1463 = vector.shape_cast %get3A_1462 : vector<16xi32> to vector<16x1xi32>
        %gather3A = vector.shape_cast %broadcast_in_dim3A_1463 : vector<16x1xi32> to vector<16xi32>
        %gather3A_1464 = tpu.dynamic_gather %mul3A_674[%gather3A] in [0] : vector<16xf32>, vector<16xi32> -> vector<16xf32>
        %get3A_1465 = arith.constant 0 : i32
        %get3A_1466 = arith.constant 0 : i32
        %get3A_1467 = arith.index_cast %get3A_1465 : i32 to index
        %get3A_1468 = arith.index_cast %get3A_1466 : i32 to index
        %get3A_1469 = arith.index_cast %shift_right_arithmetic3A_1454 : i32 to index
        %get3A_1470 = arith.index_cast %mul3A_1458 : i32 to index
        %get3A_1471 = tpu.vector_load %arg6[%get3A_1467, %get3A_1468, %get3A_1469, %get3A_1470] {strides = array<i32>} : memref<2x4x16x512xf32, #tpu.memory_space<vmem>>, vector<16xf32>,
        %sub3A_1472 = arith.subf %get3A_1471, %gather3A_1464 : vector<16xf32>
        %mul3A_1473 = arith.mulf %sub3A_1472, %sub3A_1472 : vector<16xf32>
        %add3A_1474 = arith.addf %broadcast_in_dim3A_0, %mul3A_1473 : vector<16xf32>
        %broadcast_in_dim3A_1475 = vector.shape_cast %get3A_1462 : vector<16xi32> to vector<16x1xi32>
        %gather3A_1476 = vector.shape_cast %broadcast_in_dim3A_1475 : vector<16x1xi32> to vector<16xi32>
        %gather3A_1477 = tpu.dynamic_gather %mul3A_700[%gather3A_1476] in [0] : vector<16xf32>, vector<16xi32> -> vector<16xf32>
        %get3A_1478 = arith.constant 0 : i32
        %get3A_1479 = arith.constant 1 : i32
        %get3A_1480 = arith.index_cast %get3A_1478 : i32 to index
        %get3A_1481 = arith.index_cast %get3A_1479 : i32 to index
        %get3A_1482 = arith.index_cast %shift_right_arithmetic3A_1454 : i32 to index
        %get3A_1483 = arith.index_cast %mul3A_1458 : i32 to index
        %get3A_1484 = tpu.vector_load %arg6[%get3A_1480, %get3A_1481, %get3A_1482, %get3A_1483] {strides = array<i32>} : memref<2x4x16x512xf32, #tpu.memory_space<vmem>>, vector<16xf32>,
        %sub3A_1485 = arith.subf %get3A_1484, %gather3A_1477 : vector<16xf32>
        %mul3A_1486 = arith.mulf %sub3A_1485, %sub3A_1485 : vector<16xf32>
        %add3A_1487 = arith.addf %add3A_1474, %mul3A_1486 : vector<16xf32>
        %broadcast_in_dim3A_1488 = vector.shape_cast %get3A_1462 : vector<16xi32> to vector<16x1xi32>
        %gather3A_1489 = vector.shape_cast %broadcast_in_dim3A_1488 : vector<16x1xi32> to vector<16xi32>
        %gather3A_1490 = tpu.dynamic_gather %mul3A_726[%gather3A_1489] in [0] : vector<16xf32>, vector<16xi32> -> vector<16xf32>
        %get3A_1491 = arith.constant 0 : i32
        %get3A_1492 = arith.constant 2 : i32
        %get3A_1493 = arith.index_cast %get3A_1491 : i32 to index
        %get3A_1494 = arith.index_cast %get3A_1492 : i32 to index
        %get3A_1495 = arith.index_cast %shift_right_arithmetic3A_1454 : i32 to index
        %get3A_1496 = arith.index_cast %mul3A_1458 : i32 to index
        %get3A_1497 = tpu.vector_load %arg6[%get3A_1493, %get3A_1494, %get3A_1495, %get3A_1496] {strides = array<i32>} : memref<2x4x16x512xf32, #tpu.memory_space<vmem>>, vector<16xf32>,
        %sub3A_1498 = arith.subf %get3A_1497, %gather3A_1490 : vector<16xf32>
        %mul3A_1499 = arith.mulf %sub3A_1498, %sub3A_1498 : vector<16xf32>
        %add3A_1500 = arith.addf %add3A_1487, %mul3A_1499 : vector<16xf32>
        %broadcast_in_dim3A_1501 = vector.shape_cast %get3A_1462 : vector<16xi32> to vector<16x1xi32>
        %gather3A_1502 = vector.shape_cast %broadcast_in_dim3A_1501 : vector<16x1xi32> to vector<16xi32>
        %gather3A_1503 = tpu.dynamic_gather %mul3A_752[%gather3A_1502] in [0] : vector<16xf32>, vector<16xi32> -> vector<16xf32>
        %get3A_1504 = arith.constant 0 : i32
        %get3A_1505 = arith.constant 3 : i32
        %get3A_1506 = arith.index_cast %get3A_1504 : i32 to index
        %get3A_1507 = arith.index_cast %get3A_1505 : i32 to index
        %get3A_1508 = arith.index_cast %shift_right_arithmetic3A_1454 : i32 to index
        %get3A_1509 = arith.index_cast %mul3A_1458 : i32 to index
        %get3A_1510 = tpu.vector_load %arg6[%get3A_1506, %get3A_1507, %get3A_1508, %get3A_1509] {strides = array<i32>} : memref<2x4x16x512xf32, #tpu.memory_space<vmem>>, vector<16xf32>,
        %sub3A_1511 = arith.subf %get3A_1510, %gather3A_1503 : vector<16xf32>
        %mul3A_1512 = arith.mulf %sub3A_1511, %sub3A_1511 : vector<16xf32>
        %add3A_1513 = arith.addf %add3A_1500, %mul3A_1512 : vector<16xf32>
        %broadcast_in_dim3A_1514 = vector.shape_cast %get3A_1462 : vector<16xi32> to vector<16x1xi32>
        %gather3A_1515 = vector.shape_cast %broadcast_in_dim3A_1514 : vector<16x1xi32> to vector<16xi32>
        %gather3A_1516 = tpu.dynamic_gather %div3A_640[%gather3A_1515] in [0] : vector<16xf32>, vector<16xi32> -> vector<16xf32>
        %max3A_1517 = arith.constant 6.250000e-02 : f32
        %max3A_1518 = vector.broadcast %max3A_1517 : f32 to vector<16xf32>
        %max3A_1519 = arith.maximumf %add3A_1513, %max3A_1518 : vector<16xf32>
        %bitcast3A_1520 = vector.bitcast %max3A_1519 : vector<16xf32> to vector<16xi32>
        %shift_right_arithmetic3A_1521 = arith.constant 1 : i32
        %shift_right_arithmetic3A_1522 = vector.broadcast %shift_right_arithmetic3A_1521 : i32 to vector<16xi32>
        %shift_right_arithmetic3A_1523 = arith.shrsi %bitcast3A_1520, %shift_right_arithmetic3A_1522 : vector<16xi32>
        %sub3A_1524 = arith.constant 1597463007 : i32
        %sub3A_1525 = vector.broadcast %sub3A_1524 : i32 to vector<16xi32>
        %sub3A_1526 = arith.subi %sub3A_1525, %shift_right_arithmetic3A_1523 : vector<16xi32>
        %bitcast3A_1527 = vector.bitcast %sub3A_1526 : vector<16xi32> to vector<16xf32>
        %mul3A_1528 = arith.constant 5.000000e-01 : f32
        %mul3A_1529 = vector.broadcast %mul3A_1528 : f32 to vector<16xf32>
        %mul3A_1530 = arith.mulf %max3A_1519, %mul3A_1529 : vector<16xf32>
        %mul3A_1531 = arith.mulf %mul3A_1530, %bitcast3A_1527 : vector<16xf32>
        %mul3A_1532 = arith.mulf %mul3A_1531, %bitcast3A_1527 : vector<16xf32>
        %sub3A_1533 = arith.constant 1.500000e+00 : f32
        %sub3A_1534 = vector.broadcast %sub3A_1533 : f32 to vector<16xf32>
        %sub3A_1535 = arith.subf %sub3A_1534, %mul3A_1532 : vector<16xf32>
        %mul3A_1536 = arith.mulf %bitcast3A_1527, %sub3A_1535 : vector<16xf32>
        %mul3A_1537 = arith.mulf %max3A_1519, %mul3A_1536 : vector<16xf32>
        %sub3A_1538 = arith.constant 5.000000e-01 : f32
        %sub3A_1539 = vector.broadcast %sub3A_1538 : f32 to vector<16xf32>
        %sub3A_1540 = arith.subf %mul3A_1537, %sub3A_1539 : vector<16xf32>
        %max3A_1541 = arith.constant 0.000000e+00 : f32
        %max3A_1542 = vector.broadcast %max3A_1541 : f32 to vector<16xf32>
        %max3A_1543 = arith.maximumf %sub3A_1540, %max3A_1542 : vector<16xf32>
        %mul3A_1544 = arith.mulf %max3A_1543, %max3A_1543 : vector<16xf32>
        %mul3A_1545 = arith.mulf %mul3A_1544, %gather3A_1516 : vector<16xf32>
        %add3A_1546 = arith.addf %scan3A_1452, %mul3A_1545 : vector<16xf32>
        scf.yield %add3A_1546 : vector<16xf32>
      }
      %scan3A_1429 = arith.constant 512 : i32
      %add3A_1430 = arith.constant 1 : i32
      %add3A_1431 = arith.addi %scan3A_196, %add3A_1430 : i32
      %lt3A = arith.constant 2 : i32
      %lt3A_1432 = arith.cmpi slt, %add3A_1431, %lt3A : i32
      %convert_element_type3A_1433 = arith.extui %lt3A_1432 : i1 to i32
      %cond3A_1434 = arith.constant 0 : i32
      %cond3A_1435 = arith.cmpi ne, %convert_element_type3A_1433, %cond3A_1434 : i32
      scf.if %cond3A_1435 {
        %add3A_1451 = arith.constant 1 : i32
        %add3A_1452 = arith.addi %scan3A_196, %add3A_1451 : i32
        %mul3A_1453 = arith.constant 2 : i32
        %mul3A_1454 = arith.muli %arg0, %mul3A_1453 : i32
        %add3A_1455 = arith.constant 4 : i32
        %add3A_1456 = arith.addi %add3A_1455, %mul3A_1454 : i32
        %add3A_1457 = arith.addi %add3A_1456, %add3A_1452 : i32
        %mul3A_1458 = arith.constant 32 : i32
        %mul3A_1459 = arith.muli %arg1, %mul3A_1458 : i32
        %add3A_1460 = arith.constant 0 : i32
        %add3A_1461 = arith.addi %mul3A_1459, %add3A_1460 : i32
        %dma_start3A_1462 = arith.constant 0 : i32
        %dma_start3A_1463 = arith.constant 0 : i32
        %dma_start3A_1464 = arith.constant 0 : i32
        %dma_start3A_1465 = tpu.memref_slice %arg5[%dma_start3A_1462, %dma_start3A_1463, %dma_start3A_1464] : memref<2x16x512xi32, #tpu.memory_space<vmem>> -> memref<1x16x512xi32, #tpu.memory_space<vmem>>
        %dma_start3A_1466 = tpu.memref_squeeze %dma_start3A_1465 : memref<1x16x512xi32, #tpu.memory_space<vmem>> -> memref<16x512xi32, #tpu.memory_space<vmem>>
        %dma_start3A_1467 = arith.constant 0 : i32
        %dma_start3A_1468 = tpu.memref_slice %arg3[%add3A_1457, %add3A_1461, %dma_start3A_1467] : memref<8x512x512xi32, #tpu.memory_space<hbm>> -> memref<1x16x512xi32, #tpu.memory_space<hbm>>
        %dma_start3A_1469 = tpu.memref_squeeze %dma_start3A_1468 : memref<1x16x512xi32, #tpu.memory_space<hbm>> -> memref<16x512xi32, #tpu.memory_space<hbm>>
        %dma_start3A_1470 = arith.constant 0 : i32
        %dma_start3A_1471 = arith.constant 0 : i32
        %dma_start3A_1472 = tpu.memref_slice %arg5[%dma_start3A_1462, %dma_start3A_1470, %dma_start3A_1471] : memref<2x16x512xi32, #tpu.memory_space<vmem>> -> memref<1x16x512xi32, #tpu.memory_space<vmem>>
        %dma_start3A_1473 = tpu.memref_squeeze %dma_start3A_1472 : memref<1x16x512xi32, #tpu.memory_space<vmem>> -> memref<16x512xi32, #tpu.memory_space<vmem>>
        %dma_start3A_1474 = arith.constant 0 : i32
        %dma_start3A_1475 = tpu.memref_slice %arg3[%add3A_1457, %add3A_1461, %dma_start3A_1474] : memref<8x512x512xi32, #tpu.memory_space<hbm>> -> memref<1x16x512xi32, #tpu.memory_space<hbm>>
        %dma_start3A_1476 = tpu.memref_squeeze %dma_start3A_1475 : memref<1x16x512xi32, #tpu.memory_space<hbm>> -> memref<16x512xi32, #tpu.memory_space<hbm>>
        tpu.enqueue_dma source(%dma_start3A_1476 : memref<16x512xi32, #tpu.memory_space<hbm>>) target(%dma_start3A_1473 : memref<16x512xi32, #tpu.memory_space<vmem>>) target_semaphore(%arg13 : memref<!tpu.dma_semaphore, #tpu.memory_space<semaphore_mem>>)
        %dma_start3A_1477 = arith.constant 0 : i32
        %dma_start3A_1478 = arith.constant 0 : i32
        %dma_start3A_1479 = arith.constant 0 : i32
        %dma_start3A_1480 = arith.constant 0 : i32
        %dma_start3A_1481 = arith.constant 0 : i32
        %dma_start3A_1482 = tpu.memref_slice %arg6[%dma_start3A_1478, %dma_start3A_1479, %dma_start3A_1480, %dma_start3A_1481] : memref<2x4x16x512xf32, #tpu.memory_space<vmem>> -> memref<1x1x16x512xf32, #tpu.memory_space<vmem>>
        %dma_start3A_1483 = tpu.memref_squeeze %dma_start3A_1482 : memref<1x1x16x512xf32, #tpu.memory_space<vmem>> -> memref<16x512xf32, #tpu.memory_space<vmem>>
        %dma_start3A_1484 = arith.constant 0 : i32
        %dma_start3A_1485 = tpu.memref_slice %arg2[%add3A_1457, %dma_start3A_1477, %add3A_1461, %dma_start3A_1484] : memref<8x4x512x512xf32, #tpu.memory_space<hbm>> -> memref<1x1x16x512xf32, #tpu.memory_space<hbm>>
        %dma_start3A_1486 = tpu.memref_squeeze %dma_start3A_1485 : memref<1x1x16x512xf32, #tpu.memory_space<hbm>> -> memref<16x512xf32, #tpu.memory_space<hbm>>
        %dma_start3A_1487 = arith.constant 0 : i32
        %dma_start3A_1488 = arith.constant 0 : i32
        %dma_start3A_1489 = tpu.memref_slice %arg6[%dma_start3A_1478, %dma_start3A_1479, %dma_start3A_1487, %dma_start3A_1488] : memref<2x4x16x512xf32, #tpu.memory_space<vmem>> -> memref<1x1x16x512xf32, #tpu.memory_space<vmem>>
        %dma_start3A_1490 = tpu.memref_squeeze %dma_start3A_1489 : memref<1x1x16x512xf32, #tpu.memory_space<vmem>> -> memref<16x512xf32, #tpu.memory_space<vmem>>
        %dma_start3A_1491 = arith.constant 0 : i32
        %dma_start3A_1492 = tpu.memref_slice %arg2[%add3A_1457, %dma_start3A_1477, %add3A_1461, %dma_start3A_1491] : memref<8x4x512x512xf32, #tpu.memory_space<hbm>> -> memref<1x1x16x512xf32, #tpu.memory_space<hbm>>
        %dma_start3A_1493 = tpu.memref_squeeze %dma_start3A_1492 : memref<1x1x16x512xf32, #tpu.memory_space<hbm>> -> memref<16x512xf32, #tpu.memory_space<hbm>>
        tpu.enqueue_dma source(%dma_start3A_1493 : memref<16x512xf32, #tpu.memory_space<hbm>>) target(%dma_start3A_1490 : memref<16x512xf32, #tpu.memory_space<vmem>>) target_semaphore(%arg13 : memref<!tpu.dma_semaphore, #tpu.memory_space<semaphore_mem>>)
        %dma_start3A_1494 = arith.constant 1 : i32
        %dma_start3A_1495 = arith.constant 0 : i32
        %dma_start3A_1496 = arith.constant 1 : i32
        %dma_start3A_1497 = arith.constant 0 : i32
        %dma_start3A_1498 = arith.constant 0 : i32
        %dma_start3A_1499 = tpu.memref_slice %arg6[%dma_start3A_1495, %dma_start3A_1496, %dma_start3A_1497, %dma_start3A_1498] : memref<2x4x16x512xf32, #tpu.memory_space<vmem>> -> memref<1x1x16x512xf32, #tpu.memory_space<vmem>>
        %dma_start3A_1500 = tpu.memref_squeeze %dma_start3A_1499 : memref<1x1x16x512xf32, #tpu.memory_space<vmem>> -> memref<16x512xf32, #tpu.memory_space<vmem>>
        %dma_start3A_1501 = arith.constant 0 : i32
        %dma_start3A_1502 = tpu.memref_slice %arg2[%add3A_1457, %dma_start3A_1494, %add3A_1461, %dma_start3A_1501] : memref<8x4x512x512xf32, #tpu.memory_space<hbm>> -> memref<1x1x16x512xf32, #tpu.memory_space<hbm>>
        %dma_start3A_1503 = tpu.memref_squeeze %dma_start3A_1502 : memref<1x1x16x512xf32, #tpu.memory_space<hbm>> -> memref<16x512xf32, #tpu.memory_space<hbm>>
        %dma_start3A_1504 = arith.constant 0 : i32
        %dma_start3A_1505 = arith.constant 0 : i32
        %dma_start3A_1506 = tpu.memref_slice %arg6[%dma_start3A_1495, %dma_start3A_1496, %dma_start3A_1504, %dma_start3A_1505] : memref<2x4x16x512xf32, #tpu.memory_space<vmem>> -> memref<1x1x16x512xf32, #tpu.memory_space<vmem>>
        %dma_start3A_1507 = tpu.memref_squeeze %dma_start3A_1506 : memref<1x1x16x512xf32, #tpu.memory_space<vmem>> -> memref<16x512xf32, #tpu.memory_space<vmem>>
        %dma_start3A_1508 = arith.constant 0 : i32
        %dma_start3A_1509 = tpu.memref_slice %arg2[%add3A_1457, %dma_start3A_1494, %add3A_1461, %dma_start3A_1508] : memref<8x4x512x512xf32, #tpu.memory_space<hbm>> -> memref<1x1x16x512xf32, #tpu.memory_space<hbm>>
        %dma_start3A_1510 = tpu.memref_squeeze %dma_start3A_1509 : memref<1x1x16x512xf32, #tpu.memory_space<hbm>> -> memref<16x512xf32, #tpu.memory_space<hbm>>
        tpu.enqueue_dma source(%dma_start3A_1510 : memref<16x512xf32, #tpu.memory_space<hbm>>) target(%dma_start3A_1507 : memref<16x512xf32, #tpu.memory_space<vmem>>) target_semaphore(%arg13 : memref<!tpu.dma_semaphore, #tpu.memory_space<semaphore_mem>>)
        %dma_start3A_1511 = arith.constant 2 : i32
        %dma_start3A_1512 = arith.constant 0 : i32
        %dma_start3A_1513 = arith.constant 2 : i32
        %dma_start3A_1514 = arith.constant 0 : i32
        %dma_start3A_1515 = arith.constant 0 : i32
        %dma_start3A_1516 = tpu.memref_slice %arg6[%dma_start3A_1512, %dma_start3A_1513, %dma_start3A_1514, %dma_start3A_1515] : memref<2x4x16x512xf32, #tpu.memory_space<vmem>> -> memref<1x1x16x512xf32, #tpu.memory_space<vmem>>
        %dma_start3A_1517 = tpu.memref_squeeze %dma_start3A_1516 : memref<1x1x16x512xf32, #tpu.memory_space<vmem>> -> memref<16x512xf32, #tpu.memory_space<vmem>>
        %dma_start3A_1518 = arith.constant 0 : i32
        %dma_start3A_1519 = tpu.memref_slice %arg2[%add3A_1457, %dma_start3A_1511, %add3A_1461, %dma_start3A_1518] : memref<8x4x512x512xf32, #tpu.memory_space<hbm>> -> memref<1x1x16x512xf32, #tpu.memory_space<hbm>>
        %dma_start3A_1520 = tpu.memref_squeeze %dma_start3A_1519 : memref<1x1x16x512xf32, #tpu.memory_space<hbm>> -> memref<16x512xf32, #tpu.memory_space<hbm>>
        %dma_start3A_1521 = arith.constant 0 : i32
        %dma_start3A_1522 = arith.constant 0 : i32
        %dma_start3A_1523 = tpu.memref_slice %arg6[%dma_start3A_1512, %dma_start3A_1513, %dma_start3A_1521, %dma_start3A_1522] : memref<2x4x16x512xf32, #tpu.memory_space<vmem>> -> memref<1x1x16x512xf32, #tpu.memory_space<vmem>>
        %dma_start3A_1524 = tpu.memref_squeeze %dma_start3A_1523 : memref<1x1x16x512xf32, #tpu.memory_space<vmem>> -> memref<16x512xf32, #tpu.memory_space<vmem>>
        %dma_start3A_1525 = arith.constant 0 : i32
        %dma_start3A_1526 = tpu.memref_slice %arg2[%add3A_1457, %dma_start3A_1511, %add3A_1461, %dma_start3A_1525] : memref<8x4x512x512xf32, #tpu.memory_space<hbm>> -> memref<1x1x16x512xf32, #tpu.memory_space<hbm>>
        %dma_start3A_1527 = tpu.memref_squeeze %dma_start3A_1526 : memref<1x1x16x512xf32, #tpu.memory_space<hbm>> -> memref<16x512xf32, #tpu.memory_space<hbm>>
        tpu.enqueue_dma source(%dma_start3A_1527 : memref<16x512xf32, #tpu.memory_space<hbm>>) target(%dma_start3A_1524 : memref<16x512xf32, #tpu.memory_space<vmem>>) target_semaphore(%arg13 : memref<!tpu.dma_semaphore, #tpu.memory_space<semaphore_mem>>)
        %dma_start3A_1528 = arith.constant 3 : i32
        %dma_start3A_1529 = arith.constant 0 : i32
        %dma_start3A_1530 = arith.constant 3 : i32
        %dma_start3A_1531 = arith.constant 0 : i32
        %dma_start3A_1532 = arith.constant 0 : i32
        %dma_start3A_1533 = tpu.memref_slice %arg6[%dma_start3A_1529, %dma_start3A_1530, %dma_start3A_1531, %dma_start3A_1532] : memref<2x4x16x512xf32, #tpu.memory_space<vmem>> -> memref<1x1x16x512xf32, #tpu.memory_space<vmem>>
        %dma_start3A_1534 = tpu.memref_squeeze %dma_start3A_1533 : memref<1x1x16x512xf32, #tpu.memory_space<vmem>> -> memref<16x512xf32, #tpu.memory_space<vmem>>
        %dma_start3A_1535 = arith.constant 0 : i32
        %dma_start3A_1536 = tpu.memref_slice %arg2[%add3A_1457, %dma_start3A_1528, %add3A_1461, %dma_start3A_1535] : memref<8x4x512x512xf32, #tpu.memory_space<hbm>> -> memref<1x1x16x512xf32, #tpu.memory_space<hbm>>
        %dma_start3A_1537 = tpu.memref_squeeze %dma_start3A_1536 : memref<1x1x16x512xf32, #tpu.memory_space<hbm>> -> memref<16x512xf32, #tpu.memory_space<hbm>>
        %dma_start3A_1538 = arith.constant 0 : i32
        %dma_start3A_1539 = arith.constant 0 : i32
        %dma_start3A_1540 = tpu.memref_slice %arg6[%dma_start3A_1529, %dma_start3A_1530, %dma_start3A_1538, %dma_start3A_1539] : memref<2x4x16x512xf32, #tpu.memory_space<vmem>> -> memref<1x1x16x512xf32, #tpu.memory_space<vmem>>
        %dma_start3A_1541 = tpu.memref_squeeze %dma_start3A_1540 : memref<1x1x16x512xf32, #tpu.memory_space<vmem>> -> memref<16x512xf32, #tpu.memory_space<vmem>>
        %dma_start3A_1542 = arith.constant 0 : i32
        %dma_start3A_1543 = tpu.memref_slice %arg2[%add3A_1457, %dma_start3A_1528, %add3A_1461, %dma_start3A_1542] : memref<8x4x512x512xf32, #tpu.memory_space<hbm>> -> memref<1x1x16x512xf32, #tpu.memory_space<hbm>>
        %dma_start3A_1544 = tpu.memref_squeeze %dma_start3A_1543 : memref<1x1x16x512xf32, #tpu.memory_space<hbm>> -> memref<16x512xf32, #tpu.memory_space<hbm>>
        tpu.enqueue_dma source(%dma_start3A_1544 : memref<16x512xf32, #tpu.memory_space<hbm>>) target(%dma_start3A_1541 : memref<16x512xf32, #tpu.memory_space<vmem>>) target_semaphore(%arg13 : memref<!tpu.dma_semaphore, #tpu.memory_space<semaphore_mem>>)
      } else {
      }
      %scan3A_1436 = arith.constant 0 : i32
      %scan3A_1437 = arith.constant 512 : i32
      %scan3A_1438 = arith.addi %scan3A_1436, %scan3A_1437 : i32
      %scan3A_1439 = arith.constant 1 : i32
      %scan3A_1440 = scf.for %scan3A_1451 = %scan3A_1436 to %scan3A_1438 step %scan3A_1439 iter_args(%scan3A_1452 = %scan3A_1428) -> (vector<16xf32>)  : i32 {
        %shift_right_arithmetic3A_1453 = arith.constant 5 : i32
        %shift_right_arithmetic3A_1454 = arith.shrsi %scan3A_1451, %shift_right_arithmetic3A_1453 : i32
        %and3A_1455 = arith.constant 31 : i32
        %and3A_1456 = arith.andi %scan3A_1451, %and3A_1455 : i32
        %mul3A_1457 = arith.constant 16 : i32
        %mul3A_1458 = arith.muli %and3A_1456, %mul3A_1457 : i32
        %get3A = arith.constant 1 : i32
        %get3A_1459 = arith.index_cast %get3A : i32 to index
        %get3A_1460 = arith.index_cast %shift_right_arithmetic3A_1454 : i32 to index
        %get3A_1461 = arith.index_cast %mul3A_1458 : i32 to index
        %get3A_1462 = tpu.vector_load %arg5[%get3A_1459, %get3A_1460, %get3A_1461] {strides = array<i32>} : memref<2x16x512xi32, #tpu.memory_space<vmem>>, vector<16xi32>,
        %broadcast_in_dim3A_1463 = vector.shape_cast %get3A_1462 : vector<16xi32> to vector<16x1xi32>
        %gather3A = vector.shape_cast %broadcast_in_dim3A_1463 : vector<16x1xi32> to vector<16xi32>
        %gather3A_1464 = tpu.dynamic_gather %mul3A_674[%gather3A] in [0] : vector<16xf32>, vector<16xi32> -> vector<16xf32>
        %get3A_1465 = arith.constant 1 : i32
        %get3A_1466 = arith.constant 0 : i32
        %get3A_1467 = arith.index_cast %get3A_1465 : i32 to index
        %get3A_1468 = arith.index_cast %get3A_1466 : i32 to index
        %get3A_1469 = arith.index_cast %shift_right_arithmetic3A_1454 : i32 to index
        %get3A_1470 = arith.index_cast %mul3A_1458 : i32 to index
        %get3A_1471 = tpu.vector_load %arg6[%get3A_1467, %get3A_1468, %get3A_1469, %get3A_1470] {strides = array<i32>} : memref<2x4x16x512xf32, #tpu.memory_space<vmem>>, vector<16xf32>,
        %sub3A_1472 = arith.subf %get3A_1471, %gather3A_1464 : vector<16xf32>
        %mul3A_1473 = arith.mulf %sub3A_1472, %sub3A_1472 : vector<16xf32>
        %add3A_1474 = arith.addf %broadcast_in_dim3A_0, %mul3A_1473 : vector<16xf32>
        %broadcast_in_dim3A_1475 = vector.shape_cast %get3A_1462 : vector<16xi32> to vector<16x1xi32>
        %gather3A_1476 = vector.shape_cast %broadcast_in_dim3A_1475 : vector<16x1xi32> to vector<16xi32>
        %gather3A_1477 = tpu.dynamic_gather %mul3A_700[%gather3A_1476] in [0] : vector<16xf32>, vector<16xi32> -> vector<16xf32>
        %get3A_1478 = arith.constant 1 : i32
        %get3A_1479 = arith.constant 1 : i32
        %get3A_1480 = arith.index_cast %get3A_1478 : i32 to index
        %get3A_1481 = arith.index_cast %get3A_1479 : i32 to index
        %get3A_1482 = arith.index_cast %shift_right_arithmetic3A_1454 : i32 to index
        %get3A_1483 = arith.index_cast %mul3A_1458 : i32 to index
        %get3A_1484 = tpu.vector_load %arg6[%get3A_1480, %get3A_1481, %get3A_1482, %get3A_1483] {strides = array<i32>} : memref<2x4x16x512xf32, #tpu.memory_space<vmem>>, vector<16xf32>,
        %sub3A_1485 = arith.subf %get3A_1484, %gather3A_1477 : vector<16xf32>
        %mul3A_1486 = arith.mulf %sub3A_1485, %sub3A_1485 : vector<16xf32>
        %add3A_1487 = arith.addf %add3A_1474, %mul3A_1486 : vector<16xf32>
        %broadcast_in_dim3A_1488 = vector.shape_cast %get3A_1462 : vector<16xi32> to vector<16x1xi32>
        %gather3A_1489 = vector.shape_cast %broadcast_in_dim3A_1488 : vector<16x1xi32> to vector<16xi32>
        %gather3A_1490 = tpu.dynamic_gather %mul3A_726[%gather3A_1489] in [0] : vector<16xf32>, vector<16xi32> -> vector<16xf32>
        %get3A_1491 = arith.constant 1 : i32
        %get3A_1492 = arith.constant 2 : i32
        %get3A_1493 = arith.index_cast %get3A_1491 : i32 to index
        %get3A_1494 = arith.index_cast %get3A_1492 : i32 to index
        %get3A_1495 = arith.index_cast %shift_right_arithmetic3A_1454 : i32 to index
        %get3A_1496 = arith.index_cast %mul3A_1458 : i32 to index
        %get3A_1497 = tpu.vector_load %arg6[%get3A_1493, %get3A_1494, %get3A_1495, %get3A_1496] {strides = array<i32>} : memref<2x4x16x512xf32, #tpu.memory_space<vmem>>, vector<16xf32>,
        %sub3A_1498 = arith.subf %get3A_1497, %gather3A_1490 : vector<16xf32>
        %mul3A_1499 = arith.mulf %sub3A_1498, %sub3A_1498 : vector<16xf32>
        %add3A_1500 = arith.addf %add3A_1487, %mul3A_1499 : vector<16xf32>
        %broadcast_in_dim3A_1501 = vector.shape_cast %get3A_1462 : vector<16xi32> to vector<16x1xi32>
        %gather3A_1502 = vector.shape_cast %broadcast_in_dim3A_1501 : vector<16x1xi32> to vector<16xi32>
        %gather3A_1503 = tpu.dynamic_gather %mul3A_752[%gather3A_1502] in [0] : vector<16xf32>, vector<16xi32> -> vector<16xf32>
        %get3A_1504 = arith.constant 1 : i32
        %get3A_1505 = arith.constant 3 : i32
        %get3A_1506 = arith.index_cast %get3A_1504 : i32 to index
        %get3A_1507 = arith.index_cast %get3A_1505 : i32 to index
        %get3A_1508 = arith.index_cast %shift_right_arithmetic3A_1454 : i32 to index
        %get3A_1509 = arith.index_cast %mul3A_1458 : i32 to index
        %get3A_1510 = tpu.vector_load %arg6[%get3A_1506, %get3A_1507, %get3A_1508, %get3A_1509] {strides = array<i32>} : memref<2x4x16x512xf32, #tpu.memory_space<vmem>>, vector<16xf32>,
        %sub3A_1511 = arith.subf %get3A_1510, %gather3A_1503 : vector<16xf32>
        %mul3A_1512 = arith.mulf %sub3A_1511, %sub3A_1511 : vector<16xf32>
        %add3A_1513 = arith.addf %add3A_1500, %mul3A_1512 : vector<16xf32>
        %broadcast_in_dim3A_1514 = vector.shape_cast %get3A_1462 : vector<16xi32> to vector<16x1xi32>
        %gather3A_1515 = vector.shape_cast %broadcast_in_dim3A_1514 : vector<16x1xi32> to vector<16xi32>
        %gather3A_1516 = tpu.dynamic_gather %div3A_640[%gather3A_1515] in [0] : vector<16xf32>, vector<16xi32> -> vector<16xf32>
        %max3A_1517 = arith.constant 6.250000e-02 : f32
        %max3A_1518 = vector.broadcast %max3A_1517 : f32 to vector<16xf32>
        %max3A_1519 = arith.maximumf %add3A_1513, %max3A_1518 : vector<16xf32>
        %bitcast3A_1520 = vector.bitcast %max3A_1519 : vector<16xf32> to vector<16xi32>
        %shift_right_arithmetic3A_1521 = arith.constant 1 : i32
        %shift_right_arithmetic3A_1522 = vector.broadcast %shift_right_arithmetic3A_1521 : i32 to vector<16xi32>
        %shift_right_arithmetic3A_1523 = arith.shrsi %bitcast3A_1520, %shift_right_arithmetic3A_1522 : vector<16xi32>
        %sub3A_1524 = arith.constant 1597463007 : i32
        %sub3A_1525 = vector.broadcast %sub3A_1524 : i32 to vector<16xi32>
        %sub3A_1526 = arith.subi %sub3A_1525, %shift_right_arithmetic3A_1523 : vector<16xi32>
        %bitcast3A_1527 = vector.bitcast %sub3A_1526 : vector<16xi32> to vector<16xf32>
        %mul3A_1528 = arith.constant 5.000000e-01 : f32
        %mul3A_1529 = vector.broadcast %mul3A_1528 : f32 to vector<16xf32>
        %mul3A_1530 = arith.mulf %max3A_1519, %mul3A_1529 : vector<16xf32>
        %mul3A_1531 = arith.mulf %mul3A_1530, %bitcast3A_1527 : vector<16xf32>
        %mul3A_1532 = arith.mulf %mul3A_1531, %bitcast3A_1527 : vector<16xf32>
        %sub3A_1533 = arith.constant 1.500000e+00 : f32
        %sub3A_1534 = vector.broadcast %sub3A_1533 : f32 to vector<16xf32>
        %sub3A_1535 = arith.subf %sub3A_1534, %mul3A_1532 : vector<16xf32>
        %mul3A_1536 = arith.mulf %bitcast3A_1527, %sub3A_1535 : vector<16xf32>
        %mul3A_1537 = arith.mulf %max3A_1519, %mul3A_1536 : vector<16xf32>
        %sub3A_1538 = arith.constant 5.000000e-01 : f32
        %sub3A_1539 = vector.broadcast %sub3A_1538 : f32 to vector<16xf32>
        %sub3A_1540 = arith.subf %mul3A_1537, %sub3A_1539 : vector<16xf32>
        %max3A_1541 = arith.constant 0.000000e+00 : f32
        %max3A_1542 = vector.broadcast %max3A_1541 : f32 to vector<16xf32>
        %max3A_1543 = arith.maximumf %sub3A_1540, %max3A_1542 : vector<16xf32>
        %mul3A_1544 = arith.mulf %max3A_1543, %max3A_1543 : vector<16xf32>
        %mul3A_1545 = arith.mulf %mul3A_1544, %gather3A_1516 : vector<16xf32>
        %add3A_1546 = arith.addf %scan3A_1452, %mul3A_1545 : vector<16xf32>
        scf.yield %add3A_1546 : vector<16xf32>
      }
      %scan3A_1441 = arith.constant 512 : i32
      %add3A_1442 = arith.constant 1 : i32
      %add3A_1443 = arith.addi %scan3A_196, %add3A_1442 : i32
      %lt3A_1444 = arith.constant 2 : i32
      %lt3A_1445 = arith.cmpi slt, %add3A_1443, %lt3A_1444 : i32
      %convert_element_type3A_1446 = arith.extui %lt3A_1445 : i1 to i32
      %cond3A_1447 = arith.constant 0 : i32
      %cond3A_1448 = arith.cmpi ne, %convert_element_type3A_1446, %cond3A_1447 : i32
      scf.if %cond3A_1448 {
        %add3A_1451 = arith.constant 1 : i32
        %add3A_1452 = arith.addi %scan3A_196, %add3A_1451 : i32
        %mul3A_1453 = arith.constant 2 : i32
        %mul3A_1454 = arith.muli %arg0, %mul3A_1453 : i32
        %add3A_1455 = arith.constant 4 : i32
        %add3A_1456 = arith.addi %add3A_1455, %mul3A_1454 : i32
        %add3A_1457 = arith.addi %add3A_1456, %add3A_1452 : i32
        %mul3A_1458 = arith.constant 32 : i32
        %mul3A_1459 = arith.muli %arg1, %mul3A_1458 : i32
        %add3A_1460 = arith.constant 16 : i32
        %add3A_1461 = arith.addi %mul3A_1459, %add3A_1460 : i32
        %dma_start3A_1462 = arith.constant 1 : i32
        %dma_start3A_1463 = arith.constant 0 : i32
        %dma_start3A_1464 = arith.constant 0 : i32
        %dma_start3A_1465 = tpu.memref_slice %arg5[%dma_start3A_1462, %dma_start3A_1463, %dma_start3A_1464] : memref<2x16x512xi32, #tpu.memory_space<vmem>> -> memref<1x16x512xi32, #tpu.memory_space<vmem>>
        %dma_start3A_1466 = tpu.memref_squeeze %dma_start3A_1465 : memref<1x16x512xi32, #tpu.memory_space<vmem>> -> memref<16x512xi32, #tpu.memory_space<vmem>>
        %dma_start3A_1467 = arith.constant 0 : i32
        %dma_start3A_1468 = tpu.memref_slice %arg3[%add3A_1457, %add3A_1461, %dma_start3A_1467] : memref<8x512x512xi32, #tpu.memory_space<hbm>> -> memref<1x16x512xi32, #tpu.memory_space<hbm>>
        %dma_start3A_1469 = tpu.memref_squeeze %dma_start3A_1468 : memref<1x16x512xi32, #tpu.memory_space<hbm>> -> memref<16x512xi32, #tpu.memory_space<hbm>>
        %dma_start3A_1470 = arith.constant 0 : i32
        %dma_start3A_1471 = arith.constant 0 : i32
        %dma_start3A_1472 = tpu.memref_slice %arg5[%dma_start3A_1462, %dma_start3A_1470, %dma_start3A_1471] : memref<2x16x512xi32, #tpu.memory_space<vmem>> -> memref<1x16x512xi32, #tpu.memory_space<vmem>>
        %dma_start3A_1473 = tpu.memref_squeeze %dma_start3A_1472 : memref<1x16x512xi32, #tpu.memory_space<vmem>> -> memref<16x512xi32, #tpu.memory_space<vmem>>
        %dma_start3A_1474 = arith.constant 0 : i32
        %dma_start3A_1475 = tpu.memref_slice %arg3[%add3A_1457, %add3A_1461, %dma_start3A_1474] : memref<8x512x512xi32, #tpu.memory_space<hbm>> -> memref<1x16x512xi32, #tpu.memory_space<hbm>>
        %dma_start3A_1476 = tpu.memref_squeeze %dma_start3A_1475 : memref<1x16x512xi32, #tpu.memory_space<hbm>> -> memref<16x512xi32, #tpu.memory_space<hbm>>
        tpu.enqueue_dma source(%dma_start3A_1476 : memref<16x512xi32, #tpu.memory_space<hbm>>) target(%dma_start3A_1473 : memref<16x512xi32, #tpu.memory_space<vmem>>) target_semaphore(%arg13 : memref<!tpu.dma_semaphore, #tpu.memory_space<semaphore_mem>>)
        %dma_start3A_1477 = arith.constant 0 : i32
        %dma_start3A_1478 = arith.constant 1 : i32
        %dma_start3A_1479 = arith.constant 0 : i32
        %dma_start3A_1480 = arith.constant 0 : i32
        %dma_start3A_1481 = arith.constant 0 : i32
        %dma_start3A_1482 = tpu.memref_slice %arg6[%dma_start3A_1478, %dma_start3A_1479, %dma_start3A_1480, %dma_start3A_1481] : memref<2x4x16x512xf32, #tpu.memory_space<vmem>> -> memref<1x1x16x512xf32, #tpu.memory_space<vmem>>
        %dma_start3A_1483 = tpu.memref_squeeze %dma_start3A_1482 : memref<1x1x16x512xf32, #tpu.memory_space<vmem>> -> memref<16x512xf32, #tpu.memory_space<vmem>>
        %dma_start3A_1484 = arith.constant 0 : i32
        %dma_start3A_1485 = tpu.memref_slice %arg2[%add3A_1457, %dma_start3A_1477, %add3A_1461, %dma_start3A_1484] : memref<8x4x512x512xf32, #tpu.memory_space<hbm>> -> memref<1x1x16x512xf32, #tpu.memory_space<hbm>>
        %dma_start3A_1486 = tpu.memref_squeeze %dma_start3A_1485 : memref<1x1x16x512xf32, #tpu.memory_space<hbm>> -> memref<16x512xf32, #tpu.memory_space<hbm>>
        %dma_start3A_1487 = arith.constant 0 : i32
        %dma_start3A_1488 = arith.constant 0 : i32
        %dma_start3A_1489 = tpu.memref_slice %arg6[%dma_start3A_1478, %dma_start3A_1479, %dma_start3A_1487, %dma_start3A_1488] : memref<2x4x16x512xf32, #tpu.memory_space<vmem>> -> memref<1x1x16x512xf32, #tpu.memory_space<vmem>>
        %dma_start3A_1490 = tpu.memref_squeeze %dma_start3A_1489 : memref<1x1x16x512xf32, #tpu.memory_space<vmem>> -> memref<16x512xf32, #tpu.memory_space<vmem>>
        %dma_start3A_1491 = arith.constant 0 : i32
        %dma_start3A_1492 = tpu.memref_slice %arg2[%add3A_1457, %dma_start3A_1477, %add3A_1461, %dma_start3A_1491] : memref<8x4x512x512xf32, #tpu.memory_space<hbm>> -> memref<1x1x16x512xf32, #tpu.memory_space<hbm>>
        %dma_start3A_1493 = tpu.memref_squeeze %dma_start3A_1492 : memref<1x1x16x512xf32, #tpu.memory_space<hbm>> -> memref<16x512xf32, #tpu.memory_space<hbm>>
        tpu.enqueue_dma source(%dma_start3A_1493 : memref<16x512xf32, #tpu.memory_space<hbm>>) target(%dma_start3A_1490 : memref<16x512xf32, #tpu.memory_space<vmem>>) target_semaphore(%arg13 : memref<!tpu.dma_semaphore, #tpu.memory_space<semaphore_mem>>)
        %dma_start3A_1494 = arith.constant 1 : i32
        %dma_start3A_1495 = arith.constant 1 : i32
        %dma_start3A_1496 = arith.constant 1 : i32
        %dma_start3A_1497 = arith.constant 0 : i32
        %dma_start3A_1498 = arith.constant 0 : i32
        %dma_start3A_1499 = tpu.memref_slice %arg6[%dma_start3A_1495, %dma_start3A_1496, %dma_start3A_1497, %dma_start3A_1498] : memref<2x4x16x512xf32, #tpu.memory_space<vmem>> -> memref<1x1x16x512xf32, #tpu.memory_space<vmem>>
        %dma_start3A_1500 = tpu.memref_squeeze %dma_start3A_1499 : memref<1x1x16x512xf32, #tpu.memory_space<vmem>> -> memref<16x512xf32, #tpu.memory_space<vmem>>
        %dma_start3A_1501 = arith.constant 0 : i32
        %dma_start3A_1502 = tpu.memref_slice %arg2[%add3A_1457, %dma_start3A_1494, %add3A_1461, %dma_start3A_1501] : memref<8x4x512x512xf32, #tpu.memory_space<hbm>> -> memref<1x1x16x512xf32, #tpu.memory_space<hbm>>
        %dma_start3A_1503 = tpu.memref_squeeze %dma_start3A_1502 : memref<1x1x16x512xf32, #tpu.memory_space<hbm>> -> memref<16x512xf32, #tpu.memory_space<hbm>>
        %dma_start3A_1504 = arith.constant 0 : i32
        %dma_start3A_1505 = arith.constant 0 : i32
        %dma_start3A_1506 = tpu.memref_slice %arg6[%dma_start3A_1495, %dma_start3A_1496, %dma_start3A_1504, %dma_start3A_1505] : memref<2x4x16x512xf32, #tpu.memory_space<vmem>> -> memref<1x1x16x512xf32, #tpu.memory_space<vmem>>
        %dma_start3A_1507 = tpu.memref_squeeze %dma_start3A_1506 : memref<1x1x16x512xf32, #tpu.memory_space<vmem>> -> memref<16x512xf32, #tpu.memory_space<vmem>>
        %dma_start3A_1508 = arith.constant 0 : i32
        %dma_start3A_1509 = tpu.memref_slice %arg2[%add3A_1457, %dma_start3A_1494, %add3A_1461, %dma_start3A_1508] : memref<8x4x512x512xf32, #tpu.memory_space<hbm>> -> memref<1x1x16x512xf32, #tpu.memory_space<hbm>>
        %dma_start3A_1510 = tpu.memref_squeeze %dma_start3A_1509 : memref<1x1x16x512xf32, #tpu.memory_space<hbm>> -> memref<16x512xf32, #tpu.memory_space<hbm>>
        tpu.enqueue_dma source(%dma_start3A_1510 : memref<16x512xf32, #tpu.memory_space<hbm>>) target(%dma_start3A_1507 : memref<16x512xf32, #tpu.memory_space<vmem>>) target_semaphore(%arg13 : memref<!tpu.dma_semaphore, #tpu.memory_space<semaphore_mem>>)
        %dma_start3A_1511 = arith.constant 2 : i32
        %dma_start3A_1512 = arith.constant 1 : i32
        %dma_start3A_1513 = arith.constant 2 : i32
        %dma_start3A_1514 = arith.constant 0 : i32
        %dma_start3A_1515 = arith.constant 0 : i32
        %dma_start3A_1516 = tpu.memref_slice %arg6[%dma_start3A_1512, %dma_start3A_1513, %dma_start3A_1514, %dma_start3A_1515] : memref<2x4x16x512xf32, #tpu.memory_space<vmem>> -> memref<1x1x16x512xf32, #tpu.memory_space<vmem>>
        %dma_start3A_1517 = tpu.memref_squeeze %dma_start3A_1516 : memref<1x1x16x512xf32, #tpu.memory_space<vmem>> -> memref<16x512xf32, #tpu.memory_space<vmem>>
        %dma_start3A_1518 = arith.constant 0 : i32
        %dma_start3A_1519 = tpu.memref_slice %arg2[%add3A_1457, %dma_start3A_1511, %add3A_1461, %dma_start3A_1518] : memref<8x4x512x512xf32, #tpu.memory_space<hbm>> -> memref<1x1x16x512xf32, #tpu.memory_space<hbm>>
        %dma_start3A_1520 = tpu.memref_squeeze %dma_start3A_1519 : memref<1x1x16x512xf32, #tpu.memory_space<hbm>> -> memref<16x512xf32, #tpu.memory_space<hbm>>
        %dma_start3A_1521 = arith.constant 0 : i32
        %dma_start3A_1522 = arith.constant 0 : i32
        %dma_start3A_1523 = tpu.memref_slice %arg6[%dma_start3A_1512, %dma_start3A_1513, %dma_start3A_1521, %dma_start3A_1522] : memref<2x4x16x512xf32, #tpu.memory_space<vmem>> -> memref<1x1x16x512xf32, #tpu.memory_space<vmem>>
        %dma_start3A_1524 = tpu.memref_squeeze %dma_start3A_1523 : memref<1x1x16x512xf32, #tpu.memory_space<vmem>> -> memref<16x512xf32, #tpu.memory_space<vmem>>
        %dma_start3A_1525 = arith.constant 0 : i32
        %dma_start3A_1526 = tpu.memref_slice %arg2[%add3A_1457, %dma_start3A_1511, %add3A_1461, %dma_start3A_1525] : memref<8x4x512x512xf32, #tpu.memory_space<hbm>> -> memref<1x1x16x512xf32, #tpu.memory_space<hbm>>
        %dma_start3A_1527 = tpu.memref_squeeze %dma_start3A_1526 : memref<1x1x16x512xf32, #tpu.memory_space<hbm>> -> memref<16x512xf32, #tpu.memory_space<hbm>>
        tpu.enqueue_dma source(%dma_start3A_1527 : memref<16x512xf32, #tpu.memory_space<hbm>>) target(%dma_start3A_1524 : memref<16x512xf32, #tpu.memory_space<vmem>>) target_semaphore(%arg13 : memref<!tpu.dma_semaphore, #tpu.memory_space<semaphore_mem>>)
        %dma_start3A_1528 = arith.constant 3 : i32
        %dma_start3A_1529 = arith.constant 1 : i32
        %dma_start3A_1530 = arith.constant 3 : i32
        %dma_start3A_1531 = arith.constant 0 : i32
        %dma_start3A_1532 = arith.constant 0 : i32
        %dma_start3A_1533 = tpu.memref_slice %arg6[%dma_start3A_1529, %dma_start3A_1530, %dma_start3A_1531, %dma_start3A_1532] : memref<2x4x16x512xf32, #tpu.memory_space<vmem>> -> memref<1x1x16x512xf32, #tpu.memory_space<vmem>>
        %dma_start3A_1534 = tpu.memref_squeeze %dma_start3A_1533 : memref<1x1x16x512xf32, #tpu.memory_space<vmem>> -> memref<16x512xf32, #tpu.memory_space<vmem>>
        %dma_start3A_1535 = arith.constant 0 : i32
        %dma_start3A_1536 = tpu.memref_slice %arg2[%add3A_1457, %dma_start3A_1528, %add3A_1461, %dma_start3A_1535] : memref<8x4x512x512xf32, #tpu.memory_space<hbm>> -> memref<1x1x16x512xf32, #tpu.memory_space<hbm>>
        %dma_start3A_1537 = tpu.memref_squeeze %dma_start3A_1536 : memref<1x1x16x512xf32, #tpu.memory_space<hbm>> -> memref<16x512xf32, #tpu.memory_space<hbm>>
        %dma_start3A_1538 = arith.constant 0 : i32
        %dma_start3A_1539 = arith.constant 0 : i32
        %dma_start3A_1540 = tpu.memref_slice %arg6[%dma_start3A_1529, %dma_start3A_1530, %dma_start3A_1538, %dma_start3A_1539] : memref<2x4x16x512xf32, #tpu.memory_space<vmem>> -> memref<1x1x16x512xf32, #tpu.memory_space<vmem>>
        %dma_start3A_1541 = tpu.memref_squeeze %dma_start3A_1540 : memref<1x1x16x512xf32, #tpu.memory_space<vmem>> -> memref<16x512xf32, #tpu.memory_space<vmem>>
        %dma_start3A_1542 = arith.constant 0 : i32
        %dma_start3A_1543 = tpu.memref_slice %arg2[%add3A_1457, %dma_start3A_1528, %add3A_1461, %dma_start3A_1542] : memref<8x4x512x512xf32, #tpu.memory_space<hbm>> -> memref<1x1x16x512xf32, #tpu.memory_space<hbm>>
        %dma_start3A_1544 = tpu.memref_squeeze %dma_start3A_1543 : memref<1x1x16x512xf32, #tpu.memory_space<hbm>> -> memref<16x512xf32, #tpu.memory_space<hbm>>
        tpu.enqueue_dma source(%dma_start3A_1544 : memref<16x512xf32, #tpu.memory_space<hbm>>) target(%dma_start3A_1541 : memref<16x512xf32, #tpu.memory_space<vmem>>) target_semaphore(%arg13 : memref<!tpu.dma_semaphore, #tpu.memory_space<semaphore_mem>>)
      } else {
      }
      %mul3A_1449 = arith.mulf %scan3A_1440, %div3A_648 : vector<16xf32>
      %add3A_1450 = arith.addf %scan3A_197, %mul3A_1449 : vector<16xf32>
      scf.yield %add3A_1450, %add3A_1423, %add3A_794 : vector<16xf32>, vector<16xf32>, vector<16xf32>
    }
    %scan3A_190 = arith.constant 2 : i32
    %swap3A = arith.constant 0 : index
    %swap3A_191 = tpu.vector_load %arg7[%swap3A] {strides = array<i32>} : memref<384xf32, #tpu.memory_space<vmem>>, vector<16xf32>,
    tpu.vector_store %arg7[%swap3A], %scan3A_189#0 {strides = array<i32>} : memref<384xf32, #tpu.memory_space<vmem>>, vector<16xf32>,
    %mul3A_192 = arith.constant 16 : i32
    %mul3A_193 = arith.muli %arg1, %mul3A_192 : i32
    "tpu.region"() ({
      %run_scoped3A = tpu.sem_alloc : memref<!tpu.dma_semaphore, #tpu.memory_space<semaphore_mem>>
      %dma_start3A_196 = arith.constant 0 : i32
      %dma_start3A_197 = tpu.memref_slice %arg7[%dma_start3A_196] : memref<384xf32, #tpu.memory_space<vmem>> -> memref<16xf32, #tpu.memory_space<vmem>>
      %dma_start3A_198 = tpu.memref_slice %arg12[%mul3A_193] : memref<256xf32, #tpu.memory_space<vmem_shared>> -> memref<16xf32, #tpu.memory_space<vmem_shared>>
      %dma_start3A_199 = tpu.memref_slice %arg12[%mul3A_193] : memref<256xf32, #tpu.memory_space<vmem_shared>> -> memref<16xf32, #tpu.memory_space<vmem_shared>>
      %dma_start3A_200 = arith.constant 0 : i32
      %dma_start3A_201 = tpu.memref_slice %arg7[%dma_start3A_200] : memref<384xf32, #tpu.memory_space<vmem>> -> memref<16xf32, #tpu.memory_space<vmem>>
      tpu.enqueue_dma source(%dma_start3A_201 : memref<16xf32, #tpu.memory_space<vmem>>) target(%dma_start3A_199 : memref<16xf32, #tpu.memory_space<vmem_shared>>) target_semaphore(%run_scoped3A : memref<!tpu.dma_semaphore, #tpu.memory_space<semaphore_mem>>)
      %dma_wait3A = arith.constant 0 : i32
      %dma_wait3A_202 = tpu.memref_slice %arg7[%dma_wait3A] : memref<384xf32, #tpu.memory_space<vmem>> -> memref<16xf32, #tpu.memory_space<vmem>>
      %dma_wait3A_203 = tpu.memref_slice %arg12[%mul3A_193] : memref<256xf32, #tpu.memory_space<vmem_shared>> -> memref<16xf32, #tpu.memory_space<vmem_shared>>
      %dma_wait3A_204 = tpu.memref_slice %arg12[%mul3A_193] : memref<256xf32, #tpu.memory_space<vmem_shared>> -> memref<16xf32, #tpu.memory_space<vmem_shared>>
      %dma_wait3A_205 = arith.constant 0 : i32
      %dma_wait3A_206 = tpu.memref_slice %arg7[%dma_wait3A_205] : memref<384xf32, #tpu.memory_space<vmem>> -> memref<16xf32, #tpu.memory_space<vmem>>
      tpu.wait_dma2 semaphore(%run_scoped3A : memref<!tpu.dma_semaphore, #tpu.memory_space<semaphore_mem>>) src(%dma_wait3A_206 : memref<16xf32, #tpu.memory_space<vmem>>) dst(%dma_wait3A_204 : memref<16xf32, #tpu.memory_space<vmem_shared>>)
      tpu.yield
    }) : () -> ()
    %barrier3A = arith.constant 0 : index
    tpu.barrier barrier_id(%barrier3A)
    %eq3A = arith.constant 0 : i32
    %eq3A_194 = arith.cmpi eq, %arg1, %eq3A : i32
    %convert_element_type3A = arith.extui %eq3A_194 : i1 to i32
    %cond3A = arith.constant 0 : i32
    %cond3A_195 = arith.cmpi ne, %convert_element_type3A, %cond3A : i32
    scf.if %cond3A_195 {
      "tpu.region"() ({
        %run_scoped3A = tpu.sem_alloc : memref<!tpu.dma_semaphore, #tpu.memory_space<semaphore_mem>>
        tpu.enqueue_dma source(%arg12 : memref<256xf32, #tpu.memory_space<vmem_shared>>) target(%arg9 : memref<256xf32, #tpu.memory_space<vmem>>) target_semaphore(%run_scoped3A : memref<!tpu.dma_semaphore, #tpu.memory_space<semaphore_mem>>)
        tpu.wait_dma2 semaphore(%run_scoped3A : memref<!tpu.dma_semaphore, #tpu.memory_space<semaphore_mem>>) src(%arg12 : memref<256xf32, #tpu.memory_space<vmem_shared>>) dst(%arg9 : memref<256xf32, #tpu.memory_space<vmem>>)
        tpu.yield
      }) : () -> ()
      %broadcast_in_dim3A_196 = arith.constant 0.000000e+00 : f32
      %broadcast_in_dim3A_197 = vector.broadcast %broadcast_in_dim3A_196 : f32 to vector<16xf32>
      %get3A = arith.constant 0 : index
      %get3A_198 = tpu.vector_load %arg9[%get3A] {strides = array<i32>} : memref<256xf32, #tpu.memory_space<vmem>>, vector<16xf32>,
      %add3A_199 = arith.addf %broadcast_in_dim3A_197, %get3A_198 : vector<16xf32>
      %get3A_200 = arith.constant 16 : index
      %get3A_201 = tpu.vector_load %arg9[%get3A_200] {strides = array<i32>} : memref<256xf32, #tpu.memory_space<vmem>>, vector<16xf32>,
      %add3A_202 = arith.addf %add3A_199, %get3A_201 : vector<16xf32>
      %get3A_203 = arith.constant 32 : index
      %get3A_204 = tpu.vector_load %arg9[%get3A_203] {strides = array<i32>} : memref<256xf32, #tpu.memory_space<vmem>>, vector<16xf32>,
      %add3A_205 = arith.addf %add3A_202, %get3A_204 : vector<16xf32>
      %get3A_206 = arith.constant 48 : index
      %get3A_207 = tpu.vector_load %arg9[%get3A_206] {strides = array<i32>} : memref<256xf32, #tpu.memory_space<vmem>>, vector<16xf32>,
      %add3A_208 = arith.addf %add3A_205, %get3A_207 : vector<16xf32>
      %get3A_209 = arith.constant 64 : index
      %get3A_210 = tpu.vector_load %arg9[%get3A_209] {strides = array<i32>} : memref<256xf32, #tpu.memory_space<vmem>>, vector<16xf32>,
      %add3A_211 = arith.addf %add3A_208, %get3A_210 : vector<16xf32>
      %get3A_212 = arith.constant 80 : index
      %get3A_213 = tpu.vector_load %arg9[%get3A_212] {strides = array<i32>} : memref<256xf32, #tpu.memory_space<vmem>>, vector<16xf32>,
      %add3A_214 = arith.addf %add3A_211, %get3A_213 : vector<16xf32>
      %get3A_215 = arith.constant 96 : index
      %get3A_216 = tpu.vector_load %arg9[%get3A_215] {strides = array<i32>} : memref<256xf32, #tpu.memory_space<vmem>>, vector<16xf32>,
      %add3A_217 = arith.addf %add3A_214, %get3A_216 : vector<16xf32>
      %get3A_218 = arith.constant 112 : index
      %get3A_219 = tpu.vector_load %arg9[%get3A_218] {strides = array<i32>} : memref<256xf32, #tpu.memory_space<vmem>>, vector<16xf32>,
      %add3A_220 = arith.addf %add3A_217, %get3A_219 : vector<16xf32>
      %get3A_221 = arith.constant 128 : index
      %get3A_222 = tpu.vector_load %arg9[%get3A_221] {strides = array<i32>} : memref<256xf32, #tpu.memory_space<vmem>>, vector<16xf32>,
      %add3A_223 = arith.addf %add3A_220, %get3A_222 : vector<16xf32>
      %get3A_224 = arith.constant 144 : index
      %get3A_225 = tpu.vector_load %arg9[%get3A_224] {strides = array<i32>} : memref<256xf32, #tpu.memory_space<vmem>>, vector<16xf32>,
      %add3A_226 = arith.addf %add3A_223, %get3A_225 : vector<16xf32>
      %get3A_227 = arith.constant 160 : index
      %get3A_228 = tpu.vector_load %arg9[%get3A_227] {strides = array<i32>} : memref<256xf32, #tpu.memory_space<vmem>>, vector<16xf32>,
      %add3A_229 = arith.addf %add3A_226, %get3A_228 : vector<16xf32>
      %get3A_230 = arith.constant 176 : index
      %get3A_231 = tpu.vector_load %arg9[%get3A_230] {strides = array<i32>} : memref<256xf32, #tpu.memory_space<vmem>>, vector<16xf32>,
      %add3A_232 = arith.addf %add3A_229, %get3A_231 : vector<16xf32>
      %get3A_233 = arith.constant 192 : index
      %get3A_234 = tpu.vector_load %arg9[%get3A_233] {strides = array<i32>} : memref<256xf32, #tpu.memory_space<vmem>>, vector<16xf32>,
      %add3A_235 = arith.addf %add3A_232, %get3A_234 : vector<16xf32>
      %get3A_236 = arith.constant 208 : index
      %get3A_237 = tpu.vector_load %arg9[%get3A_236] {strides = array<i32>} : memref<256xf32, #tpu.memory_space<vmem>>, vector<16xf32>,
      %add3A_238 = arith.addf %add3A_235, %get3A_237 : vector<16xf32>
      %get3A_239 = arith.constant 224 : index
      %get3A_240 = tpu.vector_load %arg9[%get3A_239] {strides = array<i32>} : memref<256xf32, #tpu.memory_space<vmem>>, vector<16xf32>,
      %add3A_241 = arith.addf %add3A_238, %get3A_240 : vector<16xf32>
      %get3A_242 = arith.constant 240 : index
      %get3A_243 = tpu.vector_load %arg9[%get3A_242] {strides = array<i32>} : memref<256xf32, #tpu.memory_space<vmem>>, vector<16xf32>,
      %add3A_244 = arith.addf %add3A_241, %get3A_243 : vector<16xf32>
      %reduce_sum3A = arith.constant true
      %reduce_sum3A_245 = vector.broadcast %reduce_sum3A : i1 to vector<16xi1>
      %reduce_sum3A_246 = tpu.scan <sum>, %add3A_244 masked %reduce_sum3A_245 : vector<16xf32>, vector<16xi1> -> vector<16xf32>
      %reduce_sum3A_247 = vector.extract %reduce_sum3A_246[15] : f32 from vector<16xf32>
      %reduce_sum3A_248 = arith.constant true
      %reduce_sum3A_249 = vector.broadcast %reduce_sum3A_248 : i1 to vector<16xi1>
      %reduce_sum3A_250 = tpu.scan <sum>, %scan3A_189#1 masked %reduce_sum3A_249 : vector<16xf32>, vector<16xi1> -> vector<16xf32>
      %reduce_sum3A_251 = vector.extract %reduce_sum3A_250[15] : f32 from vector<16xf32>
      %reduce_sum3A_252 = arith.constant true
      %reduce_sum3A_253 = vector.broadcast %reduce_sum3A_252 : i1 to vector<16xi1>
      %reduce_sum3A_254 = tpu.scan <sum>, %scan3A_189#2 masked %reduce_sum3A_253 : vector<16xf32>, vector<16xi1> -> vector<16xf32>
      %reduce_sum3A_255 = vector.extract %reduce_sum3A_254[15] : f32 from vector<16xf32>
      %eq3A_256 = arith.constant 0 : i32
      %eq3A_257 = vector.broadcast %eq3A_256 : i32 to vector<16xi32>
      %eq3A_258 = arith.cmpi eq, %iota3A, %eq3A_257 : vector<16xi32>
      %broadcast_in_dim3A_259 = arith.constant 0.000000e+00 : f32
      %broadcast_in_dim3A_260 = vector.broadcast %broadcast_in_dim3A_259 : f32 to vector<16xf32>
      %broadcast_in_dim3A_261 = vector.broadcast %reduce_sum3A_247 : f32 to vector<16xf32>
      %select_n3A = arith.select %eq3A_258, %broadcast_in_dim3A_261, %broadcast_in_dim3A_260 : vector<16xi1>, vector<16xf32>
      %eq3A_262 = arith.constant 1 : i32
      %eq3A_263 = vector.broadcast %eq3A_262 : i32 to vector<16xi32>
      %eq3A_264 = arith.cmpi eq, %iota3A, %eq3A_263 : vector<16xi32>
      %broadcast_in_dim3A_265 = vector.broadcast %reduce_sum3A_251 : f32 to vector<16xf32>
      %select_n3A_266 = arith.select %eq3A_264, %broadcast_in_dim3A_265, %select_n3A : vector<16xi1>, vector<16xf32>
      %eq3A_267 = arith.constant 2 : i32
      %eq3A_268 = vector.broadcast %eq3A_267 : i32 to vector<16xi32>
      %eq3A_269 = arith.cmpi eq, %iota3A, %eq3A_268 : vector<16xi32>
      %broadcast_in_dim3A_270 = vector.broadcast %reduce_sum3A_255 : f32 to vector<16xf32>
      %select_n3A_271 = arith.select %eq3A_269, %broadcast_in_dim3A_270, %select_n3A_266 : vector<16xi1>, vector<16xf32>
      %swap3A_272 = arith.constant 0 : index
      %swap3A_273 = tpu.vector_load %arg10[%swap3A_272] {strides = array<i32>} : memref<16xf32, #tpu.memory_space<vmem>>, vector<16xf32>,
      tpu.vector_store %arg10[%swap3A_272], %select_n3A_271 {strides = array<i32>} : memref<16xf32, #tpu.memory_space<vmem>>, vector<16xf32>,
      %mul3A_274 = arith.constant 16 : i32
      %mul3A_275 = arith.muli %arg0, %mul3A_274 : i32
      "tpu.region"() ({
        %run_scoped3A = tpu.sem_alloc : memref<!tpu.dma_semaphore, #tpu.memory_space<semaphore_mem>>
        %dma_start3A_276 = tpu.memref_slice %arg4[%mul3A_275] : memref<32xf32, #tpu.memory_space<hbm>> -> memref<16xf32, #tpu.memory_space<hbm>>
        %dma_start3A_277 = tpu.memref_slice %arg4[%mul3A_275] : memref<32xf32, #tpu.memory_space<hbm>> -> memref<16xf32, #tpu.memory_space<hbm>>
        tpu.enqueue_dma source(%arg10 : memref<16xf32, #tpu.memory_space<vmem>>) target(%dma_start3A_277 : memref<16xf32, #tpu.memory_space<hbm>>) target_semaphore(%run_scoped3A : memref<!tpu.dma_semaphore, #tpu.memory_space<semaphore_mem>>)
        %dma_wait3A = tpu.memref_slice %arg4[%mul3A_275] : memref<32xf32, #tpu.memory_space<hbm>> -> memref<16xf32, #tpu.memory_space<hbm>>
        %dma_wait3A_278 = tpu.memref_slice %arg4[%mul3A_275] : memref<32xf32, #tpu.memory_space<hbm>> -> memref<16xf32, #tpu.memory_space<hbm>>
        tpu.wait_dma2 semaphore(%run_scoped3A : memref<!tpu.dma_semaphore, #tpu.memory_space<semaphore_mem>>) src(%arg10 : memref<16xf32, #tpu.memory_space<vmem>>) dst(%dma_wait3A_278 : memref<16xf32, #tpu.memory_space<hbm>>)
        tpu.yield
      }) : () -> ()
    } else {
    }
    return
  }
}

module attributes {stable_mosaic.version = 14 : i64} {
  func.func @_tc_body(%arg0: i32, %arg1: i32, %arg2: i32, %arg3: memref<1x4x128x512xf32, #tpu.memory_space<vmem>>, %arg4: memref<1x128x512xi32, #tpu.memory_space<vmem>>, %arg5: memref<1x128xf32, #tpu.memory_space<vmem>>, %arg6: memref<8x128xf32, #tpu.memory_space<vmem>>, %arg7: memref<4xf32, #tpu.memory_space<smem>>) attributes {dimension_semantics = [#tpu.dimension_semantics<arbitrary>, #tpu.dimension_semantics<arbitrary>, #tpu.dimension_semantics<arbitrary>], iteration_bounds = array<i64: 4, 2, 4>, scalar_prefetch = 0 : i64, scratch_operands = 2 : i64, tpu.core_type = #tpu.core_type<tc>, window_params = [{transform_indices = @transform_0, window_bounds = array<i64: 1, 4, 128, 512>}, {transform_indices = @transform_1, window_bounds = array<i64: 1, 128, 512>}, {pipeline_mode = #tpu.pipeline_mode<synchronous>, transform_indices = @transform_2, window_bounds = array<i64: 1, 128>}]} {
    %eq3A = arith.constant 0 : i32
    %eq3A_0 = arith.cmpi eq, %arg0, %eq3A : i32
    %eq3A_1 = arith.constant 0 : i32
    %eq3A_2 = arith.cmpi eq, %arg1, %eq3A_1 : i32
    %and3A = arith.andi %eq3A_0, %eq3A_2 : i1
    %eq3A_3 = arith.constant 0 : i32
    %eq3A_4 = arith.cmpi eq, %arg2, %eq3A_3 : i32
    %and3A_5 = arith.andi %and3A, %eq3A_4 : i1
    %convert_element_type3A = arith.extui %and3A_5 : i1 to i32
    %cond3A = arith.constant 0 : i32
    %cond3A_6 = arith.cmpi ne, %convert_element_type3A, %cond3A : i32
    scf.if %cond3A_6 {
      %swap3A_44 = arith.constant 0.000000e+00 : f32
      %swap3A_45 = arith.constant 0 : index
      %swap3A_46 = memref.load %arg7[%swap3A_45] : memref<4xf32, #tpu.memory_space<smem>>
      memref.store %swap3A_44, %arg7[%swap3A_45] : memref<4xf32, #tpu.memory_space<smem>>
      %swap3A_47 = arith.constant 0.000000e+00 : f32
      %swap3A_48 = arith.constant 1 : index
      %swap3A_49 = memref.load %arg7[%swap3A_48] : memref<4xf32, #tpu.memory_space<smem>>
      memref.store %swap3A_47, %arg7[%swap3A_48] : memref<4xf32, #tpu.memory_space<smem>>
      %swap3A_50 = arith.constant 0.000000e+00 : f32
      %swap3A_51 = arith.constant 2 : index
      %swap3A_52 = memref.load %arg7[%swap3A_51] : memref<4xf32, #tpu.memory_space<smem>>
      memref.store %swap3A_50, %arg7[%swap3A_51] : memref<4xf32, #tpu.memory_space<smem>>
    } else {
    }
    %get3A = arith.constant 0 : index
    %get3A_7 = arith.constant 0 : index
    %get3A_8 = arith.constant 0 : index
    %get3A_9 = vector.load %arg4[%get3A, %get3A_7, %get3A_8] : memref<1x128x512xi32, #tpu.memory_space<vmem>>, vector<1x128x512xi32>
    %get3A_10 = vector.shape_cast %get3A_9 : vector<1x128x512xi32> to vector<128x512xi32>
    %eq3A_11 = arith.constant 0 : i32
    %eq3A_12 = arith.cmpi eq, %arg1, %eq3A_11 : i32
    %convert_element_type3A_13 = arith.extui %eq3A_12 : i1 to i32
    %cond3A_14 = arith.constant 0 : i32
    %cond3A_15 = arith.cmpi ne, %convert_element_type3A_13, %cond3A_14 : i32
    scf.if %cond3A_15 {
      %eq3A_44 = arith.constant 0 : i32
      %eq3A_45 = arith.cmpi eq, %arg2, %eq3A_44 : i32
      %convert_element_type3A_46 = arith.extui %eq3A_45 : i1 to i32
      %cond3A_47 = arith.constant 0 : i32
      %cond3A_48 = arith.cmpi ne, %convert_element_type3A_46, %cond3A_47 : i32
      scf.if %cond3A_48 {
        %broadcast_in_dim3A_702 = arith.constant 0.000000e+00 : f32
        %broadcast_in_dim3A_703 = vector.broadcast %broadcast_in_dim3A_702 : f32 to vector<8x128xf32>
        %swap3A_704 = arith.constant 0 : index
        %swap3A_705 = arith.constant 0 : index
        %swap3A_706 = vector.load %arg6[%swap3A_704, %swap3A_705] : memref<8x128xf32, #tpu.memory_space<vmem>>, vector<8x128xf32>
        tpu.vector_store %arg6[%swap3A_704, %swap3A_705], %broadcast_in_dim3A_703 {strides = array<i32>} : memref<8x128xf32, #tpu.memory_space<vmem>>, vector<8x128xf32>,
      } else {
      }
      %broadcast_in_dim3A_49 = arith.constant 0.000000e+00 : f32
      %broadcast_in_dim3A_50 = vector.broadcast %broadcast_in_dim3A_49 : f32 to vector<8x128xf32>
      %iota3A_51 = tpu.iota {dimensions = array<i32: 0>} : vector<8x128xi32>
      %iota3A_52 = tpu.iota {dimensions = array<i32: 1>} : vector<8x128xi32>
      %eq3A_53 = arith.constant 0 : i32
      %eq3A_54 = vector.broadcast %eq3A_53 : i32 to vector<128x512xi32>
      %eq3A_55 = arith.cmpi eq, %get3A_10, %eq3A_54 : vector<128x512xi32>
      %eq3A_56 = arith.constant 1 : i32
      %eq3A_57 = vector.broadcast %eq3A_56 : i32 to vector<128x512xi32>
      %eq3A_58 = arith.cmpi eq, %get3A_10, %eq3A_57 : vector<128x512xi32>
      %eq3A_59 = arith.constant 2 : i32
      %eq3A_60 = vector.broadcast %eq3A_59 : i32 to vector<128x512xi32>
      %eq3A_61 = arith.cmpi eq, %get3A_10, %eq3A_60 : vector<128x512xi32>
      %eq3A_62 = arith.constant 3 : i32
      %eq3A_63 = vector.broadcast %eq3A_62 : i32 to vector<128x512xi32>
      %eq3A_64 = arith.cmpi eq, %get3A_10, %eq3A_63 : vector<128x512xi32>
      %eq3A_65 = arith.constant 4 : i32
      %eq3A_66 = vector.broadcast %eq3A_65 : i32 to vector<128x512xi32>
      %eq3A_67 = arith.cmpi eq, %get3A_10, %eq3A_66 : vector<128x512xi32>
      %jit3A = arith.constant 1.000000e+00 : f32
      %jit3A_68 = arith.constant 0.000000e+00 : f32
      %broadcast_in_dim3A_69 = vector.broadcast %jit3A : f32 to vector<128x512xf32>
      %broadcast_in_dim3A_70 = vector.broadcast %jit3A_68 : f32 to vector<128x512xf32>
      %select_n3A_71 = arith.select %eq3A_55, %broadcast_in_dim3A_69, %broadcast_in_dim3A_70 : vector<128x512xi1>, vector<128x512xf32>
      %reduce_sum3A = vector.shape_cast %select_n3A_71 : vector<128x512xf32> to vector<1x128x512xf32>
      %reduce_sum3A_72 = arith.constant dense<0.000000e+00> : vector<1xf32>
      %reduce_sum3A_73 = vector.multi_reduction <add>, %reduce_sum3A, %reduce_sum3A_72 [1, 2] : vector<1x128x512xf32> to vector<1xf32>
      %reduce_sum3A_74 = vector.shape_cast %reduce_sum3A_73 : vector<1xf32> to vector<1x1x1xf32>
      %reduce_sum3A_75 = vector.extract %reduce_sum3A_74[0, 0, 0] : f32 from vector<1x1x1xf32>
      %eq3A_76 = arith.constant 5 : i32
      %eq3A_77 = vector.broadcast %eq3A_76 : i32 to vector<8x128xi32>
      %eq3A_78 = arith.cmpi eq, %iota3A_51, %eq3A_77 : vector<8x128xi32>
      %eq3A_79 = arith.constant 0 : i32
      %eq3A_80 = vector.broadcast %eq3A_79 : i32 to vector<8x128xi32>
      %eq3A_81 = arith.cmpi eq, %iota3A_52, %eq3A_80 : vector<8x128xi32>
      %and3A_82 = arith.andi %eq3A_78, %eq3A_81 : vector<8x128xi1>
      %jit3A_83 = arith.constant 0.000000e+00 : f32
      %broadcast_in_dim3A_84 = vector.broadcast %reduce_sum3A_75 : f32 to vector<8x128xf32>
      %broadcast_in_dim3A_85 = vector.broadcast %jit3A_83 : f32 to vector<8x128xf32>
      %select_n3A_86 = arith.select %and3A_82, %broadcast_in_dim3A_84, %broadcast_in_dim3A_85 : vector<8x128xi1>, vector<8x128xf32>
      %add3A = arith.addf %broadcast_in_dim3A_50, %select_n3A_86 : vector<8x128xf32>
      %get3A_87 = arith.constant 0 : index
      %get3A_88 = arith.constant 0 : index
      %get3A_89 = arith.constant 0 : index
      %get3A_90 = arith.constant 0 : index
      %get3A_91 = vector.load %arg3[%get3A_87, %get3A_88, %get3A_89, %get3A_90] : memref<1x4x128x512xf32, #tpu.memory_space<vmem>>, vector<1x1x128x512xf32>
      %get3A_92 = vector.shape_cast %get3A_91 : vector<1x1x128x512xf32> to vector<128x512xf32>
      %jit3A_93 = arith.constant 0.000000e+00 : f32
      %broadcast_in_dim3A_94 = vector.broadcast %jit3A_93 : f32 to vector<128x512xf32>
      %select_n3A_95 = arith.select %eq3A_55, %get3A_92, %broadcast_in_dim3A_94 : vector<128x512xi1>, vector<128x512xf32>
      %reduce_sum3A_96 = vector.shape_cast %select_n3A_95 : vector<128x512xf32> to vector<1x128x512xf32>
      %reduce_sum3A_97 = arith.constant dense<0.000000e+00> : vector<1xf32>
      %reduce_sum3A_98 = vector.multi_reduction <add>, %reduce_sum3A_96, %reduce_sum3A_97 [1, 2] : vector<1x128x512xf32> to vector<1xf32>
      %reduce_sum3A_99 = vector.shape_cast %reduce_sum3A_98 : vector<1xf32> to vector<1x1x1xf32>
      %reduce_sum3A_100 = vector.extract %reduce_sum3A_99[0, 0, 0] : f32 from vector<1x1x1xf32>
      %eq3A_101 = arith.constant 0 : i32
      %eq3A_102 = vector.broadcast %eq3A_101 : i32 to vector<8x128xi32>
      %eq3A_103 = arith.cmpi eq, %iota3A_51, %eq3A_102 : vector<8x128xi32>
      %eq3A_104 = arith.constant 0 : i32
      %eq3A_105 = vector.broadcast %eq3A_104 : i32 to vector<8x128xi32>
      %eq3A_106 = arith.cmpi eq, %iota3A_52, %eq3A_105 : vector<8x128xi32>
      %and3A_107 = arith.andi %eq3A_103, %eq3A_106 : vector<8x128xi1>
      %jit3A_108 = arith.constant 0.000000e+00 : f32
      %broadcast_in_dim3A_109 = vector.broadcast %reduce_sum3A_100 : f32 to vector<8x128xf32>
      %broadcast_in_dim3A_110 = vector.broadcast %jit3A_108 : f32 to vector<8x128xf32>
      %select_n3A_111 = arith.select %and3A_107, %broadcast_in_dim3A_109, %broadcast_in_dim3A_110 : vector<8x128xi1>, vector<8x128xf32>
      %add3A_112 = arith.addf %add3A, %select_n3A_111 : vector<8x128xf32>
      %get3A_113 = arith.constant 0 : index
      %get3A_114 = arith.constant 1 : index
      %get3A_115 = arith.constant 0 : index
      %get3A_116 = arith.constant 0 : index
      %get3A_117 = vector.load %arg3[%get3A_113, %get3A_114, %get3A_115, %get3A_116] : memref<1x4x128x512xf32, #tpu.memory_space<vmem>>, vector<1x1x128x512xf32>
      %get3A_118 = vector.shape_cast %get3A_117 : vector<1x1x128x512xf32> to vector<128x512xf32>
      %jit3A_119 = arith.constant 0.000000e+00 : f32
      %broadcast_in_dim3A_120 = vector.broadcast %jit3A_119 : f32 to vector<128x512xf32>
      %select_n3A_121 = arith.select %eq3A_55, %get3A_118, %broadcast_in_dim3A_120 : vector<128x512xi1>, vector<128x512xf32>
      %reduce_sum3A_122 = vector.shape_cast %select_n3A_121 : vector<128x512xf32> to vector<1x128x512xf32>
      %reduce_sum3A_123 = arith.constant dense<0.000000e+00> : vector<1xf32>
      %reduce_sum3A_124 = vector.multi_reduction <add>, %reduce_sum3A_122, %reduce_sum3A_123 [1, 2] : vector<1x128x512xf32> to vector<1xf32>
      %reduce_sum3A_125 = vector.shape_cast %reduce_sum3A_124 : vector<1xf32> to vector<1x1x1xf32>
      %reduce_sum3A_126 = vector.extract %reduce_sum3A_125[0, 0, 0] : f32 from vector<1x1x1xf32>
      %eq3A_127 = arith.constant 0 : i32
      %eq3A_128 = vector.broadcast %eq3A_127 : i32 to vector<8x128xi32>
      %eq3A_129 = arith.cmpi eq, %iota3A_51, %eq3A_128 : vector<8x128xi32>
      %eq3A_130 = arith.constant 1 : i32
      %eq3A_131 = vector.broadcast %eq3A_130 : i32 to vector<8x128xi32>
      %eq3A_132 = arith.cmpi eq, %iota3A_52, %eq3A_131 : vector<8x128xi32>
      %and3A_133 = arith.andi %eq3A_129, %eq3A_132 : vector<8x128xi1>
      %jit3A_134 = arith.constant 0.000000e+00 : f32
      %broadcast_in_dim3A_135 = vector.broadcast %reduce_sum3A_126 : f32 to vector<8x128xf32>
      %broadcast_in_dim3A_136 = vector.broadcast %jit3A_134 : f32 to vector<8x128xf32>
      %select_n3A_137 = arith.select %and3A_133, %broadcast_in_dim3A_135, %broadcast_in_dim3A_136 : vector<8x128xi1>, vector<8x128xf32>
      %add3A_138 = arith.addf %add3A_112, %select_n3A_137 : vector<8x128xf32>
      %get3A_139 = arith.constant 0 : index
      %get3A_140 = arith.constant 2 : index
      %get3A_141 = arith.constant 0 : index
      %get3A_142 = arith.constant 0 : index
      %get3A_143 = vector.load %arg3[%get3A_139, %get3A_140, %get3A_141, %get3A_142] : memref<1x4x128x512xf32, #tpu.memory_space<vmem>>, vector<1x1x128x512xf32>
      %get3A_144 = vector.shape_cast %get3A_143 : vector<1x1x128x512xf32> to vector<128x512xf32>
      %jit3A_145 = arith.constant 0.000000e+00 : f32
      %broadcast_in_dim3A_146 = vector.broadcast %jit3A_145 : f32 to vector<128x512xf32>
      %select_n3A_147 = arith.select %eq3A_55, %get3A_144, %broadcast_in_dim3A_146 : vector<128x512xi1>, vector<128x512xf32>
      %reduce_sum3A_148 = vector.shape_cast %select_n3A_147 : vector<128x512xf32> to vector<1x128x512xf32>
      %reduce_sum3A_149 = arith.constant dense<0.000000e+00> : vector<1xf32>
      %reduce_sum3A_150 = vector.multi_reduction <add>, %reduce_sum3A_148, %reduce_sum3A_149 [1, 2] : vector<1x128x512xf32> to vector<1xf32>
      %reduce_sum3A_151 = vector.shape_cast %reduce_sum3A_150 : vector<1xf32> to vector<1x1x1xf32>
      %reduce_sum3A_152 = vector.extract %reduce_sum3A_151[0, 0, 0] : f32 from vector<1x1x1xf32>
      %eq3A_153 = arith.constant 0 : i32
      %eq3A_154 = vector.broadcast %eq3A_153 : i32 to vector<8x128xi32>
      %eq3A_155 = arith.cmpi eq, %iota3A_51, %eq3A_154 : vector<8x128xi32>
      %eq3A_156 = arith.constant 2 : i32
      %eq3A_157 = vector.broadcast %eq3A_156 : i32 to vector<8x128xi32>
      %eq3A_158 = arith.cmpi eq, %iota3A_52, %eq3A_157 : vector<8x128xi32>
      %and3A_159 = arith.andi %eq3A_155, %eq3A_158 : vector<8x128xi1>
      %jit3A_160 = arith.constant 0.000000e+00 : f32
      %broadcast_in_dim3A_161 = vector.broadcast %reduce_sum3A_152 : f32 to vector<8x128xf32>
      %broadcast_in_dim3A_162 = vector.broadcast %jit3A_160 : f32 to vector<8x128xf32>
      %select_n3A_163 = arith.select %and3A_159, %broadcast_in_dim3A_161, %broadcast_in_dim3A_162 : vector<8x128xi1>, vector<8x128xf32>
      %add3A_164 = arith.addf %add3A_138, %select_n3A_163 : vector<8x128xf32>
      %get3A_165 = arith.constant 0 : index
      %get3A_166 = arith.constant 3 : index
      %get3A_167 = arith.constant 0 : index
      %get3A_168 = arith.constant 0 : index
      %get3A_169 = vector.load %arg3[%get3A_165, %get3A_166, %get3A_167, %get3A_168] : memref<1x4x128x512xf32, #tpu.memory_space<vmem>>, vector<1x1x128x512xf32>
      %get3A_170 = vector.shape_cast %get3A_169 : vector<1x1x128x512xf32> to vector<128x512xf32>
      %jit3A_171 = arith.constant 0.000000e+00 : f32
      %broadcast_in_dim3A_172 = vector.broadcast %jit3A_171 : f32 to vector<128x512xf32>
      %select_n3A_173 = arith.select %eq3A_55, %get3A_170, %broadcast_in_dim3A_172 : vector<128x512xi1>, vector<128x512xf32>
      %reduce_sum3A_174 = vector.shape_cast %select_n3A_173 : vector<128x512xf32> to vector<1x128x512xf32>
      %reduce_sum3A_175 = arith.constant dense<0.000000e+00> : vector<1xf32>
      %reduce_sum3A_176 = vector.multi_reduction <add>, %reduce_sum3A_174, %reduce_sum3A_175 [1, 2] : vector<1x128x512xf32> to vector<1xf32>
      %reduce_sum3A_177 = vector.shape_cast %reduce_sum3A_176 : vector<1xf32> to vector<1x1x1xf32>
      %reduce_sum3A_178 = vector.extract %reduce_sum3A_177[0, 0, 0] : f32 from vector<1x1x1xf32>
      %eq3A_179 = arith.constant 0 : i32
      %eq3A_180 = vector.broadcast %eq3A_179 : i32 to vector<8x128xi32>
      %eq3A_181 = arith.cmpi eq, %iota3A_51, %eq3A_180 : vector<8x128xi32>
      %eq3A_182 = arith.constant 3 : i32
      %eq3A_183 = vector.broadcast %eq3A_182 : i32 to vector<8x128xi32>
      %eq3A_184 = arith.cmpi eq, %iota3A_52, %eq3A_183 : vector<8x128xi32>
      %and3A_185 = arith.andi %eq3A_181, %eq3A_184 : vector<8x128xi1>
      %jit3A_186 = arith.constant 0.000000e+00 : f32
      %broadcast_in_dim3A_187 = vector.broadcast %reduce_sum3A_178 : f32 to vector<8x128xf32>
      %broadcast_in_dim3A_188 = vector.broadcast %jit3A_186 : f32 to vector<8x128xf32>
      %select_n3A_189 = arith.select %and3A_185, %broadcast_in_dim3A_187, %broadcast_in_dim3A_188 : vector<8x128xi1>, vector<8x128xf32>
      %add3A_190 = arith.addf %add3A_164, %select_n3A_189 : vector<8x128xf32>
      %jit3A_191 = arith.constant 1.000000e+00 : f32
      %jit3A_192 = arith.constant 0.000000e+00 : f32
      %broadcast_in_dim3A_193 = vector.broadcast %jit3A_191 : f32 to vector<128x512xf32>
      %broadcast_in_dim3A_194 = vector.broadcast %jit3A_192 : f32 to vector<128x512xf32>
      %select_n3A_195 = arith.select %eq3A_58, %broadcast_in_dim3A_193, %broadcast_in_dim3A_194 : vector<128x512xi1>, vector<128x512xf32>
      %reduce_sum3A_196 = vector.shape_cast %select_n3A_195 : vector<128x512xf32> to vector<1x128x512xf32>
      %reduce_sum3A_197 = arith.constant dense<0.000000e+00> : vector<1xf32>
      %reduce_sum3A_198 = vector.multi_reduction <add>, %reduce_sum3A_196, %reduce_sum3A_197 [1, 2] : vector<1x128x512xf32> to vector<1xf32>
      %reduce_sum3A_199 = vector.shape_cast %reduce_sum3A_198 : vector<1xf32> to vector<1x1x1xf32>
      %reduce_sum3A_200 = vector.extract %reduce_sum3A_199[0, 0, 0] : f32 from vector<1x1x1xf32>
      %eq3A_201 = arith.constant 5 : i32
      %eq3A_202 = vector.broadcast %eq3A_201 : i32 to vector<8x128xi32>
      %eq3A_203 = arith.cmpi eq, %iota3A_51, %eq3A_202 : vector<8x128xi32>
      %eq3A_204 = arith.constant 1 : i32
      %eq3A_205 = vector.broadcast %eq3A_204 : i32 to vector<8x128xi32>
      %eq3A_206 = arith.cmpi eq, %iota3A_52, %eq3A_205 : vector<8x128xi32>
      %and3A_207 = arith.andi %eq3A_203, %eq3A_206 : vector<8x128xi1>
      %jit3A_208 = arith.constant 0.000000e+00 : f32
      %broadcast_in_dim3A_209 = vector.broadcast %reduce_sum3A_200 : f32 to vector<8x128xf32>
      %broadcast_in_dim3A_210 = vector.broadcast %jit3A_208 : f32 to vector<8x128xf32>
      %select_n3A_211 = arith.select %and3A_207, %broadcast_in_dim3A_209, %broadcast_in_dim3A_210 : vector<8x128xi1>, vector<8x128xf32>
      %add3A_212 = arith.addf %add3A_190, %select_n3A_211 : vector<8x128xf32>
      %get3A_213 = arith.constant 0 : index
      %get3A_214 = arith.constant 0 : index
      %get3A_215 = arith.constant 0 : index
      %get3A_216 = arith.constant 0 : index
      %get3A_217 = vector.load %arg3[%get3A_213, %get3A_214, %get3A_215, %get3A_216] : memref<1x4x128x512xf32, #tpu.memory_space<vmem>>, vector<1x1x128x512xf32>
      %get3A_218 = vector.shape_cast %get3A_217 : vector<1x1x128x512xf32> to vector<128x512xf32>
      %jit3A_219 = arith.constant 0.000000e+00 : f32
      %broadcast_in_dim3A_220 = vector.broadcast %jit3A_219 : f32 to vector<128x512xf32>
      %select_n3A_221 = arith.select %eq3A_58, %get3A_218, %broadcast_in_dim3A_220 : vector<128x512xi1>, vector<128x512xf32>
      %reduce_sum3A_222 = vector.shape_cast %select_n3A_221 : vector<128x512xf32> to vector<1x128x512xf32>
      %reduce_sum3A_223 = arith.constant dense<0.000000e+00> : vector<1xf32>
      %reduce_sum3A_224 = vector.multi_reduction <add>, %reduce_sum3A_222, %reduce_sum3A_223 [1, 2] : vector<1x128x512xf32> to vector<1xf32>
      %reduce_sum3A_225 = vector.shape_cast %reduce_sum3A_224 : vector<1xf32> to vector<1x1x1xf32>
      %reduce_sum3A_226 = vector.extract %reduce_sum3A_225[0, 0, 0] : f32 from vector<1x1x1xf32>
      %eq3A_227 = arith.constant 1 : i32
      %eq3A_228 = vector.broadcast %eq3A_227 : i32 to vector<8x128xi32>
      %eq3A_229 = arith.cmpi eq, %iota3A_51, %eq3A_228 : vector<8x128xi32>
      %eq3A_230 = arith.constant 0 : i32
      %eq3A_231 = vector.broadcast %eq3A_230 : i32 to vector<8x128xi32>
      %eq3A_232 = arith.cmpi eq, %iota3A_52, %eq3A_231 : vector<8x128xi32>
      %and3A_233 = arith.andi %eq3A_229, %eq3A_232 : vector<8x128xi1>
      %jit3A_234 = arith.constant 0.000000e+00 : f32
      %broadcast_in_dim3A_235 = vector.broadcast %reduce_sum3A_226 : f32 to vector<8x128xf32>
      %broadcast_in_dim3A_236 = vector.broadcast %jit3A_234 : f32 to vector<8x128xf32>
      %select_n3A_237 = arith.select %and3A_233, %broadcast_in_dim3A_235, %broadcast_in_dim3A_236 : vector<8x128xi1>, vector<8x128xf32>
      %add3A_238 = arith.addf %add3A_212, %select_n3A_237 : vector<8x128xf32>
      %get3A_239 = arith.constant 0 : index
      %get3A_240 = arith.constant 1 : index
      %get3A_241 = arith.constant 0 : index
      %get3A_242 = arith.constant 0 : index
      %get3A_243 = vector.load %arg3[%get3A_239, %get3A_240, %get3A_241, %get3A_242] : memref<1x4x128x512xf32, #tpu.memory_space<vmem>>, vector<1x1x128x512xf32>
      %get3A_244 = vector.shape_cast %get3A_243 : vector<1x1x128x512xf32> to vector<128x512xf32>
      %jit3A_245 = arith.constant 0.000000e+00 : f32
      %broadcast_in_dim3A_246 = vector.broadcast %jit3A_245 : f32 to vector<128x512xf32>
      %select_n3A_247 = arith.select %eq3A_58, %get3A_244, %broadcast_in_dim3A_246 : vector<128x512xi1>, vector<128x512xf32>
      %reduce_sum3A_248 = vector.shape_cast %select_n3A_247 : vector<128x512xf32> to vector<1x128x512xf32>
      %reduce_sum3A_249 = arith.constant dense<0.000000e+00> : vector<1xf32>
      %reduce_sum3A_250 = vector.multi_reduction <add>, %reduce_sum3A_248, %reduce_sum3A_249 [1, 2] : vector<1x128x512xf32> to vector<1xf32>
      %reduce_sum3A_251 = vector.shape_cast %reduce_sum3A_250 : vector<1xf32> to vector<1x1x1xf32>
      %reduce_sum3A_252 = vector.extract %reduce_sum3A_251[0, 0, 0] : f32 from vector<1x1x1xf32>
      %eq3A_253 = arith.constant 1 : i32
      %eq3A_254 = vector.broadcast %eq3A_253 : i32 to vector<8x128xi32>
      %eq3A_255 = arith.cmpi eq, %iota3A_51, %eq3A_254 : vector<8x128xi32>
      %eq3A_256 = arith.constant 1 : i32
      %eq3A_257 = vector.broadcast %eq3A_256 : i32 to vector<8x128xi32>
      %eq3A_258 = arith.cmpi eq, %iota3A_52, %eq3A_257 : vector<8x128xi32>
      %and3A_259 = arith.andi %eq3A_255, %eq3A_258 : vector<8x128xi1>
      %jit3A_260 = arith.constant 0.000000e+00 : f32
      %broadcast_in_dim3A_261 = vector.broadcast %reduce_sum3A_252 : f32 to vector<8x128xf32>
      %broadcast_in_dim3A_262 = vector.broadcast %jit3A_260 : f32 to vector<8x128xf32>
      %select_n3A_263 = arith.select %and3A_259, %broadcast_in_dim3A_261, %broadcast_in_dim3A_262 : vector<8x128xi1>, vector<8x128xf32>
      %add3A_264 = arith.addf %add3A_238, %select_n3A_263 : vector<8x128xf32>
      %get3A_265 = arith.constant 0 : index
      %get3A_266 = arith.constant 2 : index
      %get3A_267 = arith.constant 0 : index
      %get3A_268 = arith.constant 0 : index
      %get3A_269 = vector.load %arg3[%get3A_265, %get3A_266, %get3A_267, %get3A_268] : memref<1x4x128x512xf32, #tpu.memory_space<vmem>>, vector<1x1x128x512xf32>
      %get3A_270 = vector.shape_cast %get3A_269 : vector<1x1x128x512xf32> to vector<128x512xf32>
      %jit3A_271 = arith.constant 0.000000e+00 : f32
      %broadcast_in_dim3A_272 = vector.broadcast %jit3A_271 : f32 to vector<128x512xf32>
      %select_n3A_273 = arith.select %eq3A_58, %get3A_270, %broadcast_in_dim3A_272 : vector<128x512xi1>, vector<128x512xf32>
      %reduce_sum3A_274 = vector.shape_cast %select_n3A_273 : vector<128x512xf32> to vector<1x128x512xf32>
      %reduce_sum3A_275 = arith.constant dense<0.000000e+00> : vector<1xf32>
      %reduce_sum3A_276 = vector.multi_reduction <add>, %reduce_sum3A_274, %reduce_sum3A_275 [1, 2] : vector<1x128x512xf32> to vector<1xf32>
      %reduce_sum3A_277 = vector.shape_cast %reduce_sum3A_276 : vector<1xf32> to vector<1x1x1xf32>
      %reduce_sum3A_278 = vector.extract %reduce_sum3A_277[0, 0, 0] : f32 from vector<1x1x1xf32>
      %eq3A_279 = arith.constant 1 : i32
      %eq3A_280 = vector.broadcast %eq3A_279 : i32 to vector<8x128xi32>
      %eq3A_281 = arith.cmpi eq, %iota3A_51, %eq3A_280 : vector<8x128xi32>
      %eq3A_282 = arith.constant 2 : i32
      %eq3A_283 = vector.broadcast %eq3A_282 : i32 to vector<8x128xi32>
      %eq3A_284 = arith.cmpi eq, %iota3A_52, %eq3A_283 : vector<8x128xi32>
      %and3A_285 = arith.andi %eq3A_281, %eq3A_284 : vector<8x128xi1>
      %jit3A_286 = arith.constant 0.000000e+00 : f32
      %broadcast_in_dim3A_287 = vector.broadcast %reduce_sum3A_278 : f32 to vector<8x128xf32>
      %broadcast_in_dim3A_288 = vector.broadcast %jit3A_286 : f32 to vector<8x128xf32>
      %select_n3A_289 = arith.select %and3A_285, %broadcast_in_dim3A_287, %broadcast_in_dim3A_288 : vector<8x128xi1>, vector<8x128xf32>
      %add3A_290 = arith.addf %add3A_264, %select_n3A_289 : vector<8x128xf32>
      %get3A_291 = arith.constant 0 : index
      %get3A_292 = arith.constant 3 : index
      %get3A_293 = arith.constant 0 : index
      %get3A_294 = arith.constant 0 : index
      %get3A_295 = vector.load %arg3[%get3A_291, %get3A_292, %get3A_293, %get3A_294] : memref<1x4x128x512xf32, #tpu.memory_space<vmem>>, vector<1x1x128x512xf32>
      %get3A_296 = vector.shape_cast %get3A_295 : vector<1x1x128x512xf32> to vector<128x512xf32>
      %jit3A_297 = arith.constant 0.000000e+00 : f32
      %broadcast_in_dim3A_298 = vector.broadcast %jit3A_297 : f32 to vector<128x512xf32>
      %select_n3A_299 = arith.select %eq3A_58, %get3A_296, %broadcast_in_dim3A_298 : vector<128x512xi1>, vector<128x512xf32>
      %reduce_sum3A_300 = vector.shape_cast %select_n3A_299 : vector<128x512xf32> to vector<1x128x512xf32>
      %reduce_sum3A_301 = arith.constant dense<0.000000e+00> : vector<1xf32>
      %reduce_sum3A_302 = vector.multi_reduction <add>, %reduce_sum3A_300, %reduce_sum3A_301 [1, 2] : vector<1x128x512xf32> to vector<1xf32>
      %reduce_sum3A_303 = vector.shape_cast %reduce_sum3A_302 : vector<1xf32> to vector<1x1x1xf32>
      %reduce_sum3A_304 = vector.extract %reduce_sum3A_303[0, 0, 0] : f32 from vector<1x1x1xf32>
      %eq3A_305 = arith.constant 1 : i32
      %eq3A_306 = vector.broadcast %eq3A_305 : i32 to vector<8x128xi32>
      %eq3A_307 = arith.cmpi eq, %iota3A_51, %eq3A_306 : vector<8x128xi32>
      %eq3A_308 = arith.constant 3 : i32
      %eq3A_309 = vector.broadcast %eq3A_308 : i32 to vector<8x128xi32>
      %eq3A_310 = arith.cmpi eq, %iota3A_52, %eq3A_309 : vector<8x128xi32>
      %and3A_311 = arith.andi %eq3A_307, %eq3A_310 : vector<8x128xi1>
      %jit3A_312 = arith.constant 0.000000e+00 : f32
      %broadcast_in_dim3A_313 = vector.broadcast %reduce_sum3A_304 : f32 to vector<8x128xf32>
      %broadcast_in_dim3A_314 = vector.broadcast %jit3A_312 : f32 to vector<8x128xf32>
      %select_n3A_315 = arith.select %and3A_311, %broadcast_in_dim3A_313, %broadcast_in_dim3A_314 : vector<8x128xi1>, vector<8x128xf32>
      %add3A_316 = arith.addf %add3A_290, %select_n3A_315 : vector<8x128xf32>
      %jit3A_317 = arith.constant 1.000000e+00 : f32
      %jit3A_318 = arith.constant 0.000000e+00 : f32
      %broadcast_in_dim3A_319 = vector.broadcast %jit3A_317 : f32 to vector<128x512xf32>
      %broadcast_in_dim3A_320 = vector.broadcast %jit3A_318 : f32 to vector<128x512xf32>
      %select_n3A_321 = arith.select %eq3A_61, %broadcast_in_dim3A_319, %broadcast_in_dim3A_320 : vector<128x512xi1>, vector<128x512xf32>
      %reduce_sum3A_322 = vector.shape_cast %select_n3A_321 : vector<128x512xf32> to vector<1x128x512xf32>
      %reduce_sum3A_323 = arith.constant dense<0.000000e+00> : vector<1xf32>
      %reduce_sum3A_324 = vector.multi_reduction <add>, %reduce_sum3A_322, %reduce_sum3A_323 [1, 2] : vector<1x128x512xf32> to vector<1xf32>
      %reduce_sum3A_325 = vector.shape_cast %reduce_sum3A_324 : vector<1xf32> to vector<1x1x1xf32>
      %reduce_sum3A_326 = vector.extract %reduce_sum3A_325[0, 0, 0] : f32 from vector<1x1x1xf32>
      %eq3A_327 = arith.constant 5 : i32
      %eq3A_328 = vector.broadcast %eq3A_327 : i32 to vector<8x128xi32>
      %eq3A_329 = arith.cmpi eq, %iota3A_51, %eq3A_328 : vector<8x128xi32>
      %eq3A_330 = arith.constant 2 : i32
      %eq3A_331 = vector.broadcast %eq3A_330 : i32 to vector<8x128xi32>
      %eq3A_332 = arith.cmpi eq, %iota3A_52, %eq3A_331 : vector<8x128xi32>
      %and3A_333 = arith.andi %eq3A_329, %eq3A_332 : vector<8x128xi1>
      %jit3A_334 = arith.constant 0.000000e+00 : f32
      %broadcast_in_dim3A_335 = vector.broadcast %reduce_sum3A_326 : f32 to vector<8x128xf32>
      %broadcast_in_dim3A_336 = vector.broadcast %jit3A_334 : f32 to vector<8x128xf32>
      %select_n3A_337 = arith.select %and3A_333, %broadcast_in_dim3A_335, %broadcast_in_dim3A_336 : vector<8x128xi1>, vector<8x128xf32>
      %add3A_338 = arith.addf %add3A_316, %select_n3A_337 : vector<8x128xf32>
      %get3A_339 = arith.constant 0 : index
      %get3A_340 = arith.constant 0 : index
      %get3A_341 = arith.constant 0 : index
      %get3A_342 = arith.constant 0 : index
      %get3A_343 = vector.load %arg3[%get3A_339, %get3A_340, %get3A_341, %get3A_342] : memref<1x4x128x512xf32, #tpu.memory_space<vmem>>, vector<1x1x128x512xf32>
      %get3A_344 = vector.shape_cast %get3A_343 : vector<1x1x128x512xf32> to vector<128x512xf32>
      %jit3A_345 = arith.constant 0.000000e+00 : f32
      %broadcast_in_dim3A_346 = vector.broadcast %jit3A_345 : f32 to vector<128x512xf32>
      %select_n3A_347 = arith.select %eq3A_61, %get3A_344, %broadcast_in_dim3A_346 : vector<128x512xi1>, vector<128x512xf32>
      %reduce_sum3A_348 = vector.shape_cast %select_n3A_347 : vector<128x512xf32> to vector<1x128x512xf32>
      %reduce_sum3A_349 = arith.constant dense<0.000000e+00> : vector<1xf32>
      %reduce_sum3A_350 = vector.multi_reduction <add>, %reduce_sum3A_348, %reduce_sum3A_349 [1, 2] : vector<1x128x512xf32> to vector<1xf32>
      %reduce_sum3A_351 = vector.shape_cast %reduce_sum3A_350 : vector<1xf32> to vector<1x1x1xf32>
      %reduce_sum3A_352 = vector.extract %reduce_sum3A_351[0, 0, 0] : f32 from vector<1x1x1xf32>
      %eq3A_353 = arith.constant 2 : i32
      %eq3A_354 = vector.broadcast %eq3A_353 : i32 to vector<8x128xi32>
      %eq3A_355 = arith.cmpi eq, %iota3A_51, %eq3A_354 : vector<8x128xi32>
      %eq3A_356 = arith.constant 0 : i32
      %eq3A_357 = vector.broadcast %eq3A_356 : i32 to vector<8x128xi32>
      %eq3A_358 = arith.cmpi eq, %iota3A_52, %eq3A_357 : vector<8x128xi32>
      %and3A_359 = arith.andi %eq3A_355, %eq3A_358 : vector<8x128xi1>
      %jit3A_360 = arith.constant 0.000000e+00 : f32
      %broadcast_in_dim3A_361 = vector.broadcast %reduce_sum3A_352 : f32 to vector<8x128xf32>
      %broadcast_in_dim3A_362 = vector.broadcast %jit3A_360 : f32 to vector<8x128xf32>
      %select_n3A_363 = arith.select %and3A_359, %broadcast_in_dim3A_361, %broadcast_in_dim3A_362 : vector<8x128xi1>, vector<8x128xf32>
      %add3A_364 = arith.addf %add3A_338, %select_n3A_363 : vector<8x128xf32>
      %get3A_365 = arith.constant 0 : index
      %get3A_366 = arith.constant 1 : index
      %get3A_367 = arith.constant 0 : index
      %get3A_368 = arith.constant 0 : index
      %get3A_369 = vector.load %arg3[%get3A_365, %get3A_366, %get3A_367, %get3A_368] : memref<1x4x128x512xf32, #tpu.memory_space<vmem>>, vector<1x1x128x512xf32>
      %get3A_370 = vector.shape_cast %get3A_369 : vector<1x1x128x512xf32> to vector<128x512xf32>
      %jit3A_371 = arith.constant 0.000000e+00 : f32
      %broadcast_in_dim3A_372 = vector.broadcast %jit3A_371 : f32 to vector<128x512xf32>
      %select_n3A_373 = arith.select %eq3A_61, %get3A_370, %broadcast_in_dim3A_372 : vector<128x512xi1>, vector<128x512xf32>
      %reduce_sum3A_374 = vector.shape_cast %select_n3A_373 : vector<128x512xf32> to vector<1x128x512xf32>
      %reduce_sum3A_375 = arith.constant dense<0.000000e+00> : vector<1xf32>
      %reduce_sum3A_376 = vector.multi_reduction <add>, %reduce_sum3A_374, %reduce_sum3A_375 [1, 2] : vector<1x128x512xf32> to vector<1xf32>
      %reduce_sum3A_377 = vector.shape_cast %reduce_sum3A_376 : vector<1xf32> to vector<1x1x1xf32>
      %reduce_sum3A_378 = vector.extract %reduce_sum3A_377[0, 0, 0] : f32 from vector<1x1x1xf32>
      %eq3A_379 = arith.constant 2 : i32
      %eq3A_380 = vector.broadcast %eq3A_379 : i32 to vector<8x128xi32>
      %eq3A_381 = arith.cmpi eq, %iota3A_51, %eq3A_380 : vector<8x128xi32>
      %eq3A_382 = arith.constant 1 : i32
      %eq3A_383 = vector.broadcast %eq3A_382 : i32 to vector<8x128xi32>
      %eq3A_384 = arith.cmpi eq, %iota3A_52, %eq3A_383 : vector<8x128xi32>
      %and3A_385 = arith.andi %eq3A_381, %eq3A_384 : vector<8x128xi1>
      %jit3A_386 = arith.constant 0.000000e+00 : f32
      %broadcast_in_dim3A_387 = vector.broadcast %reduce_sum3A_378 : f32 to vector<8x128xf32>
      %broadcast_in_dim3A_388 = vector.broadcast %jit3A_386 : f32 to vector<8x128xf32>
      %select_n3A_389 = arith.select %and3A_385, %broadcast_in_dim3A_387, %broadcast_in_dim3A_388 : vector<8x128xi1>, vector<8x128xf32>
      %add3A_390 = arith.addf %add3A_364, %select_n3A_389 : vector<8x128xf32>
      %get3A_391 = arith.constant 0 : index
      %get3A_392 = arith.constant 2 : index
      %get3A_393 = arith.constant 0 : index
      %get3A_394 = arith.constant 0 : index
      %get3A_395 = vector.load %arg3[%get3A_391, %get3A_392, %get3A_393, %get3A_394] : memref<1x4x128x512xf32, #tpu.memory_space<vmem>>, vector<1x1x128x512xf32>
      %get3A_396 = vector.shape_cast %get3A_395 : vector<1x1x128x512xf32> to vector<128x512xf32>
      %jit3A_397 = arith.constant 0.000000e+00 : f32
      %broadcast_in_dim3A_398 = vector.broadcast %jit3A_397 : f32 to vector<128x512xf32>
      %select_n3A_399 = arith.select %eq3A_61, %get3A_396, %broadcast_in_dim3A_398 : vector<128x512xi1>, vector<128x512xf32>
      %reduce_sum3A_400 = vector.shape_cast %select_n3A_399 : vector<128x512xf32> to vector<1x128x512xf32>
      %reduce_sum3A_401 = arith.constant dense<0.000000e+00> : vector<1xf32>
      %reduce_sum3A_402 = vector.multi_reduction <add>, %reduce_sum3A_400, %reduce_sum3A_401 [1, 2] : vector<1x128x512xf32> to vector<1xf32>
      %reduce_sum3A_403 = vector.shape_cast %reduce_sum3A_402 : vector<1xf32> to vector<1x1x1xf32>
      %reduce_sum3A_404 = vector.extract %reduce_sum3A_403[0, 0, 0] : f32 from vector<1x1x1xf32>
      %eq3A_405 = arith.constant 2 : i32
      %eq3A_406 = vector.broadcast %eq3A_405 : i32 to vector<8x128xi32>
      %eq3A_407 = arith.cmpi eq, %iota3A_51, %eq3A_406 : vector<8x128xi32>
      %eq3A_408 = arith.constant 2 : i32
      %eq3A_409 = vector.broadcast %eq3A_408 : i32 to vector<8x128xi32>
      %eq3A_410 = arith.cmpi eq, %iota3A_52, %eq3A_409 : vector<8x128xi32>
      %and3A_411 = arith.andi %eq3A_407, %eq3A_410 : vector<8x128xi1>
      %jit3A_412 = arith.constant 0.000000e+00 : f32
      %broadcast_in_dim3A_413 = vector.broadcast %reduce_sum3A_404 : f32 to vector<8x128xf32>
      %broadcast_in_dim3A_414 = vector.broadcast %jit3A_412 : f32 to vector<8x128xf32>
      %select_n3A_415 = arith.select %and3A_411, %broadcast_in_dim3A_413, %broadcast_in_dim3A_414 : vector<8x128xi1>, vector<8x128xf32>
      %add3A_416 = arith.addf %add3A_390, %select_n3A_415 : vector<8x128xf32>
      %get3A_417 = arith.constant 0 : index
      %get3A_418 = arith.constant 3 : index
      %get3A_419 = arith.constant 0 : index
      %get3A_420 = arith.constant 0 : index
      %get3A_421 = vector.load %arg3[%get3A_417, %get3A_418, %get3A_419, %get3A_420] : memref<1x4x128x512xf32, #tpu.memory_space<vmem>>, vector<1x1x128x512xf32>
      %get3A_422 = vector.shape_cast %get3A_421 : vector<1x1x128x512xf32> to vector<128x512xf32>
      %jit3A_423 = arith.constant 0.000000e+00 : f32
      %broadcast_in_dim3A_424 = vector.broadcast %jit3A_423 : f32 to vector<128x512xf32>
      %select_n3A_425 = arith.select %eq3A_61, %get3A_422, %broadcast_in_dim3A_424 : vector<128x512xi1>, vector<128x512xf32>
      %reduce_sum3A_426 = vector.shape_cast %select_n3A_425 : vector<128x512xf32> to vector<1x128x512xf32>
      %reduce_sum3A_427 = arith.constant dense<0.000000e+00> : vector<1xf32>
      %reduce_sum3A_428 = vector.multi_reduction <add>, %reduce_sum3A_426, %reduce_sum3A_427 [1, 2] : vector<1x128x512xf32> to vector<1xf32>
      %reduce_sum3A_429 = vector.shape_cast %reduce_sum3A_428 : vector<1xf32> to vector<1x1x1xf32>
      %reduce_sum3A_430 = vector.extract %reduce_sum3A_429[0, 0, 0] : f32 from vector<1x1x1xf32>
      %eq3A_431 = arith.constant 2 : i32
      %eq3A_432 = vector.broadcast %eq3A_431 : i32 to vector<8x128xi32>
      %eq3A_433 = arith.cmpi eq, %iota3A_51, %eq3A_432 : vector<8x128xi32>
      %eq3A_434 = arith.constant 3 : i32
      %eq3A_435 = vector.broadcast %eq3A_434 : i32 to vector<8x128xi32>
      %eq3A_436 = arith.cmpi eq, %iota3A_52, %eq3A_435 : vector<8x128xi32>
      %and3A_437 = arith.andi %eq3A_433, %eq3A_436 : vector<8x128xi1>
      %jit3A_438 = arith.constant 0.000000e+00 : f32
      %broadcast_in_dim3A_439 = vector.broadcast %reduce_sum3A_430 : f32 to vector<8x128xf32>
      %broadcast_in_dim3A_440 = vector.broadcast %jit3A_438 : f32 to vector<8x128xf32>
      %select_n3A_441 = arith.select %and3A_437, %broadcast_in_dim3A_439, %broadcast_in_dim3A_440 : vector<8x128xi1>, vector<8x128xf32>
      %add3A_442 = arith.addf %add3A_416, %select_n3A_441 : vector<8x128xf32>
      %jit3A_443 = arith.constant 1.000000e+00 : f32
      %jit3A_444 = arith.constant 0.000000e+00 : f32
      %broadcast_in_dim3A_445 = vector.broadcast %jit3A_443 : f32 to vector<128x512xf32>
      %broadcast_in_dim3A_446 = vector.broadcast %jit3A_444 : f32 to vector<128x512xf32>
      %select_n3A_447 = arith.select %eq3A_64, %broadcast_in_dim3A_445, %broadcast_in_dim3A_446 : vector<128x512xi1>, vector<128x512xf32>
      %reduce_sum3A_448 = vector.shape_cast %select_n3A_447 : vector<128x512xf32> to vector<1x128x512xf32>
      %reduce_sum3A_449 = arith.constant dense<0.000000e+00> : vector<1xf32>
      %reduce_sum3A_450 = vector.multi_reduction <add>, %reduce_sum3A_448, %reduce_sum3A_449 [1, 2] : vector<1x128x512xf32> to vector<1xf32>
      %reduce_sum3A_451 = vector.shape_cast %reduce_sum3A_450 : vector<1xf32> to vector<1x1x1xf32>
      %reduce_sum3A_452 = vector.extract %reduce_sum3A_451[0, 0, 0] : f32 from vector<1x1x1xf32>
      %eq3A_453 = arith.constant 5 : i32
      %eq3A_454 = vector.broadcast %eq3A_453 : i32 to vector<8x128xi32>
      %eq3A_455 = arith.cmpi eq, %iota3A_51, %eq3A_454 : vector<8x128xi32>
      %eq3A_456 = arith.constant 3 : i32
      %eq3A_457 = vector.broadcast %eq3A_456 : i32 to vector<8x128xi32>
      %eq3A_458 = arith.cmpi eq, %iota3A_52, %eq3A_457 : vector<8x128xi32>
      %and3A_459 = arith.andi %eq3A_455, %eq3A_458 : vector<8x128xi1>
      %jit3A_460 = arith.constant 0.000000e+00 : f32
      %broadcast_in_dim3A_461 = vector.broadcast %reduce_sum3A_452 : f32 to vector<8x128xf32>
      %broadcast_in_dim3A_462 = vector.broadcast %jit3A_460 : f32 to vector<8x128xf32>
      %select_n3A_463 = arith.select %and3A_459, %broadcast_in_dim3A_461, %broadcast_in_dim3A_462 : vector<8x128xi1>, vector<8x128xf32>
      %add3A_464 = arith.addf %add3A_442, %select_n3A_463 : vector<8x128xf32>
      %get3A_465 = arith.constant 0 : index
      %get3A_466 = arith.constant 0 : index
      %get3A_467 = arith.constant 0 : index
      %get3A_468 = arith.constant 0 : index
      %get3A_469 = vector.load %arg3[%get3A_465, %get3A_466, %get3A_467, %get3A_468] : memref<1x4x128x512xf32, #tpu.memory_space<vmem>>, vector<1x1x128x512xf32>
      %get3A_470 = vector.shape_cast %get3A_469 : vector<1x1x128x512xf32> to vector<128x512xf32>
      %jit3A_471 = arith.constant 0.000000e+00 : f32
      %broadcast_in_dim3A_472 = vector.broadcast %jit3A_471 : f32 to vector<128x512xf32>
      %select_n3A_473 = arith.select %eq3A_64, %get3A_470, %broadcast_in_dim3A_472 : vector<128x512xi1>, vector<128x512xf32>
      %reduce_sum3A_474 = vector.shape_cast %select_n3A_473 : vector<128x512xf32> to vector<1x128x512xf32>
      %reduce_sum3A_475 = arith.constant dense<0.000000e+00> : vector<1xf32>
      %reduce_sum3A_476 = vector.multi_reduction <add>, %reduce_sum3A_474, %reduce_sum3A_475 [1, 2] : vector<1x128x512xf32> to vector<1xf32>
      %reduce_sum3A_477 = vector.shape_cast %reduce_sum3A_476 : vector<1xf32> to vector<1x1x1xf32>
      %reduce_sum3A_478 = vector.extract %reduce_sum3A_477[0, 0, 0] : f32 from vector<1x1x1xf32>
      %eq3A_479 = arith.constant 3 : i32
      %eq3A_480 = vector.broadcast %eq3A_479 : i32 to vector<8x128xi32>
      %eq3A_481 = arith.cmpi eq, %iota3A_51, %eq3A_480 : vector<8x128xi32>
      %eq3A_482 = arith.constant 0 : i32
      %eq3A_483 = vector.broadcast %eq3A_482 : i32 to vector<8x128xi32>
      %eq3A_484 = arith.cmpi eq, %iota3A_52, %eq3A_483 : vector<8x128xi32>
      %and3A_485 = arith.andi %eq3A_481, %eq3A_484 : vector<8x128xi1>
      %jit3A_486 = arith.constant 0.000000e+00 : f32
      %broadcast_in_dim3A_487 = vector.broadcast %reduce_sum3A_478 : f32 to vector<8x128xf32>
      %broadcast_in_dim3A_488 = vector.broadcast %jit3A_486 : f32 to vector<8x128xf32>
      %select_n3A_489 = arith.select %and3A_485, %broadcast_in_dim3A_487, %broadcast_in_dim3A_488 : vector<8x128xi1>, vector<8x128xf32>
      %add3A_490 = arith.addf %add3A_464, %select_n3A_489 : vector<8x128xf32>
      %get3A_491 = arith.constant 0 : index
      %get3A_492 = arith.constant 1 : index
      %get3A_493 = arith.constant 0 : index
      %get3A_494 = arith.constant 0 : index
      %get3A_495 = vector.load %arg3[%get3A_491, %get3A_492, %get3A_493, %get3A_494] : memref<1x4x128x512xf32, #tpu.memory_space<vmem>>, vector<1x1x128x512xf32>
      %get3A_496 = vector.shape_cast %get3A_495 : vector<1x1x128x512xf32> to vector<128x512xf32>
      %jit3A_497 = arith.constant 0.000000e+00 : f32
      %broadcast_in_dim3A_498 = vector.broadcast %jit3A_497 : f32 to vector<128x512xf32>
      %select_n3A_499 = arith.select %eq3A_64, %get3A_496, %broadcast_in_dim3A_498 : vector<128x512xi1>, vector<128x512xf32>
      %reduce_sum3A_500 = vector.shape_cast %select_n3A_499 : vector<128x512xf32> to vector<1x128x512xf32>
      %reduce_sum3A_501 = arith.constant dense<0.000000e+00> : vector<1xf32>
      %reduce_sum3A_502 = vector.multi_reduction <add>, %reduce_sum3A_500, %reduce_sum3A_501 [1, 2] : vector<1x128x512xf32> to vector<1xf32>
      %reduce_sum3A_503 = vector.shape_cast %reduce_sum3A_502 : vector<1xf32> to vector<1x1x1xf32>
      %reduce_sum3A_504 = vector.extract %reduce_sum3A_503[0, 0, 0] : f32 from vector<1x1x1xf32>
      %eq3A_505 = arith.constant 3 : i32
      %eq3A_506 = vector.broadcast %eq3A_505 : i32 to vector<8x128xi32>
      %eq3A_507 = arith.cmpi eq, %iota3A_51, %eq3A_506 : vector<8x128xi32>
      %eq3A_508 = arith.constant 1 : i32
      %eq3A_509 = vector.broadcast %eq3A_508 : i32 to vector<8x128xi32>
      %eq3A_510 = arith.cmpi eq, %iota3A_52, %eq3A_509 : vector<8x128xi32>
      %and3A_511 = arith.andi %eq3A_507, %eq3A_510 : vector<8x128xi1>
      %jit3A_512 = arith.constant 0.000000e+00 : f32
      %broadcast_in_dim3A_513 = vector.broadcast %reduce_sum3A_504 : f32 to vector<8x128xf32>
      %broadcast_in_dim3A_514 = vector.broadcast %jit3A_512 : f32 to vector<8x128xf32>
      %select_n3A_515 = arith.select %and3A_511, %broadcast_in_dim3A_513, %broadcast_in_dim3A_514 : vector<8x128xi1>, vector<8x128xf32>
      %add3A_516 = arith.addf %add3A_490, %select_n3A_515 : vector<8x128xf32>
      %get3A_517 = arith.constant 0 : index
      %get3A_518 = arith.constant 2 : index
      %get3A_519 = arith.constant 0 : index
      %get3A_520 = arith.constant 0 : index
      %get3A_521 = vector.load %arg3[%get3A_517, %get3A_518, %get3A_519, %get3A_520] : memref<1x4x128x512xf32, #tpu.memory_space<vmem>>, vector<1x1x128x512xf32>
      %get3A_522 = vector.shape_cast %get3A_521 : vector<1x1x128x512xf32> to vector<128x512xf32>
      %jit3A_523 = arith.constant 0.000000e+00 : f32
      %broadcast_in_dim3A_524 = vector.broadcast %jit3A_523 : f32 to vector<128x512xf32>
      %select_n3A_525 = arith.select %eq3A_64, %get3A_522, %broadcast_in_dim3A_524 : vector<128x512xi1>, vector<128x512xf32>
      %reduce_sum3A_526 = vector.shape_cast %select_n3A_525 : vector<128x512xf32> to vector<1x128x512xf32>
      %reduce_sum3A_527 = arith.constant dense<0.000000e+00> : vector<1xf32>
      %reduce_sum3A_528 = vector.multi_reduction <add>, %reduce_sum3A_526, %reduce_sum3A_527 [1, 2] : vector<1x128x512xf32> to vector<1xf32>
      %reduce_sum3A_529 = vector.shape_cast %reduce_sum3A_528 : vector<1xf32> to vector<1x1x1xf32>
      %reduce_sum3A_530 = vector.extract %reduce_sum3A_529[0, 0, 0] : f32 from vector<1x1x1xf32>
      %eq3A_531 = arith.constant 3 : i32
      %eq3A_532 = vector.broadcast %eq3A_531 : i32 to vector<8x128xi32>
      %eq3A_533 = arith.cmpi eq, %iota3A_51, %eq3A_532 : vector<8x128xi32>
      %eq3A_534 = arith.constant 2 : i32
      %eq3A_535 = vector.broadcast %eq3A_534 : i32 to vector<8x128xi32>
      %eq3A_536 = arith.cmpi eq, %iota3A_52, %eq3A_535 : vector<8x128xi32>
      %and3A_537 = arith.andi %eq3A_533, %eq3A_536 : vector<8x128xi1>
      %jit3A_538 = arith.constant 0.000000e+00 : f32
      %broadcast_in_dim3A_539 = vector.broadcast %reduce_sum3A_530 : f32 to vector<8x128xf32>
      %broadcast_in_dim3A_540 = vector.broadcast %jit3A_538 : f32 to vector<8x128xf32>
      %select_n3A_541 = arith.select %and3A_537, %broadcast_in_dim3A_539, %broadcast_in_dim3A_540 : vector<8x128xi1>, vector<8x128xf32>
      %add3A_542 = arith.addf %add3A_516, %select_n3A_541 : vector<8x128xf32>
      %get3A_543 = arith.constant 0 : index
      %get3A_544 = arith.constant 3 : index
      %get3A_545 = arith.constant 0 : index
      %get3A_546 = arith.constant 0 : index
      %get3A_547 = vector.load %arg3[%get3A_543, %get3A_544, %get3A_545, %get3A_546] : memref<1x4x128x512xf32, #tpu.memory_space<vmem>>, vector<1x1x128x512xf32>
      %get3A_548 = vector.shape_cast %get3A_547 : vector<1x1x128x512xf32> to vector<128x512xf32>
      %jit3A_549 = arith.constant 0.000000e+00 : f32
      %broadcast_in_dim3A_550 = vector.broadcast %jit3A_549 : f32 to vector<128x512xf32>
      %select_n3A_551 = arith.select %eq3A_64, %get3A_548, %broadcast_in_dim3A_550 : vector<128x512xi1>, vector<128x512xf32>
      %reduce_sum3A_552 = vector.shape_cast %select_n3A_551 : vector<128x512xf32> to vector<1x128x512xf32>
      %reduce_sum3A_553 = arith.constant dense<0.000000e+00> : vector<1xf32>
      %reduce_sum3A_554 = vector.multi_reduction <add>, %reduce_sum3A_552, %reduce_sum3A_553 [1, 2] : vector<1x128x512xf32> to vector<1xf32>
      %reduce_sum3A_555 = vector.shape_cast %reduce_sum3A_554 : vector<1xf32> to vector<1x1x1xf32>
      %reduce_sum3A_556 = vector.extract %reduce_sum3A_555[0, 0, 0] : f32 from vector<1x1x1xf32>
      %eq3A_557 = arith.constant 3 : i32
      %eq3A_558 = vector.broadcast %eq3A_557 : i32 to vector<8x128xi32>
      %eq3A_559 = arith.cmpi eq, %iota3A_51, %eq3A_558 : vector<8x128xi32>
      %eq3A_560 = arith.constant 3 : i32
      %eq3A_561 = vector.broadcast %eq3A_560 : i32 to vector<8x128xi32>
      %eq3A_562 = arith.cmpi eq, %iota3A_52, %eq3A_561 : vector<8x128xi32>
      %and3A_563 = arith.andi %eq3A_559, %eq3A_562 : vector<8x128xi1>
      %jit3A_564 = arith.constant 0.000000e+00 : f32
      %broadcast_in_dim3A_565 = vector.broadcast %reduce_sum3A_556 : f32 to vector<8x128xf32>
      %broadcast_in_dim3A_566 = vector.broadcast %jit3A_564 : f32 to vector<8x128xf32>
      %select_n3A_567 = arith.select %and3A_563, %broadcast_in_dim3A_565, %broadcast_in_dim3A_566 : vector<8x128xi1>, vector<8x128xf32>
      %add3A_568 = arith.addf %add3A_542, %select_n3A_567 : vector<8x128xf32>
      %jit3A_569 = arith.constant 1.000000e+00 : f32
      %jit3A_570 = arith.constant 0.000000e+00 : f32
      %broadcast_in_dim3A_571 = vector.broadcast %jit3A_569 : f32 to vector<128x512xf32>
      %broadcast_in_dim3A_572 = vector.broadcast %jit3A_570 : f32 to vector<128x512xf32>
      %select_n3A_573 = arith.select %eq3A_67, %broadcast_in_dim3A_571, %broadcast_in_dim3A_572 : vector<128x512xi1>, vector<128x512xf32>
      %reduce_sum3A_574 = vector.shape_cast %select_n3A_573 : vector<128x512xf32> to vector<1x128x512xf32>
      %reduce_sum3A_575 = arith.constant dense<0.000000e+00> : vector<1xf32>
      %reduce_sum3A_576 = vector.multi_reduction <add>, %reduce_sum3A_574, %reduce_sum3A_575 [1, 2] : vector<1x128x512xf32> to vector<1xf32>
      %reduce_sum3A_577 = vector.shape_cast %reduce_sum3A_576 : vector<1xf32> to vector<1x1x1xf32>
      %reduce_sum3A_578 = vector.extract %reduce_sum3A_577[0, 0, 0] : f32 from vector<1x1x1xf32>
      %eq3A_579 = arith.constant 5 : i32
      %eq3A_580 = vector.broadcast %eq3A_579 : i32 to vector<8x128xi32>
      %eq3A_581 = arith.cmpi eq, %iota3A_51, %eq3A_580 : vector<8x128xi32>
      %eq3A_582 = arith.constant 4 : i32
      %eq3A_583 = vector.broadcast %eq3A_582 : i32 to vector<8x128xi32>
      %eq3A_584 = arith.cmpi eq, %iota3A_52, %eq3A_583 : vector<8x128xi32>
      %and3A_585 = arith.andi %eq3A_581, %eq3A_584 : vector<8x128xi1>
      %jit3A_586 = arith.constant 0.000000e+00 : f32
      %broadcast_in_dim3A_587 = vector.broadcast %reduce_sum3A_578 : f32 to vector<8x128xf32>
      %broadcast_in_dim3A_588 = vector.broadcast %jit3A_586 : f32 to vector<8x128xf32>
      %select_n3A_589 = arith.select %and3A_585, %broadcast_in_dim3A_587, %broadcast_in_dim3A_588 : vector<8x128xi1>, vector<8x128xf32>
      %add3A_590 = arith.addf %add3A_568, %select_n3A_589 : vector<8x128xf32>
      %get3A_591 = arith.constant 0 : index
      %get3A_592 = arith.constant 0 : index
      %get3A_593 = arith.constant 0 : index
      %get3A_594 = arith.constant 0 : index
      %get3A_595 = vector.load %arg3[%get3A_591, %get3A_592, %get3A_593, %get3A_594] : memref<1x4x128x512xf32, #tpu.memory_space<vmem>>, vector<1x1x128x512xf32>
      %get3A_596 = vector.shape_cast %get3A_595 : vector<1x1x128x512xf32> to vector<128x512xf32>
      %jit3A_597 = arith.constant 0.000000e+00 : f32
      %broadcast_in_dim3A_598 = vector.broadcast %jit3A_597 : f32 to vector<128x512xf32>
      %select_n3A_599 = arith.select %eq3A_67, %get3A_596, %broadcast_in_dim3A_598 : vector<128x512xi1>, vector<128x512xf32>
      %reduce_sum3A_600 = vector.shape_cast %select_n3A_599 : vector<128x512xf32> to vector<1x128x512xf32>
      %reduce_sum3A_601 = arith.constant dense<0.000000e+00> : vector<1xf32>
      %reduce_sum3A_602 = vector.multi_reduction <add>, %reduce_sum3A_600, %reduce_sum3A_601 [1, 2] : vector<1x128x512xf32> to vector<1xf32>
      %reduce_sum3A_603 = vector.shape_cast %reduce_sum3A_602 : vector<1xf32> to vector<1x1x1xf32>
      %reduce_sum3A_604 = vector.extract %reduce_sum3A_603[0, 0, 0] : f32 from vector<1x1x1xf32>
      %eq3A_605 = arith.constant 4 : i32
      %eq3A_606 = vector.broadcast %eq3A_605 : i32 to vector<8x128xi32>
      %eq3A_607 = arith.cmpi eq, %iota3A_51, %eq3A_606 : vector<8x128xi32>
      %eq3A_608 = arith.constant 0 : i32
      %eq3A_609 = vector.broadcast %eq3A_608 : i32 to vector<8x128xi32>
      %eq3A_610 = arith.cmpi eq, %iota3A_52, %eq3A_609 : vector<8x128xi32>
      %and3A_611 = arith.andi %eq3A_607, %eq3A_610 : vector<8x128xi1>
      %jit3A_612 = arith.constant 0.000000e+00 : f32
      %broadcast_in_dim3A_613 = vector.broadcast %reduce_sum3A_604 : f32 to vector<8x128xf32>
      %broadcast_in_dim3A_614 = vector.broadcast %jit3A_612 : f32 to vector<8x128xf32>
      %select_n3A_615 = arith.select %and3A_611, %broadcast_in_dim3A_613, %broadcast_in_dim3A_614 : vector<8x128xi1>, vector<8x128xf32>
      %add3A_616 = arith.addf %add3A_590, %select_n3A_615 : vector<8x128xf32>
      %get3A_617 = arith.constant 0 : index
      %get3A_618 = arith.constant 1 : index
      %get3A_619 = arith.constant 0 : index
      %get3A_620 = arith.constant 0 : index
      %get3A_621 = vector.load %arg3[%get3A_617, %get3A_618, %get3A_619, %get3A_620] : memref<1x4x128x512xf32, #tpu.memory_space<vmem>>, vector<1x1x128x512xf32>
      %get3A_622 = vector.shape_cast %get3A_621 : vector<1x1x128x512xf32> to vector<128x512xf32>
      %jit3A_623 = arith.constant 0.000000e+00 : f32
      %broadcast_in_dim3A_624 = vector.broadcast %jit3A_623 : f32 to vector<128x512xf32>
      %select_n3A_625 = arith.select %eq3A_67, %get3A_622, %broadcast_in_dim3A_624 : vector<128x512xi1>, vector<128x512xf32>
      %reduce_sum3A_626 = vector.shape_cast %select_n3A_625 : vector<128x512xf32> to vector<1x128x512xf32>
      %reduce_sum3A_627 = arith.constant dense<0.000000e+00> : vector<1xf32>
      %reduce_sum3A_628 = vector.multi_reduction <add>, %reduce_sum3A_626, %reduce_sum3A_627 [1, 2] : vector<1x128x512xf32> to vector<1xf32>
      %reduce_sum3A_629 = vector.shape_cast %reduce_sum3A_628 : vector<1xf32> to vector<1x1x1xf32>
      %reduce_sum3A_630 = vector.extract %reduce_sum3A_629[0, 0, 0] : f32 from vector<1x1x1xf32>
      %eq3A_631 = arith.constant 4 : i32
      %eq3A_632 = vector.broadcast %eq3A_631 : i32 to vector<8x128xi32>
      %eq3A_633 = arith.cmpi eq, %iota3A_51, %eq3A_632 : vector<8x128xi32>
      %eq3A_634 = arith.constant 1 : i32
      %eq3A_635 = vector.broadcast %eq3A_634 : i32 to vector<8x128xi32>
      %eq3A_636 = arith.cmpi eq, %iota3A_52, %eq3A_635 : vector<8x128xi32>
      %and3A_637 = arith.andi %eq3A_633, %eq3A_636 : vector<8x128xi1>
      %jit3A_638 = arith.constant 0.000000e+00 : f32
      %broadcast_in_dim3A_639 = vector.broadcast %reduce_sum3A_630 : f32 to vector<8x128xf32>
      %broadcast_in_dim3A_640 = vector.broadcast %jit3A_638 : f32 to vector<8x128xf32>
      %select_n3A_641 = arith.select %and3A_637, %broadcast_in_dim3A_639, %broadcast_in_dim3A_640 : vector<8x128xi1>, vector<8x128xf32>
      %add3A_642 = arith.addf %add3A_616, %select_n3A_641 : vector<8x128xf32>
      %get3A_643 = arith.constant 0 : index
      %get3A_644 = arith.constant 2 : index
      %get3A_645 = arith.constant 0 : index
      %get3A_646 = arith.constant 0 : index
      %get3A_647 = vector.load %arg3[%get3A_643, %get3A_644, %get3A_645, %get3A_646] : memref<1x4x128x512xf32, #tpu.memory_space<vmem>>, vector<1x1x128x512xf32>
      %get3A_648 = vector.shape_cast %get3A_647 : vector<1x1x128x512xf32> to vector<128x512xf32>
      %jit3A_649 = arith.constant 0.000000e+00 : f32
      %broadcast_in_dim3A_650 = vector.broadcast %jit3A_649 : f32 to vector<128x512xf32>
      %select_n3A_651 = arith.select %eq3A_67, %get3A_648, %broadcast_in_dim3A_650 : vector<128x512xi1>, vector<128x512xf32>
      %reduce_sum3A_652 = vector.shape_cast %select_n3A_651 : vector<128x512xf32> to vector<1x128x512xf32>
      %reduce_sum3A_653 = arith.constant dense<0.000000e+00> : vector<1xf32>
      %reduce_sum3A_654 = vector.multi_reduction <add>, %reduce_sum3A_652, %reduce_sum3A_653 [1, 2] : vector<1x128x512xf32> to vector<1xf32>
      %reduce_sum3A_655 = vector.shape_cast %reduce_sum3A_654 : vector<1xf32> to vector<1x1x1xf32>
      %reduce_sum3A_656 = vector.extract %reduce_sum3A_655[0, 0, 0] : f32 from vector<1x1x1xf32>
      %eq3A_657 = arith.constant 4 : i32
      %eq3A_658 = vector.broadcast %eq3A_657 : i32 to vector<8x128xi32>
      %eq3A_659 = arith.cmpi eq, %iota3A_51, %eq3A_658 : vector<8x128xi32>
      %eq3A_660 = arith.constant 2 : i32
      %eq3A_661 = vector.broadcast %eq3A_660 : i32 to vector<8x128xi32>
      %eq3A_662 = arith.cmpi eq, %iota3A_52, %eq3A_661 : vector<8x128xi32>
      %and3A_663 = arith.andi %eq3A_659, %eq3A_662 : vector<8x128xi1>
      %jit3A_664 = arith.constant 0.000000e+00 : f32
      %broadcast_in_dim3A_665 = vector.broadcast %reduce_sum3A_656 : f32 to vector<8x128xf32>
      %broadcast_in_dim3A_666 = vector.broadcast %jit3A_664 : f32 to vector<8x128xf32>
      %select_n3A_667 = arith.select %and3A_663, %broadcast_in_dim3A_665, %broadcast_in_dim3A_666 : vector<8x128xi1>, vector<8x128xf32>
      %add3A_668 = arith.addf %add3A_642, %select_n3A_667 : vector<8x128xf32>
      %get3A_669 = arith.constant 0 : index
      %get3A_670 = arith.constant 3 : index
      %get3A_671 = arith.constant 0 : index
      %get3A_672 = arith.constant 0 : index
      %get3A_673 = vector.load %arg3[%get3A_669, %get3A_670, %get3A_671, %get3A_672] : memref<1x4x128x512xf32, #tpu.memory_space<vmem>>, vector<1x1x128x512xf32>
      %get3A_674 = vector.shape_cast %get3A_673 : vector<1x1x128x512xf32> to vector<128x512xf32>
      %jit3A_675 = arith.constant 0.000000e+00 : f32
      %broadcast_in_dim3A_676 = vector.broadcast %jit3A_675 : f32 to vector<128x512xf32>
      %select_n3A_677 = arith.select %eq3A_67, %get3A_674, %broadcast_in_dim3A_676 : vector<128x512xi1>, vector<128x512xf32>
      %reduce_sum3A_678 = vector.shape_cast %select_n3A_677 : vector<128x512xf32> to vector<1x128x512xf32>
      %reduce_sum3A_679 = arith.constant dense<0.000000e+00> : vector<1xf32>
      %reduce_sum3A_680 = vector.multi_reduction <add>, %reduce_sum3A_678, %reduce_sum3A_679 [1, 2] : vector<1x128x512xf32> to vector<1xf32>
      %reduce_sum3A_681 = vector.shape_cast %reduce_sum3A_680 : vector<1xf32> to vector<1x1x1xf32>
      %reduce_sum3A_682 = vector.extract %reduce_sum3A_681[0, 0, 0] : f32 from vector<1x1x1xf32>
      %eq3A_683 = arith.constant 4 : i32
      %eq3A_684 = vector.broadcast %eq3A_683 : i32 to vector<8x128xi32>
      %eq3A_685 = arith.cmpi eq, %iota3A_51, %eq3A_684 : vector<8x128xi32>
      %eq3A_686 = arith.constant 3 : i32
      %eq3A_687 = vector.broadcast %eq3A_686 : i32 to vector<8x128xi32>
      %eq3A_688 = arith.cmpi eq, %iota3A_52, %eq3A_687 : vector<8x128xi32>
      %and3A_689 = arith.andi %eq3A_685, %eq3A_688 : vector<8x128xi1>
      %jit3A_690 = arith.constant 0.000000e+00 : f32
      %broadcast_in_dim3A_691 = vector.broadcast %reduce_sum3A_682 : f32 to vector<8x128xf32>
      %broadcast_in_dim3A_692 = vector.broadcast %jit3A_690 : f32 to vector<8x128xf32>
      %select_n3A_693 = arith.select %and3A_689, %broadcast_in_dim3A_691, %broadcast_in_dim3A_692 : vector<8x128xi1>, vector<8x128xf32>
      %add3A_694 = arith.addf %add3A_668, %select_n3A_693 : vector<8x128xf32>
      %get3A_695 = arith.constant 0 : index
      %get3A_696 = arith.constant 0 : index
      %get3A_697 = vector.load %arg6[%get3A_695, %get3A_696] : memref<8x128xf32, #tpu.memory_space<vmem>>, vector<8x128xf32>
      %add3A_698 = arith.addf %get3A_697, %add3A_694 : vector<8x128xf32>
      %swap3A_699 = arith.constant 0 : index
      %swap3A_700 = arith.constant 0 : index
      %swap3A_701 = vector.load %arg6[%swap3A_699, %swap3A_700] : memref<8x128xf32, #tpu.memory_space<vmem>>, vector<8x128xf32>
      tpu.vector_store %arg6[%swap3A_699, %swap3A_700], %add3A_698 {strides = array<i32>} : memref<8x128xf32, #tpu.memory_space<vmem>>, vector<8x128xf32>,
    } else {
    }
    %eq3A_16 = arith.constant 1 : i32
    %eq3A_17 = arith.cmpi eq, %arg1, %eq3A_16 : i32
    %convert_element_type3A_18 = arith.extui %eq3A_17 : i1 to i32
    %cond3A_19 = arith.constant 0 : i32
    %cond3A_20 = arith.cmpi ne, %convert_element_type3A_18, %cond3A_19 : i32
    scf.if %cond3A_20 {
      %get3A_44 = arith.constant 5 : index
      %get3A_45 = arith.constant 0 : index
      %get3A_46 = vector.load %arg6[%get3A_44, %get3A_45] : memref<8x128xf32, #tpu.memory_space<vmem>>, vector<1x1xf32>
      %get3A_47 = vector.extract %get3A_46[0, 0] : f32 from vector<1x1xf32>
      %get3A_48 = arith.constant 5 : index
      %get3A_49 = arith.constant 1 : index
      %get3A_50 = vector.load %arg6[%get3A_48, %get3A_49] : memref<8x128xf32, #tpu.memory_space<vmem>>, vector<1x1xf32>
      %get3A_51 = vector.extract %get3A_50[0, 0] : f32 from vector<1x1xf32>
      %get3A_52 = arith.constant 5 : index
      %get3A_53 = arith.constant 2 : index
      %get3A_54 = vector.load %arg6[%get3A_52, %get3A_53] : memref<8x128xf32, #tpu.memory_space<vmem>>, vector<1x1xf32>
      %get3A_55 = vector.extract %get3A_54[0, 0] : f32 from vector<1x1xf32>
      %get3A_56 = arith.constant 5 : index
      %get3A_57 = arith.constant 3 : index
      %get3A_58 = vector.load %arg6[%get3A_56, %get3A_57] : memref<8x128xf32, #tpu.memory_space<vmem>>, vector<1x1xf32>
      %get3A_59 = vector.extract %get3A_58[0, 0] : f32 from vector<1x1xf32>
      %get3A_60 = arith.constant 5 : index
      %get3A_61 = arith.constant 4 : index
      %get3A_62 = vector.load %arg6[%get3A_60, %get3A_61] : memref<8x128xf32, #tpu.memory_space<vmem>>, vector<1x1xf32>
      %get3A_63 = vector.extract %get3A_62[0, 0] : f32 from vector<1x1xf32>
      %gt3A = arith.constant 0.000000e+00 : f32
      %gt3A_64 = arith.cmpf ogt, %get3A_47, %gt3A : f32
      %gt3A_65 = arith.constant 0.000000e+00 : f32
      %gt3A_66 = arith.cmpf ogt, %get3A_51, %gt3A_65 : f32
      %gt3A_67 = arith.constant 0.000000e+00 : f32
      %gt3A_68 = arith.cmpf ogt, %get3A_55, %gt3A_67 : f32
      %gt3A_69 = arith.constant 0.000000e+00 : f32
      %gt3A_70 = arith.cmpf ogt, %get3A_59, %gt3A_69 : f32
      %gt3A_71 = arith.constant 0.000000e+00 : f32
      %gt3A_72 = arith.cmpf ogt, %get3A_63, %gt3A_71 : f32
      %jit3A = arith.constant 1.000000e+00 : f32
      %select_n3A_73 = arith.select %gt3A_64, %get3A_47, %jit3A : f32
      %jit3A_74 = arith.constant 1.000000e+00 : f32
      %select_n3A_75 = arith.select %gt3A_66, %get3A_51, %jit3A_74 : f32
      %jit3A_76 = arith.constant 1.000000e+00 : f32
      %select_n3A_77 = arith.select %gt3A_68, %get3A_55, %jit3A_76 : f32
      %jit3A_78 = arith.constant 1.000000e+00 : f32
      %select_n3A_79 = arith.select %gt3A_70, %get3A_59, %jit3A_78 : f32
      %jit3A_80 = arith.constant 1.000000e+00 : f32
      %select_n3A_81 = arith.select %gt3A_72, %get3A_63, %jit3A_80 : f32
      %div3A = arith.constant 1.000000e+00 : f32
      %div3A_82 = arith.divf %div3A, %select_n3A_73 : f32
      %div3A_83 = arith.constant 1.000000e+00 : f32
      %div3A_84 = arith.divf %div3A_83, %select_n3A_75 : f32
      %div3A_85 = arith.constant 1.000000e+00 : f32
      %div3A_86 = arith.divf %div3A_85, %select_n3A_77 : f32
      %div3A_87 = arith.constant 1.000000e+00 : f32
      %div3A_88 = arith.divf %div3A_87, %select_n3A_79 : f32
      %div3A_89 = arith.constant 1.000000e+00 : f32
      %div3A_90 = arith.divf %div3A_89, %select_n3A_81 : f32
      %jit3A_91 = arith.constant 1.000000e+00 : f32
      %jit3A_92 = arith.constant 0.000000e+00 : f32
      %select_n3A_93 = arith.select %gt3A_64, %jit3A_91, %jit3A_92 : f32
      %add3A = arith.constant 0.000000e+00 : f32
      %add3A_94 = arith.addf %add3A, %select_n3A_93 : f32
      %jit3A_95 = arith.constant 1.000000e+00 : f32
      %jit3A_96 = arith.constant 0.000000e+00 : f32
      %select_n3A_97 = arith.select %gt3A_66, %jit3A_95, %jit3A_96 : f32
      %add3A_98 = arith.addf %add3A_94, %select_n3A_97 : f32
      %jit3A_99 = arith.constant 1.000000e+00 : f32
      %jit3A_100 = arith.constant 0.000000e+00 : f32
      %select_n3A_101 = arith.select %gt3A_68, %jit3A_99, %jit3A_100 : f32
      %add3A_102 = arith.addf %add3A_98, %select_n3A_101 : f32
      %jit3A_103 = arith.constant 1.000000e+00 : f32
      %jit3A_104 = arith.constant 0.000000e+00 : f32
      %select_n3A_105 = arith.select %gt3A_70, %jit3A_103, %jit3A_104 : f32
      %add3A_106 = arith.addf %add3A_102, %select_n3A_105 : f32
      %jit3A_107 = arith.constant 1.000000e+00 : f32
      %jit3A_108 = arith.constant 0.000000e+00 : f32
      %select_n3A_109 = arith.select %gt3A_72, %jit3A_107, %jit3A_108 : f32
      %add3A_110 = arith.addf %add3A_106, %select_n3A_109 : f32
      %get3A_111 = arith.constant 0 : index
      %get3A_112 = arith.constant 0 : index
      %get3A_113 = vector.load %arg6[%get3A_111, %get3A_112] : memref<8x128xf32, #tpu.memory_space<vmem>>, vector<1x1xf32>
      %get3A_114 = vector.extract %get3A_113[0, 0] : f32 from vector<1x1xf32>
      %mul3A = arith.mulf %get3A_114, %div3A_82 : f32
      %get3A_115 = arith.constant 0 : index
      %get3A_116 = arith.constant 1 : index
      %get3A_117 = vector.load %arg6[%get3A_115, %get3A_116] : memref<8x128xf32, #tpu.memory_space<vmem>>, vector<1x1xf32>
      %get3A_118 = vector.extract %get3A_117[0, 0] : f32 from vector<1x1xf32>
      %mul3A_119 = arith.mulf %get3A_118, %div3A_82 : f32
      %get3A_120 = arith.constant 0 : index
      %get3A_121 = arith.constant 2 : index
      %get3A_122 = vector.load %arg6[%get3A_120, %get3A_121] : memref<8x128xf32, #tpu.memory_space<vmem>>, vector<1x1xf32>
      %get3A_123 = vector.extract %get3A_122[0, 0] : f32 from vector<1x1xf32>
      %mul3A_124 = arith.mulf %get3A_123, %div3A_82 : f32
      %get3A_125 = arith.constant 0 : index
      %get3A_126 = arith.constant 3 : index
      %get3A_127 = vector.load %arg6[%get3A_125, %get3A_126] : memref<8x128xf32, #tpu.memory_space<vmem>>, vector<1x1xf32>
      %get3A_128 = vector.extract %get3A_127[0, 0] : f32 from vector<1x1xf32>
      %mul3A_129 = arith.mulf %get3A_128, %div3A_82 : f32
      %get3A_130 = arith.constant 1 : index
      %get3A_131 = arith.constant 0 : index
      %get3A_132 = vector.load %arg6[%get3A_130, %get3A_131] : memref<8x128xf32, #tpu.memory_space<vmem>>, vector<1x1xf32>
      %get3A_133 = vector.extract %get3A_132[0, 0] : f32 from vector<1x1xf32>
      %mul3A_134 = arith.mulf %get3A_133, %div3A_84 : f32
      %get3A_135 = arith.constant 1 : index
      %get3A_136 = arith.constant 1 : index
      %get3A_137 = vector.load %arg6[%get3A_135, %get3A_136] : memref<8x128xf32, #tpu.memory_space<vmem>>, vector<1x1xf32>
      %get3A_138 = vector.extract %get3A_137[0, 0] : f32 from vector<1x1xf32>
      %mul3A_139 = arith.mulf %get3A_138, %div3A_84 : f32
      %get3A_140 = arith.constant 1 : index
      %get3A_141 = arith.constant 2 : index
      %get3A_142 = vector.load %arg6[%get3A_140, %get3A_141] : memref<8x128xf32, #tpu.memory_space<vmem>>, vector<1x1xf32>
      %get3A_143 = vector.extract %get3A_142[0, 0] : f32 from vector<1x1xf32>
      %mul3A_144 = arith.mulf %get3A_143, %div3A_84 : f32
      %get3A_145 = arith.constant 1 : index
      %get3A_146 = arith.constant 3 : index
      %get3A_147 = vector.load %arg6[%get3A_145, %get3A_146] : memref<8x128xf32, #tpu.memory_space<vmem>>, vector<1x1xf32>
      %get3A_148 = vector.extract %get3A_147[0, 0] : f32 from vector<1x1xf32>
      %mul3A_149 = arith.mulf %get3A_148, %div3A_84 : f32
      %get3A_150 = arith.constant 2 : index
      %get3A_151 = arith.constant 0 : index
      %get3A_152 = vector.load %arg6[%get3A_150, %get3A_151] : memref<8x128xf32, #tpu.memory_space<vmem>>, vector<1x1xf32>
      %get3A_153 = vector.extract %get3A_152[0, 0] : f32 from vector<1x1xf32>
      %mul3A_154 = arith.mulf %get3A_153, %div3A_86 : f32
      %get3A_155 = arith.constant 2 : index
      %get3A_156 = arith.constant 1 : index
      %get3A_157 = vector.load %arg6[%get3A_155, %get3A_156] : memref<8x128xf32, #tpu.memory_space<vmem>>, vector<1x1xf32>
      %get3A_158 = vector.extract %get3A_157[0, 0] : f32 from vector<1x1xf32>
      %mul3A_159 = arith.mulf %get3A_158, %div3A_86 : f32
      %get3A_160 = arith.constant 2 : index
      %get3A_161 = arith.constant 2 : index
      %get3A_162 = vector.load %arg6[%get3A_160, %get3A_161] : memref<8x128xf32, #tpu.memory_space<vmem>>, vector<1x1xf32>
      %get3A_163 = vector.extract %get3A_162[0, 0] : f32 from vector<1x1xf32>
      %mul3A_164 = arith.mulf %get3A_163, %div3A_86 : f32
      %get3A_165 = arith.constant 2 : index
      %get3A_166 = arith.constant 3 : index
      %get3A_167 = vector.load %arg6[%get3A_165, %get3A_166] : memref<8x128xf32, #tpu.memory_space<vmem>>, vector<1x1xf32>
      %get3A_168 = vector.extract %get3A_167[0, 0] : f32 from vector<1x1xf32>
      %mul3A_169 = arith.mulf %get3A_168, %div3A_86 : f32
      %get3A_170 = arith.constant 3 : index
      %get3A_171 = arith.constant 0 : index
      %get3A_172 = vector.load %arg6[%get3A_170, %get3A_171] : memref<8x128xf32, #tpu.memory_space<vmem>>, vector<1x1xf32>
      %get3A_173 = vector.extract %get3A_172[0, 0] : f32 from vector<1x1xf32>
      %mul3A_174 = arith.mulf %get3A_173, %div3A_88 : f32
      %get3A_175 = arith.constant 3 : index
      %get3A_176 = arith.constant 1 : index
      %get3A_177 = vector.load %arg6[%get3A_175, %get3A_176] : memref<8x128xf32, #tpu.memory_space<vmem>>, vector<1x1xf32>
      %get3A_178 = vector.extract %get3A_177[0, 0] : f32 from vector<1x1xf32>
      %mul3A_179 = arith.mulf %get3A_178, %div3A_88 : f32
      %get3A_180 = arith.constant 3 : index
      %get3A_181 = arith.constant 2 : index
      %get3A_182 = vector.load %arg6[%get3A_180, %get3A_181] : memref<8x128xf32, #tpu.memory_space<vmem>>, vector<1x1xf32>
      %get3A_183 = vector.extract %get3A_182[0, 0] : f32 from vector<1x1xf32>
      %mul3A_184 = arith.mulf %get3A_183, %div3A_88 : f32
      %get3A_185 = arith.constant 3 : index
      %get3A_186 = arith.constant 3 : index
      %get3A_187 = vector.load %arg6[%get3A_185, %get3A_186] : memref<8x128xf32, #tpu.memory_space<vmem>>, vector<1x1xf32>
      %get3A_188 = vector.extract %get3A_187[0, 0] : f32 from vector<1x1xf32>
      %mul3A_189 = arith.mulf %get3A_188, %div3A_88 : f32
      %get3A_190 = arith.constant 4 : index
      %get3A_191 = arith.constant 0 : index
      %get3A_192 = vector.load %arg6[%get3A_190, %get3A_191] : memref<8x128xf32, #tpu.memory_space<vmem>>, vector<1x1xf32>
      %get3A_193 = vector.extract %get3A_192[0, 0] : f32 from vector<1x1xf32>
      %mul3A_194 = arith.mulf %get3A_193, %div3A_90 : f32
      %get3A_195 = arith.constant 4 : index
      %get3A_196 = arith.constant 1 : index
      %get3A_197 = vector.load %arg6[%get3A_195, %get3A_196] : memref<8x128xf32, #tpu.memory_space<vmem>>, vector<1x1xf32>
      %get3A_198 = vector.extract %get3A_197[0, 0] : f32 from vector<1x1xf32>
      %mul3A_199 = arith.mulf %get3A_198, %div3A_90 : f32
      %get3A_200 = arith.constant 4 : index
      %get3A_201 = arith.constant 2 : index
      %get3A_202 = vector.load %arg6[%get3A_200, %get3A_201] : memref<8x128xf32, #tpu.memory_space<vmem>>, vector<1x1xf32>
      %get3A_203 = vector.extract %get3A_202[0, 0] : f32 from vector<1x1xf32>
      %mul3A_204 = arith.mulf %get3A_203, %div3A_90 : f32
      %get3A_205 = arith.constant 4 : index
      %get3A_206 = arith.constant 3 : index
      %get3A_207 = vector.load %arg6[%get3A_205, %get3A_206] : memref<8x128xf32, #tpu.memory_space<vmem>>, vector<1x1xf32>
      %get3A_208 = vector.extract %get3A_207[0, 0] : f32 from vector<1x1xf32>
      %mul3A_209 = arith.mulf %get3A_208, %div3A_90 : f32
      %eq3A_210 = arith.constant 0 : i32
      %eq3A_211 = arith.cmpi eq, %arg2, %eq3A_210 : i32
      %convert_element_type3A_212 = arith.extui %eq3A_211 : i1 to i32
      %cond3A_213 = arith.constant 0 : i32
      %cond3A_214 = arith.cmpi ne, %convert_element_type3A_212, %cond3A_213 : i32
      scf.if %cond3A_214 {
        %sub3A_344 = arith.subf %mul3A, %mul3A : f32
        %sub3A_345 = arith.subf %mul3A_119, %mul3A_119 : f32
        %sub3A_346 = arith.subf %mul3A_124, %mul3A_124 : f32
        %sub3A_347 = arith.subf %mul3A_129, %mul3A_129 : f32
        %abs3A = math.absf %sub3A_344 : f32
        %add3A_348 = arith.constant 0.000000e+00 : f32
        %add3A_349 = arith.addf %add3A_348, %abs3A : f32
        %abs3A_350 = math.absf %sub3A_345 : f32
        %add3A_351 = arith.addf %add3A_349, %abs3A_350 : f32
        %abs3A_352 = math.absf %sub3A_346 : f32
        %add3A_353 = arith.addf %add3A_351, %abs3A_352 : f32
        %abs3A_354 = math.absf %sub3A_347 : f32
        %add3A_355 = arith.addf %add3A_353, %abs3A_354 : f32
        %mul3A_356 = arith.mulf %sub3A_344, %sub3A_344 : f32
        %add3A_357 = arith.constant 0.000000e+00 : f32
        %add3A_358 = arith.addf %add3A_357, %mul3A_356 : f32
        %mul3A_359 = arith.mulf %sub3A_345, %sub3A_345 : f32
        %add3A_360 = arith.addf %add3A_358, %mul3A_359 : f32
        %mul3A_361 = arith.mulf %sub3A_346, %sub3A_346 : f32
        %add3A_362 = arith.addf %add3A_360, %mul3A_361 : f32
        %mul3A_363 = arith.mulf %sub3A_347, %sub3A_347 : f32
        %add3A_364 = arith.addf %add3A_362, %mul3A_363 : f32
        %ne3A = arith.constant 0.000000e+00 : f32
        %ne3A_365 = arith.cmpf one, %add3A_355, %ne3A : f32
        %and3A_366 = arith.andi %ne3A_365, %gt3A_64 : i1
        %and3A_367 = arith.andi %and3A_366, %gt3A_64 : i1
        %jit3A_368 = arith.constant 1.000000e+00 : f32
        %jit3A_369 = arith.constant 0.000000e+00 : f32
        %select_n3A_370 = arith.select %and3A_367, %jit3A_368, %jit3A_369 : f32
        %sqrt3A_371 = math.sqrt %add3A_364 : f32
        %sub3A_372 = arith.constant 6.000000e+00 : f32
        %sub3A_373 = arith.subf %sub3A_372, %sqrt3A_371 : f32
        %max3A_374 = arith.constant 0.000000e+00 : f32
        %max3A_375 = arith.maximumf %sub3A_373, %max3A_374 : f32
        %mul3A_376 = arith.mulf %max3A_375, %max3A_375 : f32
        %mul3A_377 = arith.mulf %mul3A_376, %select_n3A_370 : f32
        %add3A_378 = arith.constant 0.000000e+00 : f32
        %add3A_379 = arith.addf %add3A_378, %mul3A_377 : f32
        %add3A_380 = arith.constant 0.000000e+00 : f32
        %add3A_381 = arith.addf %add3A_380, %select_n3A_370 : f32
        %sub3A_382 = arith.subf %mul3A, %mul3A_134 : f32
        %sub3A_383 = arith.subf %mul3A_119, %mul3A_139 : f32
        %sub3A_384 = arith.subf %mul3A_124, %mul3A_144 : f32
        %sub3A_385 = arith.subf %mul3A_129, %mul3A_149 : f32
        %abs3A_386 = math.absf %sub3A_382 : f32
        %add3A_387 = arith.constant 0.000000e+00 : f32
        %add3A_388 = arith.addf %add3A_387, %abs3A_386 : f32
        %abs3A_389 = math.absf %sub3A_383 : f32
        %add3A_390 = arith.addf %add3A_388, %abs3A_389 : f32
        %abs3A_391 = math.absf %sub3A_384 : f32
        %add3A_392 = arith.addf %add3A_390, %abs3A_391 : f32
        %abs3A_393 = math.absf %sub3A_385 : f32
        %add3A_394 = arith.addf %add3A_392, %abs3A_393 : f32
        %mul3A_395 = arith.mulf %sub3A_382, %sub3A_382 : f32
        %add3A_396 = arith.constant 0.000000e+00 : f32
        %add3A_397 = arith.addf %add3A_396, %mul3A_395 : f32
        %mul3A_398 = arith.mulf %sub3A_383, %sub3A_383 : f32
        %add3A_399 = arith.addf %add3A_397, %mul3A_398 : f32
        %mul3A_400 = arith.mulf %sub3A_384, %sub3A_384 : f32
        %add3A_401 = arith.addf %add3A_399, %mul3A_400 : f32
        %mul3A_402 = arith.mulf %sub3A_385, %sub3A_385 : f32
        %add3A_403 = arith.addf %add3A_401, %mul3A_402 : f32
        %ne3A_404 = arith.constant 0.000000e+00 : f32
        %ne3A_405 = arith.cmpf one, %add3A_394, %ne3A_404 : f32
        %and3A_406 = arith.andi %ne3A_405, %gt3A_64 : i1
        %and3A_407 = arith.andi %and3A_406, %gt3A_66 : i1
        %jit3A_408 = arith.constant 1.000000e+00 : f32
        %jit3A_409 = arith.constant 0.000000e+00 : f32
        %select_n3A_410 = arith.select %and3A_407, %jit3A_408, %jit3A_409 : f32
        %sqrt3A_411 = math.sqrt %add3A_403 : f32
        %sub3A_412 = arith.constant 6.000000e+00 : f32
        %sub3A_413 = arith.subf %sub3A_412, %sqrt3A_411 : f32
        %max3A_414 = arith.constant 0.000000e+00 : f32
        %max3A_415 = arith.maximumf %sub3A_413, %max3A_414 : f32
        %mul3A_416 = arith.mulf %max3A_415, %max3A_415 : f32
        %mul3A_417 = arith.mulf %mul3A_416, %select_n3A_410 : f32
        %add3A_418 = arith.addf %add3A_379, %mul3A_417 : f32
        %add3A_419 = arith.addf %add3A_381, %select_n3A_410 : f32
        %sub3A_420 = arith.subf %mul3A, %mul3A_154 : f32
        %sub3A_421 = arith.subf %mul3A_119, %mul3A_159 : f32
        %sub3A_422 = arith.subf %mul3A_124, %mul3A_164 : f32
        %sub3A_423 = arith.subf %mul3A_129, %mul3A_169 : f32
        %abs3A_424 = math.absf %sub3A_420 : f32
        %add3A_425 = arith.constant 0.000000e+00 : f32
        %add3A_426 = arith.addf %add3A_425, %abs3A_424 : f32
        %abs3A_427 = math.absf %sub3A_421 : f32
        %add3A_428 = arith.addf %add3A_426, %abs3A_427 : f32
        %abs3A_429 = math.absf %sub3A_422 : f32
        %add3A_430 = arith.addf %add3A_428, %abs3A_429 : f32
        %abs3A_431 = math.absf %sub3A_423 : f32
        %add3A_432 = arith.addf %add3A_430, %abs3A_431 : f32
        %mul3A_433 = arith.mulf %sub3A_420, %sub3A_420 : f32
        %add3A_434 = arith.constant 0.000000e+00 : f32
        %add3A_435 = arith.addf %add3A_434, %mul3A_433 : f32
        %mul3A_436 = arith.mulf %sub3A_421, %sub3A_421 : f32
        %add3A_437 = arith.addf %add3A_435, %mul3A_436 : f32
        %mul3A_438 = arith.mulf %sub3A_422, %sub3A_422 : f32
        %add3A_439 = arith.addf %add3A_437, %mul3A_438 : f32
        %mul3A_440 = arith.mulf %sub3A_423, %sub3A_423 : f32
        %add3A_441 = arith.addf %add3A_439, %mul3A_440 : f32
        %ne3A_442 = arith.constant 0.000000e+00 : f32
        %ne3A_443 = arith.cmpf one, %add3A_432, %ne3A_442 : f32
        %and3A_444 = arith.andi %ne3A_443, %gt3A_64 : i1
        %and3A_445 = arith.andi %and3A_444, %gt3A_68 : i1
        %jit3A_446 = arith.constant 1.000000e+00 : f32
        %jit3A_447 = arith.constant 0.000000e+00 : f32
        %select_n3A_448 = arith.select %and3A_445, %jit3A_446, %jit3A_447 : f32
        %sqrt3A_449 = math.sqrt %add3A_441 : f32
        %sub3A_450 = arith.constant 6.000000e+00 : f32
        %sub3A_451 = arith.subf %sub3A_450, %sqrt3A_449 : f32
        %max3A_452 = arith.constant 0.000000e+00 : f32
        %max3A_453 = arith.maximumf %sub3A_451, %max3A_452 : f32
        %mul3A_454 = arith.mulf %max3A_453, %max3A_453 : f32
        %mul3A_455 = arith.mulf %mul3A_454, %select_n3A_448 : f32
        %add3A_456 = arith.addf %add3A_418, %mul3A_455 : f32
        %add3A_457 = arith.addf %add3A_419, %select_n3A_448 : f32
        %sub3A_458 = arith.subf %mul3A, %mul3A_174 : f32
        %sub3A_459 = arith.subf %mul3A_119, %mul3A_179 : f32
        %sub3A_460 = arith.subf %mul3A_124, %mul3A_184 : f32
        %sub3A_461 = arith.subf %mul3A_129, %mul3A_189 : f32
        %abs3A_462 = math.absf %sub3A_458 : f32
        %add3A_463 = arith.constant 0.000000e+00 : f32
        %add3A_464 = arith.addf %add3A_463, %abs3A_462 : f32
        %abs3A_465 = math.absf %sub3A_459 : f32
        %add3A_466 = arith.addf %add3A_464, %abs3A_465 : f32
        %abs3A_467 = math.absf %sub3A_460 : f32
        %add3A_468 = arith.addf %add3A_466, %abs3A_467 : f32
        %abs3A_469 = math.absf %sub3A_461 : f32
        %add3A_470 = arith.addf %add3A_468, %abs3A_469 : f32
        %mul3A_471 = arith.mulf %sub3A_458, %sub3A_458 : f32
        %add3A_472 = arith.constant 0.000000e+00 : f32
        %add3A_473 = arith.addf %add3A_472, %mul3A_471 : f32
        %mul3A_474 = arith.mulf %sub3A_459, %sub3A_459 : f32
        %add3A_475 = arith.addf %add3A_473, %mul3A_474 : f32
        %mul3A_476 = arith.mulf %sub3A_460, %sub3A_460 : f32
        %add3A_477 = arith.addf %add3A_475, %mul3A_476 : f32
        %mul3A_478 = arith.mulf %sub3A_461, %sub3A_461 : f32
        %add3A_479 = arith.addf %add3A_477, %mul3A_478 : f32
        %ne3A_480 = arith.constant 0.000000e+00 : f32
        %ne3A_481 = arith.cmpf one, %add3A_470, %ne3A_480 : f32
        %and3A_482 = arith.andi %ne3A_481, %gt3A_64 : i1
        %and3A_483 = arith.andi %and3A_482, %gt3A_70 : i1
        %jit3A_484 = arith.constant 1.000000e+00 : f32
        %jit3A_485 = arith.constant 0.000000e+00 : f32
        %select_n3A_486 = arith.select %and3A_483, %jit3A_484, %jit3A_485 : f32
        %sqrt3A_487 = math.sqrt %add3A_479 : f32
        %sub3A_488 = arith.constant 6.000000e+00 : f32
        %sub3A_489 = arith.subf %sub3A_488, %sqrt3A_487 : f32
        %max3A_490 = arith.constant 0.000000e+00 : f32
        %max3A_491 = arith.maximumf %sub3A_489, %max3A_490 : f32
        %mul3A_492 = arith.mulf %max3A_491, %max3A_491 : f32
        %mul3A_493 = arith.mulf %mul3A_492, %select_n3A_486 : f32
        %add3A_494 = arith.addf %add3A_456, %mul3A_493 : f32
        %add3A_495 = arith.addf %add3A_457, %select_n3A_486 : f32
        %sub3A_496 = arith.subf %mul3A, %mul3A_194 : f32
        %sub3A_497 = arith.subf %mul3A_119, %mul3A_199 : f32
        %sub3A_498 = arith.subf %mul3A_124, %mul3A_204 : f32
        %sub3A_499 = arith.subf %mul3A_129, %mul3A_209 : f32
        %abs3A_500 = math.absf %sub3A_496 : f32
        %add3A_501 = arith.constant 0.000000e+00 : f32
        %add3A_502 = arith.addf %add3A_501, %abs3A_500 : f32
        %abs3A_503 = math.absf %sub3A_497 : f32
        %add3A_504 = arith.addf %add3A_502, %abs3A_503 : f32
        %abs3A_505 = math.absf %sub3A_498 : f32
        %add3A_506 = arith.addf %add3A_504, %abs3A_505 : f32
        %abs3A_507 = math.absf %sub3A_499 : f32
        %add3A_508 = arith.addf %add3A_506, %abs3A_507 : f32
        %mul3A_509 = arith.mulf %sub3A_496, %sub3A_496 : f32
        %add3A_510 = arith.constant 0.000000e+00 : f32
        %add3A_511 = arith.addf %add3A_510, %mul3A_509 : f32
        %mul3A_512 = arith.mulf %sub3A_497, %sub3A_497 : f32
        %add3A_513 = arith.addf %add3A_511, %mul3A_512 : f32
        %mul3A_514 = arith.mulf %sub3A_498, %sub3A_498 : f32
        %add3A_515 = arith.addf %add3A_513, %mul3A_514 : f32
        %mul3A_516 = arith.mulf %sub3A_499, %sub3A_499 : f32
        %add3A_517 = arith.addf %add3A_515, %mul3A_516 : f32
        %ne3A_518 = arith.constant 0.000000e+00 : f32
        %ne3A_519 = arith.cmpf one, %add3A_508, %ne3A_518 : f32
        %and3A_520 = arith.andi %ne3A_519, %gt3A_64 : i1
        %and3A_521 = arith.andi %and3A_520, %gt3A_72 : i1
        %jit3A_522 = arith.constant 1.000000e+00 : f32
        %jit3A_523 = arith.constant 0.000000e+00 : f32
        %select_n3A_524 = arith.select %and3A_521, %jit3A_522, %jit3A_523 : f32
        %sqrt3A_525 = math.sqrt %add3A_517 : f32
        %sub3A_526 = arith.constant 6.000000e+00 : f32
        %sub3A_527 = arith.subf %sub3A_526, %sqrt3A_525 : f32
        %max3A_528 = arith.constant 0.000000e+00 : f32
        %max3A_529 = arith.maximumf %sub3A_527, %max3A_528 : f32
        %mul3A_530 = arith.mulf %max3A_529, %max3A_529 : f32
        %mul3A_531 = arith.mulf %mul3A_530, %select_n3A_524 : f32
        %add3A_532 = arith.addf %add3A_494, %mul3A_531 : f32
        %add3A_533 = arith.addf %add3A_495, %select_n3A_524 : f32
        %sub3A_534 = arith.subf %mul3A_134, %mul3A : f32
        %sub3A_535 = arith.subf %mul3A_139, %mul3A_119 : f32
        %sub3A_536 = arith.subf %mul3A_144, %mul3A_124 : f32
        %sub3A_537 = arith.subf %mul3A_149, %mul3A_129 : f32
        %abs3A_538 = math.absf %sub3A_534 : f32
        %add3A_539 = arith.constant 0.000000e+00 : f32
        %add3A_540 = arith.addf %add3A_539, %abs3A_538 : f32
        %abs3A_541 = math.absf %sub3A_535 : f32
        %add3A_542 = arith.addf %add3A_540, %abs3A_541 : f32
        %abs3A_543 = math.absf %sub3A_536 : f32
        %add3A_544 = arith.addf %add3A_542, %abs3A_543 : f32
        %abs3A_545 = math.absf %sub3A_537 : f32
        %add3A_546 = arith.addf %add3A_544, %abs3A_545 : f32
        %mul3A_547 = arith.mulf %sub3A_534, %sub3A_534 : f32
        %add3A_548 = arith.constant 0.000000e+00 : f32
        %add3A_549 = arith.addf %add3A_548, %mul3A_547 : f32
        %mul3A_550 = arith.mulf %sub3A_535, %sub3A_535 : f32
        %add3A_551 = arith.addf %add3A_549, %mul3A_550 : f32
        %mul3A_552 = arith.mulf %sub3A_536, %sub3A_536 : f32
        %add3A_553 = arith.addf %add3A_551, %mul3A_552 : f32
        %mul3A_554 = arith.mulf %sub3A_537, %sub3A_537 : f32
        %add3A_555 = arith.addf %add3A_553, %mul3A_554 : f32
        %ne3A_556 = arith.constant 0.000000e+00 : f32
        %ne3A_557 = arith.cmpf one, %add3A_546, %ne3A_556 : f32
        %and3A_558 = arith.andi %ne3A_557, %gt3A_66 : i1
        %and3A_559 = arith.andi %and3A_558, %gt3A_64 : i1
        %jit3A_560 = arith.constant 1.000000e+00 : f32
        %jit3A_561 = arith.constant 0.000000e+00 : f32
        %select_n3A_562 = arith.select %and3A_559, %jit3A_560, %jit3A_561 : f32
        %sqrt3A_563 = math.sqrt %add3A_555 : f32
        %sub3A_564 = arith.constant 6.000000e+00 : f32
        %sub3A_565 = arith.subf %sub3A_564, %sqrt3A_563 : f32
        %max3A_566 = arith.constant 0.000000e+00 : f32
        %max3A_567 = arith.maximumf %sub3A_565, %max3A_566 : f32
        %mul3A_568 = arith.mulf %max3A_567, %max3A_567 : f32
        %mul3A_569 = arith.mulf %mul3A_568, %select_n3A_562 : f32
        %add3A_570 = arith.addf %add3A_532, %mul3A_569 : f32
        %add3A_571 = arith.addf %add3A_533, %select_n3A_562 : f32
        %sub3A_572 = arith.subf %mul3A_134, %mul3A_134 : f32
        %sub3A_573 = arith.subf %mul3A_139, %mul3A_139 : f32
        %sub3A_574 = arith.subf %mul3A_144, %mul3A_144 : f32
        %sub3A_575 = arith.subf %mul3A_149, %mul3A_149 : f32
        %abs3A_576 = math.absf %sub3A_572 : f32
        %add3A_577 = arith.constant 0.000000e+00 : f32
        %add3A_578 = arith.addf %add3A_577, %abs3A_576 : f32
        %abs3A_579 = math.absf %sub3A_573 : f32
        %add3A_580 = arith.addf %add3A_578, %abs3A_579 : f32
        %abs3A_581 = math.absf %sub3A_574 : f32
        %add3A_582 = arith.addf %add3A_580, %abs3A_581 : f32
        %abs3A_583 = math.absf %sub3A_575 : f32
        %add3A_584 = arith.addf %add3A_582, %abs3A_583 : f32
        %mul3A_585 = arith.mulf %sub3A_572, %sub3A_572 : f32
        %add3A_586 = arith.constant 0.000000e+00 : f32
        %add3A_587 = arith.addf %add3A_586, %mul3A_585 : f32
        %mul3A_588 = arith.mulf %sub3A_573, %sub3A_573 : f32
        %add3A_589 = arith.addf %add3A_587, %mul3A_588 : f32
        %mul3A_590 = arith.mulf %sub3A_574, %sub3A_574 : f32
        %add3A_591 = arith.addf %add3A_589, %mul3A_590 : f32
        %mul3A_592 = arith.mulf %sub3A_575, %sub3A_575 : f32
        %add3A_593 = arith.addf %add3A_591, %mul3A_592 : f32
        %ne3A_594 = arith.constant 0.000000e+00 : f32
        %ne3A_595 = arith.cmpf one, %add3A_584, %ne3A_594 : f32
        %and3A_596 = arith.andi %ne3A_595, %gt3A_66 : i1
        %and3A_597 = arith.andi %and3A_596, %gt3A_66 : i1
        %jit3A_598 = arith.constant 1.000000e+00 : f32
        %jit3A_599 = arith.constant 0.000000e+00 : f32
        %select_n3A_600 = arith.select %and3A_597, %jit3A_598, %jit3A_599 : f32
        %sqrt3A_601 = math.sqrt %add3A_593 : f32
        %sub3A_602 = arith.constant 6.000000e+00 : f32
        %sub3A_603 = arith.subf %sub3A_602, %sqrt3A_601 : f32
        %max3A_604 = arith.constant 0.000000e+00 : f32
        %max3A_605 = arith.maximumf %sub3A_603, %max3A_604 : f32
        %mul3A_606 = arith.mulf %max3A_605, %max3A_605 : f32
        %mul3A_607 = arith.mulf %mul3A_606, %select_n3A_600 : f32
        %add3A_608 = arith.addf %add3A_570, %mul3A_607 : f32
        %add3A_609 = arith.addf %add3A_571, %select_n3A_600 : f32
        %sub3A_610 = arith.subf %mul3A_134, %mul3A_154 : f32
        %sub3A_611 = arith.subf %mul3A_139, %mul3A_159 : f32
        %sub3A_612 = arith.subf %mul3A_144, %mul3A_164 : f32
        %sub3A_613 = arith.subf %mul3A_149, %mul3A_169 : f32
        %abs3A_614 = math.absf %sub3A_610 : f32
        %add3A_615 = arith.constant 0.000000e+00 : f32
        %add3A_616 = arith.addf %add3A_615, %abs3A_614 : f32
        %abs3A_617 = math.absf %sub3A_611 : f32
        %add3A_618 = arith.addf %add3A_616, %abs3A_617 : f32
        %abs3A_619 = math.absf %sub3A_612 : f32
        %add3A_620 = arith.addf %add3A_618, %abs3A_619 : f32
        %abs3A_621 = math.absf %sub3A_613 : f32
        %add3A_622 = arith.addf %add3A_620, %abs3A_621 : f32
        %mul3A_623 = arith.mulf %sub3A_610, %sub3A_610 : f32
        %add3A_624 = arith.constant 0.000000e+00 : f32
        %add3A_625 = arith.addf %add3A_624, %mul3A_623 : f32
        %mul3A_626 = arith.mulf %sub3A_611, %sub3A_611 : f32
        %add3A_627 = arith.addf %add3A_625, %mul3A_626 : f32
        %mul3A_628 = arith.mulf %sub3A_612, %sub3A_612 : f32
        %add3A_629 = arith.addf %add3A_627, %mul3A_628 : f32
        %mul3A_630 = arith.mulf %sub3A_613, %sub3A_613 : f32
        %add3A_631 = arith.addf %add3A_629, %mul3A_630 : f32
        %ne3A_632 = arith.constant 0.000000e+00 : f32
        %ne3A_633 = arith.cmpf one, %add3A_622, %ne3A_632 : f32
        %and3A_634 = arith.andi %ne3A_633, %gt3A_66 : i1
        %and3A_635 = arith.andi %and3A_634, %gt3A_68 : i1
        %jit3A_636 = arith.constant 1.000000e+00 : f32
        %jit3A_637 = arith.constant 0.000000e+00 : f32
        %select_n3A_638 = arith.select %and3A_635, %jit3A_636, %jit3A_637 : f32
        %sqrt3A_639 = math.sqrt %add3A_631 : f32
        %sub3A_640 = arith.constant 6.000000e+00 : f32
        %sub3A_641 = arith.subf %sub3A_640, %sqrt3A_639 : f32
        %max3A_642 = arith.constant 0.000000e+00 : f32
        %max3A_643 = arith.maximumf %sub3A_641, %max3A_642 : f32
        %mul3A_644 = arith.mulf %max3A_643, %max3A_643 : f32
        %mul3A_645 = arith.mulf %mul3A_644, %select_n3A_638 : f32
        %add3A_646 = arith.addf %add3A_608, %mul3A_645 : f32
        %add3A_647 = arith.addf %add3A_609, %select_n3A_638 : f32
        %sub3A_648 = arith.subf %mul3A_134, %mul3A_174 : f32
        %sub3A_649 = arith.subf %mul3A_139, %mul3A_179 : f32
        %sub3A_650 = arith.subf %mul3A_144, %mul3A_184 : f32
        %sub3A_651 = arith.subf %mul3A_149, %mul3A_189 : f32
        %abs3A_652 = math.absf %sub3A_648 : f32
        %add3A_653 = arith.constant 0.000000e+00 : f32
        %add3A_654 = arith.addf %add3A_653, %abs3A_652 : f32
        %abs3A_655 = math.absf %sub3A_649 : f32
        %add3A_656 = arith.addf %add3A_654, %abs3A_655 : f32
        %abs3A_657 = math.absf %sub3A_650 : f32
        %add3A_658 = arith.addf %add3A_656, %abs3A_657 : f32
        %abs3A_659 = math.absf %sub3A_651 : f32
        %add3A_660 = arith.addf %add3A_658, %abs3A_659 : f32
        %mul3A_661 = arith.mulf %sub3A_648, %sub3A_648 : f32
        %add3A_662 = arith.constant 0.000000e+00 : f32
        %add3A_663 = arith.addf %add3A_662, %mul3A_661 : f32
        %mul3A_664 = arith.mulf %sub3A_649, %sub3A_649 : f32
        %add3A_665 = arith.addf %add3A_663, %mul3A_664 : f32
        %mul3A_666 = arith.mulf %sub3A_650, %sub3A_650 : f32
        %add3A_667 = arith.addf %add3A_665, %mul3A_666 : f32
        %mul3A_668 = arith.mulf %sub3A_651, %sub3A_651 : f32
        %add3A_669 = arith.addf %add3A_667, %mul3A_668 : f32
        %ne3A_670 = arith.constant 0.000000e+00 : f32
        %ne3A_671 = arith.cmpf one, %add3A_660, %ne3A_670 : f32
        %and3A_672 = arith.andi %ne3A_671, %gt3A_66 : i1
        %and3A_673 = arith.andi %and3A_672, %gt3A_70 : i1
        %jit3A_674 = arith.constant 1.000000e+00 : f32
        %jit3A_675 = arith.constant 0.000000e+00 : f32
        %select_n3A_676 = arith.select %and3A_673, %jit3A_674, %jit3A_675 : f32
        %sqrt3A_677 = math.sqrt %add3A_669 : f32
        %sub3A_678 = arith.constant 6.000000e+00 : f32
        %sub3A_679 = arith.subf %sub3A_678, %sqrt3A_677 : f32
        %max3A_680 = arith.constant 0.000000e+00 : f32
        %max3A_681 = arith.maximumf %sub3A_679, %max3A_680 : f32
        %mul3A_682 = arith.mulf %max3A_681, %max3A_681 : f32
        %mul3A_683 = arith.mulf %mul3A_682, %select_n3A_676 : f32
        %add3A_684 = arith.addf %add3A_646, %mul3A_683 : f32
        %add3A_685 = arith.addf %add3A_647, %select_n3A_676 : f32
        %sub3A_686 = arith.subf %mul3A_134, %mul3A_194 : f32
        %sub3A_687 = arith.subf %mul3A_139, %mul3A_199 : f32
        %sub3A_688 = arith.subf %mul3A_144, %mul3A_204 : f32
        %sub3A_689 = arith.subf %mul3A_149, %mul3A_209 : f32
        %abs3A_690 = math.absf %sub3A_686 : f32
        %add3A_691 = arith.constant 0.000000e+00 : f32
        %add3A_692 = arith.addf %add3A_691, %abs3A_690 : f32
        %abs3A_693 = math.absf %sub3A_687 : f32
        %add3A_694 = arith.addf %add3A_692, %abs3A_693 : f32
        %abs3A_695 = math.absf %sub3A_688 : f32
        %add3A_696 = arith.addf %add3A_694, %abs3A_695 : f32
        %abs3A_697 = math.absf %sub3A_689 : f32
        %add3A_698 = arith.addf %add3A_696, %abs3A_697 : f32
        %mul3A_699 = arith.mulf %sub3A_686, %sub3A_686 : f32
        %add3A_700 = arith.constant 0.000000e+00 : f32
        %add3A_701 = arith.addf %add3A_700, %mul3A_699 : f32
        %mul3A_702 = arith.mulf %sub3A_687, %sub3A_687 : f32
        %add3A_703 = arith.addf %add3A_701, %mul3A_702 : f32
        %mul3A_704 = arith.mulf %sub3A_688, %sub3A_688 : f32
        %add3A_705 = arith.addf %add3A_703, %mul3A_704 : f32
        %mul3A_706 = arith.mulf %sub3A_689, %sub3A_689 : f32
        %add3A_707 = arith.addf %add3A_705, %mul3A_706 : f32
        %ne3A_708 = arith.constant 0.000000e+00 : f32
        %ne3A_709 = arith.cmpf one, %add3A_698, %ne3A_708 : f32
        %and3A_710 = arith.andi %ne3A_709, %gt3A_66 : i1
        %and3A_711 = arith.andi %and3A_710, %gt3A_72 : i1
        %jit3A_712 = arith.constant 1.000000e+00 : f32
        %jit3A_713 = arith.constant 0.000000e+00 : f32
        %select_n3A_714 = arith.select %and3A_711, %jit3A_712, %jit3A_713 : f32
        %sqrt3A_715 = math.sqrt %add3A_707 : f32
        %sub3A_716 = arith.constant 6.000000e+00 : f32
        %sub3A_717 = arith.subf %sub3A_716, %sqrt3A_715 : f32
        %max3A_718 = arith.constant 0.000000e+00 : f32
        %max3A_719 = arith.maximumf %sub3A_717, %max3A_718 : f32
        %mul3A_720 = arith.mulf %max3A_719, %max3A_719 : f32
        %mul3A_721 = arith.mulf %mul3A_720, %select_n3A_714 : f32
        %add3A_722 = arith.addf %add3A_684, %mul3A_721 : f32
        %add3A_723 = arith.addf %add3A_685, %select_n3A_714 : f32
        %sub3A_724 = arith.subf %mul3A_154, %mul3A : f32
        %sub3A_725 = arith.subf %mul3A_159, %mul3A_119 : f32
        %sub3A_726 = arith.subf %mul3A_164, %mul3A_124 : f32
        %sub3A_727 = arith.subf %mul3A_169, %mul3A_129 : f32
        %abs3A_728 = math.absf %sub3A_724 : f32
        %add3A_729 = arith.constant 0.000000e+00 : f32
        %add3A_730 = arith.addf %add3A_729, %abs3A_728 : f32
        %abs3A_731 = math.absf %sub3A_725 : f32
        %add3A_732 = arith.addf %add3A_730, %abs3A_731 : f32
        %abs3A_733 = math.absf %sub3A_726 : f32
        %add3A_734 = arith.addf %add3A_732, %abs3A_733 : f32
        %abs3A_735 = math.absf %sub3A_727 : f32
        %add3A_736 = arith.addf %add3A_734, %abs3A_735 : f32
        %mul3A_737 = arith.mulf %sub3A_724, %sub3A_724 : f32
        %add3A_738 = arith.constant 0.000000e+00 : f32
        %add3A_739 = arith.addf %add3A_738, %mul3A_737 : f32
        %mul3A_740 = arith.mulf %sub3A_725, %sub3A_725 : f32
        %add3A_741 = arith.addf %add3A_739, %mul3A_740 : f32
        %mul3A_742 = arith.mulf %sub3A_726, %sub3A_726 : f32
        %add3A_743 = arith.addf %add3A_741, %mul3A_742 : f32
        %mul3A_744 = arith.mulf %sub3A_727, %sub3A_727 : f32
        %add3A_745 = arith.addf %add3A_743, %mul3A_744 : f32
        %ne3A_746 = arith.constant 0.000000e+00 : f32
        %ne3A_747 = arith.cmpf one, %add3A_736, %ne3A_746 : f32
        %and3A_748 = arith.andi %ne3A_747, %gt3A_68 : i1
        %and3A_749 = arith.andi %and3A_748, %gt3A_64 : i1
        %jit3A_750 = arith.constant 1.000000e+00 : f32
        %jit3A_751 = arith.constant 0.000000e+00 : f32
        %select_n3A_752 = arith.select %and3A_749, %jit3A_750, %jit3A_751 : f32
        %sqrt3A_753 = math.sqrt %add3A_745 : f32
        %sub3A_754 = arith.constant 6.000000e+00 : f32
        %sub3A_755 = arith.subf %sub3A_754, %sqrt3A_753 : f32
        %max3A_756 = arith.constant 0.000000e+00 : f32
        %max3A_757 = arith.maximumf %sub3A_755, %max3A_756 : f32
        %mul3A_758 = arith.mulf %max3A_757, %max3A_757 : f32
        %mul3A_759 = arith.mulf %mul3A_758, %select_n3A_752 : f32
        %add3A_760 = arith.addf %add3A_722, %mul3A_759 : f32
        %add3A_761 = arith.addf %add3A_723, %select_n3A_752 : f32
        %sub3A_762 = arith.subf %mul3A_154, %mul3A_134 : f32
        %sub3A_763 = arith.subf %mul3A_159, %mul3A_139 : f32
        %sub3A_764 = arith.subf %mul3A_164, %mul3A_144 : f32
        %sub3A_765 = arith.subf %mul3A_169, %mul3A_149 : f32
        %abs3A_766 = math.absf %sub3A_762 : f32
        %add3A_767 = arith.constant 0.000000e+00 : f32
        %add3A_768 = arith.addf %add3A_767, %abs3A_766 : f32
        %abs3A_769 = math.absf %sub3A_763 : f32
        %add3A_770 = arith.addf %add3A_768, %abs3A_769 : f32
        %abs3A_771 = math.absf %sub3A_764 : f32
        %add3A_772 = arith.addf %add3A_770, %abs3A_771 : f32
        %abs3A_773 = math.absf %sub3A_765 : f32
        %add3A_774 = arith.addf %add3A_772, %abs3A_773 : f32
        %mul3A_775 = arith.mulf %sub3A_762, %sub3A_762 : f32
        %add3A_776 = arith.constant 0.000000e+00 : f32
        %add3A_777 = arith.addf %add3A_776, %mul3A_775 : f32
        %mul3A_778 = arith.mulf %sub3A_763, %sub3A_763 : f32
        %add3A_779 = arith.addf %add3A_777, %mul3A_778 : f32
        %mul3A_780 = arith.mulf %sub3A_764, %sub3A_764 : f32
        %add3A_781 = arith.addf %add3A_779, %mul3A_780 : f32
        %mul3A_782 = arith.mulf %sub3A_765, %sub3A_765 : f32
        %add3A_783 = arith.addf %add3A_781, %mul3A_782 : f32
        %ne3A_784 = arith.constant 0.000000e+00 : f32
        %ne3A_785 = arith.cmpf one, %add3A_774, %ne3A_784 : f32
        %and3A_786 = arith.andi %ne3A_785, %gt3A_68 : i1
        %and3A_787 = arith.andi %and3A_786, %gt3A_66 : i1
        %jit3A_788 = arith.constant 1.000000e+00 : f32
        %jit3A_789 = arith.constant 0.000000e+00 : f32
        %select_n3A_790 = arith.select %and3A_787, %jit3A_788, %jit3A_789 : f32
        %sqrt3A_791 = math.sqrt %add3A_783 : f32
        %sub3A_792 = arith.constant 6.000000e+00 : f32
        %sub3A_793 = arith.subf %sub3A_792, %sqrt3A_791 : f32
        %max3A_794 = arith.constant 0.000000e+00 : f32
        %max3A_795 = arith.maximumf %sub3A_793, %max3A_794 : f32
        %mul3A_796 = arith.mulf %max3A_795, %max3A_795 : f32
        %mul3A_797 = arith.mulf %mul3A_796, %select_n3A_790 : f32
        %add3A_798 = arith.addf %add3A_760, %mul3A_797 : f32
        %add3A_799 = arith.addf %add3A_761, %select_n3A_790 : f32
        %sub3A_800 = arith.subf %mul3A_154, %mul3A_154 : f32
        %sub3A_801 = arith.subf %mul3A_159, %mul3A_159 : f32
        %sub3A_802 = arith.subf %mul3A_164, %mul3A_164 : f32
        %sub3A_803 = arith.subf %mul3A_169, %mul3A_169 : f32
        %abs3A_804 = math.absf %sub3A_800 : f32
        %add3A_805 = arith.constant 0.000000e+00 : f32
        %add3A_806 = arith.addf %add3A_805, %abs3A_804 : f32
        %abs3A_807 = math.absf %sub3A_801 : f32
        %add3A_808 = arith.addf %add3A_806, %abs3A_807 : f32
        %abs3A_809 = math.absf %sub3A_802 : f32
        %add3A_810 = arith.addf %add3A_808, %abs3A_809 : f32
        %abs3A_811 = math.absf %sub3A_803 : f32
        %add3A_812 = arith.addf %add3A_810, %abs3A_811 : f32
        %mul3A_813 = arith.mulf %sub3A_800, %sub3A_800 : f32
        %add3A_814 = arith.constant 0.000000e+00 : f32
        %add3A_815 = arith.addf %add3A_814, %mul3A_813 : f32
        %mul3A_816 = arith.mulf %sub3A_801, %sub3A_801 : f32
        %add3A_817 = arith.addf %add3A_815, %mul3A_816 : f32
        %mul3A_818 = arith.mulf %sub3A_802, %sub3A_802 : f32
        %add3A_819 = arith.addf %add3A_817, %mul3A_818 : f32
        %mul3A_820 = arith.mulf %sub3A_803, %sub3A_803 : f32
        %add3A_821 = arith.addf %add3A_819, %mul3A_820 : f32
        %ne3A_822 = arith.constant 0.000000e+00 : f32
        %ne3A_823 = arith.cmpf one, %add3A_812, %ne3A_822 : f32
        %and3A_824 = arith.andi %ne3A_823, %gt3A_68 : i1
        %and3A_825 = arith.andi %and3A_824, %gt3A_68 : i1
        %jit3A_826 = arith.constant 1.000000e+00 : f32
        %jit3A_827 = arith.constant 0.000000e+00 : f32
        %select_n3A_828 = arith.select %and3A_825, %jit3A_826, %jit3A_827 : f32
        %sqrt3A_829 = math.sqrt %add3A_821 : f32
        %sub3A_830 = arith.constant 6.000000e+00 : f32
        %sub3A_831 = arith.subf %sub3A_830, %sqrt3A_829 : f32
        %max3A_832 = arith.constant 0.000000e+00 : f32
        %max3A_833 = arith.maximumf %sub3A_831, %max3A_832 : f32
        %mul3A_834 = arith.mulf %max3A_833, %max3A_833 : f32
        %mul3A_835 = arith.mulf %mul3A_834, %select_n3A_828 : f32
        %add3A_836 = arith.addf %add3A_798, %mul3A_835 : f32
        %add3A_837 = arith.addf %add3A_799, %select_n3A_828 : f32
        %sub3A_838 = arith.subf %mul3A_154, %mul3A_174 : f32
        %sub3A_839 = arith.subf %mul3A_159, %mul3A_179 : f32
        %sub3A_840 = arith.subf %mul3A_164, %mul3A_184 : f32
        %sub3A_841 = arith.subf %mul3A_169, %mul3A_189 : f32
        %abs3A_842 = math.absf %sub3A_838 : f32
        %add3A_843 = arith.constant 0.000000e+00 : f32
        %add3A_844 = arith.addf %add3A_843, %abs3A_842 : f32
        %abs3A_845 = math.absf %sub3A_839 : f32
        %add3A_846 = arith.addf %add3A_844, %abs3A_845 : f32
        %abs3A_847 = math.absf %sub3A_840 : f32
        %add3A_848 = arith.addf %add3A_846, %abs3A_847 : f32
        %abs3A_849 = math.absf %sub3A_841 : f32
        %add3A_850 = arith.addf %add3A_848, %abs3A_849 : f32
        %mul3A_851 = arith.mulf %sub3A_838, %sub3A_838 : f32
        %add3A_852 = arith.constant 0.000000e+00 : f32
        %add3A_853 = arith.addf %add3A_852, %mul3A_851 : f32
        %mul3A_854 = arith.mulf %sub3A_839, %sub3A_839 : f32
        %add3A_855 = arith.addf %add3A_853, %mul3A_854 : f32
        %mul3A_856 = arith.mulf %sub3A_840, %sub3A_840 : f32
        %add3A_857 = arith.addf %add3A_855, %mul3A_856 : f32
        %mul3A_858 = arith.mulf %sub3A_841, %sub3A_841 : f32
        %add3A_859 = arith.addf %add3A_857, %mul3A_858 : f32
        %ne3A_860 = arith.constant 0.000000e+00 : f32
        %ne3A_861 = arith.cmpf one, %add3A_850, %ne3A_860 : f32
        %and3A_862 = arith.andi %ne3A_861, %gt3A_68 : i1
        %and3A_863 = arith.andi %and3A_862, %gt3A_70 : i1
        %jit3A_864 = arith.constant 1.000000e+00 : f32
        %jit3A_865 = arith.constant 0.000000e+00 : f32
        %select_n3A_866 = arith.select %and3A_863, %jit3A_864, %jit3A_865 : f32
        %sqrt3A_867 = math.sqrt %add3A_859 : f32
        %sub3A_868 = arith.constant 6.000000e+00 : f32
        %sub3A_869 = arith.subf %sub3A_868, %sqrt3A_867 : f32
        %max3A_870 = arith.constant 0.000000e+00 : f32
        %max3A_871 = arith.maximumf %sub3A_869, %max3A_870 : f32
        %mul3A_872 = arith.mulf %max3A_871, %max3A_871 : f32
        %mul3A_873 = arith.mulf %mul3A_872, %select_n3A_866 : f32
        %add3A_874 = arith.addf %add3A_836, %mul3A_873 : f32
        %add3A_875 = arith.addf %add3A_837, %select_n3A_866 : f32
        %sub3A_876 = arith.subf %mul3A_154, %mul3A_194 : f32
        %sub3A_877 = arith.subf %mul3A_159, %mul3A_199 : f32
        %sub3A_878 = arith.subf %mul3A_164, %mul3A_204 : f32
        %sub3A_879 = arith.subf %mul3A_169, %mul3A_209 : f32
        %abs3A_880 = math.absf %sub3A_876 : f32
        %add3A_881 = arith.constant 0.000000e+00 : f32
        %add3A_882 = arith.addf %add3A_881, %abs3A_880 : f32
        %abs3A_883 = math.absf %sub3A_877 : f32
        %add3A_884 = arith.addf %add3A_882, %abs3A_883 : f32
        %abs3A_885 = math.absf %sub3A_878 : f32
        %add3A_886 = arith.addf %add3A_884, %abs3A_885 : f32
        %abs3A_887 = math.absf %sub3A_879 : f32
        %add3A_888 = arith.addf %add3A_886, %abs3A_887 : f32
        %mul3A_889 = arith.mulf %sub3A_876, %sub3A_876 : f32
        %add3A_890 = arith.constant 0.000000e+00 : f32
        %add3A_891 = arith.addf %add3A_890, %mul3A_889 : f32
        %mul3A_892 = arith.mulf %sub3A_877, %sub3A_877 : f32
        %add3A_893 = arith.addf %add3A_891, %mul3A_892 : f32
        %mul3A_894 = arith.mulf %sub3A_878, %sub3A_878 : f32
        %add3A_895 = arith.addf %add3A_893, %mul3A_894 : f32
        %mul3A_896 = arith.mulf %sub3A_879, %sub3A_879 : f32
        %add3A_897 = arith.addf %add3A_895, %mul3A_896 : f32
        %ne3A_898 = arith.constant 0.000000e+00 : f32
        %ne3A_899 = arith.cmpf one, %add3A_888, %ne3A_898 : f32
        %and3A_900 = arith.andi %ne3A_899, %gt3A_68 : i1
        %and3A_901 = arith.andi %and3A_900, %gt3A_72 : i1
        %jit3A_902 = arith.constant 1.000000e+00 : f32
        %jit3A_903 = arith.constant 0.000000e+00 : f32
        %select_n3A_904 = arith.select %and3A_901, %jit3A_902, %jit3A_903 : f32
        %sqrt3A_905 = math.sqrt %add3A_897 : f32
        %sub3A_906 = arith.constant 6.000000e+00 : f32
        %sub3A_907 = arith.subf %sub3A_906, %sqrt3A_905 : f32
        %max3A_908 = arith.constant 0.000000e+00 : f32
        %max3A_909 = arith.maximumf %sub3A_907, %max3A_908 : f32
        %mul3A_910 = arith.mulf %max3A_909, %max3A_909 : f32
        %mul3A_911 = arith.mulf %mul3A_910, %select_n3A_904 : f32
        %add3A_912 = arith.addf %add3A_874, %mul3A_911 : f32
        %add3A_913 = arith.addf %add3A_875, %select_n3A_904 : f32
        %sub3A_914 = arith.subf %mul3A_174, %mul3A : f32
        %sub3A_915 = arith.subf %mul3A_179, %mul3A_119 : f32
        %sub3A_916 = arith.subf %mul3A_184, %mul3A_124 : f32
        %sub3A_917 = arith.subf %mul3A_189, %mul3A_129 : f32
        %abs3A_918 = math.absf %sub3A_914 : f32
        %add3A_919 = arith.constant 0.000000e+00 : f32
        %add3A_920 = arith.addf %add3A_919, %abs3A_918 : f32
        %abs3A_921 = math.absf %sub3A_915 : f32
        %add3A_922 = arith.addf %add3A_920, %abs3A_921 : f32
        %abs3A_923 = math.absf %sub3A_916 : f32
        %add3A_924 = arith.addf %add3A_922, %abs3A_923 : f32
        %abs3A_925 = math.absf %sub3A_917 : f32
        %add3A_926 = arith.addf %add3A_924, %abs3A_925 : f32
        %mul3A_927 = arith.mulf %sub3A_914, %sub3A_914 : f32
        %add3A_928 = arith.constant 0.000000e+00 : f32
        %add3A_929 = arith.addf %add3A_928, %mul3A_927 : f32
        %mul3A_930 = arith.mulf %sub3A_915, %sub3A_915 : f32
        %add3A_931 = arith.addf %add3A_929, %mul3A_930 : f32
        %mul3A_932 = arith.mulf %sub3A_916, %sub3A_916 : f32
        %add3A_933 = arith.addf %add3A_931, %mul3A_932 : f32
        %mul3A_934 = arith.mulf %sub3A_917, %sub3A_917 : f32
        %add3A_935 = arith.addf %add3A_933, %mul3A_934 : f32
        %ne3A_936 = arith.constant 0.000000e+00 : f32
        %ne3A_937 = arith.cmpf one, %add3A_926, %ne3A_936 : f32
        %and3A_938 = arith.andi %ne3A_937, %gt3A_70 : i1
        %and3A_939 = arith.andi %and3A_938, %gt3A_64 : i1
        %jit3A_940 = arith.constant 1.000000e+00 : f32
        %jit3A_941 = arith.constant 0.000000e+00 : f32
        %select_n3A_942 = arith.select %and3A_939, %jit3A_940, %jit3A_941 : f32
        %sqrt3A_943 = math.sqrt %add3A_935 : f32
        %sub3A_944 = arith.constant 6.000000e+00 : f32
        %sub3A_945 = arith.subf %sub3A_944, %sqrt3A_943 : f32
        %max3A_946 = arith.constant 0.000000e+00 : f32
        %max3A_947 = arith.maximumf %sub3A_945, %max3A_946 : f32
        %mul3A_948 = arith.mulf %max3A_947, %max3A_947 : f32
        %mul3A_949 = arith.mulf %mul3A_948, %select_n3A_942 : f32
        %add3A_950 = arith.addf %add3A_912, %mul3A_949 : f32
        %add3A_951 = arith.addf %add3A_913, %select_n3A_942 : f32
        %sub3A_952 = arith.subf %mul3A_174, %mul3A_134 : f32
        %sub3A_953 = arith.subf %mul3A_179, %mul3A_139 : f32
        %sub3A_954 = arith.subf %mul3A_184, %mul3A_144 : f32
        %sub3A_955 = arith.subf %mul3A_189, %mul3A_149 : f32
        %abs3A_956 = math.absf %sub3A_952 : f32
        %add3A_957 = arith.constant 0.000000e+00 : f32
        %add3A_958 = arith.addf %add3A_957, %abs3A_956 : f32
        %abs3A_959 = math.absf %sub3A_953 : f32
        %add3A_960 = arith.addf %add3A_958, %abs3A_959 : f32
        %abs3A_961 = math.absf %sub3A_954 : f32
        %add3A_962 = arith.addf %add3A_960, %abs3A_961 : f32
        %abs3A_963 = math.absf %sub3A_955 : f32
        %add3A_964 = arith.addf %add3A_962, %abs3A_963 : f32
        %mul3A_965 = arith.mulf %sub3A_952, %sub3A_952 : f32
        %add3A_966 = arith.constant 0.000000e+00 : f32
        %add3A_967 = arith.addf %add3A_966, %mul3A_965 : f32
        %mul3A_968 = arith.mulf %sub3A_953, %sub3A_953 : f32
        %add3A_969 = arith.addf %add3A_967, %mul3A_968 : f32
        %mul3A_970 = arith.mulf %sub3A_954, %sub3A_954 : f32
        %add3A_971 = arith.addf %add3A_969, %mul3A_970 : f32
        %mul3A_972 = arith.mulf %sub3A_955, %sub3A_955 : f32
        %add3A_973 = arith.addf %add3A_971, %mul3A_972 : f32
        %ne3A_974 = arith.constant 0.000000e+00 : f32
        %ne3A_975 = arith.cmpf one, %add3A_964, %ne3A_974 : f32
        %and3A_976 = arith.andi %ne3A_975, %gt3A_70 : i1
        %and3A_977 = arith.andi %and3A_976, %gt3A_66 : i1
        %jit3A_978 = arith.constant 1.000000e+00 : f32
        %jit3A_979 = arith.constant 0.000000e+00 : f32
        %select_n3A_980 = arith.select %and3A_977, %jit3A_978, %jit3A_979 : f32
        %sqrt3A_981 = math.sqrt %add3A_973 : f32
        %sub3A_982 = arith.constant 6.000000e+00 : f32
        %sub3A_983 = arith.subf %sub3A_982, %sqrt3A_981 : f32
        %max3A_984 = arith.constant 0.000000e+00 : f32
        %max3A_985 = arith.maximumf %sub3A_983, %max3A_984 : f32
        %mul3A_986 = arith.mulf %max3A_985, %max3A_985 : f32
        %mul3A_987 = arith.mulf %mul3A_986, %select_n3A_980 : f32
        %add3A_988 = arith.addf %add3A_950, %mul3A_987 : f32
        %add3A_989 = arith.addf %add3A_951, %select_n3A_980 : f32
        %sub3A_990 = arith.subf %mul3A_174, %mul3A_154 : f32
        %sub3A_991 = arith.subf %mul3A_179, %mul3A_159 : f32
        %sub3A_992 = arith.subf %mul3A_184, %mul3A_164 : f32
        %sub3A_993 = arith.subf %mul3A_189, %mul3A_169 : f32
        %abs3A_994 = math.absf %sub3A_990 : f32
        %add3A_995 = arith.constant 0.000000e+00 : f32
        %add3A_996 = arith.addf %add3A_995, %abs3A_994 : f32
        %abs3A_997 = math.absf %sub3A_991 : f32
        %add3A_998 = arith.addf %add3A_996, %abs3A_997 : f32
        %abs3A_999 = math.absf %sub3A_992 : f32
        %add3A_1000 = arith.addf %add3A_998, %abs3A_999 : f32
        %abs3A_1001 = math.absf %sub3A_993 : f32
        %add3A_1002 = arith.addf %add3A_1000, %abs3A_1001 : f32
        %mul3A_1003 = arith.mulf %sub3A_990, %sub3A_990 : f32
        %add3A_1004 = arith.constant 0.000000e+00 : f32
        %add3A_1005 = arith.addf %add3A_1004, %mul3A_1003 : f32
        %mul3A_1006 = arith.mulf %sub3A_991, %sub3A_991 : f32
        %add3A_1007 = arith.addf %add3A_1005, %mul3A_1006 : f32
        %mul3A_1008 = arith.mulf %sub3A_992, %sub3A_992 : f32
        %add3A_1009 = arith.addf %add3A_1007, %mul3A_1008 : f32
        %mul3A_1010 = arith.mulf %sub3A_993, %sub3A_993 : f32
        %add3A_1011 = arith.addf %add3A_1009, %mul3A_1010 : f32
        %ne3A_1012 = arith.constant 0.000000e+00 : f32
        %ne3A_1013 = arith.cmpf one, %add3A_1002, %ne3A_1012 : f32
        %and3A_1014 = arith.andi %ne3A_1013, %gt3A_70 : i1
        %and3A_1015 = arith.andi %and3A_1014, %gt3A_68 : i1
        %jit3A_1016 = arith.constant 1.000000e+00 : f32
        %jit3A_1017 = arith.constant 0.000000e+00 : f32
        %select_n3A_1018 = arith.select %and3A_1015, %jit3A_1016, %jit3A_1017 : f32
        %sqrt3A_1019 = math.sqrt %add3A_1011 : f32
        %sub3A_1020 = arith.constant 6.000000e+00 : f32
        %sub3A_1021 = arith.subf %sub3A_1020, %sqrt3A_1019 : f32
        %max3A_1022 = arith.constant 0.000000e+00 : f32
        %max3A_1023 = arith.maximumf %sub3A_1021, %max3A_1022 : f32
        %mul3A_1024 = arith.mulf %max3A_1023, %max3A_1023 : f32
        %mul3A_1025 = arith.mulf %mul3A_1024, %select_n3A_1018 : f32
        %add3A_1026 = arith.addf %add3A_988, %mul3A_1025 : f32
        %add3A_1027 = arith.addf %add3A_989, %select_n3A_1018 : f32
        %sub3A_1028 = arith.subf %mul3A_174, %mul3A_174 : f32
        %sub3A_1029 = arith.subf %mul3A_179, %mul3A_179 : f32
        %sub3A_1030 = arith.subf %mul3A_184, %mul3A_184 : f32
        %sub3A_1031 = arith.subf %mul3A_189, %mul3A_189 : f32
        %abs3A_1032 = math.absf %sub3A_1028 : f32
        %add3A_1033 = arith.constant 0.000000e+00 : f32
        %add3A_1034 = arith.addf %add3A_1033, %abs3A_1032 : f32
        %abs3A_1035 = math.absf %sub3A_1029 : f32
        %add3A_1036 = arith.addf %add3A_1034, %abs3A_1035 : f32
        %abs3A_1037 = math.absf %sub3A_1030 : f32
        %add3A_1038 = arith.addf %add3A_1036, %abs3A_1037 : f32
        %abs3A_1039 = math.absf %sub3A_1031 : f32
        %add3A_1040 = arith.addf %add3A_1038, %abs3A_1039 : f32
        %mul3A_1041 = arith.mulf %sub3A_1028, %sub3A_1028 : f32
        %add3A_1042 = arith.constant 0.000000e+00 : f32
        %add3A_1043 = arith.addf %add3A_1042, %mul3A_1041 : f32
        %mul3A_1044 = arith.mulf %sub3A_1029, %sub3A_1029 : f32
        %add3A_1045 = arith.addf %add3A_1043, %mul3A_1044 : f32
        %mul3A_1046 = arith.mulf %sub3A_1030, %sub3A_1030 : f32
        %add3A_1047 = arith.addf %add3A_1045, %mul3A_1046 : f32
        %mul3A_1048 = arith.mulf %sub3A_1031, %sub3A_1031 : f32
        %add3A_1049 = arith.addf %add3A_1047, %mul3A_1048 : f32
        %ne3A_1050 = arith.constant 0.000000e+00 : f32
        %ne3A_1051 = arith.cmpf one, %add3A_1040, %ne3A_1050 : f32
        %and3A_1052 = arith.andi %ne3A_1051, %gt3A_70 : i1
        %and3A_1053 = arith.andi %and3A_1052, %gt3A_70 : i1
        %jit3A_1054 = arith.constant 1.000000e+00 : f32
        %jit3A_1055 = arith.constant 0.000000e+00 : f32
        %select_n3A_1056 = arith.select %and3A_1053, %jit3A_1054, %jit3A_1055 : f32
        %sqrt3A_1057 = math.sqrt %add3A_1049 : f32
        %sub3A_1058 = arith.constant 6.000000e+00 : f32
        %sub3A_1059 = arith.subf %sub3A_1058, %sqrt3A_1057 : f32
        %max3A_1060 = arith.constant 0.000000e+00 : f32
        %max3A_1061 = arith.maximumf %sub3A_1059, %max3A_1060 : f32
        %mul3A_1062 = arith.mulf %max3A_1061, %max3A_1061 : f32
        %mul3A_1063 = arith.mulf %mul3A_1062, %select_n3A_1056 : f32
        %add3A_1064 = arith.addf %add3A_1026, %mul3A_1063 : f32
        %add3A_1065 = arith.addf %add3A_1027, %select_n3A_1056 : f32
        %sub3A_1066 = arith.subf %mul3A_174, %mul3A_194 : f32
        %sub3A_1067 = arith.subf %mul3A_179, %mul3A_199 : f32
        %sub3A_1068 = arith.subf %mul3A_184, %mul3A_204 : f32
        %sub3A_1069 = arith.subf %mul3A_189, %mul3A_209 : f32
        %abs3A_1070 = math.absf %sub3A_1066 : f32
        %add3A_1071 = arith.constant 0.000000e+00 : f32
        %add3A_1072 = arith.addf %add3A_1071, %abs3A_1070 : f32
        %abs3A_1073 = math.absf %sub3A_1067 : f32
        %add3A_1074 = arith.addf %add3A_1072, %abs3A_1073 : f32
        %abs3A_1075 = math.absf %sub3A_1068 : f32
        %add3A_1076 = arith.addf %add3A_1074, %abs3A_1075 : f32
        %abs3A_1077 = math.absf %sub3A_1069 : f32
        %add3A_1078 = arith.addf %add3A_1076, %abs3A_1077 : f32
        %mul3A_1079 = arith.mulf %sub3A_1066, %sub3A_1066 : f32
        %add3A_1080 = arith.constant 0.000000e+00 : f32
        %add3A_1081 = arith.addf %add3A_1080, %mul3A_1079 : f32
        %mul3A_1082 = arith.mulf %sub3A_1067, %sub3A_1067 : f32
        %add3A_1083 = arith.addf %add3A_1081, %mul3A_1082 : f32
        %mul3A_1084 = arith.mulf %sub3A_1068, %sub3A_1068 : f32
        %add3A_1085 = arith.addf %add3A_1083, %mul3A_1084 : f32
        %mul3A_1086 = arith.mulf %sub3A_1069, %sub3A_1069 : f32
        %add3A_1087 = arith.addf %add3A_1085, %mul3A_1086 : f32
        %ne3A_1088 = arith.constant 0.000000e+00 : f32
        %ne3A_1089 = arith.cmpf one, %add3A_1078, %ne3A_1088 : f32
        %and3A_1090 = arith.andi %ne3A_1089, %gt3A_70 : i1
        %and3A_1091 = arith.andi %and3A_1090, %gt3A_72 : i1
        %jit3A_1092 = arith.constant 1.000000e+00 : f32
        %jit3A_1093 = arith.constant 0.000000e+00 : f32
        %select_n3A_1094 = arith.select %and3A_1091, %jit3A_1092, %jit3A_1093 : f32
        %sqrt3A_1095 = math.sqrt %add3A_1087 : f32
        %sub3A_1096 = arith.constant 6.000000e+00 : f32
        %sub3A_1097 = arith.subf %sub3A_1096, %sqrt3A_1095 : f32
        %max3A_1098 = arith.constant 0.000000e+00 : f32
        %max3A_1099 = arith.maximumf %sub3A_1097, %max3A_1098 : f32
        %mul3A_1100 = arith.mulf %max3A_1099, %max3A_1099 : f32
        %mul3A_1101 = arith.mulf %mul3A_1100, %select_n3A_1094 : f32
        %add3A_1102 = arith.addf %add3A_1064, %mul3A_1101 : f32
        %add3A_1103 = arith.addf %add3A_1065, %select_n3A_1094 : f32
        %sub3A_1104 = arith.subf %mul3A_194, %mul3A : f32
        %sub3A_1105 = arith.subf %mul3A_199, %mul3A_119 : f32
        %sub3A_1106 = arith.subf %mul3A_204, %mul3A_124 : f32
        %sub3A_1107 = arith.subf %mul3A_209, %mul3A_129 : f32
        %abs3A_1108 = math.absf %sub3A_1104 : f32
        %add3A_1109 = arith.constant 0.000000e+00 : f32
        %add3A_1110 = arith.addf %add3A_1109, %abs3A_1108 : f32
        %abs3A_1111 = math.absf %sub3A_1105 : f32
        %add3A_1112 = arith.addf %add3A_1110, %abs3A_1111 : f32
        %abs3A_1113 = math.absf %sub3A_1106 : f32
        %add3A_1114 = arith.addf %add3A_1112, %abs3A_1113 : f32
        %abs3A_1115 = math.absf %sub3A_1107 : f32
        %add3A_1116 = arith.addf %add3A_1114, %abs3A_1115 : f32
        %mul3A_1117 = arith.mulf %sub3A_1104, %sub3A_1104 : f32
        %add3A_1118 = arith.constant 0.000000e+00 : f32
        %add3A_1119 = arith.addf %add3A_1118, %mul3A_1117 : f32
        %mul3A_1120 = arith.mulf %sub3A_1105, %sub3A_1105 : f32
        %add3A_1121 = arith.addf %add3A_1119, %mul3A_1120 : f32
        %mul3A_1122 = arith.mulf %sub3A_1106, %sub3A_1106 : f32
        %add3A_1123 = arith.addf %add3A_1121, %mul3A_1122 : f32
        %mul3A_1124 = arith.mulf %sub3A_1107, %sub3A_1107 : f32
        %add3A_1125 = arith.addf %add3A_1123, %mul3A_1124 : f32
        %ne3A_1126 = arith.constant 0.000000e+00 : f32
        %ne3A_1127 = arith.cmpf one, %add3A_1116, %ne3A_1126 : f32
        %and3A_1128 = arith.andi %ne3A_1127, %gt3A_72 : i1
        %and3A_1129 = arith.andi %and3A_1128, %gt3A_64 : i1
        %jit3A_1130 = arith.constant 1.000000e+00 : f32
        %jit3A_1131 = arith.constant 0.000000e+00 : f32
        %select_n3A_1132 = arith.select %and3A_1129, %jit3A_1130, %jit3A_1131 : f32
        %sqrt3A_1133 = math.sqrt %add3A_1125 : f32
        %sub3A_1134 = arith.constant 6.000000e+00 : f32
        %sub3A_1135 = arith.subf %sub3A_1134, %sqrt3A_1133 : f32
        %max3A_1136 = arith.constant 0.000000e+00 : f32
        %max3A_1137 = arith.maximumf %sub3A_1135, %max3A_1136 : f32
        %mul3A_1138 = arith.mulf %max3A_1137, %max3A_1137 : f32
        %mul3A_1139 = arith.mulf %mul3A_1138, %select_n3A_1132 : f32
        %add3A_1140 = arith.addf %add3A_1102, %mul3A_1139 : f32
        %add3A_1141 = arith.addf %add3A_1103, %select_n3A_1132 : f32
        %sub3A_1142 = arith.subf %mul3A_194, %mul3A_134 : f32
        %sub3A_1143 = arith.subf %mul3A_199, %mul3A_139 : f32
        %sub3A_1144 = arith.subf %mul3A_204, %mul3A_144 : f32
        %sub3A_1145 = arith.subf %mul3A_209, %mul3A_149 : f32
        %abs3A_1146 = math.absf %sub3A_1142 : f32
        %add3A_1147 = arith.constant 0.000000e+00 : f32
        %add3A_1148 = arith.addf %add3A_1147, %abs3A_1146 : f32
        %abs3A_1149 = math.absf %sub3A_1143 : f32
        %add3A_1150 = arith.addf %add3A_1148, %abs3A_1149 : f32
        %abs3A_1151 = math.absf %sub3A_1144 : f32
        %add3A_1152 = arith.addf %add3A_1150, %abs3A_1151 : f32
        %abs3A_1153 = math.absf %sub3A_1145 : f32
        %add3A_1154 = arith.addf %add3A_1152, %abs3A_1153 : f32
        %mul3A_1155 = arith.mulf %sub3A_1142, %sub3A_1142 : f32
        %add3A_1156 = arith.constant 0.000000e+00 : f32
        %add3A_1157 = arith.addf %add3A_1156, %mul3A_1155 : f32
        %mul3A_1158 = arith.mulf %sub3A_1143, %sub3A_1143 : f32
        %add3A_1159 = arith.addf %add3A_1157, %mul3A_1158 : f32
        %mul3A_1160 = arith.mulf %sub3A_1144, %sub3A_1144 : f32
        %add3A_1161 = arith.addf %add3A_1159, %mul3A_1160 : f32
        %mul3A_1162 = arith.mulf %sub3A_1145, %sub3A_1145 : f32
        %add3A_1163 = arith.addf %add3A_1161, %mul3A_1162 : f32
        %ne3A_1164 = arith.constant 0.000000e+00 : f32
        %ne3A_1165 = arith.cmpf one, %add3A_1154, %ne3A_1164 : f32
        %and3A_1166 = arith.andi %ne3A_1165, %gt3A_72 : i1
        %and3A_1167 = arith.andi %and3A_1166, %gt3A_66 : i1
        %jit3A_1168 = arith.constant 1.000000e+00 : f32
        %jit3A_1169 = arith.constant 0.000000e+00 : f32
        %select_n3A_1170 = arith.select %and3A_1167, %jit3A_1168, %jit3A_1169 : f32
        %sqrt3A_1171 = math.sqrt %add3A_1163 : f32
        %sub3A_1172 = arith.constant 6.000000e+00 : f32
        %sub3A_1173 = arith.subf %sub3A_1172, %sqrt3A_1171 : f32
        %max3A_1174 = arith.constant 0.000000e+00 : f32
        %max3A_1175 = arith.maximumf %sub3A_1173, %max3A_1174 : f32
        %mul3A_1176 = arith.mulf %max3A_1175, %max3A_1175 : f32
        %mul3A_1177 = arith.mulf %mul3A_1176, %select_n3A_1170 : f32
        %add3A_1178 = arith.addf %add3A_1140, %mul3A_1177 : f32
        %add3A_1179 = arith.addf %add3A_1141, %select_n3A_1170 : f32
        %sub3A_1180 = arith.subf %mul3A_194, %mul3A_154 : f32
        %sub3A_1181 = arith.subf %mul3A_199, %mul3A_159 : f32
        %sub3A_1182 = arith.subf %mul3A_204, %mul3A_164 : f32
        %sub3A_1183 = arith.subf %mul3A_209, %mul3A_169 : f32
        %abs3A_1184 = math.absf %sub3A_1180 : f32
        %add3A_1185 = arith.constant 0.000000e+00 : f32
        %add3A_1186 = arith.addf %add3A_1185, %abs3A_1184 : f32
        %abs3A_1187 = math.absf %sub3A_1181 : f32
        %add3A_1188 = arith.addf %add3A_1186, %abs3A_1187 : f32
        %abs3A_1189 = math.absf %sub3A_1182 : f32
        %add3A_1190 = arith.addf %add3A_1188, %abs3A_1189 : f32
        %abs3A_1191 = math.absf %sub3A_1183 : f32
        %add3A_1192 = arith.addf %add3A_1190, %abs3A_1191 : f32
        %mul3A_1193 = arith.mulf %sub3A_1180, %sub3A_1180 : f32
        %add3A_1194 = arith.constant 0.000000e+00 : f32
        %add3A_1195 = arith.addf %add3A_1194, %mul3A_1193 : f32
        %mul3A_1196 = arith.mulf %sub3A_1181, %sub3A_1181 : f32
        %add3A_1197 = arith.addf %add3A_1195, %mul3A_1196 : f32
        %mul3A_1198 = arith.mulf %sub3A_1182, %sub3A_1182 : f32
        %add3A_1199 = arith.addf %add3A_1197, %mul3A_1198 : f32
        %mul3A_1200 = arith.mulf %sub3A_1183, %sub3A_1183 : f32
        %add3A_1201 = arith.addf %add3A_1199, %mul3A_1200 : f32
        %ne3A_1202 = arith.constant 0.000000e+00 : f32
        %ne3A_1203 = arith.cmpf one, %add3A_1192, %ne3A_1202 : f32
        %and3A_1204 = arith.andi %ne3A_1203, %gt3A_72 : i1
        %and3A_1205 = arith.andi %and3A_1204, %gt3A_68 : i1
        %jit3A_1206 = arith.constant 1.000000e+00 : f32
        %jit3A_1207 = arith.constant 0.000000e+00 : f32
        %select_n3A_1208 = arith.select %and3A_1205, %jit3A_1206, %jit3A_1207 : f32
        %sqrt3A_1209 = math.sqrt %add3A_1201 : f32
        %sub3A_1210 = arith.constant 6.000000e+00 : f32
        %sub3A_1211 = arith.subf %sub3A_1210, %sqrt3A_1209 : f32
        %max3A_1212 = arith.constant 0.000000e+00 : f32
        %max3A_1213 = arith.maximumf %sub3A_1211, %max3A_1212 : f32
        %mul3A_1214 = arith.mulf %max3A_1213, %max3A_1213 : f32
        %mul3A_1215 = arith.mulf %mul3A_1214, %select_n3A_1208 : f32
        %add3A_1216 = arith.addf %add3A_1178, %mul3A_1215 : f32
        %add3A_1217 = arith.addf %add3A_1179, %select_n3A_1208 : f32
        %sub3A_1218 = arith.subf %mul3A_194, %mul3A_174 : f32
        %sub3A_1219 = arith.subf %mul3A_199, %mul3A_179 : f32
        %sub3A_1220 = arith.subf %mul3A_204, %mul3A_184 : f32
        %sub3A_1221 = arith.subf %mul3A_209, %mul3A_189 : f32
        %abs3A_1222 = math.absf %sub3A_1218 : f32
        %add3A_1223 = arith.constant 0.000000e+00 : f32
        %add3A_1224 = arith.addf %add3A_1223, %abs3A_1222 : f32
        %abs3A_1225 = math.absf %sub3A_1219 : f32
        %add3A_1226 = arith.addf %add3A_1224, %abs3A_1225 : f32
        %abs3A_1227 = math.absf %sub3A_1220 : f32
        %add3A_1228 = arith.addf %add3A_1226, %abs3A_1227 : f32
        %abs3A_1229 = math.absf %sub3A_1221 : f32
        %add3A_1230 = arith.addf %add3A_1228, %abs3A_1229 : f32
        %mul3A_1231 = arith.mulf %sub3A_1218, %sub3A_1218 : f32
        %add3A_1232 = arith.constant 0.000000e+00 : f32
        %add3A_1233 = arith.addf %add3A_1232, %mul3A_1231 : f32
        %mul3A_1234 = arith.mulf %sub3A_1219, %sub3A_1219 : f32
        %add3A_1235 = arith.addf %add3A_1233, %mul3A_1234 : f32
        %mul3A_1236 = arith.mulf %sub3A_1220, %sub3A_1220 : f32
        %add3A_1237 = arith.addf %add3A_1235, %mul3A_1236 : f32
        %mul3A_1238 = arith.mulf %sub3A_1221, %sub3A_1221 : f32
        %add3A_1239 = arith.addf %add3A_1237, %mul3A_1238 : f32
        %ne3A_1240 = arith.constant 0.000000e+00 : f32
        %ne3A_1241 = arith.cmpf one, %add3A_1230, %ne3A_1240 : f32
        %and3A_1242 = arith.andi %ne3A_1241, %gt3A_72 : i1
        %and3A_1243 = arith.andi %and3A_1242, %gt3A_70 : i1
        %jit3A_1244 = arith.constant 1.000000e+00 : f32
        %jit3A_1245 = arith.constant 0.000000e+00 : f32
        %select_n3A_1246 = arith.select %and3A_1243, %jit3A_1244, %jit3A_1245 : f32
        %sqrt3A_1247 = math.sqrt %add3A_1239 : f32
        %sub3A_1248 = arith.constant 6.000000e+00 : f32
        %sub3A_1249 = arith.subf %sub3A_1248, %sqrt3A_1247 : f32
        %max3A_1250 = arith.constant 0.000000e+00 : f32
        %max3A_1251 = arith.maximumf %sub3A_1249, %max3A_1250 : f32
        %mul3A_1252 = arith.mulf %max3A_1251, %max3A_1251 : f32
        %mul3A_1253 = arith.mulf %mul3A_1252, %select_n3A_1246 : f32
        %add3A_1254 = arith.addf %add3A_1216, %mul3A_1253 : f32
        %add3A_1255 = arith.addf %add3A_1217, %select_n3A_1246 : f32
        %sub3A_1256 = arith.subf %mul3A_194, %mul3A_194 : f32
        %sub3A_1257 = arith.subf %mul3A_199, %mul3A_199 : f32
        %sub3A_1258 = arith.subf %mul3A_204, %mul3A_204 : f32
        %sub3A_1259 = arith.subf %mul3A_209, %mul3A_209 : f32
        %abs3A_1260 = math.absf %sub3A_1256 : f32
        %add3A_1261 = arith.constant 0.000000e+00 : f32
        %add3A_1262 = arith.addf %add3A_1261, %abs3A_1260 : f32
        %abs3A_1263 = math.absf %sub3A_1257 : f32
        %add3A_1264 = arith.addf %add3A_1262, %abs3A_1263 : f32
        %abs3A_1265 = math.absf %sub3A_1258 : f32
        %add3A_1266 = arith.addf %add3A_1264, %abs3A_1265 : f32
        %abs3A_1267 = math.absf %sub3A_1259 : f32
        %add3A_1268 = arith.addf %add3A_1266, %abs3A_1267 : f32
        %mul3A_1269 = arith.mulf %sub3A_1256, %sub3A_1256 : f32
        %add3A_1270 = arith.constant 0.000000e+00 : f32
        %add3A_1271 = arith.addf %add3A_1270, %mul3A_1269 : f32
        %mul3A_1272 = arith.mulf %sub3A_1257, %sub3A_1257 : f32
        %add3A_1273 = arith.addf %add3A_1271, %mul3A_1272 : f32
        %mul3A_1274 = arith.mulf %sub3A_1258, %sub3A_1258 : f32
        %add3A_1275 = arith.addf %add3A_1273, %mul3A_1274 : f32
        %mul3A_1276 = arith.mulf %sub3A_1259, %sub3A_1259 : f32
        %add3A_1277 = arith.addf %add3A_1275, %mul3A_1276 : f32
        %ne3A_1278 = arith.constant 0.000000e+00 : f32
        %ne3A_1279 = arith.cmpf one, %add3A_1268, %ne3A_1278 : f32
        %and3A_1280 = arith.andi %ne3A_1279, %gt3A_72 : i1
        %and3A_1281 = arith.andi %and3A_1280, %gt3A_72 : i1
        %jit3A_1282 = arith.constant 1.000000e+00 : f32
        %jit3A_1283 = arith.constant 0.000000e+00 : f32
        %select_n3A_1284 = arith.select %and3A_1281, %jit3A_1282, %jit3A_1283 : f32
        %sqrt3A_1285 = math.sqrt %add3A_1277 : f32
        %sub3A_1286 = arith.constant 6.000000e+00 : f32
        %sub3A_1287 = arith.subf %sub3A_1286, %sqrt3A_1285 : f32
        %max3A_1288 = arith.constant 0.000000e+00 : f32
        %max3A_1289 = arith.maximumf %sub3A_1287, %max3A_1288 : f32
        %mul3A_1290 = arith.mulf %max3A_1289, %max3A_1289 : f32
        %mul3A_1291 = arith.mulf %mul3A_1290, %select_n3A_1284 : f32
        %add3A_1292 = arith.addf %add3A_1254, %mul3A_1291 : f32
        %add3A_1293 = arith.addf %add3A_1255, %select_n3A_1284 : f32
        %mul3A_1294 = arith.mulf %mul3A, %mul3A : f32
        %add3A_1295 = arith.constant 0.000000e+00 : f32
        %add3A_1296 = arith.addf %add3A_1295, %mul3A_1294 : f32
        %mul3A_1297 = arith.mulf %mul3A_119, %mul3A_119 : f32
        %add3A_1298 = arith.addf %add3A_1296, %mul3A_1297 : f32
        %mul3A_1299 = arith.mulf %mul3A_124, %mul3A_124 : f32
        %add3A_1300 = arith.addf %add3A_1298, %mul3A_1299 : f32
        %mul3A_1301 = arith.mulf %mul3A_129, %mul3A_129 : f32
        %add3A_1302 = arith.addf %add3A_1300, %mul3A_1301 : f32
        %sqrt3A_1303 = math.sqrt %add3A_1302 : f32
        %jit3A_1304 = arith.constant 0.000000e+00 : f32
        %select_n3A_1305 = arith.select %gt3A_64, %sqrt3A_1303, %jit3A_1304 : f32
        %add3A_1306 = arith.constant 0.000000e+00 : f32
        %add3A_1307 = arith.addf %add3A_1306, %select_n3A_1305 : f32
        %mul3A_1308 = arith.mulf %mul3A_134, %mul3A_134 : f32
        %add3A_1309 = arith.constant 0.000000e+00 : f32
        %add3A_1310 = arith.addf %add3A_1309, %mul3A_1308 : f32
        %mul3A_1311 = arith.mulf %mul3A_139, %mul3A_139 : f32
        %add3A_1312 = arith.addf %add3A_1310, %mul3A_1311 : f32
        %mul3A_1313 = arith.mulf %mul3A_144, %mul3A_144 : f32
        %add3A_1314 = arith.addf %add3A_1312, %mul3A_1313 : f32
        %mul3A_1315 = arith.mulf %mul3A_149, %mul3A_149 : f32
        %add3A_1316 = arith.addf %add3A_1314, %mul3A_1315 : f32
        %sqrt3A_1317 = math.sqrt %add3A_1316 : f32
        %jit3A_1318 = arith.constant 0.000000e+00 : f32
        %select_n3A_1319 = arith.select %gt3A_66, %sqrt3A_1317, %jit3A_1318 : f32
        %add3A_1320 = arith.addf %add3A_1307, %select_n3A_1319 : f32
        %mul3A_1321 = arith.mulf %mul3A_154, %mul3A_154 : f32
        %add3A_1322 = arith.constant 0.000000e+00 : f32
        %add3A_1323 = arith.addf %add3A_1322, %mul3A_1321 : f32
        %mul3A_1324 = arith.mulf %mul3A_159, %mul3A_159 : f32
        %add3A_1325 = arith.addf %add3A_1323, %mul3A_1324 : f32
        %mul3A_1326 = arith.mulf %mul3A_164, %mul3A_164 : f32
        %add3A_1327 = arith.addf %add3A_1325, %mul3A_1326 : f32
        %mul3A_1328 = arith.mulf %mul3A_169, %mul3A_169 : f32
        %add3A_1329 = arith.addf %add3A_1327, %mul3A_1328 : f32
        %sqrt3A_1330 = math.sqrt %add3A_1329 : f32
        %jit3A_1331 = arith.constant 0.000000e+00 : f32
        %select_n3A_1332 = arith.select %gt3A_68, %sqrt3A_1330, %jit3A_1331 : f32
        %add3A_1333 = arith.addf %add3A_1320, %select_n3A_1332 : f32
        %mul3A_1334 = arith.mulf %mul3A_174, %mul3A_174 : f32
        %add3A_1335 = arith.constant 0.000000e+00 : f32
        %add3A_1336 = arith.addf %add3A_1335, %mul3A_1334 : f32
        %mul3A_1337 = arith.mulf %mul3A_179, %mul3A_179 : f32
        %add3A_1338 = arith.addf %add3A_1336, %mul3A_1337 : f32
        %mul3A_1339 = arith.mulf %mul3A_184, %mul3A_184 : f32
        %add3A_1340 = arith.addf %add3A_1338, %mul3A_1339 : f32
        %mul3A_1341 = arith.mulf %mul3A_189, %mul3A_189 : f32
        %add3A_1342 = arith.addf %add3A_1340, %mul3A_1341 : f32
        %sqrt3A_1343 = math.sqrt %add3A_1342 : f32
        %jit3A_1344 = arith.constant 0.000000e+00 : f32
        %select_n3A_1345 = arith.select %gt3A_70, %sqrt3A_1343, %jit3A_1344 : f32
        %add3A_1346 = arith.addf %add3A_1333, %select_n3A_1345 : f32
        %mul3A_1347 = arith.mulf %mul3A_194, %mul3A_194 : f32
        %add3A_1348 = arith.constant 0.000000e+00 : f32
        %add3A_1349 = arith.addf %add3A_1348, %mul3A_1347 : f32
        %mul3A_1350 = arith.mulf %mul3A_199, %mul3A_199 : f32
        %add3A_1351 = arith.addf %add3A_1349, %mul3A_1350 : f32
        %mul3A_1352 = arith.mulf %mul3A_204, %mul3A_204 : f32
        %add3A_1353 = arith.addf %add3A_1351, %mul3A_1352 : f32
        %mul3A_1354 = arith.mulf %mul3A_209, %mul3A_209 : f32
        %add3A_1355 = arith.addf %add3A_1353, %mul3A_1354 : f32
        %sqrt3A_1356 = math.sqrt %add3A_1355 : f32
        %jit3A_1357 = arith.constant 0.000000e+00 : f32
        %select_n3A_1358 = arith.select %gt3A_72, %sqrt3A_1356, %jit3A_1357 : f32
        %add3A_1359 = arith.addf %add3A_1346, %select_n3A_1358 : f32
        %get3A_1360 = arith.constant 1 : index
        %get3A_1361 = memref.load %arg7[%get3A_1360] : memref<4xf32, #tpu.memory_space<smem>>
        %div3A_1362 = arith.divf %add3A_1292, %add3A_1293 : f32
        %add3A_1363 = arith.addf %get3A_1361, %div3A_1362 : f32
        %swap3A_1364 = arith.constant 1 : index
        %swap3A_1365 = memref.load %arg7[%swap3A_1364] : memref<4xf32, #tpu.memory_space<smem>>
        memref.store %add3A_1363, %arg7[%swap3A_1364] : memref<4xf32, #tpu.memory_space<smem>>
        %get3A_1366 = arith.constant 2 : index
        %get3A_1367 = memref.load %arg7[%get3A_1366] : memref<4xf32, #tpu.memory_space<smem>>
        %div3A_1368 = arith.divf %add3A_1359, %add3A_110 : f32
        %add3A_1369 = arith.addf %get3A_1367, %div3A_1368 : f32
        %swap3A_1370 = arith.constant 2 : index
        %swap3A_1371 = memref.load %arg7[%swap3A_1370] : memref<4xf32, #tpu.memory_space<smem>>
        memref.store %add3A_1369, %arg7[%swap3A_1370] : memref<4xf32, #tpu.memory_space<smem>>
      } else {
      }
      %eq3A_215 = arith.constant 0 : i32
      %eq3A_216 = vector.broadcast %eq3A_215 : i32 to vector<128x512xi32>
      %eq3A_217 = arith.cmpi eq, %get3A_10, %eq3A_216 : vector<128x512xi32>
      %eq3A_218 = arith.constant 1 : i32
      %eq3A_219 = vector.broadcast %eq3A_218 : i32 to vector<128x512xi32>
      %eq3A_220 = arith.cmpi eq, %get3A_10, %eq3A_219 : vector<128x512xi32>
      %eq3A_221 = arith.constant 2 : i32
      %eq3A_222 = vector.broadcast %eq3A_221 : i32 to vector<128x512xi32>
      %eq3A_223 = arith.cmpi eq, %get3A_10, %eq3A_222 : vector<128x512xi32>
      %eq3A_224 = arith.constant 3 : i32
      %eq3A_225 = vector.broadcast %eq3A_224 : i32 to vector<128x512xi32>
      %eq3A_226 = arith.cmpi eq, %get3A_10, %eq3A_225 : vector<128x512xi32>
      %eq3A_227 = arith.constant 4 : i32
      %eq3A_228 = vector.broadcast %eq3A_227 : i32 to vector<128x512xi32>
      %eq3A_229 = arith.cmpi eq, %get3A_10, %eq3A_228 : vector<128x512xi32>
      %broadcast_in_dim3A_230 = arith.constant 0.000000e+00 : f32
      %broadcast_in_dim3A_231 = vector.broadcast %broadcast_in_dim3A_230 : f32 to vector<128x512xf32>
      %broadcast_in_dim3A_232 = arith.constant 0.000000e+00 : f32
      %broadcast_in_dim3A_233 = vector.broadcast %broadcast_in_dim3A_232 : f32 to vector<128x512xf32>
      %broadcast_in_dim3A_234 = arith.constant 0.000000e+00 : f32
      %broadcast_in_dim3A_235 = vector.broadcast %broadcast_in_dim3A_234 : f32 to vector<128x512xf32>
      %broadcast_in_dim3A_236 = vector.broadcast %mul3A : f32 to vector<128x512xf32>
      %select_n3A_237 = arith.select %eq3A_217, %broadcast_in_dim3A_236, %broadcast_in_dim3A_235 : vector<128x512xi1>, vector<128x512xf32>
      %broadcast_in_dim3A_238 = vector.broadcast %mul3A_134 : f32 to vector<128x512xf32>
      %select_n3A_239 = arith.select %eq3A_220, %broadcast_in_dim3A_238, %select_n3A_237 : vector<128x512xi1>, vector<128x512xf32>
      %broadcast_in_dim3A_240 = vector.broadcast %mul3A_154 : f32 to vector<128x512xf32>
      %select_n3A_241 = arith.select %eq3A_223, %broadcast_in_dim3A_240, %select_n3A_239 : vector<128x512xi1>, vector<128x512xf32>
      %broadcast_in_dim3A_242 = vector.broadcast %mul3A_174 : f32 to vector<128x512xf32>
      %select_n3A_243 = arith.select %eq3A_226, %broadcast_in_dim3A_242, %select_n3A_241 : vector<128x512xi1>, vector<128x512xf32>
      %broadcast_in_dim3A_244 = vector.broadcast %mul3A_194 : f32 to vector<128x512xf32>
      %select_n3A_245 = arith.select %eq3A_229, %broadcast_in_dim3A_244, %select_n3A_243 : vector<128x512xi1>, vector<128x512xf32>
      %get3A_246 = arith.constant 0 : index
      %get3A_247 = arith.constant 0 : index
      %get3A_248 = arith.constant 0 : index
      %get3A_249 = arith.constant 0 : index
      %get3A_250 = vector.load %arg3[%get3A_246, %get3A_247, %get3A_248, %get3A_249] : memref<1x4x128x512xf32, #tpu.memory_space<vmem>>, vector<1x1x128x512xf32>
      %get3A_251 = vector.shape_cast %get3A_250 : vector<1x1x128x512xf32> to vector<128x512xf32>
      %sub3A = arith.subf %get3A_251, %select_n3A_245 : vector<128x512xf32>
      %mul3A_252 = arith.mulf %sub3A, %sub3A : vector<128x512xf32>
      %add3A_253 = arith.addf %broadcast_in_dim3A_231, %mul3A_252 : vector<128x512xf32>
      %broadcast_in_dim3A_254 = arith.constant 0.000000e+00 : f32
      %broadcast_in_dim3A_255 = vector.broadcast %broadcast_in_dim3A_254 : f32 to vector<128x512xf32>
      %broadcast_in_dim3A_256 = vector.broadcast %mul3A_119 : f32 to vector<128x512xf32>
      %select_n3A_257 = arith.select %eq3A_217, %broadcast_in_dim3A_256, %broadcast_in_dim3A_255 : vector<128x512xi1>, vector<128x512xf32>
      %broadcast_in_dim3A_258 = vector.broadcast %mul3A_139 : f32 to vector<128x512xf32>
      %select_n3A_259 = arith.select %eq3A_220, %broadcast_in_dim3A_258, %select_n3A_257 : vector<128x512xi1>, vector<128x512xf32>
      %broadcast_in_dim3A_260 = vector.broadcast %mul3A_159 : f32 to vector<128x512xf32>
      %select_n3A_261 = arith.select %eq3A_223, %broadcast_in_dim3A_260, %select_n3A_259 : vector<128x512xi1>, vector<128x512xf32>
      %broadcast_in_dim3A_262 = vector.broadcast %mul3A_179 : f32 to vector<128x512xf32>
      %select_n3A_263 = arith.select %eq3A_226, %broadcast_in_dim3A_262, %select_n3A_261 : vector<128x512xi1>, vector<128x512xf32>
      %broadcast_in_dim3A_264 = vector.broadcast %mul3A_199 : f32 to vector<128x512xf32>
      %select_n3A_265 = arith.select %eq3A_229, %broadcast_in_dim3A_264, %select_n3A_263 : vector<128x512xi1>, vector<128x512xf32>
      %get3A_266 = arith.constant 0 : index
      %get3A_267 = arith.constant 1 : index
      %get3A_268 = arith.constant 0 : index
      %get3A_269 = arith.constant 0 : index
      %get3A_270 = vector.load %arg3[%get3A_266, %get3A_267, %get3A_268, %get3A_269] : memref<1x4x128x512xf32, #tpu.memory_space<vmem>>, vector<1x1x128x512xf32>
      %get3A_271 = vector.shape_cast %get3A_270 : vector<1x1x128x512xf32> to vector<128x512xf32>
      %sub3A_272 = arith.subf %get3A_271, %select_n3A_265 : vector<128x512xf32>
      %mul3A_273 = arith.mulf %sub3A_272, %sub3A_272 : vector<128x512xf32>
      %add3A_274 = arith.addf %add3A_253, %mul3A_273 : vector<128x512xf32>
      %broadcast_in_dim3A_275 = arith.constant 0.000000e+00 : f32
      %broadcast_in_dim3A_276 = vector.broadcast %broadcast_in_dim3A_275 : f32 to vector<128x512xf32>
      %broadcast_in_dim3A_277 = vector.broadcast %mul3A_124 : f32 to vector<128x512xf32>
      %select_n3A_278 = arith.select %eq3A_217, %broadcast_in_dim3A_277, %broadcast_in_dim3A_276 : vector<128x512xi1>, vector<128x512xf32>
      %broadcast_in_dim3A_279 = vector.broadcast %mul3A_144 : f32 to vector<128x512xf32>
      %select_n3A_280 = arith.select %eq3A_220, %broadcast_in_dim3A_279, %select_n3A_278 : vector<128x512xi1>, vector<128x512xf32>
      %broadcast_in_dim3A_281 = vector.broadcast %mul3A_164 : f32 to vector<128x512xf32>
      %select_n3A_282 = arith.select %eq3A_223, %broadcast_in_dim3A_281, %select_n3A_280 : vector<128x512xi1>, vector<128x512xf32>
      %broadcast_in_dim3A_283 = vector.broadcast %mul3A_184 : f32 to vector<128x512xf32>
      %select_n3A_284 = arith.select %eq3A_226, %broadcast_in_dim3A_283, %select_n3A_282 : vector<128x512xi1>, vector<128x512xf32>
      %broadcast_in_dim3A_285 = vector.broadcast %mul3A_204 : f32 to vector<128x512xf32>
      %select_n3A_286 = arith.select %eq3A_229, %broadcast_in_dim3A_285, %select_n3A_284 : vector<128x512xi1>, vector<128x512xf32>
      %get3A_287 = arith.constant 0 : index
      %get3A_288 = arith.constant 2 : index
      %get3A_289 = arith.constant 0 : index
      %get3A_290 = arith.constant 0 : index
      %get3A_291 = vector.load %arg3[%get3A_287, %get3A_288, %get3A_289, %get3A_290] : memref<1x4x128x512xf32, #tpu.memory_space<vmem>>, vector<1x1x128x512xf32>
      %get3A_292 = vector.shape_cast %get3A_291 : vector<1x1x128x512xf32> to vector<128x512xf32>
      %sub3A_293 = arith.subf %get3A_292, %select_n3A_286 : vector<128x512xf32>
      %mul3A_294 = arith.mulf %sub3A_293, %sub3A_293 : vector<128x512xf32>
      %add3A_295 = arith.addf %add3A_274, %mul3A_294 : vector<128x512xf32>
      %broadcast_in_dim3A_296 = arith.constant 0.000000e+00 : f32
      %broadcast_in_dim3A_297 = vector.broadcast %broadcast_in_dim3A_296 : f32 to vector<128x512xf32>
      %broadcast_in_dim3A_298 = vector.broadcast %mul3A_129 : f32 to vector<128x512xf32>
      %select_n3A_299 = arith.select %eq3A_217, %broadcast_in_dim3A_298, %broadcast_in_dim3A_297 : vector<128x512xi1>, vector<128x512xf32>
      %broadcast_in_dim3A_300 = vector.broadcast %mul3A_149 : f32 to vector<128x512xf32>
      %select_n3A_301 = arith.select %eq3A_220, %broadcast_in_dim3A_300, %select_n3A_299 : vector<128x512xi1>, vector<128x512xf32>
      %broadcast_in_dim3A_302 = vector.broadcast %mul3A_169 : f32 to vector<128x512xf32>
      %select_n3A_303 = arith.select %eq3A_223, %broadcast_in_dim3A_302, %select_n3A_301 : vector<128x512xi1>, vector<128x512xf32>
      %broadcast_in_dim3A_304 = vector.broadcast %mul3A_189 : f32 to vector<128x512xf32>
      %select_n3A_305 = arith.select %eq3A_226, %broadcast_in_dim3A_304, %select_n3A_303 : vector<128x512xi1>, vector<128x512xf32>
      %broadcast_in_dim3A_306 = vector.broadcast %mul3A_209 : f32 to vector<128x512xf32>
      %select_n3A_307 = arith.select %eq3A_229, %broadcast_in_dim3A_306, %select_n3A_305 : vector<128x512xi1>, vector<128x512xf32>
      %get3A_308 = arith.constant 0 : index
      %get3A_309 = arith.constant 3 : index
      %get3A_310 = arith.constant 0 : index
      %get3A_311 = arith.constant 0 : index
      %get3A_312 = vector.load %arg3[%get3A_308, %get3A_309, %get3A_310, %get3A_311] : memref<1x4x128x512xf32, #tpu.memory_space<vmem>>, vector<1x1x128x512xf32>
      %get3A_313 = vector.shape_cast %get3A_312 : vector<1x1x128x512xf32> to vector<128x512xf32>
      %sub3A_314 = arith.subf %get3A_313, %select_n3A_307 : vector<128x512xf32>
      %mul3A_315 = arith.mulf %sub3A_314, %sub3A_314 : vector<128x512xf32>
      %add3A_316 = arith.addf %add3A_295, %mul3A_315 : vector<128x512xf32>
      %broadcast_in_dim3A_317 = vector.broadcast %div3A_82 : f32 to vector<128x512xf32>
      %select_n3A_318 = arith.select %eq3A_217, %broadcast_in_dim3A_317, %broadcast_in_dim3A_233 : vector<128x512xi1>, vector<128x512xf32>
      %broadcast_in_dim3A_319 = vector.broadcast %div3A_84 : f32 to vector<128x512xf32>
      %select_n3A_320 = arith.select %eq3A_220, %broadcast_in_dim3A_319, %select_n3A_318 : vector<128x512xi1>, vector<128x512xf32>
      %broadcast_in_dim3A_321 = vector.broadcast %div3A_86 : f32 to vector<128x512xf32>
      %select_n3A_322 = arith.select %eq3A_223, %broadcast_in_dim3A_321, %select_n3A_320 : vector<128x512xi1>, vector<128x512xf32>
      %broadcast_in_dim3A_323 = vector.broadcast %div3A_88 : f32 to vector<128x512xf32>
      %select_n3A_324 = arith.select %eq3A_226, %broadcast_in_dim3A_323, %select_n3A_322 : vector<128x512xi1>, vector<128x512xf32>
      %broadcast_in_dim3A_325 = vector.broadcast %div3A_90 : f32 to vector<128x512xf32>
      %select_n3A_326 = arith.select %eq3A_229, %broadcast_in_dim3A_325, %select_n3A_324 : vector<128x512xi1>, vector<128x512xf32>
      %sqrt3A = math.sqrt %add3A_316 : vector<128x512xf32>
      %sub3A_327 = arith.constant 5.000000e-01 : f32
      %sub3A_328 = vector.broadcast %sub3A_327 : f32 to vector<128x512xf32>
      %sub3A_329 = arith.subf %sqrt3A, %sub3A_328 : vector<128x512xf32>
      %max3A = arith.constant 0.000000e+00 : f32
      %max3A_330 = vector.broadcast %max3A : f32 to vector<128x512xf32>
      %max3A_331 = arith.maximumf %sub3A_329, %max3A_330 : vector<128x512xf32>
      %get3A_332 = arith.constant 0 : index
      %get3A_333 = memref.load %arg7[%get3A_332] : memref<4xf32, #tpu.memory_space<smem>>
      %mul3A_334 = arith.mulf %max3A_331, %max3A_331 : vector<128x512xf32>
      %mul3A_335 = arith.mulf %mul3A_334, %select_n3A_326 : vector<128x512xf32>
      %reduce_sum3A = vector.shape_cast %mul3A_335 : vector<128x512xf32> to vector<1x128x512xf32>
      %reduce_sum3A_336 = arith.constant dense<0.000000e+00> : vector<1xf32>
      %reduce_sum3A_337 = vector.multi_reduction <add>, %reduce_sum3A, %reduce_sum3A_336 [1, 2] : vector<1x128x512xf32> to vector<1xf32>
      %reduce_sum3A_338 = vector.shape_cast %reduce_sum3A_337 : vector<1xf32> to vector<1x1x1xf32>
      %reduce_sum3A_339 = vector.extract %reduce_sum3A_338[0, 0, 0] : f32 from vector<1x1x1xf32>
      %div3A_340 = arith.divf %reduce_sum3A_339, %add3A_110 : f32
      %add3A_341 = arith.addf %get3A_333, %div3A_340 : f32
      %swap3A_342 = arith.constant 0 : index
      %swap3A_343 = memref.load %arg7[%swap3A_342] : memref<4xf32, #tpu.memory_space<smem>>
      memref.store %add3A_341, %arg7[%swap3A_342] : memref<4xf32, #tpu.memory_space<smem>>
    } else {
    }
    %iota3A = tpu.iota {dimensions = array<i32: 1>} : vector<1x128xi32>
    %eq3A_21 = arith.constant 0 : i32
    %eq3A_22 = vector.broadcast %eq3A_21 : i32 to vector<1x128xi32>
    %eq3A_23 = arith.cmpi eq, %iota3A, %eq3A_22 : vector<1x128xi32>
    %get3A_24 = arith.constant 0 : index
    %get3A_25 = memref.load %arg7[%get3A_24] : memref<4xf32, #tpu.memory_space<smem>>
    %broadcast_in_dim3A = arith.constant 0.000000e+00 : f32
    %broadcast_in_dim3A_26 = vector.broadcast %broadcast_in_dim3A : f32 to vector<1x128xf32>
    %broadcast_in_dim3A_27 = vector.broadcast %get3A_25 : f32 to vector<1x128xf32>
    %select_n3A = arith.select %eq3A_23, %broadcast_in_dim3A_27, %broadcast_in_dim3A_26 : vector<1x128xi1>, vector<1x128xf32>
    %eq3A_28 = arith.constant 1 : i32
    %eq3A_29 = vector.broadcast %eq3A_28 : i32 to vector<1x128xi32>
    %eq3A_30 = arith.cmpi eq, %iota3A, %eq3A_29 : vector<1x128xi32>
    %get3A_31 = arith.constant 1 : index
    %get3A_32 = memref.load %arg7[%get3A_31] : memref<4xf32, #tpu.memory_space<smem>>
    %broadcast_in_dim3A_33 = vector.broadcast %get3A_32 : f32 to vector<1x128xf32>
    %select_n3A_34 = arith.select %eq3A_30, %broadcast_in_dim3A_33, %select_n3A : vector<1x128xi1>, vector<1x128xf32>
    %eq3A_35 = arith.constant 2 : i32
    %eq3A_36 = vector.broadcast %eq3A_35 : i32 to vector<1x128xi32>
    %eq3A_37 = arith.cmpi eq, %iota3A, %eq3A_36 : vector<1x128xi32>
    %get3A_38 = arith.constant 2 : index
    %get3A_39 = memref.load %arg7[%get3A_38] : memref<4xf32, #tpu.memory_space<smem>>
    %broadcast_in_dim3A_40 = vector.broadcast %get3A_39 : f32 to vector<1x128xf32>
    %select_n3A_41 = arith.select %eq3A_37, %broadcast_in_dim3A_40, %select_n3A_34 : vector<1x128xi1>, vector<1x128xf32>
    %swap3A = arith.constant 0 : index
    %swap3A_42 = arith.constant 0 : index
    %swap3A_43 = vector.load %arg5[%swap3A, %swap3A_42] : memref<1x128xf32, #tpu.memory_space<vmem>>, vector<1x128xf32>
    tpu.vector_store %arg5[%swap3A, %swap3A_42], %select_n3A_41 {strides = array<i32>} : memref<1x128xf32, #tpu.memory_space<vmem>>, vector<1x128xf32>,
    return
  }
  func.func @transform_0(%arg0: i32, %arg1: i32, %arg2: i32) -> (i32, i32, i32, i32) {
    %c0_i32 = arith.constant 0 : i32
    %c0_i32_0 = arith.constant 0 : i32
    %c0_i32_1 = arith.constant 0 : i32
    return %arg0, %c0_i32, %arg2, %c0_i32_0 : i32, i32, i32, i32
  }
  func.func @transform_1(%arg0: i32, %arg1: i32, %arg2: i32) -> (i32, i32, i32) {
    %c0_i32 = arith.constant 0 : i32
    %c0_i32_0 = arith.constant 0 : i32
    return %arg0, %arg2, %c0_i32 : i32, i32, i32
  }
  func.func @transform_2(%arg0: i32, %arg1: i32, %arg2: i32) -> (i32, i32) {
    %c0_i32 = arith.constant 0 : i32
    %c0_i32_0 = arith.constant 0 : i32
    %c0_i32_1 = arith.constant 0 : i32
    return %c0_i32, %c0_i32_0 : i32, i32
  }
}

</mosaic_0001>

<sc_bundles>
// kernel: kernel.4.cloned.1.call-start
scs
__scs_entry_jumppad:
0x0: {  	(pc) =	sbr.rel $0x88, $3  }
0x1: {  	(tag) =	ssettag $0x0;
	lr =	simm.s32 $0x1  }
0x2: {  	[smem:$0x3F9F] =	sst lr;
	_ =	strace $0xD0000000  }
0x3: {  	_ = 	snop  }
0x4: {  	_ = 	snop  }
0x5: {  	_ = 	snop  }
0x6: {  	_ = 	snop  }
0x7: {  	_ = 	snop  }
__scs_overlays_trampoline_lowered:
0x8: {  	[smem:$0x3FAE] =	sst s0  }
0x9: {  	[smem:$0x3FAF] =	sst s1  }
0xa: {  	[smem:$0x3FB0] =	sst s2  }
0xb: {  	[smem:$0x3FB1] =	sst s3  }
0xc: {  	[smem:$0x3FB2] =	sst s4  }
0xd: {  	[smem:$0x3FB3] =	sst s5  }
0xe: {  	[smem:$0x3FB4] =	sst s6  }
0xf: {  	[smem:$0x3FB5] =	sst s7  }
0x10: {  	[smem:$0x3FB6] =	sst s8  }
0x11: {  	[smem:$0x3FB7] =	sst s9;
	s0 =	simm.s32 @!p0 $0x0  }
0x12: {  	s1 =	sld [smem:$0x3F9D];
	s0 =	simm.s32 @p0 $0x1  }
0x13: {  	[smem:$0x3FB8] =	sst s0;
	s0 =	simm.s32 @!p1 $0x0  }
0x14: {  	s2 =	sld [smem:$0x3F9C];
	s0 =	simm.s32 @p1 $0x1  }
0x15: {  	[smem:$0x3FB9] =	sst s0;
	s0 =	simm.s32 @!p2 $0x0  }
0x16: {  	s3 =	sld [smem:$0x3FDB];
	s0 =	simm.s32 @p2 $0x1  }
0x17: {  	s4 =	simm.s32 $0x1BF5;
	[smem:$0x3FBB] =	sst s0  }
0x18: {  	s0 =	sld [smem:$0x3F9E];
	_ =	swait.ge [sflag:s4], $0x0  }
0x19: {  	s7 =	sld [smem:$0x3F9F]  }
0x1a: {  	s8 =	sadd.s32 $0xFFFFE003, lr  }
0x1b: {  	s9 =	sadd.s32 $0xFFFFFEF7, lr;
	s5 =	simm.s32 $0xFFFFFFFF;
	p2 =	slt.u32 s8, $0xFFFFF086  }
0x1c: {  	p1 =	slt.u32 s9, $0xF7A;
	s5 =	simm.s32 @!p2 $0x0  }
0x1d: {  	s5 =	simm.s32 @p1 $0x1;
	p0 =	seq.s32 s7, s2  }
0x1e: {  	s7 =	smul.u32 @!p0 $0xF7A, s2;
	p2 =	seq.s32 @!p0 s5, $0x0  }
0x1f: {  	s9 =	smul.u32 $0xF7A, s1;
	s8 =	simm.s32 @!p0 $0x1BF5;
	p2 =	por !p2, p0  }
0x20: {  	[sflag:s8] =	ssyncset.s32 @!p0 $0xFFFFF086;
	s6 =	sadd.s32 @!p0 s3, s7;
	s7 =	simm.s32 @!p0 $0x108  }
0x21: {  	s3 =	sadd.s32 s3, s9;
	s6 =	sadd.s32 @!p0 $0x88, s6;
	s7 =	simm.s32 @p2 $0x1082  }
0x22: {  	[simem:s7], [sflag:s8] =	dma.local @!p0 [hbm:s6], $0xF7A  }
0x23: {  	s9 =	sor.u32 $0xD0000000, s2;
	s6 =	simm.s32 $0x108;
	_ =	swait.ge @!p0 [sflag:s8], $0x0  }
0x24: {  	s3 =	sadd.s32 $0x88, s3;
	s6 =	simm.s32 @!p1 $0x1082;
	[sflag:s4] =	ssyncset.s32 $0xFFFFF086  }
0x25: {  	[simem:s6], [sflag:s4] =	dma.local [hbm:s3], $0xF7A  }
0x26: {  	[smem:$0x3F9F] =	sst s1;
	(tag) =	ssettag s2;
	_ =	strace s9  }
0x27: {  	s1 =	sld [smem:$0x3FAF]  }
0x28: {  	s2 =	sld [smem:$0x3FB0]  }
0x29: {  	s4 =	sld [smem:$0x3FB2]  }
0x2a: {  	p0 =	seq.s32 s5, $0x0;
	s5 =	sld [smem:$0x3FB3]  }
0x2b: {  	s6 =	sld [smem:$0x3FB4]  }
0x2c: {  	s7 =	sld [smem:$0x3FB5]  }
0x2d: {  	s3 =	simm.s32 $0x108;
	s8 =	sld [smem:$0x3FB6]  }
0x2e: {  	s3 =	simm.s32 @!p0 $0x1082;
	s9 =	sld [smem:$0x3FB7]  }
0x2f: {  	lr =	sadd.s32 s0, s3;
	s0 =	sld [smem:$0x3FAE]  }
0x30: {  	s3 =	sld [smem:$0x3FB1]  }
0x31: {  	[smem:$0x3FBA] =	sst s10  }
0x32: {  	s10 =	sld [smem:$0x3FB8];
	_ =	sdelay $0x3  }
0x33: {  	p0 =	seq.s32 s10, $0x1;
	s10 =	sld [smem:$0x3FBA];
	_ =	sdelay $0x3  }
0x34: {  	[smem:$0x3FBA] =	sst s10  }
0x35: {  	s10 =	sld [smem:$0x3FB9];
	_ =	sdelay $0x3  }
0x36: {  	p1 =	seq.s32 s10, $0x1;
	s10 =	sld [smem:$0x3FBA];
	_ =	sdelay $0x3  }
0x37: {  	[smem:$0x3FBA] =	sst s10  }
0x38: {  	s10 =	sld [smem:$0x3FBB]  }
0x39: {  	_ = 	snop;
	(pc) =	sbr.ind lr, $3  }
0x3a: {  	_ = 	snop  }
0x3b: {  	_ = 	snop  }
0x3c: {  	p2 =	seq.s32 s10, $0x1;
	s10 =	sld [smem:$0x3FBA]  }
0x3d: {  	_ =	shalt  }
0x3e: {  	_ =	shalt  }
0x3f: {  	_ =	shalt  }
0x40: {  	_ =	shalt  }
0x41: {  	_ =	shalt  }
0x42: {  	_ =	shalt  }
0x43: {  	_ =	shalt  }
0x44: {  	_ =	shalt  }
0x45: {  	_ =	shalt  }
0x46: {  	_ =	shalt  }
0x47: {  	_ =	shalt  }
0x48: {  	_ =	shalt  }
0x49: {  	_ =	shalt  }
0x4a: {  	_ =	shalt  }
0x4b: {  	_ =	shalt  }
0x4c: {  	_ =	shalt  }
0x4d: {  	_ =	shalt  }
0x4e: {  	_ =	shalt  }
0x4f: {  	_ =	shalt  }
0x50: {  	_ =	shalt  }
0x51: {  	_ =	shalt  }
0x52: {  	_ =	shalt  }
0x53: {  	_ =	shalt  }
0x54: {  	_ =	shalt  }
0x55: {  	_ =	shalt  }
0x56: {  	_ =	shalt  }
0x57: {  	_ =	shalt  }
0x58: {  	_ =	shalt  }
0x59: {  	_ =	shalt  }
0x5a: {  	_ =	shalt  }
0x5b: {  	_ =	shalt  }
0x5c: {  	_ =	shalt  }
0x5d: {  	_ =	shalt  }
0x5e: {  	_ =	shalt  }
0x5f: {  	_ =	shalt  }
0x60: {  	_ =	shalt  }
0x61: {  	_ =	shalt  }
0x62: {  	_ =	shalt  }
0x63: {  	_ =	shalt  }
0x64: {  	_ =	shalt  }
0x65: {  	_ =	shalt  }
0x66: {  	_ =	shalt  }
0x67: {  	_ =	shalt  }
0x68: {  	_ =	shalt  }
0x69: {  	_ =	shalt  }
0x6a: {  	_ =	shalt  }
0x6b: {  	_ =	shalt  }
0x6c: {  	_ =	shalt  }
0x6d: {  	_ =	shalt  }
0x6e: {  	_ =	shalt  }
0x6f: {  	_ =	shalt  }
0x70: {  	_ =	shalt  }
0x71: {  	_ =	shalt  }
0x72: {  	_ =	shalt  }
0x73: {  	_ =	shalt  }
0x74: {  	_ =	shalt  }
0x75: {  	_ =	shalt  }
0x76: {  	_ =	shalt  }
0x77: {  	_ =	shalt  }
0x78: {  	_ =	shalt  }
0x79: {  	_ =	shalt  }
0x7a: {  	_ =	shalt  }
0x7b: {  	_ =	shalt  }
0x7c: {  	_ =	shalt  }
0x7d: {  	_ =	shalt  }
0x7e: {  	_ =	shalt  }
0x7f: {  	_ =	shalt  }
0x80: {  	_ =	shalt  }
0x81: {  	_ =	shalt  }
0x82: {  	_ =	shalt  }
0x83: {  	_ =	shalt  }
0x84: {  	_ =	shalt  }
0x85: {  	_ =	shalt  }
0x86: {  	_ =	shalt  }
0x87: {  	_ =	shalt  }
.Lfunc_end0:
.L_simem_size_0:
called_computation_lowered:
.L_overlay_start_0:
0x88: {  	s2 =	sld [smem:$0x3FD9]  }
0x89: {  	s3 =	sld [smem:$0x3FFE];
	_ =	sdelay $0x1  }
0x8a: {  	s1 =	srdreg.scid  }
0x8b: {  	s0 =	sand.u32 $0x1, s1  }
0x8c: {  	s15 =	sshll.u32 s0, $0xA;
	s2 =	sadd.s32 s3, s2  }
0x8d: {  	s2 =	sadd.s32 s2, s15  }
0x8e: {  	[smem:$0x3FC6] =	sst s2  }
0x8f: {  	_ = 	snop  }
0x90: {  	s2 =	sld [smem:$0x3FD0];
	_ =	sdelay $0x1  }
0x91: {  	s16 =	sld [smem:$0x3FC9]  }
0x92: {  	s5 =	simm.s32 $0xA;
	s6 =	simm.s32 $0x10;
	s4 =	sld [smem:$0x3FC8]  }
0x93: {  	[smem:s6], [sflag:s5] =	dma.local [hbm:s2], $0x1  }
0x94: {  	_ =	swait.eq [sflag:s5], $0x1  }
0x95: {  	[sflag:s5] =	ssyncset.done $0x0  }
0x96: {  	[sflag:s5] =	ssyncadd.s32 $0xFFFFFFFF  }
0x97: {  	s17 =	sld [smem:$0x13];
	(tm) =	ssettm $0x1  }
0x98: {  	s18 =	sld [smem:$0x3FFB];
	_ =	sdelay $0x3  }
0x99: {  	_ =	strace s18  }
0x9a: {  	s5 =	sld [smem:$0x3FFC];
	_ =	sdelay $0x3  }
0x9b: {  	_ =	strace s5  }
0x9c: {  	s5 =	sld [smem:$0x3FFD];
	_ =	sdelay $0x3  }
0x9d: {  	_ =	strace s5  }
0x9e: {  	_ =	strace $0x8FFFFFFF  }
0x9f: {  	s19 =	sld [smem:$0x3FDB];
	_ =	sdelay $0x1  }
0xa0: {  	s20 =	simm.s32 $_scs_section_size  }
0xa1: {  	s7 =	simm.s32 $_size__tile_overlayer_lowered;
	s8 =	simm.s32 $_tile_overlayer_lowered  }
0xa2: {  	s23 =	simm.s32 $0x1BFF;
	s22 =	sshll.u32 s8, $0x1;
	s5 =	sadd.s32 s20, s19  }
0xa3: {  	s9 =	simm.s32 $0x0;
	s21 =	sshll.u32 s7, $0x1;
	s7 =	sadd.s32 s22, s5  }
0xa4: {  	[timem:s9], [sflag:s23] =	dma.local [hbm:s7], s21  }
0xa5: {  	_ =	swait.ge [sflag:s23], s21  }
0xa6: {  	s6 =	ssub.s32 $0x0, s21;
	[sflag:s23] =	ssyncset.done $0x0  }
0xa7: {  	[sflag:s23] =	ssyncadd.s32 s6;
	_ =	sdelay $0x1  }
0xa8: {  	s24 =	simm.s32 $0x1B8B  }
0xa9: {  	_ =	swait.ge [sflag:s24], $0x1  }
0xaa: {  	[sflag:s24] =	ssyncset.done $0x0  }
0xab: {  	s25 =	simm.s32 $0x1B8E;
	[sflag:s24] =	ssyncadd.s32 $0xFFFFFFFF  }
0xac: {  	s26 =	simm.s32 $execute0_lowered;
	[smem:$0x3FD2] =	sst s25  }
0xad: {  	s6 =	sshll.u32 s26, $0x1;
	_ =	strace $0x80000046;
	[dreg:$0x1] =	wrdreg $0xFFFFFFFF  }
0xae: {  	s28 =	simm.s32 $_size_execute0_lowered;
	s5 =	sadd.s32 s5, s6;
	[dreg:$0x0] =	wrdreg $0x0  }
0xaf: {  	s6 =	sshll.u32 s28, $0x1;
	[dreg:$0x2] =	wrdreg s5  }
0xb0: {  	[dreg:$0x3] =	wrdreg s6  }
0xb1: {  	[dreg:$0x4] =	wrdreg $0xC0  }
0xb2: {  	_ =	task [dreg:s9], $0x5FFFF  }
0xb3: {  	[dreg:$0x1] =	wrdreg $0xFFFFFFFF  }
0xb4: {  	[dreg:$0x0] =	wrdreg $0x60  }
0xb5: {  	[dreg:$0x2] =	wrdreg s16  }
0xb6: {  	[dreg:$0x3] =	wrdreg s4  }
0xb7: {  	[dreg:$0x4] =	wrdreg s17  }
0xb8: {  	[dreg:$0x5] =	wrdreg $0x15B000  }
0xb9: {  	[dreg:$0x6] =	wrdreg $0x15E000  }
0xba: {  	[dreg:$0x7] =	wrdreg $0x9  }
0xbb: {  	_ =	task.clear_ibuf [dreg:s9], $0x8FFFF;
	_ =	strace $0x90000046  }
0xbc: {  	s29 =	simm.s32 $0x9;
	_ =	strace $0x80000048  }
0xbd: {  	_ =	swait.ge [sflag:s29], $0x1  }
0xbe: {  	[sflag:s29] =	ssyncadd.s32 $0xFFFFFFFF  }
0xbf: {  	_ =	strace $0x90000048  }
0xc0: {  	_ =	sfence  }
0xc1: {  	s30 =	sld [smem:$0x0];
	_ =	sdelay $0x2  }
0xc2: {  	s31 =	sshll.u32 s1, $0xD;
	s1 =	sshrl.u32 s1, $0x2  }
0xc3: {  	s3 =	sand.u32 $0x4000, s31;
	s1 =	sadd.s32 s1, s30  }
0xc4: {  	s0 =	sor.u32 s3, s0;
	s1 =	sshll.u32 s1, $0x11  }
0xc5: {  	s0 =	sor.u32 s1, s0  }
0xc6: {  	s0 =	sadd.s32 $0x8F2B, s0  }
0xc7: {  	[sflag:s0] =	ssyncadd.remote.s32 $0x1  }
0xc8: {  	_ =	sfence.sel $0xFFFF  }
0xc9: {  	[dreg:$0x0] =	wrdreg $0xFFFFFFFF;
	(pc) =	sbr.abs _section_cstart, $3  }
0xca: {  	[dreg:$0x1] =	wrdreg $0xFFFFFFFF  }
0xcb: {  	_ =	task.clear_ibuf [dreg:s9], $0x2FFFF;
	_ =	strace $0x9FFFFFFF  }
0xcc: {  	(tm) =	ssettm $0x7FFFFFFF  }
0xcd: {  	_ =	shalt  }
tec
execute0_lowered:
.L_overlay_start_1:
0x0: {  	(tag) =	ssettag $0x1  }
0x1: {  	s2 =	rddreg [dreg:$0x0]  }
0x2: {  	s0 =	srdreg.scid;
	s3 =	rddreg [dreg:$0x1]  }
0x3: {  	s5 =	rddreg [dreg:$0x2];
	s4 =	sand.u32 $0x1, s0  }
0x4: {  	s1 =	stileid.u32;
	s0 =	simm.s32 $0x0;
	s6 =	sshll.u32 s4, $0x1  }
0x5: {  	s9 =	sshll.u32 s1, $0xE;
	s29 =	sadd.s32 $0x8000, s2;
	s7 =	sor.u32 $0x4, s6  }
0x6: {  	s20 =	sadd.s32 $0x10000, s2;
	s23 =	sadd.s32 $0x18000, s2;
	s8 =	sshll.u32 s7, $0x12  }
0x7: {  	p0 =	sne.s32 s1, $0x0;
	s7 =	sshll.u32 s7, $0x14;
	s10 =	sor.u32 s9, s8  }
0x8: {  	[smem:$0x7FF] =	sst s0;
	s11 =	sor.u32 s9, s7;
	s10 =	sshrl.u32 s10, $0x3  }
0x9: {  	s4 =	ssub.s32 $0x2, s4;
	s11 =	sshrl.u32 s11, $0x3;
	s10 =	sadd.s32 s3, s10  }
0xa: {  	s16 =	sor.u32 $0x2000, s9;
	s28 =	sadd.s32 s2, s11;
	[dreg:$0x6] =	wrdreg s10  }
0xb: {  	s8 =	sor.u32 s16, s8;
	s30 =	sadd.s32 s11, s29;
	[dreg:$0x7] =	wrdreg s28  }
0xc: {  	s7 =	sor.u32 s16, s7;
	s31 =	sadd.s32 s11, s20;
	[dreg:$0x8] =	wrdreg s30  }
0xd: {  	s8 =	sshrl.u32 s8, $0x3;
	s11 =	sadd.s32 s11, s23;
	[dreg:$0x9] =	wrdreg s31  }
0xe: {  	s7 =	sshrl.u32 s7, $0x3;
	s8 =	sadd.s32 s3, s8;
	[dreg:$0xa] =	wrdreg s11  }
0xf: {  	s12 =	sshrl.u32 s4, $0x1;
	s13 =	sadd.s32 s2, s7;
	[dreg:$0xb] =	wrdreg s8  }
0x10: {  	s15 =	sor.u32 $0x5, s6;
	s14 =	sadd.s32 s7, s29;
	[dreg:$0xc] =	wrdreg s13  }
0x11: {  	s4 =	ssub.s32 s4, s12;
	s17 =	sadd.s32 s7, s20;
	[dreg:$0xd] =	wrdreg s14  }
0x12: {  	s18 =	sshll.u32 s15, $0x12;
	s7 =	sadd.s32 s7, s23;
	[dreg:$0xe] =	wrdreg s17  }
0x13: {  	s19 =	sor.u32 s9, s18;
	s8 =	sshll.u32 s15, $0x14;
	[dreg:$0xf] =	wrdreg s7  }
0x14: {  	s7 =	sshrl.u32 s19, $0x3;
	s11 =	sor.u32 s16, s18;
	s28 =	rddreg [dreg:$0x4]  }
0x15: {  	s30 =	sshll.u32 s1, $0x4;
	s9 =	sor.u32 s9, s8;
	s21 =	sshrl.u32 s11, $0x3  }
0x16: {  	s12 =	sadd.s32 s3, s7;
	s22 =	sor.u32 s16, s8;
	s3 =	sadd.s32 s3, s21  }
0x17: {  	s9 =	sshrl.u32 s9, $0x3;
	[dreg:$0x10] =	wrdreg s3;
	s3 =	sshrl.u32 s22, $0x3  }
0x18: {  	s21 =	rddreg [dreg:$0x3];
	s13 =	sadd.s32 s2, s9;
	s2 =	sadd.s32 s2, s3  }
0x19: {  	s31 =	smax.u32 s4, $0x1;
	s24 =	sadd.s32 s3, s29;
	[dreg:$0x11] =	wrdreg s2  }
0x1a: {  	s4 =	simm.s32 $0x2;
	s25 =	sadd.s32 s3, s20;
	[dreg:$0x12] =	wrdreg s24  }
.Ltmp0:
0x1b: {  	s26 =	sadd.s32 s3, s23;
	[dreg:$0x13] =	wrdreg s25;
	(pc) =	sbr.rel .LBB2_1-.Ltmp0, $4  }
0x1c: {  	s15 =	sadd.s32 s9, s29;
	s29 =	sadd.s32 s5, s6;
	[dreg:$0x14] =	wrdreg s26  }
0x1d: {  	v0 =	vlaneseq.u32;
	vm0 =	vcmask $0x704;
	vm1 =	vcmask $0x714;
	s16 =	sadd.s32 s9, s20;
	[dreg:$0x15] =	wrdreg s29;
	s2 =	sadd.s32 s30, s28  }
0x1e: {  	vm2 =	vcmask $0xB14;
	vm3 =	vcmask $0xF14;
	v1 =	vimm.f32 $0.0e+00;
	s17 =	sadd.s32 s9, s23;
	_ =	strace $0x80000047;
	[dreg:$0x16] =	wrdreg s2  }
0x1f: {  	vm4 =	vcmask $0x308;
	vm5 =	vcmask $0x70C;
	vm6 =	vcmask $0xB10;
	s5 =	simm.s32 $0x0;
	[dreg:$0x17] =	wrdreg s31;
	s2 =	simm.s32 $0x1  }
.LBB2_14:
0x20: {  	v5 =	vmul.f32 v5, v12;
	_ =	sdelay $0x1  }
0x21: {  	v4 =	vadd.f32 v5, v4;
	_ =	sdelay $0x1  }
0x22: {  	s1 =	rddreg [dreg:$0x16];
	s3 =	simm.s32 $0x14000;
	[tilespmem:$0x14000] =	vst v4  }
0x23: {  	[spmem:s1] =	stream.linear.scatter [tilespmem:s3], [sflag:$0x2], $0x10, $0x38;
	[tilespmem:$0x15E10] =	vst v63  }
0x24: {  	_ =	swait.ge [sflag:s4], $0x10  }
0x25: {  	[sflag:s4] =	ssyncset.done $0x0  }
0x26: {  	[sflag:s4] =	ssyncadd.s32 $0xFFFFFFF0  }
0x27: {  	[bflag:$0x0] =	sbarrier.arrive $0xFFFF  }
0x28: {  	s1 =	simm.s32 @!p0 $0x15980;
	s3 =	rddreg [dreg:$0x4]  }
0x29: {  	[tilespmem:s1], [sflag:$0x2] =	stream.linear.gather @!p0 [spmem:s3], $0x100, $0x38;
	[tilespmem:$0x15E10] =	vst v63  }
0x2a: {  	s1 =	simm.s32 @!p0 $0x2  }
0x2b: {  	_ =	swait.ge @!p0 [sflag:s1], $0x100  }
0x2c: {  	[sflag:s1] =	ssyncset.done @!p0 $0x0  }
0x2d: {  	[sflag:s1] =	ssyncadd.s32 @!p0 $0xFFFFFF00  }
0x2e: {  	v4 =	vld @!p0 [tilespmem:$0x15980];
	_ =	sdelay $0x1  }
0x2f: {  	v5 =	vld @!p0 [tilespmem:$0x15990];
	_ =	sdelay $0x1  }
0x30: {  	v6 =	vld @!p0 [tilespmem:$0x159A0]  }
0x31: {  	v4 =	vadd.f32 @!p0 $0.0e+00, v4  }
0x32: {  	v7 =	vld @!p0 [tilespmem:$0x159B0]  }
0x33: {  	v4 =	vadd.f32 @!p0 v5, v4  }
0x34: {  	v5 =	vld @!p0 [tilespmem:$0x159C0]  }
0x35: {  	v4 =	vadd.f32 @!p0 v6, v4  }
0x36: {  	v6 =	vld @!p0 [tilespmem:$0x159D0]  }
0x37: {  	v4 =	vadd.f32 @!p0 v7, v4  }
0x38: {  	v7 =	vld @!p0 [tilespmem:$0x159E0]  }
0x39: {  	v4 =	vadd.f32 @!p0 v5, v4  }
0x3a: {  	v5 =	vld @!p0 [tilespmem:$0x159F0]  }
0x3b: {  	v4 =	vadd.f32 @!p0 v6, v4  }
0x3c: {  	v6 =	vld @!p0 [tilespmem:$0x15A00]  }
0x3d: {  	v4 =	vadd.f32 @!p0 v7, v4  }
0x3e: {  	v7 =	vld @!p0 [tilespmem:$0x15A10]  }
0x3f: {  	v4 =	vadd.f32 @!p0 v5, v4  }
0x40: {  	v5 =	vld @!p0 [tilespmem:$0x15A20]  }
0x41: {  	v4 =	vadd.f32 @!p0 v6, v4  }
0x42: {  	v6 =	vld @!p0 [tilespmem:$0x15A30]  }
0x43: {  	v4 =	vadd.f32 @!p0 v7, v4  }
0x44: {  	v7 =	vld @!p0 [tilespmem:$0x15A40]  }
0x45: {  	v4 =	vadd.f32 @!p0 v5, v4  }
0x46: {  	v5 =	vld @!p0 [tilespmem:$0x15A50]  }
0x47: {  	v4 =	vadd.f32 @!p0 v6, v4  }
0x48: {  	v6 =	vld @!p0 [tilespmem:$0x15A60]  }
0x49: {  	v4 =	vadd.f32 @!p0 v7, v4  }
0x4a: {  	v7 =	vld @!p0 [tilespmem:$0x15A70]  }
0x4b: {  	v4 =	vadd.f32 @!p0 v5, v4;
	_ =	sdelay $0x1  }
0x4c: {  	v4 =	vadd.f32 @!p0 v6, v4;
	_ =	sdelay $0x1  }
0x4d: {  	v4 =	vadd.f32 @!p0 v7, v4;
	_ =	sdelay $0x1  }
0x4e: {  	(xrf2) =	vadd.scan.msk.f32 @!p0 $0xffff, v4  }
0x4f: {  	(xrf2) =	vadd.scan.msk.f32 @!p0 $0xffff, v3  }
0x50: {  	(xrf2) =	vadd.scan.msk.f32 @!p0 $0xffff, v2;
	_ =	sdelay $0x7  }
0x51: {  	v2, _, _ =	vpop @!p0 (xrf2)  }
0x52: {  	v3, _, _ =	vpop @!p0 (xrf2);
	v2 =	vbroadcast @!p0 v2, $0xF  }
0x53: {  	vm7 =	vmmov @!p0 $0x1;
	v4, _, _ =	vpop @!p0 (xrf2);
	v3 =	vbroadcast @!p0 v3, $0xF  }
0x54: {  	v2 =	vnsel @!p0 vm7, $0x0, v2;
	vm7 =	vcmask @!p0 $0x30C;
	v4 =	vbroadcast @!p0 v4, $0xF  }
0x55: {  	v2 =	vsel @!p0 vm7, v2, v3;
	vm7 =	vcmask @!p0 $0x70C  }
0x56: {  	v2 =	vsel @!p0 vm7, v2, v4  }
0x57: {  	s5 =	simm.s32 @!p0 $0x15A80;
	s3 =	simm.s32 @!p0 $0x0;
	s6 =	rddreg [dreg:$0x15];
	[tilespmem:$0x15A80] =	vst @!p0 v2  }
0x58: {  	[hbm4b:s6+s3] =	stream.linear.scatter @!p0 [tilespmem:s5], [sflag:$0x2], $0x10, $0x38;
	[tilespmem:$0x15E10] =	vst v63  }
0x59: {  	_ =	swait.ge @!p0 [sflag:s1], $0x10  }
0x5a: {  	s30 =	rddreg [dreg:$0x18]  }
0x5b: {  	s31 =	rddreg [dreg:$0x17];
	s5 =	sadd.s32 $0x1, s30  }
0x5c: {  	p1 =	sne.s32 s5, s31  }
.Ltmp1:
0x5d: {  	_ = 	snop;
	(pc) =	sbr.rel @!p1 .LBB2_15-.Ltmp1, $3  }
0x5e: {  	_ =	sdelay $0x1  }
0x5f: {  	[sflag:s1] =	ssyncset.done @!p0 $0x0  }
0x60: {  	[sflag:s1] =	ssyncadd.s32 @!p0 $0xFFFFFFF0  }
.LBB2_1:
0x61: {  	[dreg:$0x18] =	wrdreg s5  }
0x62: {  	s1 =	rddreg [dreg:$0x6]  }
0x63: {  	s8 =	rddreg [dreg:$0x7]  }
0x64: {  	[tilespmem:s0], [sflag:$0x1] =	stream.linear.gather [hbm4b:s1+s0], $0x2000, $0x38;
	[tilespmem:$0x15E10] =	vst v63  }
0x65: {  	s3 =	simm.s32 $0x4000;
	s9 =	rddreg [dreg:$0x8]  }
0x66: {  	[tilespmem:s3], [sflag:$0x1] =	stream.linear.gather [hbm4b:s8+s0], $0x2000, $0x38;
	[tilespmem:$0x15E10] =	vst v63  }
0x67: {  	s10 =	simm.s32 $0x6000;
	s11 =	rddreg [dreg:$0x9]  }
0x68: {  	[tilespmem:s10], [sflag:$0x1] =	stream.linear.gather [hbm4b:s9+s0], $0x2000, $0x38;
	[tilespmem:$0x15E10] =	vst v63  }
0x69: {  	s14 =	simm.s32 $0x8000;
	s18 =	rddreg [dreg:$0xa]  }
0x6a: {  	[tilespmem:s14], [sflag:$0x1] =	stream.linear.gather [hbm4b:s11+s0], $0x2000, $0x38;
	[tilespmem:$0x15E10] =	vst v63  }
0x6b: {  	s19 =	simm.s32 $0xA000;
	s20 =	rddreg [dreg:$0xb]  }
0x6c: {  	[tilespmem:s19], [sflag:$0x1] =	stream.linear.gather [hbm4b:s18+s0], $0x2000, $0x38;
	[tilespmem:$0x15E10] =	vst v63  }
0x6d: {  	s22 =	simm.s32 $0x2000;
	s23 =	rddreg [dreg:$0xc]  }
0x6e: {  	[tilespmem:s22], [sflag:$0x1] =	stream.linear.gather [hbm4b:s20+s0], $0x2000, $0x38;
	[tilespmem:$0x15E10] =	vst v63  }
0x6f: {  	s24 =	simm.s32 $0xC000;
	s25 =	rddreg [dreg:$0xd]  }
0x70: {  	[tilespmem:s24], [sflag:$0x1] =	stream.linear.gather [hbm4b:s23+s0], $0x2000, $0x38;
	[tilespmem:$0x15E10] =	vst v63  }
0x71: {  	s26 =	simm.s32 $0xE000;
	s28 =	rddreg [dreg:$0xe]  }
0x72: {  	[tilespmem:s26], [sflag:$0x1] =	stream.linear.gather [hbm4b:s25+s0], $0x2000, $0x38;
	[tilespmem:$0x15E10] =	vst v63  }
0x73: {  	s29 =	simm.s32 $0x10000;
	s30 =	rddreg [dreg:$0xf]  }
0x74: {  	[tilespmem:s29], [sflag:$0x1] =	stream.linear.gather [hbm4b:s28+s0], $0x2000, $0x38;
	[tilespmem:$0x15E10] =	vst v63  }
0x75: {  	s31 =	simm.s32 $0x12000;
	p1 =	por $0x1, $0x1;
	s7 =	simm.s32 $0x0  }
0x76: {  	v2 =	vimm.f32 $0.0e+00;
	v3 =	vimm.f32 $0.0e+00;
	v4 =	vimm.f32 $0.0e+00;
	[tilespmem:s31], [sflag:$0x1] =	stream.linear.gather [hbm4b:s30+s0], $0x2000, $0x38;
	[tilespmem:$0x15E10] =	vst v63  }
.LBB2_2:
0x77: {  	_ =	swait.ge [sflag:s2], $0x2000  }
0x78: {  	[sflag:s2] =	ssyncset.done $0x0  }
0x79: {  	[sflag:s2] =	ssyncadd.s32 $0xFFFFE000  }
0x7a: {  	_ =	swait.ge [sflag:s2], $0x2000  }
0x7b: {  	[sflag:s2] =	ssyncset.done $0x0  }
0x7c: {  	[sflag:s2] =	ssyncadd.s32 $0xFFFFE000  }
0x7d: {  	_ =	swait.ge [sflag:s2], $0x2000  }
0x7e: {  	[sflag:s2] =	ssyncset.done $0x0  }
0x7f: {  	[sflag:s2] =	ssyncadd.s32 $0xFFFFE000  }
0x80: {  	s8 =	simm.s32 $0x0;
	_ =	swait.ge [sflag:s2], $0x2000  }
0x81: {  	s10 =	simm.s32 $0x0;
	s11 =	simm.s32 $0x0;
	[sflag:s2] =	ssyncset.done $0x0  }
0x82: {  	s9 =	sand.u32 $0x70, s8;
	s8 =	sand.u32 $0xC00, s8;
	[sflag:s2] =	ssyncadd.s32 $0xFFFFE000  }
0x83: {  	s10 =	sand.u32 $0x1000, s10;
	s25 =	sor.u32 s8, s9;
	_ =	swait.ge [sflag:s2], $0x2000  }
0x84: {  	s11 =	sand.u32 $0x380, s11;
	s25 =	sor.u32 s10, s25;
	[sflag:s2] =	ssyncset.done $0x0  }
0x85: {  	v8 =	vimm.f32 $0.0e+00;
	s8 =	sor.u32 s8, s10;
	s31 =	sor.u32 s11, s25;
	[sflag:s2] =	ssyncadd.s32 $0xFFFFE000  }
0x86: {  	v11 =	vimm.s32 $0x0;
	v17 =	vimm.f32 $0.0e+00;
	v13 =	vimm.f32 $0.0e+00;
	s8 =	sor.u32 s11, s8;
	v5 =	vld [tilespmem:s31+$0x0]  }
0x87: {  	v16 =	vimm.f32 $0.0e+00;
	v21 =	vimm.f32 $0.0e+00;
	v29 =	vimm.f32 $0.0e+00;
	s8 =	sor.u32 s9, s8;
	v15 =	vld [tilespmem:s31+$0x4000]  }
0x88: {  	v32 =	vimm.s32 $0x0;
	v33 =	vimm.f32 $0.0e+00;
	v34 =	vimm.f32 $0.0e+00;
	v19 =	vld [tilespmem:s8+$0x6000]  }
0x89: {  	v18 =	vimm.f32 $0.0e+00;
	v30 =	vimm.f32 $0.0e+00;
	v31 =	vimm.s32 $0x0;
	v14 =	vld [tilespmem:s8+$0x8000]  }
0x8a: {  	v24 =	vimm.f32 $0.0e+00;
	v25 =	vimm.f32 $0.0e+00;
	v23 =	vimm.f32 $0.0e+00  }
0x8b: {  	v26 =	vimm.f32 $0.0e+00;
	v27 =	vimm.s32 $0x0;
	v28 =	vimm.f32 $0.0e+00  }
0x8c: {  	v10 =	vld [tilespmem:s8+$0xA000];
	vm7 =	veq.s32 v5, $0x1;
	vm8 =	veq.s32 v5, $0x2;
	vm10 =	veq.s32 v5, $0x3  }
0x8d: {  	vm9 =	veq.s32 v5, $0x4;
	v9 =	vadd.f32 v15, v8;
	v5 =	vadd.f32 v19, v8  }
0x8e: {  	v12 =	vadd.f32 v14, v8;
	v37 =	vmpcnt.ones.xlane vm7;
	v7 =	vnsel vm7, $0x0, v15  }
0x8f: {  	v35 =	vmpcnt.ones.xlane vm10;
	v36 =	vmpcnt.ones.xlane vm9;
	v22 =	vnsel vm7, $0x0, v19  }
0x90: {  	v38 =	vnsel vm7, $0x0, v14;
	v6 =	vnsel vm8, $0x0, v15;
	v39 =	vnsel vm8, $0x0, v19  }
0x91: {  	v40 =	vnsel vm10, $0x0, v19;
	v42 =	vnsel vm9, $0x0, v10;
	v20 =	vnsel vm8, $0x0, v10  }
0x92: {  	s10 =	simm.s32 $0x1;
	s9 =	simm.s32 $0x10;
	s8 =	simm.s32 $0x80;
	v41 =	vnsel vm10, $0x0, v10;
	v6 =	vadd.f32 v6, v8;
	v7 =	vadd.f32 v7, v8  }
.LBB2_3:
0x93: {  	s11 =	sand.u32 $0x70, s9  }
0x94: {  	s25 =	sshll.u32 s10, $0x4;
	s26 =	sand.u32 $0xC00, s8;
	v8 =	vadd.f32 v20, v8;
	v11 =	vadd.s32 v11, v35;
	v17 =	vadd.f32 v10, v17;
	s28 =	smov.u32 s10  }
0x95: {  	v20 =	vnsel vm8, $0x0, v14;
	v35 =	vnsel vm9, $0x0, v19;
	v13 =	vadd.f32 v42, v13;
	s25 =	sand.u32 $0x1000, s25;
	s28 =	sshll.u32 s10, $0x2;
	s6 =	sor.u32 s26, s11  }
0x96: {  	v19 =	vnsel vm10, $0x0, v15;
	v42 =	vnsel vm10, $0x0, v14;
	v16 =	vadd.f32 v41, v16;
	s28 =	sand.u32 $0x380, s28;
	s6 =	sor.u32 s25, s6;
	s25 =	sor.u32 s26, s25  }
0x97: {  	v41 =	vnsel vm9, $0x0, v14;
	v21 =	vadd.f32 v19, v21;
	v29 =	vadd.f32 v42, v29;
	s26 =	sadd.s32 $0x1, s10;
	s6 =	sor.u32 s28, s6;
	s25 =	sor.u32 s28, s25  }
0x98: {  	p2 =	sne.s32 s10, $0x1FF;
	v32 =	vadd.s32 v32, v37;
	v34 =	vadd.f32 v40, v34;
	v33 =	vadd.f32 v20, v33;
	v42 =	vld [tilespmem:s6+$0x0];
	s11 =	sor.u32 s11, s25  }
0x99: {  	v18 =	vadd.f32 v38, v18;
	v30 =	vadd.f32 v39, v30;
	v31 =	vadd.s32 v31, v36;
	v20 =	vld [tilespmem:s6+$0x4000]  }
0x9a: {  	v36 =	vmpcnt.ones.xlane vm8;
	v15 =	vnsel vm9, $0x0, v15;
	v24 =	vadd.f32 v35, v24;
	v19 =	vld [tilespmem:s11+$0x6000]  }
0x9b: {  	v25 =	vadd.f32 v22, v25;
	v22 =	vnsel vm7, $0x0, v10;
	v23 =	vadd.f32 v41, v23;
	v14 =	vld [tilespmem:s11+$0x8000]  }
0x9c: {  	v26 =	vadd.f32 v22, v26;
	v28 =	vadd.f32 v15, v28;
	v27 =	vadd.s32 v27, v36;
	v10 =	vld [tilespmem:s11+$0xA000]  }
0x9d: {  	vm7 =	veq.s32 v42, $0x1;
	vm8 =	veq.s32 v42, $0x2;
	vm10 =	veq.s32 v42, $0x3  }
0x9e: {  	vm9 =	veq.s32 v42, $0x4;
	v37 =	vmpcnt.ones.xlane vm7;
	v9 =	vadd.f32 v20, v9;
	v15 =	vmovc v20  }
.Ltmp2:
0x9f: {  	v35 =	vmpcnt.ones.xlane vm10;
	v36 =	vmpcnt.ones.xlane vm9;
	v20 =	vnsel vm7, $0x0, v15;
	(pc) =	sbr.rel @p2 .LBB2_3-.Ltmp2, $4  }
0xa0: {  	v22 =	vnsel vm7, $0x0, v19;
	v5 =	vadd.f32 v19, v5;
	v38 =	vnsel vm7, $0x0, v14  }
0xa1: {  	v41 =	vnsel vm8, $0x0, v15;
	v39 =	vnsel vm8, $0x0, v19;
	v40 =	vnsel vm10, $0x0, v19  }
0xa2: {  	v6 =	vadd.f32 v41, v6;
	v12 =	vadd.f32 v14, v12;
	v42 =	vnsel vm9, $0x0, v10  }
0xa3: {  	s8 =	sadd.s32 $0x80, s8;
	s9 =	sadd.s32 $0x10, s9;
	s10 =	smov.u32 s26;
	v7 =	vadd.f32 v20, v7;
	v20 =	vnsel vm8, $0x0, v10;
	v41 =	vnsel vm10, $0x0, v10  }
0xa4: {  	_ =	swait.ge [sflag:s2], $0x2000  }
0xa5: {  	[sflag:s2] =	ssyncset.done $0x0  }
0xa6: {  	[sflag:s2] =	ssyncadd.s32 $0xFFFFE000  }
0xa7: {  	_ =	swait.ge [sflag:s2], $0x2000  }
0xa8: {  	[sflag:s2] =	ssyncset.done $0x0  }
0xa9: {  	[sflag:s2] =	ssyncadd.s32 $0xFFFFE000  }
0xaa: {  	_ =	swait.ge [sflag:s2], $0x2000  }
0xab: {  	[sflag:s2] =	ssyncset.done $0x0  }
0xac: {  	[sflag:s2] =	ssyncadd.s32 $0xFFFFE000  }
0xad: {  	s6 =	simm.s32 $0x0;
	_ =	swait.ge [sflag:s2], $0x2000  }
0xae: {  	s8 =	simm.s32 $0x0;
	s9 =	simm.s32 $0x0;
	[sflag:s2] =	ssyncset.done $0x0  }
0xaf: {  	s8 =	sand.u32 $0x1000, s8;
	s10 =	sand.u32 $0xC00, s6;
	[sflag:s2] =	ssyncadd.s32 $0xFFFFE000  }
0xb0: {  	v20 =	vadd.f32 v20, v8;
	s9 =	sand.u32 $0x380, s9;
	s8 =	sor.u32 s10, s8;
	_ =	swait.ge [sflag:s2], $0x2000  }
0xb1: {  	v8 =	vadd.s32 v11, v35;
	v43 =	vadd.f32 v10, v17;
	v11 =	vnsel vm8, $0x0, v14;
	s6 =	sand.u32 $0x70, s6;
	s8 =	sor.u32 s9, s8;
	[sflag:s2] =	ssyncset.done $0x0  }
0xb2: {  	v13 =	vadd.f32 v42, v13;
	v60 =	vnsel vm10, $0x0, v15;
	v16 =	vadd.f32 v41, v16;
	s6 =	sor.u32 s6, s8;
	[sflag:s2] =	ssyncadd.s32 $0xFFFFE000  }
0xb3: {  	v61 =	vnsel vm10, $0x0, v14;
	v62 =	vnsel vm9, $0x0, v19;
	v35 =	vadd.f32 v60, v21;
	v21 =	vld [tilespmem:s6+$0xC000]  }
0xb4: {  	v63 =	vnsel vm9, $0x0, v14;
	v14 =	vadd.s32 v32, v37;
	v32 =	vadd.f32 v40, v34;
	v19 =	vld [tilespmem:s6+$0x10000]  }
0xb5: {  	v34 =	vadd.f32 v38, v18;
	v30 =	vadd.f32 v39, v30;
	v37 =	vld [tilespmem:s6+$0x2000]  }
0xb6: {  	v15 =	vnsel vm9, $0x0, v15;
	v25 =	vadd.f32 v22, v25;
	v29 =	vadd.f32 v61, v29;
	v17 =	vld [tilespmem:s6+$0x12000]  }
0xb7: {  	v33 =	vadd.f32 v11, v33;
	v11 =	vadd.s32 v31, v36;
	v31 =	vmpcnt.ones.xlane vm8;
	v18 =	vld [tilespmem:s6+$0xE000]  }
0xb8: {  	v10 =	vnsel vm7, $0x0, v10;
	v24 =	vadd.f32 v62, v24;
	v22 =	vadd.f32 v63, v23  }
0xb9: {  	v26 =	vadd.f32 v10, v26;
	v23 =	vadd.f32 v15, v28;
	v10 =	vadd.s32 v27, v31  }
0xba: {  	v15 =	vadd.f32 v21, v9;
	v12 =	vadd.f32 v19, v12;
	vm7 =	veq.s32 v37, $0x1  }
0xbb: {  	v9 =	vadd.f32 v17, v43;
	vm9 =	veq.s32 v37, $0x3;
	vm8 =	veq.s32 v37, $0x2  }
0xbc: {  	s11 =	simm.s32 $0x1;
	s9 =	simm.s32 $0x10;
	s8 =	simm.s32 $0x80;
	v31 =	vnsel vm7, $0x0, v18;
	v27 =	vnsel vm7, $0x0, v19;
	v28 =	vnsel vm7, $0x0, v17  }
.LBB2_5:
0xbd: {  	s10 =	smov.u32 s11  }
0xbe: {  	s6 =	sshll.u32 s11, $0x4;
	s25 =	sshll.u32 s11, $0x2;
	v36 =	vmpcnt.ones.xlane vm7;
	v25 =	vadd.f32 v31, v25;
	v5 =	vadd.f32 v18, v5;
	s10 =	sadd.s32 $0x1, s11  }
0xbf: {  	s26 =	sand.u32 $0xC00, s8;
	v26 =	vadd.f32 v28, v26;
	v28 =	vnsel vm9, $0x0, v18;
	vm10 =	veq.s32 v37, $0x4;
	s6 =	sand.u32 $0x1000, s6;
	s25 =	sand.u32 $0x380, s25  }
0xc0: {  	p2 =	sne.s32 s11, $0x1FF;
	v32 =	vadd.f32 v28, v32;
	v28 =	vmpcnt.ones.xlane vm10;
	s6 =	sor.u32 s26, s6;
	v14 =	vadd.s32 v14, v36  }
0xc1: {  	v31 =	vmpcnt.ones.xlane vm9;
	s11 =	sand.u32 $0x70, s9;
	v37 =	vnsel vm10, $0x0, v21;
	v36 =	vnsel vm9, $0x0, v21;
	s6 =	sor.u32 s25, s6  }
0xc2: {  	v35 =	vadd.f32 v36, v35;
	v36 =	vnsel vm9, $0x0, v19;
	v11 =	vadd.s32 v11, v28;
	s6 =	sor.u32 s11, s6  }
0xc3: {  	v38 =	vnsel vm8, $0x0, v17;
	v29 =	vadd.f32 v36, v29;
	v36 =	vnsel vm10, $0x0, v18;
	v28 =	vld [tilespmem:s6+$0x12000]  }
0xc4: {  	v20 =	vadd.f32 v38, v20;
	v23 =	vadd.f32 v37, v23;
	v37 =	vnsel vm10, $0x0, v19;
	v39 =	vld [tilespmem:s6+$0xC000]  }
0xc5: {  	v38 =	vnsel vm8, $0x0, v19;
	v40 =	vnsel vm10, $0x0, v17;
	v22 =	vadd.f32 v37, v22;
	v19 =	vld [tilespmem:s6+$0x10000]  }
0xc6: {  	v33 =	vadd.f32 v38, v33;
	v38 =	vnsel vm9, $0x0, v17;
	v13 =	vadd.f32 v40, v13;
	v37 =	vld [tilespmem:s6+$0x2000]  }
0xc7: {  	v40 =	vnsel vm8, $0x0, v18;
	v8 =	vadd.s32 v8, v31;
	v24 =	vadd.f32 v36, v24;
	v18 =	vld [tilespmem:s6+$0xE000]  }
0xc8: {  	v34 =	vadd.f32 v27, v34;
	v31 =	vnsel vm7, $0x0, v21;
	v30 =	vadd.f32 v40, v30;
	v17 =	vmovc v28  }
.Ltmp3:
0xc9: {  	v27 =	vnsel vm8, $0x0, v21;
	v7 =	vadd.f32 v31, v7;
	v15 =	vadd.f32 v39, v15;
	v21 =	vmovc v39;
	(pc) =	sbr.rel @p2 .LBB2_5-.Ltmp3, $4  }
0xca: {  	v6 =	vadd.f32 v27, v6;
	v28 =	vmpcnt.ones.xlane vm8;
	v12 =	vadd.f32 v19, v12  }
0xcb: {  	v16 =	vadd.f32 v38, v16;
	v9 =	vadd.f32 v17, v9;
	vm7 =	veq.s32 v37, $0x1  }
0xcc: {  	v10 =	vadd.s32 v10, v28;
	vm9 =	veq.s32 v37, $0x3;
	v31 =	vnsel vm7, $0x0, v18  }
0xcd: {  	s8 =	sadd.s32 $0x80, s8;
	s9 =	sadd.s32 $0x10, s9;
	s11 =	smov.u32 s10;
	vm8 =	veq.s32 v37, $0x2;
	v27 =	vnsel vm7, $0x0, v19;
	v28 =	vnsel vm7, $0x0, v17  }
0xce: {  	[tilespmem:$0x14100] =	vst v15  }
0xcf: {  	v25 =	vadd.f32 v31, v25;
	[tilespmem:$0x14120] =	vst v12  }
0xd0: {  	v36 =	vnsel vm7, $0x0, v21;
	v27 =	vadd.f32 v27, v34;
	[tilespmem:$0x14130] =	vst v9  }
0xd1: {  	v7 =	vadd.f32 v36, v7;
	[tilespmem:$0x14010] =	vst v25  }
0xd2: {  	v5 =	vadd.f32 v18, v5;
	[tilespmem:$0x14020] =	vst v27  }
0xd3: {  	[tilespmem:$0x14000] =	vst v7;
	v7 =	vadd.f32 v28, v26;
	v26 =	vnsel vm8, $0x0, v21  }
0xd4: {  	v25 =	vnsel vm8, $0x0, v18;
	[tilespmem:$0x14110] =	vst v5;
	v6 =	vadd.f32 v26, v6  }
0xd5: {  	v25 =	vadd.f32 v25, v30;
	[tilespmem:$0x14030] =	vst v7;
	v7 =	vnsel vm8, $0x0, v17  }
0xd6: {  	[tilespmem:$0x14040] =	vst v6;
	v6 =	vnsel vm9, $0x0, v21;
	v7 =	vadd.f32 v7, v20  }
0xd7: {  	[tilespmem:$0x14050] =	vst v25;
	v20 =	vnsel vm9, $0x0, v18;
	v6 =	vadd.f32 v6, v35  }
0xd8: {  	v25 =	vnsel vm9, $0x0, v19;
	v20 =	vadd.f32 v20, v32;
	[tilespmem:$0x14070] =	vst v7  }
0xd9: {  	vm10 =	veq.s32 v37, $0x4;
	v7 =	vadd.f32 v25, v29;
	v25 =	vnsel vm9, $0x0, v17;
	[tilespmem:$0x14080] =	vst v6  }
0xda: {  	v6 =	vnsel vm10, $0x0, v21;
	v16 =	vadd.f32 v25, v16;
	[tilespmem:$0x14090] =	vst v20  }
0xdb: {  	v6 =	vadd.f32 v6, v23;
	[tilespmem:$0x140A0] =	vst v7;
	v7 =	vnsel vm10, $0x0, v19  }
0xdc: {  	v5 =	vmpcnt.ones.xlane vm10;
	[tilespmem:$0x140B0] =	vst v16;
	v7 =	vadd.f32 v7, v22;
	v16 =	vnsel vm10, $0x0, v17  }
0xdd: {  	v26 =	vnsel vm8, $0x0, v19;
	[tilespmem:$0x140C0] =	vst v6;
	v6 =	vadd.f32 v16, v13  }
0xde: {  	v5 =	vadd.s32 v11, v5;
	v26 =	vadd.f32 v26, v33;
	[tilespmem:$0x140E0] =	vst v7;
	v7 =	vmpcnt.ones.xlane vm7  }
0xdf: {  	v5 =	vcvt.s32.f32 v5;
	v20 =	vnsel vm10, $0x0, v18;
	[tilespmem:$0x140F0] =	vst v6;
	v6 =	vmpcnt.ones.xlane vm8  }
0xe0: {  	s6 =	sshll.u32 s7, $0x4;
	s1 =	stileid.u32;
	[tilespmem:$0x14060] =	vst v26;
	v19 =	vadd.f32 v20, v24;
	v13 =	vmpcnt.ones.xlane vm9;
	v7 =	vadd.s32 v14, v7  }
0xe1: {  	s6 =	sor.u32 s1, s6;
	[tilespmem:$0x14170] =	vst v5;
	v6 =	vadd.s32 v10, v6;
	v7 =	vcvt.s32.f32 v7  }
0xe2: {  	s6 =	smul.u32 $0x600, s6;
	[tilespmem:$0x140D0] =	vst v19;
	v8 =	vadd.s32 v8, v13;
	v6 =	vcvt.s32.f32 v6  }
0xe3: {  	[tilespmem:$0x14140] =	vst v7;
	v7 =	vcvt.s32.f32 v8  }
0xe4: {  	s6 =	sshra.s32 s6, $0x2;
	[tilespmem:$0x14150] =	vst v6  }
0xe5: {  	s28 =	simm.s32 $0x14000;
	s6 =	sadd.s32 s6, s21;
	[tilespmem:$0x14160] =	vst v7  }
0xe6: {  	[spmem:s6] =	stream.linear.scatter [tilespmem:s28], [sflag:$0x2], $0x180, $0x38;
	[tilespmem:$0x15E10] =	vst v63  }
0xe7: {  	s29 =	smul.u32 $0x6000, s7;
	_ =	swait.ge [sflag:s4], $0x180  }
0xe8: {  	[sflag:s4] =	ssyncset.done $0x0  }
0xe9: {  	s6 =	sshra.s32 s29, $0x2;
	[sflag:s4] =	ssyncadd.s32 $0xFFFFFE80  }
0xea: {  	s30 =	simm.s32 $0x14180;
	s6 =	sadd.s32 s6, s21;
	[bflag:$0x0] =	sbarrier.arrive $0xFFFF  }
0xeb: {  	[tilespmem:s30], [sflag:$0x2] =	stream.linear.gather [spmem:s6], $0x1800, $0x38;
	[tilespmem:$0x15E10] =	vst v63  }
0xec: {  	_ =	swait.ge [sflag:s4], $0x1800  }
0xed: {  	[sflag:s4] =	ssyncset.done $0x0  }
0xee: {  	s31 =	simm.s32 $0x0;
	[sflag:s4] =	ssyncadd.s32 $0xFFFFE800  }
0xef: {  	v5 =	vld [tilespmem:s31+$0x142F0]  }
0xf0: {  	v6 =	vld [tilespmem:s31+$0x14180]  }
0xf1: {  	v7 =	vld [tilespmem:s31+$0x14190]  }
0xf2: {  	v8 =	vld [tilespmem:s31+$0x141A0]  }
0xf3: {  	v9 =	vld [tilespmem:s31+$0x141B0]  }
0xf4: {  	v11 =	vld [tilespmem:s31+$0x141C0]  }
0xf5: {  	v12 =	vld [tilespmem:s31+$0x141D0]  }
0xf6: {  	v13 =	vld [tilespmem:s31+$0x141E0]  }
0xf7: {  	v14 =	vld [tilespmem:s31+$0x141F0]  }
0xf8: {  	v15 =	vld [tilespmem:s31+$0x14200]  }
0xf9: {  	v21 =	vld [tilespmem:s31+$0x14210]  }
0xfa: {  	v25 =	vld [tilespmem:s31+$0x14220]  }
0xfb: {  	v27 =	vld [tilespmem:s31+$0x14230]  }
0xfc: {  	v10 =	vimm.f32 $0.0e+00;
	v28 =	vld [tilespmem:s31+$0x14240]  }
0xfd: {  	v29 =	vld [tilespmem:s31+$0x14250];
	v5 =	vadd.f32 v5, v10;
	v26 =	vadd.f32 v6, v10  }
0xfe: {  	v30 =	vld [tilespmem:s31+$0x14280];
	v23 =	vadd.f32 v7, v10;
	v24 =	vadd.f32 v8, v10  }
0xff: {  	v6 =	vld [tilespmem:s31+$0x14260];
	v22 =	vadd.f32 v9, v10;
	v20 =	vadd.f32 v11, v10  }
0x100: {  	v7 =	vld [tilespmem:s31+$0x14270];
	v19 =	vadd.f32 v12, v10;
	v18 =	vadd.f32 v13, v10  }
0x101: {  	v63 =	vld [tilespmem:s31+$0x14290];
	v17 =	vadd.f32 v14, v10;
	v16 =	vadd.f32 v15, v10  }
0x102: {  	v33 =	vld [tilespmem:s31+$0x142A0];
	v15 =	vadd.f32 v21, v10;
	v14 =	vadd.f32 v25, v10  }
0x103: {  	v32 =	vld [tilespmem:s31+$0x142B0];
	v13 =	vadd.f32 v27, v10;
	v11 =	vadd.f32 v28, v10  }
0x104: {  	v31 =	vld [tilespmem:s31+$0x142C0];
	v12 =	vadd.f32 v29, v10;
	v27 =	vimm.f32 $0.0e+00;
	v28 =	vimm.f32 $0.0e+00  }
0x105: {  	v29 =	vld [tilespmem:s31+$0x142D0];
	v25 =	vimm.f32 $0.0e+00;
	v9 =	vadd.f32 v6, v10;
	v8 =	vadd.f32 v7, v10  }
0x106: {  	s7 =	simm.s32 $0x180;
	s8 =	simm.s32 $0xC00;
	v21 =	vimm.f32 $0.0e+00;
	v7 =	vadd.f32 v30, v10;
	v6 =	vadd.f32 v63, v10;
	v30 =	vld [tilespmem:s31+$0x142E0]  }
.LBB2_7:
0x107: {  	p2 =	sne.s32 s8, $0x5A00;
	v34 =	vld [tilespmem:s7+$0x142F0];
	v10 =	vadd.f32 v33, v10  }
0x108: {  	v33 =	vld [tilespmem:s7+$0x14180];
	v27 =	vadd.f32 v32, v27  }
0x109: {  	v32 =	vld [tilespmem:s7+$0x14190];
	v28 =	vadd.f32 v31, v28  }
0x10a: {  	v31 =	vld [tilespmem:s7+$0x141A0];
	v25 =	vadd.f32 v29, v25  }
0x10b: {  	v29 =	vld [tilespmem:s7+$0x141B0];
	v21 =	vadd.f32 v30, v21  }
0x10c: {  	v30 =	vld [tilespmem:s7+$0x141C0];
	v5 =	vadd.f32 v34, v5  }
0x10d: {  	v26 =	vadd.f32 v33, v26;
	v33 =	vld [tilespmem:s7+$0x141D0]  }
0x10e: {  	v23 =	vadd.f32 v32, v23;
	v32 =	vld [tilespmem:s7+$0x141E0]  }
0x10f: {  	v24 =	vadd.f32 v31, v24;
	v31 =	vld [tilespmem:s7+$0x141F0]  }
0x110: {  	v22 =	vadd.f32 v29, v22;
	v29 =	vld [tilespmem:s7+$0x14200]  }
0x111: {  	v20 =	vadd.f32 v30, v20;
	v30 =	vld [tilespmem:s7+$0x14210]  }
0x112: {  	v19 =	vadd.f32 v33, v19;
	v33 =	vld [tilespmem:s7+$0x14220]  }
0x113: {  	v18 =	vadd.f32 v32, v18;
	v32 =	vld [tilespmem:s7+$0x14230]  }
0x114: {  	v17 =	vadd.f32 v31, v17;
	v31 =	vld [tilespmem:s7+$0x14240]  }
0x115: {  	v16 =	vadd.f32 v29, v16;
	v29 =	vld [tilespmem:s7+$0x14250]  }
0x116: {  	v15 =	vadd.f32 v30, v15;
	v30 =	vld [tilespmem:s7+$0x14260]  }
0x117: {  	v14 =	vadd.f32 v33, v14;
	v34 =	vld [tilespmem:s7+$0x14270]  }
0x118: {  	v13 =	vadd.f32 v32, v13;
	v35 =	vld [tilespmem:s7+$0x14280]  }
0x119: {  	v11 =	vadd.f32 v31, v11;
	v36 =	vld [tilespmem:s7+$0x14290]  }
.Ltmp4:
0x11a: {  	v12 =	vadd.f32 v29, v12;
	v33 =	vld [tilespmem:s7+$0x142A0];
	(pc) =	sbr.rel @p2 .LBB2_7-.Ltmp4, $4  }
0x11b: {  	v9 =	vadd.f32 v30, v9;
	v32 =	vld [tilespmem:s7+$0x142B0]  }
0x11c: {  	v8 =	vadd.f32 v34, v8;
	v31 =	vld [tilespmem:s7+$0x142C0]  }
0x11d: {  	v7 =	vadd.f32 v35, v7;
	v29 =	vld [tilespmem:s7+$0x142D0]  }
0x11e: {  	v6 =	vadd.f32 v36, v6;
	v30 =	vld [tilespmem:s7+$0x142E0];
	s7 =	sshra.s32 s8, $0x2;
	s8 =	sadd.s32 $0x600, s8  }
0x11f: {  	v34 =	vld [tilespmem:s7+$0x14180]  }
0x120: {  	v35 =	vld [tilespmem:s7+$0x14190]  }
0x121: {  	v36 =	vld [tilespmem:s7+$0x141A0]  }
0x122: {  	v61 =	vld [tilespmem:s7+$0x141F0]  }
0x123: {  	v37 =	vld [tilespmem:s7+$0x141B0]  }
0x124: {  	v38 =	vld [tilespmem:s7+$0x141C0]  }
0x125: {  	v39 =	vld [tilespmem:s7+$0x141D0]  }
0x126: {  	v60 =	vld [tilespmem:s7+$0x141E0];
	v33 =	vadd.f32 v33, v10;
	v26 =	vadd.f32 v34, v26  }
0x127: {  	v23 =	vadd.f32 v35, v23;
	v10 =	vadd.f32 v61, v17;
	v17 =	vld [tilespmem:s7+$0x14250]  }
0x128: {  	v24 =	vadd.f32 v36, v24;
	(xrf2) =	vadd.scan.msk.f32 $0xffff, v26;
	v26 =	vld [tilespmem:s7+$0x14200]  }
0x129: {  	v22 =	vadd.f32 v37, v22;
	(xrf2) =	vadd.scan.msk.f32 $0xffff, v23;
	v23 =	vld [tilespmem:s7+$0x14210]  }
0x12a: {  	v20 =	vadd.f32 v38, v20;
	(xrf2) =	vadd.scan.msk.f32 $0xffff, v24;
	v24 =	vld [tilespmem:s7+$0x14220]  }
0x12b: {  	v19 =	vadd.f32 v39, v19;
	(xrf2) =	vadd.scan.msk.f32 $0xffff, v22;
	v22 =	vld [tilespmem:s7+$0x14230]  }
0x12c: {  	v18 =	vadd.f32 v60, v18;
	(xrf2) =	vadd.scan.msk.f32 $0xffff, v20;
	v20 =	vld [tilespmem:s7+$0x14240]  }
0x12d: {  	(xrf2) =	vadd.scan.msk.f32 $0xffff, v19;
	v16 =	vadd.f32 v26, v16;
	v26 =	vld [tilespmem:s7+$0x14260]  }
0x12e: {  	v25 =	vadd.f32 v29, v25;
	(xrf2) =	vadd.scan.msk.f32 $0xffff, v18;
	v15 =	vadd.f32 v23, v15;
	v23 =	vld [tilespmem:s7+$0x14270]  }
0x12f: {  	v19 =	vadd.f32 v32, v27;
	(xrf2) =	vadd.scan.msk.f32 $0xffff, v10;
	v10 =	vadd.f32 v24, v14;
	v14 =	vld [tilespmem:s7+$0x14280]  }
0x130: {  	(xrf2) =	vadd.scan.msk.f32 $0xffff, v16;
	v16 =	vadd.f32 v30, v21;
	v21 =	vadd.f32 v22, v13;
	v22 =	vld [tilespmem:s7+$0x14290]  }
0x131: {  	v18 =	vadd.f32 v31, v28;
	(xrf2) =	vadd.scan.msk.f32 $0xffff, v15;
	v15 =	vadd.f32 v17, v12;
	v17 =	vld [tilespmem:s7+$0x142A0]  }
0x132: {  	v11 =	vadd.f32 v20, v11;
	v20 =	vld [tilespmem:s7+$0x142B0];
	v13, _, _ =	vpop (xrf2);
	(xrf2) =	vadd.scan.msk.f32 $0xffff, v10;
	v9 =	vadd.f32 v26, v9  }
0x133: {  	(v2sf) =	vpush v13, $0xF;
	v12, _, _ =	vpop (xrf2);
	(xrf2) =	vadd.scan.msk.f32 $0xffff, v21;
	v21 =	vadd.f32 v23, v8;
	v23 =	vld [tilespmem:s7+$0x142C0]  }
0x134: {  	(v2sf) =	vpush v12, $0xF;
	v10, _, _ =	vpop (xrf2);
	(xrf2) =	vadd.scan.msk.f32 $0xffff, v11;
	v7 =	vadd.f32 v14, v7;
	v11 =	vld [tilespmem:s7+$0x142D0]  }
0x135: {  	(v2sf) =	vpush v10, $0xF;
	v8, _, _ =	vpop (xrf2);
	(xrf2) =	vadd.scan.msk.f32 $0xffff, v15;
	v14 =	vadd.f32 v22, v6  }
0x136: {  	v15 =	vld [tilespmem:s7+$0x142E0];
	(v2sf) =	vpush v8, $0xF;
	v22, _, _ =	vpop (xrf2);
	(xrf2) =	vadd.scan.msk.f32 $0xffff, v9;
	v17 =	vadd.f32 v17, v33  }
0x137: {  	v19 =	vadd.f32 v20, v19;
	(v2sf) =	vpush v22, $0xF;
	v24, _, _ =	vpop (xrf2);
	(xrf2) =	vadd.scan.msk.f32 $0xffff, v21  }
0x138: {  	(v2sf) =	vpush v24, $0xF;
	v6, _, _ =	vpop (xrf2);
	(xrf2) =	vadd.scan.msk.f32 $0xffff, v7;
	v7 =	vld [tilespmem:s7+$0x142F0];
	v18 =	vadd.f32 v23, v18  }
0x139: {  	vm8 =	vmmov $0x1;
	(v2sf) =	vpush v6, $0xF;
	v9, _, _ =	vpop (xrf2);
	(xrf2) =	vadd.scan.msk.f32 $0xffff, v14;
	v11 =	vadd.f32 v11, v25  }
0x13a: {  	(v2sf) =	vpush v9, $0xF;
	v20, _, _ =	vpop (xrf2);
	(xrf2) =	vadd.scan.msk.f32 $0xffff, v17;
	v18 =	vnsel vm8, $0x0, v18  }
0x13b: {  	v15 =	vadd.f32 v15, v16;
	(v2sf) =	vpush v20, $0xF;
	v17, _, _ =	vpop (xrf2);
	(xrf2) =	vadd.scan.msk.f32 $0xffff, v19;
	v16 =	vnsel vm8, $0x0, v11  }
0x13c: {  	(v2sf) =	vpush v17, $0xF;
	v14, _, _ =	vpop (xrf2);
	(xrf2) =	vadd.scan.msk.f32 $0xffff, v18  }
0x13d: {  	(v2sf) =	vpush v14, $0xF;
	v11, _, _ =	vpop (xrf2);
	(xrf2) =	vadd.scan.msk.f32 $0xffff, v16;
	v5 =	vadd.f32 v7, v5  }
0x13e: {  	v7 =	vnsel vm8, $0x0, v15;
	v16, _, _ =	vpop (xrf2);
	(v2sf) =	vpush v11, $0xF  }
0x13f: {  	(xrf2) =	vadd.scan.msk.f32 $0xffff, v7;
	(v2sf) =	vpush v16, $0xF;
	v18, _, _ =	vpop (xrf2);
	v5 =	vnsel vm8, $0x0, v5  }
0x140: {  	v19, _, _ =	vpop (xrf2);
	(v2sf) =	vpush v18, $0xF  }
0x141: {  	(xrf2) =	vadd.scan.msk.f32 $0xffff, v5;
	(v2sf) =	vpush v19, $0xF;
	v15, _, _ =	vpop (xrf2)  }
0x142: {  	v5, _, _ =	vpop (xrf2);
	s6 =	spop (v2sf);
	(v2sf) =	vpush v15, $0xF  }
0x143: {  	v7, _, _ =	vpop (xrf2);
	s8 =	spop (v2sf);
	(v2sf) =	vpush v5, $0xF  }
0x144: {  	v5, _, _ =	vpop (xrf2);
	s9 =	spop (v2sf);
	(v2sf) =	vpush v7, $0xF  }
0x145: {  	v7, _, _ =	vpop (xrf2);
	s10 =	spop (v2sf);
	(v2sf) =	vpush v5, $0xF  }
0x146: {  	v5, _, _ =	vpop (xrf2);
	s11 =	spop (v2sf);
	(v2sf) =	vpush v7, $0xF  }
0x147: {  	v7, _, _ =	vpop (xrf2);
	s25 =	spop (v2sf);
	(v2sf) =	vpush v5, $0xF  }
0x148: {  	s26 =	spop (v2sf);
	(v2sf) =	vpush v7, $0xF  }
0x149: {  	v21, _, _ =	vpop (xrf2);
	s28 =	spop (v2sf)  }
0x14a: {  	(v2sf) =	vpush v21, $0xF;
	s1 =	spop (v2sf)  }
0x14b: {  	v23, _, _ =	vpop (xrf2);
	s29 =	spop (v2sf)  }
0x14c: {  	(v2sf) =	vpush v23, $0xF;
	s30 =	spop (v2sf)  }
0x14d: {  	s31 =	spop (v2sf)  }
0x14e: {  	s20 =	spop (v2sf)  }
0x14f: {  	s24 =	spop (v2sf)  }
0x150: {  	s5 =	spop (v2sf)  }
0x151: {  	s3 =	spop (v2sf)  }
0x152: {  	s14 =	spop (v2sf)  }
0x153: {  	s18 =	spop (v2sf)  }
0x154: {  	s19 =	spop (v2sf)  }
0x155: {  	s7 =	spop (v2sf)  }
0x156: {  	s22 =	spop (v2sf)  }
0x157: {  	s23 =	spop (v2sf)  }
0x158: {  	s22 =	sadd.f32 s23, s22  }
0x159: {  	s23 =	spop (v2sf)  }
0x15a: {  	s22 =	sadd.f32 s23, s22  }
0x15b: {  	s23 =	spop (v2sf)  }
0x15c: {  	s22 =	sadd.f32 s23, s22;
	_ =	sdelay $0x1  }
0x15d: {  	s22 =	ssub.f32 $2.621440000e+05, s22  }
0x15e: {  	s6 =	sadd.f32 s11, s6  }
0x15f: {  	vm9 =	veq.s32 v0, $0x0;
	v5 =	vbroadcast v5, $0xF;
	s25 =	sadd.f32 s25, s8;
	v25 =	vmov s22  }
0x160: {  	v7 =	vbroadcast v7, $0xF;
	s26 =	sadd.f32 s26, s9;
	v25 =	vnsel vm9, $0x0, v25  }
0x161: {  	v21 =	vbroadcast v21, $0xF;
	s1 =	sadd.f32 s1, s6;
	v5 =	vsel vm0, v5, v25  }
0x162: {  	s6 =	sadd.f32 s29, s25;
	v5 =	vsel vm1, v5, v7;
	v7 =	vbroadcast v23, $0xF  }
0x163: {  	s1 =	sadd.f32 s20, s1;
	v5 =	vsel vm2, v5, v21  }
0x164: {  	s29 =	sadd.f32 s30, s26;
	v5 =	vsel vm3, v5, v7  }
0x165: {  	s1 =	ssub.f32 s14, s1;
	vm7 =	vgt.f32 v5, $0.0e+00  }
0x166: {  	s30 =	sadd.f32 s28, s10;
	v5 =	vnsel vm7, $0x3F800000, v5  }
0x167: {  	s6 =	sadd.f32 s24, s6;
	v7 =	vbroadcast v13, $0xF;
	(erf) = vrcp.f32 v5;
	v5 =	vmov s1  }
0x168: {  	v12 =	vbroadcast v12, $0xF;
	v10 =	vbroadcast v10, $0xF;
	s9 =	sadd.f32 s31, s30;
	v5 =	vnsel vm9, $0x0, v5  }
0x169: {  	v8 =	vbroadcast v8, $0xF;
	s6 =	ssub.f32 s18, s6;
	v5 =	vsel vm0, v7, v5;
	v7 =	vbroadcast v22, $0xF  }
0x16a: {  	v9 =	vbroadcast v9, $0xF;
	v13 =	vbroadcast v20, $0xF;
	s1 =	sadd.f32 s5, s29  }
0x16b: {  	v11 =	vbroadcast v11, $0xF;
	s10 =	simm.s32 $0x0;
	s3 =	sadd.f32 s3, s9;
	v20 =	vmov s6;
	v5 =	vsel vm1, v5, v7  }
0x16c: {  	s11 =	sand.u32 $0x70, s10;
	s1 =	ssub.f32 s19, s1;
	v7 =	vnsel vm9, $0x0, v20;
	v20 =	vbroadcast v24, $0xF;
	v13 =	vsel vm2, v5, v13  }
0x16d: {  	s14 =	simm.s32 $0x0;
	s18 =	simm.s32 $0x0;
	s5 =	sand.u32 $0xC00, s10;
	v5 =	vsel vm0, v12, v7;
	v7 =	vbroadcast v16, $0xF;
	v12 =	vbroadcast v17, $0xF  }
0x16e: {  	s3 =	ssub.f32 s7, s3;
	s6 =	sand.u32 $0x1000, s14;
	s19 =	sor.u32 s5, s11;
	v16 =	vbroadcast v18, $0xF;
	v17 =	vmov s1;
	v5 =	vsel vm1, v5, v20  }
0x16f: {  	s20 =	sand.u32 $0x380, s18;
	s22 =	sor.u32 s6, s19;
	v18 =	vbroadcast v6, $0xF;
	v17 =	vnsel vm9, $0x0, v17;
	v12 =	vsel vm2, v5, v12  }
0x170: {  	s5 =	sor.u32 s5, s6;
	s8 =	sor.u32 s20, s22;
	v6 =	vsel vm3, v13, v7;
	v10 =	vsel vm0, v10, v17;
	v13 =	vmov s3  }
0x171: {  	s23 =	sor.u32 s20, s5;
	v7 =	vsel vm3, v12, v16;
	v12 =	vbroadcast v14, $0xF;
	v16 =	vld [tilespmem:s8+$0x0];
	v13 =	vnsel vm9, $0x0, v13  }
0x172: {  	s1 =	sor.u32 s11, s23;
	v17 =	vld [tilespmem:s8+$0x4000];
	v10 =	vsel vm1, v10, v18;
	v14 =	vbroadcast v19, $0xF;
	v5 =	vpop (erf);
	v8 =	vsel vm0, v8, v13  }
0x173: {  	v13 =	vbroadcast v15, $0xF;
	v6 =	vmul.f32 v5, v6;
	v10 =	vsel vm2, v10, v12;
	v12 =	vld [tilespmem:s1+$0x6000]  }
0x174: {  	v7 =	vmul.f32 v5, v7;
	v9 =	vsel vm1, v8, v9;
	v10 =	vsel vm3, v10, v14  }
0x175: {  	v9 =	vsel vm2, v9, v11;
	v8 =	vmul.f32 v5, v10;
	v10 =	vld [tilespmem:s1+$0x8000]  }
0x176: {  	s25 =	simm.s32 $0x10;
	s24 =	simm.s32 $0x80;
	v9 =	vsel vm3, v9, v13;
	v11 =	vperm.xlane v6, v16;
	v13 =	vperm.xlane v7, v16  }
0x177: {  	s26 =	simm.s32 $0x10;
	s5 =	sand.u32 $0x70, s25;
	s3 =	sand.u32 $0xC00, s24;
	v15 =	vld [tilespmem:s1+$0xA000];
	v9 =	vmul.f32 v5, v9  }
0x178: {  	s30 =	simm.s32 $0x4;
	s29 =	sand.u32 $0x1000, s26;
	s31 =	sor.u32 s3, s5;
	v14 =	vperm.xlane v8, v16;
	v11 =	vsub.f32 v17, v11;
	v12 =	vsub.f32 v12, v13  }
0x179: {  	s6 =	sand.u32 $0x380, s30;
	s7 =	sor.u32 s29, s31;
	v13 =	vperm.xlane v9, v16  }
0x17a: {  	s7 =	sor.u32 s6, s7;
	s1 =	sor.u32 s3, s29;
	v10 =	vsub.f32 v10, v14;
	v11 =	vmul.f32 v11, v11;
	v12 =	vmul.f32 v12, v12  }
0x17b: {  	s1 =	sor.u32 s6, s1;
	v14 =	vld [tilespmem:s7+$0x0]  }
0x17c: {  	s1 =	sor.u32 s5, s1;
	v17 =	vld [tilespmem:s7+$0x4000];
	v11 =	vadd.f32 v12, v11;
	v10 =	vmul.f32 v10, v10;
	v12 =	vsub.f32 v15, v13  }
0x17d: {  	v13 =	vld [tilespmem:s1+$0x6000]  }
0x17e: {  	v15 =	vld [tilespmem:s1+$0x8000];
	v10 =	vadd.f32 v10, v11;
	v11 =	vmul.f32 v12, v12  }
0x17f: {  	s6 =	simm.s32 $0x100;
	s7 =	simm.s32 $0x20  }
0x180: {  	s8 =	simm.s32 $0x20;
	s3 =	sand.u32 $0xC00, s6;
	s5 =	sand.u32 $0x70, s7;
	v12 =	vperm.xlane v6, v14;
	v18 =	vperm.xlane v7, v14;
	v10 =	vadd.f32 v11, v10  }
0x181: {  	s9 =	simm.s32 $0x8;
	s6 =	sand.u32 $0x1000, s8;
	v20 =	vld [tilespmem:s1+$0xA000];
	s10 =	sor.u32 s3, s5;
	v19 =	vperm.xlane v8, v14;
	v11 =	vperm.xlane v9, v14  }
0x182: {  	s11 =	sand.u32 $0x380, s9;
	s3 =	sor.u32 s3, s6;
	s14 =	sor.u32 s6, s10;
	v17 =	vsub.f32 v17, v12;
	v13 =	vsub.f32 v13, v18;
	v18 =	vmax.f32 v10, $6.250000000e-02  }
0x183: {  	s1 =	sor.u32 s11, s3;
	s18 =	sor.u32 s11, s14;
	v10 =	vsub.f32 v15, v19;
	v15 =	vshra.s32 v18, $0x1;
	v19 =	vmul.f32 $-5.000000000e-01, v18  }
0x184: {  	s1 =	sor.u32 s5, s1;
	v12 =	vld [tilespmem:s18+$0x0];
	v17 =	vmul.f32 v17, v17;
	v13 =	vmul.f32 v13, v13;
	v15 =	vsub.s32 $0x5F3759DF, v15  }
0x185: {  	v21 =	vld [tilespmem:s1+$0x8000];
	v19 =	vmul.f32 v15, v19  }
0x186: {  	v22 =	vld [tilespmem:s18+$0x4000];
	v11 =	vsub.f32 v20, v11;
	v10 =	vmul.f32 v10, v10;
	v13 =	vadd.f32 v13, v17  }
0x187: {  	v17 =	vld [tilespmem:s1+$0x6000];
	v19 =	vmul.f32 v15, v19  }
0x188: {  	v11 =	vmul.f32 v11, v11;
	v13 =	vadd.f32 v10, v13  }
0x189: {  	s19 =	simm.s32 $0x180;
	s20 =	simm.s32 $0x30;
	v20 =	vperm.xlane v6, v12;
	v19 =	vadd.f32 $1.500000000e+00, v19  }
0x18a: {  	s22 =	simm.s32 $0x30;
	s3 =	sand.u32 $0xC00, s19;
	s5 =	sand.u32 $0x70, s20;
	v23 =	vperm.xlane v8, v12;
	v24 =	vperm.xlane v7, v12;
	v13 =	vadd.f32 v11, v13  }
0x18b: {  	s23 =	simm.s32 $0xC;
	s6 =	sand.u32 $0x1000, s22;
	s24 =	sor.u32 s3, s5;
	v25 =	vperm.xlane v9, v12;
	v20 =	vsub.f32 v22, v20;
	v22 =	vld [tilespmem:s1+$0xA000];
	v19 =	vmul.f32 v15, v19  }
0x18c: {  	s7 =	sand.u32 $0x380, s23;
	s8 =	sor.u32 s6, s24;
	v21 =	vsub.f32 v21, v23;
	v17 =	vsub.f32 v17, v24;
	v15 =	vmax.f32 v13, $6.250000000e-02  }
0x18d: {  	s8 =	sor.u32 s7, s8;
	v13 =	vshra.s32 v15, $0x1;
	v23 =	vmul.f32 $-5.000000000e-01, v15;
	v18 =	vmul.f32 v19, v18  }
0x18e: {  	s25 =	sor.u32 s3, s6;
	v11 =	vld [tilespmem:s8+$0x0];
	v17 =	vmul.f32 v17, v17;
	v19 =	vmul.f32 v20, v20;
	v24 =	vsub.s32 $0x5F3759DF, v13  }
0x18f: {  	s1 =	sor.u32 s7, s25;
	v13 =	vmul.f32 v24, v23;
	v18 =	vadd.f32 $-5.000000000e-01, v18  }
0x190: {  	v27 =	vld [tilespmem:s8+$0x4000];
	s1 =	sor.u32 s5, s1;
	v17 =	vadd.f32 v17, v19;
	v19 =	vmul.f32 v21, v21;
	v21 =	vsub.f32 v22, v25  }
0x191: {  	v20 =	vld [tilespmem:s1+$0x8000];
	v13 =	vmul.f32 v24, v13;
	v18 =	vmax.f32 v18, $0.0e+00  }
0x192: {  	s7 =	simm.s32 $0x200;
	s8 =	simm.s32 $0x40;
	v17 =	vadd.f32 v19, v17;
	v19 =	vmul.f32 v21, v21;
	v21 =	vmul.f32 v18, v18;
	v18 =	vld [tilespmem:s1+$0x6000]  }
0x193: {  	s26 =	simm.s32 $0x40;
	v26 =	vperm.xlane v5, v16;
	v10 =	vimm.f32 $0.0e+00;
	s11 =	sand.u32 $0xC00, s7;
	s9 =	sand.u32 $0x70, s8;
	v16 =	vperm.xlane v9, v11  }
0x194: {  	s26 =	sand.u32 $0x1000, s26;
	s29 =	simm.s32 $0x10;
	s30 =	sor.u32 s11, s9;
	v62 =	vperm.xlane v8, v11;
	v25 =	vperm.xlane v6, v11;
	v63 =	vadd.f32 $1.500000000e+00, v13  }
0x195: {  	s28 =	sand.u32 $0x380, s29;
	s31 =	sor.u32 s26, s30;
	v22 =	vperm.xlane v7, v11;
	v23 =	vadd.f32 v19, v17;
	v13 =	vmul.f32 v21, v26  }
0x196: {  	s10 =	simm.s32 $0x5;
	s25 =	sor.u32 s28, s31;
	v17 =	vsub.f32 v20, v62;
	v20 =	vld [tilespmem:s1+$0xA000];
	v21 =	vsub.f32 v27, v25;
	v24 =	vmul.f32 v24, v63  }
.LBB2_9:
0x197: {  	p2 =	sne.s32 s10, $0x1FF;
	v19 =	vld [tilespmem:s25+$0x0];
	s1 =	sor.u32 s11, s26;
	v18 =	vsub.f32 v18, v22;
	v22 =	vmax.f32 v23, $6.250000000e-02;
	v10 =	vadd.f32 v13, v10  }
0x198: {  	s1 =	sor.u32 s28, s1;
	v13 =	vshra.s32 v22, $0x1;
	v23 =	vmul.f32 $-5.000000000e-01, v22;
	v24 =	vmul.f32 v24, v15;
	v15 =	vmovc v22  }
0x199: {  	v21 =	vmul.f32 v21, v21;
	s1 =	sor.u32 s9, s1;
	v18 =	vmul.f32 v18, v18;
	v25 =	vsub.s32 $0x5F3759DF, v13  }
0x19a: {  	v27 =	vperm.xlane v5, v14;
	v14 =	vmovc v12;
	v12 =	vmovc v11;
	v26 =	vld [tilespmem:s1+$0x8000];
	v13 =	vmul.f32 v25, v23;
	v22 =	vadd.f32 $-5.000000000e-01, v24  }
0x19b: {  	v17 =	vmul.f32 v17, v17;
	v24 =	vld [tilespmem:s25+$0x4000];
	v21 =	vadd.f32 v18, v21;
	v20 =	vsub.f32 v20, v16  }
.Ltmp5:
0x19c: {  	s7 =	sadd.s32 $0x80, s7;
	s8 =	sadd.s32 $0x10, s8;
	v18 =	vld [tilespmem:s1+$0x6000];
	v16 =	vperm.xlane v9, v19;
	v13 =	vmul.f32 v25, v13;
	v22 =	vmax.f32 v22, $0.0e+00;
	v11 =	vmovc v19;
	(pc) =	sbr.rel @p2 .LBB2_9-.Ltmp5, $4  }
0x19d: {  	s3 =	sshll.u32 s10, $0x4;
	s11 =	sand.u32 $0xC00, s7;
	s9 =	sand.u32 $0x70, s8;
	v17 =	vadd.f32 v17, v21;
	v19 =	vmul.f32 v20, v20;
	v20 =	vmul.f32 v22, v22  }
0x19e: {  	s26 =	sand.u32 $0x1000, s3;
	s3 =	sshll.u32 s10, $0x2;
	s5 =	sor.u32 s11, s9;
	v21 =	vperm.xlane v6, v11;
	v28 =	vperm.xlane v8, v11;
	v29 =	vadd.f32 $1.500000000e+00, v13  }
0x19f: {  	s28 =	sand.u32 $0x380, s3;
	s3 =	sor.u32 s26, s5;
	v22 =	vperm.xlane v7, v11;
	v23 =	vadd.f32 v19, v17;
	v13 =	vmul.f32 v20, v27  }
0x1a0: {  	s10 =	sadd.s32 $0x1, s10;
	s25 =	sor.u32 s28, s3;
	v17 =	vsub.f32 v26, v28;
	v21 =	vsub.f32 v24, v21;
	v20 =	vld [tilespmem:s1+$0xA000];
	v24 =	vmul.f32 v25, v29  }
0x1a1: {  	v19 =	vld [tilespmem:s25+$0x0];
	v23 =	vmax.f32 v23, $6.250000000e-02  }
0x1a2: {  	v18 =	vsub.f32 v18, v22;
	v14 =	vperm.xlane v5, v14;
	v11 =	vperm.xlane v5, v11  }
0x1a3: {  	s1 =	sor.u32 s11, s26;
	v22 =	vshra.s32 v23, $0x1;
	v25 =	vmul.f32 $-5.000000000e-01, v23;
	v15 =	vmul.f32 v24, v15  }
0x1a4: {  	v21 =	vmul.f32 v21, v21;
	s1 =	sor.u32 s28, s1;
	v22 =	vsub.s32 $0x5F3759DF, v22;
	v18 =	vmul.f32 v18, v18  }
0x1a5: {  	v17 =	vmul.f32 v17, v17;
	s1 =	sor.u32 s9, s1;
	v24 =	vmul.f32 v22, v25;
	v15 =	vadd.f32 $-5.000000000e-01, v15;
	v25 =	vld [tilespmem:s25+$0x4000]  }
0x1a6: {  	v16 =	vsub.f32 v20, v16;
	v20 =	vld [tilespmem:s1+$0x8000];
	v18 =	vadd.f32 v18, v21;
	v21 =	vperm.xlane v9, v19  }
0x1a7: {  	v26 =	vld [tilespmem:s1+$0x6000];
	v24 =	vmul.f32 v22, v24;
	v15 =	vmax.f32 v15, $0.0e+00;
	v27 =	vperm.xlane v8, v19  }
0x1a8: {  	v16 =	vmul.f32 v16, v16;
	v17 =	vadd.f32 v17, v18;
	v15 =	vmul.f32 v15, v15  }
0x1a9: {  	v38 =	vsel vm4, $0x0, v8;
	v28 =	vperm.xlane v7, v19;
	v18 =	vperm.xlane v6, v19  }
0x1aa: {  	v24 =	vadd.f32 $1.500000000e+00, v24;
	v17 =	vadd.f32 v16, v17;
	v16 =	vmul.f32 v15, v14  }
0x1ab: {  	v14 =	vsub.f32 v25, v18;
	v15 =	vsel vm7, $0x3F800000, v1;
	v18 =	vsub.f32 v20, v27;
	v20 =	vld [tilespmem:s1+$0xA000]  }
0x1ac: {  	v25 =	vnsel vm8, $0x0, v6;
	v22 =	vmul.f32 v22, v24;
	v24 =	vsub.f32 v26, v28;
	(xrf2) =	vadd.scan.msk.f32 $0xffff, v15  }
0x1ad: {  	v17 =	vmax.f32 v17, $6.250000000e-02;
	(xrf2) =	vadd.scan.msk.f32 $0xffff, v25;
	v25 =	vnsel vm8, $0x0, v7;
	v14 =	vmul.f32 v14, v14  }
0x1ae: {  	v26 =	vshra.s32 v17, $0x1;
	v27 =	vmul.f32 $-5.000000000e-01, v17;
	v24 =	vmul.f32 v24, v24  }
0x1af: {  	(xrf2) =	vadd.scan.msk.f32 $0xffff, v25;
	v22 =	vmul.f32 v22, v23;
	v25 =	vnsel vm8, $0x0, v8;
	v18 =	vmul.f32 v18, v18  }
0x1b0: {  	v26 =	vsub.s32 $0x5F3759DF, v26;
	v14 =	vadd.f32 v24, v14;
	v20 =	vsub.f32 v20, v21  }
0x1b1: {  	(xrf2) =	vadd.scan.msk.f32 $0xffff, v25;
	v25 =	vnsel vm8, $0x0, v9;
	v24 =	vmul.f32 v7, v7;
	v21 =	vmul.f32 v6, v6  }
0x1b2: {  	v23 =	vmul.f32 v26, v27;
	v14 =	vadd.f32 v18, v14;
	v18 =	vmul.f32 v20, v20  }
0x1b3: {  	v20 =	vadd.f32 $-5.000000000e-01, v22;
	v21 =	vadd.f32 v24, v21;
	v22 =	vmul.f32 v8, v8  }
0x1b4: {  	v39 =	vsel vm4, $0x0, v9;
	(xrf2) =	vadd.scan.msk.f32 $0xffff, v25;
	v23 =	vmul.f32 v26, v23;
	v14 =	vadd.f32 v18, v14  }
0x1b5: {  	v47 =	vsel vm5, $0x0, v6;
	v18 =	vmax.f32 v20, $0.0e+00;
	v20 =	vadd.f32 v21, v22  }
0x1b6: {  	v24 =	vperm.xlane v5, v12;
	v12 =	vadd.f32 $1.500000000e+00, v23;
	v23 =	vmax.f32 v14, $6.250000000e-02  }
0x1b7: {  	v48 =	vsel vm5, $0x0, v7;
	v21 =	vmul.f32 v9, v9;
	v14 =	vshra.s32 v23, $0x1  }
0x1b8: {  	v50 =	vsel vm5, $0x0, v8;
	v54 =	vsel vm6, $0x0, v6;
	v22 =	vmul.f32 v26, v12;
	v25, _, _ =	vpop (xrf2)  }
0x1b9: {  	v18 =	vmul.f32 v18, v18;
	v12 =	vadd.f32 v20, v21;
	v26 =	vmul.f32 $-5.000000000e-01, v23;
	v20, _, _ =	vpop (xrf2)  }
0x1ba: {  	v17 =	vmul.f32 v22, v17;
	v21 =	vsub.s32 $0x5F3759DF, v14;
	v20 =	vbroadcast v20, $0xF;
	v14, _, _ =	vpop (xrf2)  }
0x1bb: {  	v22 =	vmul.f32 v21, v26;
	v26 =	vmax.f32 v12, $1.000000000e-30;
	v14 =	vbroadcast v14, $0xF  }
0x1bc: {  	v27 =	vshra.s32 v26, $0x1;
	v26 =	vmul.f32 $5.000000000e-01, v26;
	v59, _, _ =	vpop (xrf2);
	v20 =	vsub.f32 v6, v20  }
0x1bd: {  	v27 =	vsub.s32 $0x5F3759DF, v27;
	v29 =	vsub.f32 v7, v14;
	v14 =	vbroadcast v59, $0xF  }
0x1be: {  	v56 =	vsel vm6, $0x0, v7;
	v60 =	vmul.f32 v27, v26;
	v30, _, _ =	vpop (xrf2);
	v31 =	vmul.f32 v20, v20  }
0x1bf: {  	v32 =	vmul.f32 v29, v29;
	v33 =	vsub.f32 v8, v14;
	v14 =	vbroadcast v30, $0xF  }
0x1c0: {  	v58 =	vsel vm6, $0x0, v8;
	v22 =	vmul.f32 v21, v22;
	v28 =	vmul.f32 v27, v60  }
0x1c1: {  	v61 =	vadd.f32 v32, v31;
	v62 =	vmul.f32 v33, v33;
	v63 =	vsub.f32 v9, v14  }
0x1c2: {  	v14 =	vmul.f32 v18, v24;
	v18 =	vadd.f32 $1.500000000e+00, v22;
	v22 =	vsub.f32 $1.500000000e+00, v28  }
0x1c3: {  	v24 =	vnsel vm8, $0x0, v15;
	v36 =	vadd.f32 v61, v62;
	v37 =	vmul.f32 v63, v63  }
0x1c4: {  	v10 =	vadd.f32 v13, v10;
	v17 =	vadd.f32 $-5.000000000e-01, v17;
	(xrf2) =	vadd.scan.msk.f32 $0xffff, v24;
	v24 =	vsel vm4, $0x0, v6  }
0x1c5: {  	v21 =	vmul.f32 v21, v18;
	v22 =	vmul.f32 v27, v22;
	v18 =	vadd.f32 v36, v37  }
0x1c6: {  	v19 =	vperm.xlane v5, v19;
	v17 =	vmax.f32 v17, $0.0e+00;
	(xrf2) =	vadd.scan.msk.f32 $0xffff, v24;
	v24 =	vsel vm4, $0x0, v7  }
0x1c7: {  	(xrf2) =	vadd.scan.msk.f32 $0xffff, v24;
	v21 =	vmul.f32 v21, v23;
	v23 =	vmul.f32 v22, v26;
	v24 =	vmax.f32 v18, $1.000000000e-30  }
0x1c8: {  	v17 =	vmul.f32 v17, v17;
	v27 =	vshra.s32 v24, $0x1;
	v24 =	vmul.f32 $5.000000000e-01, v24  }
0x1c9: {  	(xrf2) =	vadd.scan.msk.f32 $0xffff, v38;
	v21 =	vadd.f32 $-5.000000000e-01, v21;
	v23 =	vmul.f32 v23, v22;
	v27 =	vsub.s32 $0x5F3759DF, v27  }
0x1ca: {  	v43 =	vsel vm4, $0x0, v15;
	v17 =	vmul.f32 v17, v11;
	(xrf2) =	vadd.scan.msk.f32 $0xffff, v39;
	v11 =	vmul.f32 v27, v24  }
0x1cb: {  	v20 =	vand.u32 $0x7FFFFFFF, v20;
	v21 =	vmax.f32 v21, $0.0e+00;
	v23 =	vsub.f32 $1.500000000e+00, v23  }
0x1cc: {  	v40 =	vand.u32 $0x7FFFFFFF, v29;
	v21 =	vmul.f32 v21, v21;
	v11 =	vmul.f32 v27, v11  }
0x1cd: {  	v51 =	vsel vm5, $0x0, v15;
	v25 =	vbroadcast v25, $0xF;
	v28 =	vadd.f32 v40, v20  }
0x1ce: {  	v20 =	vmul.f32 v23, v22;
	v22 =	vand.u32 $0x7FFFFFFF, v33;
	v41 =	vsub.f32 $1.500000000e+00, v11  }
0x1cf: {  	(erf) = vrcp.f32 v25;
	v23, _, _ =	vpop (xrf2);
	v11 =	vmul.f32 v21, v19;
	v19 =	vadd.f32 v28, v22  }
0x1d0: {  	v25 =	vand.u32 $0x7FFFFFFF, v63;
	v21, _, _ =	vpop (xrf2);
	v22 =	vmul.f32 v20, v26;
	v26 =	vmul.f32 v27, v41  }
0x1d1: {  	v10 =	vadd.f32 v16, v10;
	v19 =	vadd.f32 v19, v25;
	v25 =	vbroadcast v21, $0xF  }
0x1d2: {  	v59 =	vsel vm6, $0x0, v9;
	v27, _, _ =	vpop (xrf2);
	v21 =	vmul.f32 v22, v20;
	v22 =	vmul.f32 v26, v24  }
0x1d3: {  	v37 =	vsel vm6, $0x0, v15;
	v15 =	vsel vm3, $0x0, v15;
	(xrf2) =	vadd.scan.msk.f32 $0xffff, v43;
	v27 =	vbroadcast v27, $0xF;
	v42, _, _ =	vpop (xrf2)  }
0x1d4: {  	(xrf2) =	vadd.scan.msk.f32 $0xffff, v47;
	vm8 =	vlt.f32 v19, $0.0e+00;
	v25 =	vsub.f32 v6, v25;
	v44, _, _ =	vpop (xrf2);
	v22 =	vmul.f32 v22, v26  }
0x1d5: {  	v28 =	vbroadcast v42, $0xF;
	v27 =	vsub.f32 v7, v27;
	v30 =	vbroadcast v44, $0xF  }
0x1d6: {  	(xrf2) =	vadd.scan.msk.f32 $0xffff, v48;
	vm9 =	vgt.f32 v19, $0.0e+00;
	v45 =	vmul.f32 v25, v25;
	v19 =	vsub.f32 $1.500000000e+00, v22  }
0x1d7: {  	(xrf2) =	vadd.scan.msk.f32 $0xffff, v50;
	v28 =	vsub.f32 v8, v28;
	v46 =	vmul.f32 v27, v27;
	v30 =	vsub.f32 v9, v30  }
0x1d8: {  	v26 =	vmul.f32 v19, v26;
	v19 =	vand.u32 $0x7FFFFFFF, v25;
	v25 =	vand.u32 $0x7FFFFFFF, v27  }
0x1d9: {  	v49 =	vmul.f32 v28, v28;
	v22 =	vadd.f32 v46, v45;
	v19 =	vadd.f32 v25, v19  }
0x1da: {  	v39 =	vsel vm3, $0x0, v8;
	v28 =	vand.u32 $0x7FFFFFFF, v28;
	v25 =	vsel vm5, $0x0, v9  }
0x1db: {  	v27 =	vmul.f32 v30, v30;
	v22 =	vadd.f32 v22, v49;
	(xrf2) =	vadd.scan.msk.f32 $0xffff, v25;
	v19 =	vadd.f32 v19, v28  }
0x1dc: {  	v43 =	vsel vm3, $0x0, v6;
	vm8 =	vmor vm9, vm8;
	v25 =	vand.u32 $0x7FFFFFFF, v30;
	(xrf2) =	vadd.scan.msk.f32 $0xffff, v51  }
0x1dd: {  	v52, _, _ =	vpop (xrf2);
	v24 =	vmul.f32 v26, v24;
	v22 =	vadd.f32 v22, v27;
	(xrf2) =	vadd.scan.msk.f32 $0xffff, v54;
	v25 =	vadd.f32 v19, v25  }
0x1de: {  	v23 =	vbroadcast v23, $0xF;
	v21 =	vsub.f32 $1.500000000e+00, v21;
	vm8 =	vmand vm7, vm8;
	v55, _, _ =	vpop (xrf2);
	(xrf2) =	vadd.scan.msk.f32 $0xffff, v56  }
0x1df: {  	v31 =	vbroadcast v55, $0xF;
	v24 =	vmul.f32 v24, v26;
	v27 =	vmax.f32 v22, $1.000000000e-30  }
0x1e0: {  	v32, _, _ =	vpop (xrf2);
	v19 =	vnsel vm8, $0x0, v23;
	v53 =	vshra.s32 v27, $0x1;
	v27 =	vmul.f32 $5.000000000e-01, v27;
	(xrf2) =	vadd.scan.msk.f32 $0xffff, v58  }
0x1e1: {  	v30 =	vsub.s32 $0x5F3759DF, v53;
	vm8 =	vlt.f32 v25, $0.0e+00;
	vm12 =	vgt.f32 v25, $0.0e+00;
	v25, _, _ =	vpop (xrf2)  }
0x1e2: {  	v50 =	vsel vm3, $0x0, v9;
	v23 =	vmul.f32 v30, v27;
	v25 =	vbroadcast v25, $0xF  }
0x1e3: {  	v20 =	vmul.f32 v21, v20;
	v57 =	vbroadcast v32, $0xF;
	v31 =	vsub.f32 v6, v31  }
0x1e4: {  	v45 =	vsel vm3, $0x0, v7;
	v29 =	vbroadcast v52, $0xF;
	(xrf2) =	vadd.scan.msk.f32 $0xffff, v59;
	v23 =	vmul.f32 v30, v23  }
0x1e5: {  	v28 =	vsub.f32 v7, v57;
	v61 =	vmul.f32 v31, v31;
	v60 =	vsub.f32 $1.500000000e+00, v24;
	v24, _, _ =	vpop (xrf2)  }
0x1e6: {  	v31 =	vand.u32 $0x7FFFFFFF, v31;
	v23 =	vsub.f32 $1.500000000e+00, v23;
	v35 =	vsub.f32 v8, v25;
	v25, _, _ =	vpop (xrf2)  }
0x1e7: {  	v34 =	vmul.f32 v28, v28;
	v28 =	vand.u32 $0x7FFFFFFF, v28;
	v26 =	vmul.f32 v60, v26;
	v41, _, _ =	vpop (xrf2)  }
0x1e8: {  	vm8 =	vmor vm12, vm8;
	v24 =	vbroadcast v24, $0xF;
	v30 =	vmul.f32 v30, v23;
	v36, _, _ =	vpop (xrf2)  }
0x1e9: {  	v28 =	vadd.f32 v28, v31;
	v31 =	vbroadcast v41, $0xF;
	v36 =	vbroadcast v36, $0xF  }
0x1ea: {  	v23 =	vadd.f32 v34, v61;
	v62 =	vmul.f32 v35, v35;
	v35 =	vand.u32 $0x7FFFFFFF, v35;
	(xrf2) =	vadd.scan.msk.f32 $0xffff, v37;
	v44, _, _ =	vpop (xrf2)  }
0x1eb: {  	(xrf2) =	vadd.scan.msk.f32 $0xffff, v43;
	v31 =	vsub.f32 v6, v31;
	v32 =	vbroadcast v44, $0xF;
	v46 =	vsub.f32 v7, v36  }
0x1ec: {  	v24 =	vsub.f32 v9, v24;
	v28 =	vadd.f32 v28, v35;
	v63 =	vmul.f32 v30, v27;
	(xrf2) =	vadd.scan.msk.f32 $0xffff, v45  }
0x1ed: {  	v38 =	vand.u32 $0x7FFFFFFF, v31;
	v32 =	vsub.f32 v8, v32;
	v40 =	vand.u32 $0x7FFFFFFF, v46  }
0x1ee: {  	v23 =	vadd.f32 v23, v62;
	v42 =	vmul.f32 v24, v24;
	(xrf2) =	vadd.scan.msk.f32 $0xffff, v39;
	v48, _, _ =	vpop (xrf2);
	v38 =	vadd.f32 v40, v38  }
0x1ef: {  	v24 =	vand.u32 $0x7FFFFFFF, v24;
	(xrf2) =	vadd.scan.msk.f32 $0xffff, v50;
	v37 =	vbroadcast v48, $0xF;
	v51 =	vand.u32 $0x7FFFFFFF, v32  }
0x1f0: {  	vm8 =	vmand vm7, vm8;
	v28 =	vadd.f32 v28, v24;
	v38 =	vadd.f32 v38, v51  }
0x1f1: {  	v53 =	vmul.f32 v63, v30;
	v23 =	vadd.f32 v23, v42;
	v37 =	vsub.f32 v9, v37  }
0x1f2: {  	v25 =	vbroadcast v25, $0xF;
	v24 =	vnsel vm8, $0x0, v29;
	vm8 =	vlt.f32 v28, $0.0e+00  }
0x1f3: {  	v29 =	vsub.f32 $1.500000000e+00, v53;
	v47 =	vmax.f32 v23, $1.000000000e-30;
	v41 =	vand.u32 $0x7FFFFFFF, v37  }
0x1f4: {  	v49 =	vshra.s32 v47, $0x1;
	v36 =	vmul.f32 $5.000000000e-01, v47;
	v54 =	vadd.f32 v38, v41;
	v38, _, _ =	vpop (xrf2)  }
0x1f5: {  	v31 =	vmul.f32 v31, v31;
	v13 =	vmul.f32 v46, v46;
	v39 =	vsub.s32 $0x5F3759DF, v49;
	v56, _, _ =	vpop (xrf2)  }
0x1f6: {  	vm13 =	vgt.f32 v28, $0.0e+00;
	v29 =	vmul.f32 v29, v30;
	v52 =	vmul.f32 v39, v36;
	v57, _, _ =	vpop (xrf2)  }
0x1f7: {  	vm8 =	vmor vm13, vm8;
	v40 =	vbroadcast v56, $0xF;
	v58 =	vbroadcast v57, $0xF  }
0x1f8: {  	v42 =	vmul.f32 v32, v32;
	v13 =	vadd.f32 v13, v31;
	v55 =	vmul.f32 v39, v52;
	v59, _, _ =	vpop (xrf2)  }
0x1f9: {  	v60 =	vsub.f32 v6, v40;
	v34 =	vbroadcast v59, $0xF;
	v61, _, _ =	vpop (xrf2);
	v33 =	vsub.f32 v7, v58  }
0x1fa: {  	v27 =	vmul.f32 v29, v27;
	v28 =	vsub.f32 $1.500000000e+00, v55;
	v35 =	vbroadcast v61, $0xF  }
0x1fb: {  	v62 =	vmul.f32 v60, v60;
	v34 =	vsub.f32 v8, v34;
	v63 =	vmul.f32 v33, v33  }
0x1fc: {  	v37 =	vmul.f32 v37, v37;
	v13 =	vadd.f32 v13, v42;
	v28 =	vmul.f32 v39, v28  }
0x1fd: {  	v35 =	vsub.f32 v9, v35;
	v44 =	vmul.f32 v34, v34;
	v43 =	vadd.f32 v63, v62  }
0x1fe: {  	vm8 =	vmand vm7, vm8;
	v27 =	vmul.f32 v27, v29;
	v45 =	vmul.f32 v28, v36  }
0x1ff: {  	v13 =	vadd.f32 v13, v37;
	v46 =	vmul.f32 v35, v35;
	v32 =	vadd.f32 v43, v44  }
0x200: {  	v18 =	vmul.f32 v26, v18;
	v25 =	vnsel vm8, $0x0, v25;
	v31 =	vmul.f32 v45, v28  }
0x201: {  	v26 =	vsub.f32 $1.500000000e+00, v27;
	v47 =	vmax.f32 v13, $1.000000000e-30;
	v21 =	vadd.f32 v32, v46  }
0x202: {  	v48 =	vshra.s32 v47, $0x1;
	v27 =	vsub.f32 $1.500000000e+00, v31;
	v31 =	vmul.f32 $5.000000000e-01, v47  }
0x203: {  	vm14 =	vlt.f32 v54, $0.0e+00;
	v32 =	vsub.s32 $0x5F3759DF, v48;
	v49 =	vmax.f32 v21, $1.000000000e-30  }
0x204: {  	v51 =	vmul.f32 v32, v31;
	v50 =	vshra.s32 v49, $0x1;
	v37 =	vmul.f32 $5.000000000e-01, v49  }
0x205: {  	v16 =	vmul.f32 v26, v29;
	v27 =	vmul.f32 v27, v28;
	v39 =	vsub.s32 $0x5F3759DF, v50  }
0x206: {  	vm10 =	vgt.f32 v54, $0.0e+00;
	v28 =	vmul.f32 v32, v51;
	v26 =	vmul.f32 v39, v37  }
0x207: {  	(xrf2) =	vadd.scan.msk.f32 $0xffff, v15;
	v16 =	vmul.f32 v16, v22;
	v15 =	vand.u32 $0x7FFFFFFF, v60;
	v52 =	vmul.f32 v27, v36  }
0x208: {  	v53 =	vand.u32 $0x7FFFFFFF, v33;
	v28 =	vsub.f32 $1.500000000e+00, v28;
	v26 =	vmul.f32 v39, v26  }
0x209: {  	v22 =	vadd.f32 $0.0e+00, v19;
	v15 =	vadd.f32 v53, v15;
	v29 =	vmul.f32 v52, v27  }
0x20a: {  	s1 =	simm.s32 @p1 $0x0;
	v54 =	vand.u32 $0x7FFFFFFF, v34;
	v28 =	vmul.f32 v32, v28;
	v26 =	vsub.f32 $1.500000000e+00, v26  }
0x20b: {  	[tilespmem:s1], [sflag:$0x1] =	stream.linear.gather @p1 [hbm4b:s12+s1], $0x2000, $0x38;
	vm9 =	vmor vm10, vm14;
	v15 =	vadd.f32 v15, v54;
	v29 =	vsub.f32 $1.500000000e+00, v29;
	[tilespmem:$0x15E10] =	vst v63  }
0x20c: {  	s3 =	simm.s32 @p1 $0x4000;
	v56 =	vand.u32 $0x7FFFFFFF, v35;
	v55 =	vmul.f32 v28, v31;
	v26 =	vmul.f32 v39, v26  }
0x20d: {  	[tilespmem:s3], [sflag:$0x1] =	stream.linear.gather @p1 [hbm4b:s13+s1], $0x2000, $0x38;
	v58 =	vbroadcast v38, $0xF;
	v15 =	vadd.f32 v15, v56;
	v27 =	vmul.f32 v29, v27;
	[tilespmem:$0x15E10] =	vst v63  }
0x20e: {  	s3 =	simm.s32 @p1 $0x6000;
	vm8 =	vmand vm7, vm9;
	v29 =	vmul.f32 v55, v28;
	v57 =	vmul.f32 v26, v37  }
0x20f: {  	[tilespmem:s3], [sflag:$0x1] =	stream.linear.gather @p1 [hbm4b:s15+s1], $0x2000, $0x38;
	v22 =	vadd.f32 v22, v24;
	vm15 =	vgt.f32 v15, $0.0e+00;
	v32 =	vnsel vm8, $0x0, v58;
	[tilespmem:$0x15E10] =	vst v63  }
0x210: {  	s3 =	simm.s32 @p1 $0x8000;
	vm8 =	vlt.f32 v15, $0.0e+00;
	v29 =	vsub.f32 $1.500000000e+00, v29;
	v30 =	vmul.f32 v57, v26  }
0x211: {  	[tilespmem:s3], [sflag:$0x1] =	stream.linear.gather @p1 [hbm4b:s16+s1], $0x2000, $0x38;
	v22 =	vadd.f32 v22, v25;
	v15, _, _ =	vpop (xrf2);
	vm8 =	vmor vm15, vm8;
	[tilespmem:$0x15E10] =	vst v63  }
0x212: {  	s31 =	simm.s32 $0x0;
	s7 =	simm.s32 $0x0;
	s3 =	simm.s32 @p1 $0xA000;
	v15 =	vbroadcast v15, $0xF;
	v28 =	vmul.f32 v29, v28;
	v30 =	vsub.f32 $1.500000000e+00, v30  }
0x213: {  	[tilespmem:s3], [sflag:$0x1] =	stream.linear.gather @p1 [hbm4b:s17+s1], $0x2000, $0x38;
	v18 =	vsub.f32 $6.000000000e+00, v18;
	v22 =	vadd.f32 v22, v32;
	vm8 =	vmand vm7, vm8;
	[tilespmem:$0x15E10] =	vst v63  }
0x214: {  	s6 =	simm.s32 $0x0;
	s5 =	sand.u32 $0xC00, s31;
	s3 =	sand.u32 $0x1000, s7;
	v15 =	vnsel vm8, $0x0, v15;
	v29 =	vmul.f32 v28, v31;
	v26 =	vmul.f32 v30, v26  }
0x215: {  	s6 =	sand.u32 $0x380, s6;
	s3 =	sor.u32 s5, s3;
	v16 =	vsub.f32 $6.000000000e+00, v16;
	v23 =	vmul.f32 v27, v23;
	v22 =	vadd.f32 v22, v15  }
0x216: {  	s1 =	sand.u32 $0x70, s31;
	s3 =	sor.u32 s6, s3;
	v18 =	vmax.f32 v18, $0.0e+00;
	v27 =	vmul.f32 v29, v28;
	v59 =	vmul.f32 v26, v37  }
0x217: {  	s1 =	sor.u32 s1, s3;
	v12 =	vmul.f32 v20, v12;
	v18 =	vmul.f32 v18, v18;
	v20 =	vmax.f32 v16, $0.0e+00;
	(xrf2) =	vadd.scan.msk.f32 $0xffff, v22  }
0x218: {  	v16 =	vld [tilespmem:s1+$0x2000];
	v22 =	vsub.f32 $6.000000000e+00, v23;
	v23 =	vsub.f32 $1.500000000e+00, v27;
	v27 =	vmul.f32 v59, v26  }
0x219: {  	v10 =	vadd.f32 v14, v10;
	v14 =	vmul.f32 v18, v19;
	v19 =	vld [tilespmem:s1+$0xC000];
	v18 =	vmul.f32 v20, v20  }
0x21a: {  	v20 =	vmax.f32 v22, $0.0e+00;
	v22 =	vmul.f32 v23, v28;
	v23 =	vsub.f32 $1.500000000e+00, v27;
	v27 =	vld [tilespmem:s1+$0xE000]  }
0x21b: {  	v18 =	vmul.f32 v18, v24;
	v20 =	vmul.f32 v20, v20  }
0x21c: {  	v17 =	vadd.f32 v17, v10;
	v10 =	vmul.f32 v22, v13;
	v22 =	vld [tilespmem:s1+$0x10000];
	v13 =	vmul.f32 v23, v26  }
0x21d: {  	s8 =	simm.s32 $0x10;
	s9 =	simm.s32 $0x80;
	v24 =	vperm.xlane v7, v16;
	v23 =	vperm.xlane v6, v16  }
0x21e: {  	s10 =	simm.s32 $0x4;
	s5 =	sand.u32 $0xC00, s9;
	s3 =	sand.u32 $0x1000, s8;
	v20 =	vmul.f32 v20, v25;
	v10 =	vsub.f32 $6.000000000e+00, v10;
	v13 =	vmul.f32 v13, v21;
	v21 =	vld [tilespmem:s1+$0x12000]  }
0x21f: {  	s14 =	simm.s32 $0x10;
	s11 =	sand.u32 $0x380, s10;
	s3 =	sor.u32 s5, s3;
	v25 =	vperm.xlane v8, v16;
	v19 =	vsub.f32 v19, v23;
	v23 =	vsub.f32 v27, v24  }
0x220: {  	s5 =	sand.u32 $0x70, s14;
	v14 =	vadd.f32 $0.0e+00, v14;
	v10 =	vmax.f32 v10, $0.0e+00;
	s1 =	sor.u32 s11, s3;
	v24 =	vperm.xlane v9, v16  }
0x221: {  	v26, _, _ =	vpop (xrf2);
	s1 =	sor.u32 s5, s1;
	v22 =	vsub.f32 v22, v25;
	v19 =	vmul.f32 v19, v19;
	v23 =	vmul.f32 v23, v23  }
0x222: {  	v26 =	vbroadcast v26, $0xF;
	v25 =	vmul.f32 v10, v10;
	v13 =	vsub.f32 $6.000000000e+00, v13;
	v10 =	vld [tilespmem:s1+$0x2000]  }
0x223: {  	v22 =	vmul.f32 v22, v22;
	v19 =	vadd.f32 v23, v19;
	v21 =	vsub.f32 v21, v24  }
0x224: {  	v14 =	vadd.f32 v14, v18;
	(erf) = vrcp.f32 v26;
	v27 =	vld [tilespmem:s1+$0xC000];
	v13 =	vmax.f32 v13, $0.0e+00  }
0x225: {  	v18 =	vld [tilespmem:s1+$0xE000];
	v13 =	vmul.f32 v13, v13;
	v19 =	vadd.f32 v22, v19;
	v21 =	vmul.f32 v21, v21  }
0x226: {  	v14 =	vadd.f32 v14, v20;
	v20 =	vmul.f32 v25, v32;
	v23 =	vnsel vm7, $0x0, v12  }
0x227: {  	s18 =	simm.s32 $0x20;
	s19 =	simm.s32 $0x100;
	v12 =	vld [tilespmem:s1+$0x10000];
	v15 =	vmul.f32 v13, v15;
	v13 =	vperm.xlane v6, v10;
	v19 =	vadd.f32 v21, v19  }
0x228: {  	s20 =	simm.s32 $0x8;
	v11 =	vadd.f32 v11, v17;
	s3 =	sand.u32 $0x1000, s18;
	s5 =	sand.u32 $0xC00, s19;
	v14 =	vadd.f32 v14, v20;
	v24 =	vld [tilespmem:s1+$0x12000];
	v22 =	vperm.xlane v7, v10  }
0x229: {  	s22 =	simm.s32 $0x20;
	s6 =	sand.u32 $0x380, s20;
	s3 =	sor.u32 s5, s3;
	v21 =	vperm.xlane v8, v10;
	v25 =	vsub.f32 v27, v13;
	v19 =	vmax.f32 v19, $6.250000000e-02  }
0x22a: {  	s23 =	sand.u32 $0x70, s22;
	s3 =	sor.u32 s6, s3;
	v18 =	vsub.f32 v18, v22;
	v22 =	vshra.s32 v19, $0x1;
	v26 =	vmul.f32 $-5.000000000e-01, v19  }
0x22b: {  	s1 =	sor.u32 s23, s3;
	v20 =	vperm.xlane v9, v10;
	v25 =	vmul.f32 v25, v25;
	v22 =	vsub.s32 $0x5F3759DF, v22  }
0x22c: {  	v13 =	vld [tilespmem:s1+$0x2000];
	v21 =	vsub.f32 v12, v21;
	v12 =	vpop (erf);
	v18 =	vmul.f32 v18, v18;
	v26 =	vmul.f32 v22, v26  }
0x22d: {  	v60 =	vld [tilespmem:s1+$0xC000];
	v14 =	vadd.f32 v14, v15;
	v20 =	vsub.f32 v24, v20;
	v23 =	vmul.f32 v23, v12  }
0x22e: {  	v17 =	vld [tilespmem:s1+$0xE000];
	v27 =	vpop (erf);
	v18 =	vadd.f32 v18, v25;
	v21 =	vmul.f32 v21, v21;
	v24 =	vmul.f32 v22, v26  }
0x22f: {  	v15 =	vld [tilespmem:s1+$0x10000];
	v14 =	vmul.f32 v14, v27;
	v2 =	vadd.f32 v23, v2  }
0x230: {  	s24 =	simm.s32 $0x30;
	s25 =	simm.s32 $0x180;
	v20 =	vmul.f32 v20, v20;
	v18 =	vadd.f32 v21, v18;
	v21 =	vadd.f32 $1.500000000e+00, v24  }
0x231: {  	s26 =	simm.s32 $0xC;
	s5 =	sand.u32 $0xC00, s25;
	s3 =	sand.u32 $0x1000, s24;
	v3 =	vadd.f32 v14, v3;
	v14 =	vperm.xlane v6, v13;
	v24 =	vperm.xlane v7, v13  }
0x232: {  	s28 =	simm.s32 $0x30;
	s6 =	sand.u32 $0x380, s26;
	s3 =	sor.u32 s5, s3;
	v23 =	vperm.xlane v8, v13;
	v18 =	vadd.f32 v20, v18;
	v21 =	vmul.f32 v22, v21  }
0x233: {  	s5 =	sand.u32 $0x70, s28;
	s3 =	sor.u32 s6, s3;
	v25 =	vsub.f32 v60, v14;
	v17 =	vsub.f32 v17, v24  }
0x234: {  	s7 =	sor.u32 s5, s3;
	v26 =	vld [tilespmem:s1+$0x12000];
	v20 =	vperm.xlane v9, v13;
	v22 =	vsub.f32 v15, v23;
	v19 =	vmul.f32 v21, v19  }
0x235: {  	v14 =	vld [tilespmem:s7+$0x2000];
	v15 =	vmax.f32 v18, $6.250000000e-02;
	v21 =	vmul.f32 v25, v25;
	v24 =	vmul.f32 v17, v17  }
0x236: {  	v18 =	vshra.s32 v15, $0x1;
	v23 =	vmul.f32 $-5.000000000e-01, v15;
	v19 =	vadd.f32 $-5.000000000e-01, v19  }
0x237: {  	v17 =	vsub.s32 $0x5F3759DF, v18;
	v22 =	vmul.f32 v22, v22;
	v21 =	vadd.f32 v24, v21  }
0x238: {  	v18 =	vmul.f32 v17, v23;
	v23 =	vmax.f32 v19, $0.0e+00;
	v19 =	vld [tilespmem:s7+$0x10000]  }
0x239: {  	v27 =	vperm.xlane v5, v16;
	v20 =	vsub.f32 v26, v20;
	v61 =	vadd.f32 v22, v21;
	v21 =	vld [tilespmem:s7+$0xC000]  }
0x23a: {  	s29 =	simm.s32 $0x40;
	s8 =	simm.s32 $0x200;
	v16 =	vperm.xlane v9, v14;
	v18 =	vmul.f32 v17, v18;
	v22 =	vld [tilespmem:s7+$0xE000]  }
0x23b: {  	s31 =	simm.s32 $0x10;
	s30 =	sand.u32 $0xC00, s8;
	s1 =	sand.u32 $0x1000, s29;
	v62 =	vmul.f32 v20, v20;
	v63 =	vmul.f32 v23, v23  }
0x23c: {  	s9 =	simm.s32 $0x40;
	s5 =	sand.u32 $0x380, s31;
	s1 =	sor.u32 s30, s1;
	v25 =	vperm.xlane v6, v14;
	v24 =	vperm.xlane v8, v14;
	v20 =	vadd.f32 $1.500000000e+00, v18  }
0x23d: {  	s10 =	simm.s32 $0x5;
	s11 =	sand.u32 $0x70, s9;
	s25 =	sor.u32 s5, s1;
	v26 =	vperm.xlane v7, v14;
	v23 =	vadd.f32 v62, v61;
	v18 =	vmul.f32 v63, v27  }
.LBB2_11:
0x23e: {  	p2 =	sne.s32 s10, $0x1FF;
	v21 =	vsub.f32 v21, v25;
	v24 =	vsub.f32 v19, v24;
	v25 =	vld [tilespmem:s7+$0x12000];
	s7 =	sor.u32 s11, s25;
	v17 =	vmul.f32 v17, v20  }
0x23f: {  	v20 =	vld [tilespmem:s7+$0x2000];
	v19 =	vsub.f32 v22, v26;
	v22 =	vmax.f32 v23, $6.250000000e-02;
	v11 =	vadd.f32 v18, v11  }
0x240: {  	v18 =	vshra.s32 v22, $0x1;
	v23 =	vmul.f32 $-5.000000000e-01, v22;
	v26 =	vmul.f32 v17, v15;
	v15 =	vmovc v22  }
0x241: {  	v22 =	vmul.f32 v21, v21;
	v27 =	vmul.f32 v19, v19;
	v17 =	vsub.s32 $0x5F3759DF, v18  }
0x242: {  	v28 =	vperm.xlane v5, v10;
	v10 =	vmovc v13;
	v13 =	vmovc v14;
	v19 =	vld [tilespmem:s7+$0x10000];
	v18 =	vmul.f32 v17, v23;
	v23 =	vadd.f32 $-5.000000000e-01, v26  }
.Ltmp6:
0x243: {  	v24 =	vmul.f32 v24, v24;
	v21 =	vld [tilespmem:s7+$0xC000];
	v26 =	vadd.f32 v27, v22;
	v25 =	vsub.f32 v25, v16;
	(pc) =	sbr.rel @p2 .LBB2_11-.Ltmp6, $4  }
0x244: {  	s1 =	sshll.u32 s10, $0x4;
	s8 =	sadd.s32 $0x80, s8;
	v22 =	vld [tilespmem:s7+$0xE000];
	v16 =	vperm.xlane v9, v20;
	v18 =	vmul.f32 v17, v18;
	v23 =	vmax.f32 v23, $0.0e+00;
	v14 =	vmovc v20  }
0x245: {  	s5 =	sshll.u32 s10, $0x2;
	s1 =	sand.u32 $0x1000, s1;
	s3 =	sand.u32 $0xC00, s8;
	v27 =	vadd.f32 v24, v26;
	v29 =	vmul.f32 v25, v25;
	v30 =	vmul.f32 v23, v23  }
0x246: {  	s9 =	sadd.s32 $0x10, s9;
	s5 =	sand.u32 $0x380, s5;
	s1 =	sor.u32 s3, s1;
	v25 =	vperm.xlane v6, v14;
	v24 =	vperm.xlane v8, v14;
	v20 =	vadd.f32 $1.500000000e+00, v18  }
0x247: {  	s10 =	sadd.s32 $0x1, s10;
	s11 =	sand.u32 $0x70, s9;
	s25 =	sor.u32 s5, s1;
	v26 =	vperm.xlane v7, v14;
	v23 =	vadd.f32 v29, v27;
	v18 =	vmul.f32 v30, v28  }
0x248: {  	s1 =	sor.u32 s11, s25  }
0x249: {  	v27 =	vld [tilespmem:s1+$0x2000]  }
0x24a: {  	v28 =	vld [tilespmem:s1+$0xC000]  }
0x24b: {  	v21 =	vsub.f32 v21, v25;
	v46 =	vld [tilespmem:s1+$0xE000]  }
0x24c: {  	v47 =	vld [tilespmem:s7+$0x12000]  }
0x24d: {  	v19 =	vsub.f32 v19, v24;
	v22 =	vsub.f32 v22, v26;
	v29 =	vld [tilespmem:s1+$0x10000];
	v21 =	vmul.f32 v21, v21  }
0x24e: {  	v6 =	vperm.xlane v6, v27;
	v7 =	vperm.xlane v7, v27  }
0x24f: {  	v48 =	vld [tilespmem:s1+$0x12000];
	v19 =	vmul.f32 v19, v19;
	v22 =	vmul.f32 v22, v22  }
0x250: {  	v8 =	vperm.xlane v8, v27;
	v6 =	vsub.f32 v28, v6;
	v7 =	vsub.f32 v46, v7  }
0x251: {  	v21 =	vadd.f32 v22, v21;
	v16 =	vsub.f32 v47, v16;
	v9 =	vperm.xlane v9, v27  }
0x252: {  	v8 =	vsub.f32 v29, v8;
	v6 =	vmul.f32 v6, v6;
	v7 =	vmul.f32 v7, v7  }
0x253: {  	v19 =	vadd.f32 v19, v21;
	v16 =	vmul.f32 v16, v16  }
0x254: {  	v49 =	vsub.f32 v48, v9;
	v6 =	vadd.f32 v7, v6;
	v7 =	vmul.f32 v8, v8  }
0x255: {  	v50 =	vmax.f32 v23, $6.250000000e-02;
	v16 =	vadd.f32 v16, v19  }
0x256: {  	v51 =	vshra.s32 v50, $0x1;
	v6 =	vadd.f32 v7, v6;
	v7 =	vmul.f32 v49, v49  }
0x257: {  	v52 =	vmul.f32 $-5.000000000e-01, v50;
	v19 =	vsub.s32 $0x5F3759DF, v51;
	v16 =	vmax.f32 v16, $6.250000000e-02  }
0x258: {  	v53 =	vshra.s32 v16, $0x1;
	v54 =	vmul.f32 $-5.000000000e-01, v16;
	v6 =	vadd.f32 v7, v6  }
0x259: {  	v55 =	vsub.s32 $0x5F3759DF, v53;
	v7 =	vmul.f32 v19, v52  }
0x25a: {  	v21 =	vmul.f32 v55, v54;
	v6 =	vmax.f32 v6, $6.250000000e-02  }
0x25b: {  	v7 =	vmul.f32 v19, v7;
	v56 =	vshra.s32 v6, $0x1;
	v57 =	vmul.f32 $-5.000000000e-01, v6  }
0x25c: {  	v17 =	vmul.f32 v17, v20;
	v59 =	vsub.s32 $0x5F3759DF, v56  }
0x25d: {  	v58 =	vmul.f32 v55, v21;
	v7 =	vadd.f32 $1.500000000e+00, v7;
	v22 =	vmul.f32 v59, v57  }
0x25e: {  	v15 =	vmul.f32 v17, v15  }
0x25f: {  	v60 =	vadd.f32 $1.500000000e+00, v58;
	v7 =	vmul.f32 v19, v7;
	v61 =	vmul.f32 v59, v22  }
0x260: {  	v15 =	vadd.f32 $-5.000000000e-01, v15  }
0x261: {  	v8 =	vmul.f32 v55, v60;
	v7 =	vmul.f32 v7, v50;
	v62 =	vadd.f32 $1.500000000e+00, v61  }
0x262: {  	v10 =	vperm.xlane v5, v10;
	v15 =	vmax.f32 v15, $0.0e+00  }
0x263: {  	v8 =	vmul.f32 v8, v16;
	v7 =	vadd.f32 $-5.000000000e-01, v7;
	v9 =	vmul.f32 v59, v62  }
0x264: {  	v63 =	vperm.xlane v5, v13;
	v15 =	vmul.f32 v15, v15  }
0x265: {  	v8 =	vadd.f32 $-5.000000000e-01, v8;
	v7 =	vmax.f32 v7, $0.0e+00;
	v6 =	vmul.f32 v9, v6  }
0x266: {  	v11 =	vadd.f32 v18, v11;
	v10 =	vmul.f32 v15, v10;
	v7 =	vmul.f32 v7, v7  }
0x267: {  	v13 =	vperm.xlane v5, v14;
	v8 =	vmax.f32 v8, $0.0e+00;
	v6 =	vadd.f32 $-5.000000000e-01, v6  }
0x268: {  	v10 =	vadd.f32 v10, v11;
	v8 =	vmul.f32 v8, v8;
	v7 =	vmul.f32 v7, v63  }
0x269: {  	v5 =	vperm.xlane v5, v27;
	v6 =	vmax.f32 v6, $0.0e+00  }
0x26a: {  	v8 =	vmul.f32 v8, v13;
	v7 =	vadd.f32 v7, v10;
	v6 =	vmul.f32 v6, v6  }
.Ltmp7:
0x26b: {  	_ = 	snop;
	(pc) =	sbr.rel @!p1 .LBB2_14-.Ltmp7, $2  }
0x26c: {  	v7 =	vadd.f32 v8, v7;
	v5 =	vmul.f32 v6, v5;
	_ =	sdelay $0x1  }
0x26d: {  	v5 =	vadd.f32 v5, v7;
	_ =	sdelay $0x1  }
0x26e: {  	s1 =	rddreg [dreg:$0x10];
	s3 =	simm.s32 $0x2000  }
0x26f: {  	[tilespmem:s3], [sflag:$0x1] =	stream.linear.gather [hbm4b:s1+s0], $0x2000, $0x38;
	[tilespmem:$0x15E10] =	vst v63  }
0x270: {  	s23 =	rddreg [dreg:$0x11];
	s24 =	simm.s32 $0xC000  }
0x271: {  	[tilespmem:s24], [sflag:$0x1] =	stream.linear.gather [hbm4b:s23+s0], $0x2000, $0x38;
	[tilespmem:$0x15E10] =	vst v63  }
0x272: {  	s25 =	rddreg [dreg:$0x12];
	s26 =	simm.s32 $0xE000  }
0x273: {  	[tilespmem:s26], [sflag:$0x1] =	stream.linear.gather [hbm4b:s25+s0], $0x2000, $0x38;
	[tilespmem:$0x15E10] =	vst v63  }
.Ltmp8:
0x274: {  	s28 =	rddreg [dreg:$0x13];
	(pc) =	sbr.rel .LBB2_2-.Ltmp8, $4  }
0x275: {  	s29 =	simm.s32 $0x10000;
	s30 =	rddreg [dreg:$0x14]  }
0x276: {  	v5 =	vmul.f32 v5, v12;
	[tilespmem:s29], [sflag:$0x1] =	stream.linear.gather [hbm4b:s28+s0], $0x2000, $0x38;
	[tilespmem:$0x15E10] =	vst v63  }
0x277: {  	s31 =	simm.s32 $0x12000;
	s7 =	simm.s32 $0x1;
	p1 =	por $0x0, $0x0  }
0x278: {  	v4 =	vadd.f32 v5, v4;
	[tilespmem:s31], [sflag:$0x1] =	stream.linear.gather [hbm4b:s30+s0], $0x2000, $0x38;
	[tilespmem:$0x15E10] =	vst v63  }
.LBB2_15:
0x279: {  	_ =	sfence.sel $0x180000  }
0x27a: {  	[bflag:$0x0] =	sbarrier.arrive $0xFFFF  }
0x27b: {  	_ =	strace $0x90000047  }
0x27c: {  	[bflag:$0x2] =	sbarrier.arrive $0xFFFF  }
0x27d: {  	s0 =	rddreg [dreg:$0x5]  }
0x27e: {  	s0 =	sadd.s32 @!p0 $0x100000, s0  }
0x27f: {  	[sflag:s0] =	ssyncadd.tile.s32 @!p0 $0x1;
	_ =	shalt  }
.Lfunc_end2:
_tile_overlayer_lowered:
.L_overlay_start_2:
0x280: {  	(tag) =	ssettag $0x2  }
0x281: {  	s0 =	rddreg [dreg:$0x0];
	s2 =	stileid.u32  }
0x282: {  	s1 =	rddreg [dreg:$0x1];
	p0 =	sne.s32 s2, $0x0  }
0x283: {  	s3 =	rddreg [dreg:$0x2];
	[bflag:$0x3] =	sbarrier.arrive $0xFFFF;
	s2 =	simm.s32 @!p0 $0x1C02  }
0x284: {  	[timem:s3], [sflag:s2] =	dma.local @!p0 [hbm:s0], s1  }
0x285: {  	s0 =	simm.s32 @!p0 $0x2  }
0x286: {  	_ =	swait.ge @!p0 [sflag:s0], s1  }
0x287: {  	s1 =	ssub.s32 @!p0 $0x0, s1;
	[sflag:s0] =	ssyncset.done @!p0 $0x0  }
0x288: {  	[sflag:s0] =	ssyncadd.s32 @!p0 s1  }
0x289: {  	[bflag:$0x3] =	sbarrier.arrive $0xFFFF  }
0x28a: {  	_ =	shalt  }

</sc_bundles>
